<compile_context>
chip_gen: v7x
topology: tpu7x:2x2x1
jax: 0.10.2.dev20260603
libtpu: 0.0.44.dev20260713+nightly
codegen_flags: <defaults>
</compile_context>

<pallas_src>
import functools
import math

import jax
import jax.numpy as jnp
from jax import lax
from jax.experimental import pallas as pl
from jax.experimental.pallas import tpu as pltpu
from jax.experimental.pallas import tpu_sc as plsc

N = 10000
E = 160000
C = 4
D = 128
NG = C + 1
NP = 10240
NC = 2
NS = 16
NW = NC * NS


def _sc_degrees(dst_all):
    EW = E // NW
    n_full = EW // 16
    rem = EW - n_full * 16
    mesh = plsc.VectorSubcoreMesh(core_axis_name="c", subcore_axis_name="s")

    @functools.partial(
        pl.kernel,
        out_type=jax.ShapeDtypeStruct((NW * NG * NP,), jnp.float32),
        mesh=mesh,
        scratch_types=[
            pltpu.VMEM((EW + 16,), jnp.int32),
            pltpu.VMEM((NP,), jnp.float32),
        ],
        compiler_params=pltpu.CompilerParams(needs_layout_passes=False),
    )
    def k(dst_hbm, degp_hbm, idx_v, acc):
        cc = lax.axis_index("c")
        ss = lax.axis_index("s")
        wid = ss * NC + cc
        base = wid * EW
        ones = jnp.full((16,), 1.0, jnp.float32)
        zeros16 = jnp.zeros((16,), jnp.float32)
        for g in range(NG):
            def zero_body(i, carry):
                acc[pl.ds(i * 16, 16)] = zeros16
                return carry
            lax.fori_loop(0, NP // 16, zero_body, 0)
            idx_v[pl.ds(n_full * 16, 16)] = jnp.zeros((16,), jnp.int32)
            pltpu.sync_copy(dst_hbm.at[pl.ds(g * E + base, EW)],
                            idx_v.at[pl.ds(0, EW)])

            def body(i, carry):
                idx = idx_v[pl.ds(i * 16, 16)]
                plsc.addupdate_scatter(acc, [idx], ones)
                return carry
            lax.fori_loop(0, n_full, body, 0)
            if rem:
                idx = idx_v[pl.ds(n_full * 16, 16)]
                mask = lax.iota(jnp.int32, 16) < rem
                plsc.addupdate_scatter(acc, [idx], ones, mask=mask)
            pltpu.sync_copy(acc, degp_hbm.at[pl.ds((wid * NG + g) * NP, NP)])

    return k(dst_all.reshape(-1)).reshape(NW, NG, NP)


def _sc_scatter(hs, src_all, dst_all):
    EH = E // NC
    EWS = EH // NS
    CH = 128
    n_full = EWS // CH
    rem = EWS - n_full * CH
    RZ = 128
    RPS = NP // NS
    mesh = plsc.VectorSubcoreMesh(core_axis_name="c", subcore_axis_name="s")

    @functools.partial(
        pl.kernel,
        out_type=jax.ShapeDtypeStruct((NC, NG, NP, D), jnp.float32),
        mesh=mesh,
        scratch_types=[
            pltpu.VMEM((CH,), jnp.int32),
            pltpu.VMEM((CH,), jnp.int32),
            pltpu.VMEM((CH, D), jnp.float32),
            pltpu.VMEM((rem,), jnp.int32),
            pltpu.VMEM((rem,), jnp.int32),
            pltpu.VMEM((rem, D), jnp.float32),
            pltpu.VMEM((RZ, D), jnp.float32),
            pltpu.VMEM_SHARED((NP, D), jnp.float32),
            pltpu.SemaphoreType.DMA,
        ],
    )
    def k(hs_hbm, src_hbm, dst_hbm, part_hbm,
          isrc, idst, rows, isrc_t, idst_t, rows_t, zbuf, accsh, sem):
        cc = lax.axis_index("c")
        ss = lax.axis_index("s")
        ebase = cc * EH + ss * EWS
        row0 = ss * RPS
        zeros16 = jnp.zeros((16,), jnp.float32)

        def zb(i, carry):
            r = i // (D // 16)
            col = (i % (D // 16)) * 16
            zbuf[r, pl.ds(col, 16)] = zeros16
            return carry
        lax.fori_loop(0, RZ * (D // 16), zb, 0)

        for g in range(NG):
            for t in range(RPS // RZ):
                pltpu.sync_copy(zbuf, accsh.at[pl.ds(row0 + t * RZ, RZ)])
            plsc.subcore_barrier()

            def body(i, carry):
                eoff = g * E + ebase + i * CH
                pltpu.sync_copy(src_hbm.at[pl.ds(eoff, CH)], isrc)
                pltpu.sync_copy(dst_hbm.at[pl.ds(eoff, CH)], idst)
                pltpu.async_copy(hs_hbm.at[g].at[isrc], rows, sem).wait()
                pltpu.sync_copy(rows, accsh.at[idst], add=True)
                return carry
            lax.fori_loop(0, n_full, body, 0)
            if rem:
                eoff = g * E + ebase + n_full * CH
                pltpu.sync_copy(src_hbm.at[pl.ds(eoff, rem)], isrc_t)
                pltpu.sync_copy(dst_hbm.at[pl.ds(eoff, rem)], idst_t)
                pltpu.async_copy(hs_hbm.at[g].at[isrc_t], rows_t, sem).wait()
                pltpu.sync_copy(rows_t, accsh.at[idst_t], add=True)
            plsc.subcore_barrier()
            pltpu.sync_copy(accsh.at[pl.ds(row0, RPS)],
                            part_hbm.at[cc, g, pl.ds(row0, RPS)])

    return k(hs, src_all.reshape(-1), dst_all.reshape(-1))


def _tc_dinv(degp):
    def body(degp_ref, dinv_ref):
        deg = jnp.sum(degp_ref[...], axis=0) + 1.0
        dinv_ref[...] = lax.rsqrt(jnp.maximum(deg, 1.0))

    return pl.pallas_call(
        body, out_shape=jax.ShapeDtypeStruct((NG, NP), jnp.float32)
    )(degp)


def _tc_prep(x_all, W, dinv):
    BN = 512
    grid = (NG, NP // BN)

    def body(x_ref, w_ref, dinv_ref, hs_ref):
        h = jnp.dot(x_ref[0], w_ref[...], preferred_element_type=jnp.float32)
        hs_ref[0] = h * dinv_ref[0]

    return pl.pallas_call(
        body,
        grid=grid,
        in_specs=[
            pl.BlockSpec((1, BN, D), lambda g, i: (g, i, 0)),
            pl.BlockSpec((D, D), lambda g, i: (0, 0)),
            pl.BlockSpec((1, BN, 1), lambda g, i: (g, i, 0)),
        ],
        out_specs=pl.BlockSpec((1, BN, D), lambda g, i: (g, i, 0)),
        out_shape=jax.ShapeDtypeStruct((NG, NP, D), jnp.float32),
    )(x_all, W, dinv[:, :, None])


def _tc_post(part, hs, dinv, b, label_emb, Wq, bq, Wk, bk, Wv, bv, do_relu):
    BN = 256
    grid = (NP // BN,)
    scale = 1.0 / math.sqrt(D)

    def body(part_ref, hs_ref, dinv_ref, b_ref, le_ref,
             wq_ref, bq_ref, wk_ref, bk_ref, wv_ref, bv_ref,
             gfe_ref, ofe_ref):
        dv = dinv_ref[...]
        conv = (part_ref[0] + part_ref[1] + hs_ref[...]) * dv[:, :, None] \
            + b_ref[...][None, None, :]
        lq = jnp.dot(le_ref[...], wq_ref[...],
                     preferred_element_type=jnp.float32) + bq_ref[...][None, :]
        ks = [jnp.dot(conv[j], wk_ref[...],
                      preferred_element_type=jnp.float32) + bk_ref[...][None, :]
              for j in range(C)]
        vs = [jnp.dot(conv[j], wv_ref[...],
                      preferred_element_type=jnp.float32) + bv_ref[...][None, :]
              for j in range(C)]
        s = jnp.stack(
            [jnp.dot(kj, lq.T, preferred_element_type=jnp.float32)
             for kj in ks], axis=-1) * scale
        s = s - jnp.max(s, axis=-1, keepdims=True)
        p = jnp.exp(s)
        p = p / jnp.sum(p, axis=-1, keepdims=True)
        for a in range(C):
            out_a = p[:, a, 0][:, None] * vs[0]
            for jb in range(1, C):
                out_a = out_a + p[:, a, jb][:, None] * vs[jb]
            if do_relu:
                out_a = jnp.maximum(out_a, 0.0)
            gfe_ref[a] = out_a
        ofe = conv[C]
        if do_relu:
            ofe = jnp.maximum(ofe, 0.0)
        ofe_ref[...] = ofe

    return pl.pallas_call(
        body,
        grid=grid,
        in_specs=[
            pl.BlockSpec((NC, NG, BN, D), lambda i: (0, 0, i, 0)),
            pl.BlockSpec((NG, BN, D), lambda i: (0, i, 0)),
            pl.BlockSpec((NG, BN), lambda i: (0, i)),
            pl.BlockSpec((D,), lambda i: (0,)),
            pl.BlockSpec((C, D), lambda i: (0, 0)),
            pl.BlockSpec((D, D), lambda i: (0, 0)),
            pl.BlockSpec((D,), lambda i: (0,)),
            pl.BlockSpec((D, D), lambda i: (0, 0)),
            pl.BlockSpec((D,), lambda i: (0,)),
            pl.BlockSpec((D, D), lambda i: (0, 0)),
            pl.BlockSpec((D,), lambda i: (0,)),
        ],
        out_specs=[
            pl.BlockSpec((C, BN, D), lambda i: (0, i, 0)),
            pl.BlockSpec((BN, D), lambda i: (i, 0)),
        ],
        out_shape=[
            jax.ShapeDtypeStruct((C, NP, D), jnp.float32),
            jax.ShapeDtypeStruct((NP, D), jnp.float32),
        ],
    )(part, hs, dinv, b, label_emb, Wq, bq, Wk, bk, Wv, bv)


def kernel(graph_feat_emb, ori_feat_emb, label_emb, edge_index_label,
           edge_index_ori, W0, b0, W1, b1, Wq, bq, Wk, bk, Wv, bv):
    pad = NP - N
    gfe0 = jnp.pad(graph_feat_emb, ((0, 0), (0, pad), (0, 0)))
    ofe0 = jnp.pad(ori_feat_emb, ((0, pad), (0, 0)))
    src_all = jnp.concatenate(
        [edge_index_label[:, 0, :], edge_index_ori[0][None]], axis=0)
    dst_all = jnp.concatenate(
        [edge_index_label[:, 1, :], edge_index_ori[1][None]], axis=0)

    degp = _sc_degrees(dst_all)
    dinv = _tc_dinv(degp)

    x = jnp.concatenate([gfe0, ofe0[None]], axis=0)
    gfe = None
    ofe = None
    for li, (W, b) in enumerate(((W0, b0), (W1, b1))):
        hs = _tc_prep(x, W, dinv)
        part = _sc_scatter(hs, src_all, dst_all)
        gfe, ofe = _tc_post(part, hs, dinv, b, label_emb,
                            Wq, bq, Wk, bk, Wv, bv, do_relu=(li == 0))
        if li == 0:
            x = jnp.concatenate([gfe, ofe[None]], axis=0)

    return gfe[:, :N, :], ofe[:N, :]

# --- scband reference (transcript-rebuilt; emitter-appended) ---
"""Pipeline reference for scband-cor-gcn-30416958390558 (READ-ONLY COPY).

The authoritative reference and input builder live on the scoring server;
editing this copy changes nothing except your own understanding.
"""

import jax, jax.numpy as jnp
import numpy as np
import math

N = 10000
E = 160000
C = 4
D = 128

def gcn_conv(x, edge_index, W, b):
    n = x.shape[0]
    loop = jnp.arange(n, dtype=edge_index.dtype)
    src = jnp.concatenate([edge_index[0], loop])
    dst = jnp.concatenate([edge_index[1], loop])
    deg = jnp.zeros((n,), dtype=x.dtype).at[dst].add(1.0)
    dinv = jax.lax.rsqrt(jnp.maximum(deg, 1.0))
    norm = dinv[src] * dinv[dst]
    h = x @ W
    msg = h[src] * norm[:, None]
    out = jax.ops.segment_sum(msg, dst, num_segments=n)
    return out + b

def setup_inputs(seed: int = 0):
    key = jax.random.key(seed)
    ks = jax.random.split(key, 16)
    s = 1.0 / math.sqrt(D)
    return {
        "graph_feat_emb": jax.random.normal(ks[0], (C, N, D), dtype=jnp.float32),
        "ori_feat_emb": jax.random.normal(ks[1], (N, D), dtype=jnp.float32),
        "label_emb": jax.random.normal(ks[2], (C, D), dtype=jnp.float32),
        "edge_index_label": jax.random.randint(ks[3], (C, 2, E), 0, N, dtype=jnp.int32),
        "edge_index_ori": jax.random.randint(ks[4], (2, E), 0, N, dtype=jnp.int32),
        "W0": jax.random.normal(ks[5], (D, D), dtype=jnp.float32) * s,
        "b0": jnp.zeros((D,), dtype=jnp.float32),
        "W1": jax.random.normal(ks[6], (D, D), dtype=jnp.float32) * s,
        "b1": jnp.zeros((D,), dtype=jnp.float32),
        "Wq": jax.random.normal(ks[7], (D, D), dtype=jnp.float32) * s,
        "bq": jnp.zeros((D,), dtype=jnp.float32),
        "Wk": jax.random.normal(ks[8], (D, D), dtype=jnp.float32) * s,
        "bk": jnp.zeros((D,), dtype=jnp.float32),
        "Wv": jax.random.normal(ks[9], (D, D), dtype=jnp.float32) * s,
        "bv": jnp.zeros((D,), dtype=jnp.float32),
    }

def reference(graph_feat_emb, ori_feat_emb, label_emb, edge_index_label, edge_index_ori, W0, b0, W1, b1, Wq, bq, Wk, bk, Wv, bv):
    params = [(W0, b0), (W1, b1)]
    lq = label_emb @ Wq + bq
    gfe = graph_feat_emb
    ofe = ori_feat_emb
    for i, (W, b) in enumerate(params):
        temp = jnp.stack([gcn_conv(gfe[j], edge_index_label[j], W, b) for j in range(C)])
        gfe = jnp.transpose(temp, (1, 0, 2))
        v = gfe @ Wv + bv
        k = gfe @ Wk + bk
        score = jnp.einsum('ah,nbh->nab', lq, k) / math.sqrt(lq.shape[-1])
        score = jax.nn.softmax(score, axis=-1)
        gfe = jnp.einsum('nab,nbh->nah', score, v)
        gfe = jnp.transpose(gfe, (1, 0, 2))
        ofe = gcn_conv(ofe, edge_index_ori, W, b)
        if i != len(params) - 1:
            gfe = jax.nn.relu(gfe)
            ofe = jax.nn.relu(ofe)
    return (gfe, ofe)

if __name__ == "__main__":
    import jax
    _d = setup_inputs()
    print(jax.jit(kernel)(*tuple(_d.values())))

</pallas_src>

<mosaic_0001>
#map = affine_map<(d0, d1) -> (0, 0, 0)>
#map1 = affine_map<(d0, d1) -> (0)>
#map2 = affine_map<(d0, d1) -> (0, 0, 0, 0)>
module attributes {stable_mosaic.version = 14 : i64} {
  func.func @k(%arg0: i32, %arg1: i32, %arg2: memref<5x10240x128xf32, #tpu.memory_space<hbm>>, %arg3: memref<800000xi32, #tpu.memory_space<hbm>>, %arg4: memref<800000xi32, #tpu.memory_space<hbm>>, %arg5: memref<2x5x10240x128xf32, #tpu.memory_space<hbm>>, %arg6: memref<128xi32, #tpu.memory_space<vmem>>, %arg7: memref<128xi32, #tpu.memory_space<vmem>>, %arg8: memref<128x128xf32, #tpu.memory_space<vmem>>, %arg9: memref<8xi32, #tpu.memory_space<vmem>>, %arg10: memref<8xi32, #tpu.memory_space<vmem>>, %arg11: memref<8x128xf32, #tpu.memory_space<vmem>>, %arg12: memref<128x128xf32, #tpu.memory_space<vmem>>, %arg13: memref<10240x128xf32, #tpu.memory_space<vmem_shared>>, %arg14: memref<!tpu.dma_semaphore, #tpu.memory_space<semaphore_mem>>) attributes {dimension_semantics = [#tpu.dimension_semantics<core_parallel>, #tpu.dimension_semantics<subcore_parallel>], iteration_bounds = array<i64: 2, 16>, scalar_prefetch = 0 : i64, scratch_operands = 9 : i64, tpu.core_type = #tpu.core_type<sc_vector_subcore>, window_params = [{transform_indices = #map}, {transform_indices = #map1}, {transform_indices = #map1}, {transform_indices = #map2}]} {
    %mul3A = arith.constant 80000 : i32
    %mul3A_0 = arith.muli %arg0, %mul3A : i32
    %mul3A_1 = arith.constant 5000 : i32
    %mul3A_2 = arith.muli %arg1, %mul3A_1 : i32
    %add3A = arith.addi %mul3A_0, %mul3A_2 : i32
    %mul3A_3 = arith.constant 640 : i32
    %mul3A_4 = arith.muli %arg1, %mul3A_3 : i32
    %broadcast_in_dim3A = arith.constant 0.000000e+00 : f32
    %broadcast_in_dim3A_5 = vector.broadcast %broadcast_in_dim3A : f32 to vector<16xf32>
    %scan3A = arith.constant 0 : i32
    %scan3A_6 = arith.constant 0 : i32
    %scan3A_7 = arith.constant 1024 : i32
    %scan3A_8 = arith.addi %scan3A_6, %scan3A_7 : i32
    %scan3A_9 = arith.constant 1 : i32
    scf.for %scan3A_202 = %scan3A_6 to %scan3A_8 step %scan3A_9  : i32 {
      %jit3A = arith.constant 8 : i32
      %div3A = arith.divsi %scan3A_202, %jit3A : i32
      %sign3A = arith.constant 0 : i32
      %sign3A_203 = arith.cmpi sgt, %scan3A_202, %sign3A : i32
      %sign3A_204 = arith.extui %sign3A_203 : i1 to i32
      %sign3A_205 = arith.constant 0 : i32
      %sign3A_206 = arith.cmpi slt, %scan3A_202, %sign3A_205 : i32
      %sign3A_207 = arith.extui %sign3A_206 : i1 to i32
      %sign3A_208 = arith.subi %sign3A_204, %sign3A_207 : i32
      %sign3A_209 = arith.constant 0 : i32
      %sign3A_210 = arith.cmpi sgt, %jit3A, %sign3A_209 : i32
      %sign3A_211 = arith.extui %sign3A_210 : i1 to i32
      %sign3A_212 = arith.constant 0 : i32
      %sign3A_213 = arith.cmpi slt, %jit3A, %sign3A_212 : i32
      %sign3A_214 = arith.extui %sign3A_213 : i1 to i32
      %sign3A_215 = arith.subi %sign3A_211, %sign3A_214 : i32
      %ne3A = arith.cmpi ne, %sign3A_208, %sign3A_215 : i32
      %rem3A = arith.remsi %scan3A_202, %jit3A : i32
      %ne3A_216 = arith.constant 0 : i32
      %ne3A_217 = arith.cmpi ne, %rem3A, %ne3A_216 : i32
      %and3A = arith.andi %ne3A, %ne3A_217 : i1
      %sub3A = arith.constant 1 : i32
      %sub3A_218 = arith.subi %div3A, %sub3A : i32
      %select_n3A = arith.select %and3A, %sub3A_218, %div3A : i32
      %jit3A_219 = arith.constant 8 : i32
      %eq3A = arith.constant 0 : i32
      %eq3A_220 = arith.cmpi eq, %jit3A_219, %eq3A : i32
      %jit3A_221 = arith.constant 1 : i32
      %select_n3A_222 = arith.select %eq3A_220, %jit3A_221, %jit3A_219 : i32
      %rem3A_223 = arith.remsi %scan3A_202, %select_n3A_222 : i32
      %ne3A_224 = arith.constant 0 : i32
      %ne3A_225 = arith.cmpi ne, %rem3A_223, %ne3A_224 : i32
      %lt3A = arith.constant 0 : i32
      %lt3A_226 = arith.cmpi slt, %rem3A_223, %lt3A : i32
      %lt3A_227 = arith.constant 0 : i32
      %lt3A_228 = arith.cmpi slt, %select_n3A_222, %lt3A_227 : i32
      %ne3A_229 = arith.xori %lt3A_226, %lt3A_228 : i1
      %and3A_230 = arith.andi %ne3A_229, %ne3A_225 : i1
      %add3A_231 = arith.addi %rem3A_223, %select_n3A_222 : i32
      %select_n3A_232 = arith.select %and3A_230, %add3A_231, %rem3A_223 : i32
      %mul3A_233 = arith.constant 16 : i32
      %mul3A_234 = arith.muli %select_n3A_232, %mul3A_233 : i32
      %swap3A = arith.index_cast %select_n3A : i32 to index
      %swap3A_235 = arith.index_cast %mul3A_234 : i32 to index
      %swap3A_236 = tpu.vector_load %arg12[%swap3A, %swap3A_235] {strides = array<i32>} : memref<128x128xf32, #tpu.memory_space<vmem>>, vector<1x16xf32>,
      %swap3A_237 = vector.shape_cast %swap3A_236 : vector<1x16xf32> to vector<16xf32>
      %swap3A_238 = vector.shape_cast %broadcast_in_dim3A_5 : vector<16xf32> to vector<1x16xf32>
      tpu.vector_store %arg12[%swap3A, %swap3A_235], %swap3A_238 {strides = array<i32>} : memref<128x128xf32, #tpu.memory_space<vmem>>, vector<1x16xf32>,
    }
    %scan3A_10 = arith.constant 1024 : i32
    %add3A_11 = arith.constant 0 : i32
    %add3A_12 = arith.addi %mul3A_4, %add3A_11 : i32
    "tpu.region"() ({
      %run_scoped3A_202 = tpu.sem_alloc : memref<!tpu.dma_semaphore, #tpu.memory_space<semaphore_mem>>
      %dma_start3A_203 = arith.constant 0 : i32
      %dma_start3A_204 = tpu.memref_slice %arg13[%add3A_12, %dma_start3A_203] : memref<10240x128xf32, #tpu.memory_space<vmem_shared>> -> memref<128x128xf32, #tpu.memory_space<vmem_shared>>
      %dma_start3A_205 = arith.constant 0 : i32
      %dma_start3A_206 = tpu.memref_slice %arg13[%add3A_12, %dma_start3A_205] : memref<10240x128xf32, #tpu.memory_space<vmem_shared>> -> memref<128x128xf32, #tpu.memory_space<vmem_shared>>
      tpu.enqueue_dma source(%arg12 : memref<128x128xf32, #tpu.memory_space<vmem>>) target(%dma_start3A_206 : memref<128x128xf32, #tpu.memory_space<vmem_shared>>) target_semaphore(%run_scoped3A_202 : memref<!tpu.dma_semaphore, #tpu.memory_space<semaphore_mem>>)
      %dma_wait3A_207 = arith.constant 0 : i32
      %dma_wait3A_208 = tpu.memref_slice %arg13[%add3A_12, %dma_wait3A_207] : memref<10240x128xf32, #tpu.memory_space<vmem_shared>> -> memref<128x128xf32, #tpu.memory_space<vmem_shared>>
      %dma_wait3A_209 = arith.constant 0 : i32
      %dma_wait3A_210 = tpu.memref_slice %arg13[%add3A_12, %dma_wait3A_209] : memref<10240x128xf32, #tpu.memory_space<vmem_shared>> -> memref<128x128xf32, #tpu.memory_space<vmem_shared>>
      tpu.wait_dma2 semaphore(%run_scoped3A_202 : memref<!tpu.dma_semaphore, #tpu.memory_space<semaphore_mem>>) src(%arg12 : memref<128x128xf32, #tpu.memory_space<vmem>>) dst(%dma_wait3A_210 : memref<128x128xf32, #tpu.memory_space<vmem_shared>>)
      tpu.yield
    }) : () -> ()
    %add3A_13 = arith.constant 128 : i32
    %add3A_14 = arith.addi %mul3A_4, %add3A_13 : i32
    "tpu.region"() ({
      %run_scoped3A_202 = tpu.sem_alloc : memref<!tpu.dma_semaphore, #tpu.memory_space<semaphore_mem>>
      %dma_start3A_203 = arith.constant 0 : i32
      %dma_start3A_204 = tpu.memref_slice %arg13[%add3A_14, %dma_start3A_203] : memref<10240x128xf32, #tpu.memory_space<vmem_shared>> -> memref<128x128xf32, #tpu.memory_space<vmem_shared>>
      %dma_start3A_205 = arith.constant 0 : i32
      %dma_start3A_206 = tpu.memref_slice %arg13[%add3A_14, %dma_start3A_205] : memref<10240x128xf32, #tpu.memory_space<vmem_shared>> -> memref<128x128xf32, #tpu.memory_space<vmem_shared>>
      tpu.enqueue_dma source(%arg12 : memref<128x128xf32, #tpu.memory_space<vmem>>) target(%dma_start3A_206 : memref<128x128xf32, #tpu.memory_space<vmem_shared>>) target_semaphore(%run_scoped3A_202 : memref<!tpu.dma_semaphore, #tpu.memory_space<semaphore_mem>>)
      %dma_wait3A_207 = arith.constant 0 : i32
      %dma_wait3A_208 = tpu.memref_slice %arg13[%add3A_14, %dma_wait3A_207] : memref<10240x128xf32, #tpu.memory_space<vmem_shared>> -> memref<128x128xf32, #tpu.memory_space<vmem_shared>>
      %dma_wait3A_209 = arith.constant 0 : i32
      %dma_wait3A_210 = tpu.memref_slice %arg13[%add3A_14, %dma_wait3A_209] : memref<10240x128xf32, #tpu.memory_space<vmem_shared>> -> memref<128x128xf32, #tpu.memory_space<vmem_shared>>
      tpu.wait_dma2 semaphore(%run_scoped3A_202 : memref<!tpu.dma_semaphore, #tpu.memory_space<semaphore_mem>>) src(%arg12 : memref<128x128xf32, #tpu.memory_space<vmem>>) dst(%dma_wait3A_210 : memref<128x128xf32, #tpu.memory_space<vmem_shared>>)
      tpu.yield
    }) : () -> ()
    %add3A_15 = arith.constant 256 : i32
    %add3A_16 = arith.addi %mul3A_4, %add3A_15 : i32
    "tpu.region"() ({
      %run_scoped3A_202 = tpu.sem_alloc : memref<!tpu.dma_semaphore, #tpu.memory_space<semaphore_mem>>
      %dma_start3A_203 = arith.constant 0 : i32
      %dma_start3A_204 = tpu.memref_slice %arg13[%add3A_16, %dma_start3A_203] : memref<10240x128xf32, #tpu.memory_space<vmem_shared>> -> memref<128x128xf32, #tpu.memory_space<vmem_shared>>
      %dma_start3A_205 = arith.constant 0 : i32
      %dma_start3A_206 = tpu.memref_slice %arg13[%add3A_16, %dma_start3A_205] : memref<10240x128xf32, #tpu.memory_space<vmem_shared>> -> memref<128x128xf32, #tpu.memory_space<vmem_shared>>
      tpu.enqueue_dma source(%arg12 : memref<128x128xf32, #tpu.memory_space<vmem>>) target(%dma_start3A_206 : memref<128x128xf32, #tpu.memory_space<vmem_shared>>) target_semaphore(%run_scoped3A_202 : memref<!tpu.dma_semaphore, #tpu.memory_space<semaphore_mem>>)
      %dma_wait3A_207 = arith.constant 0 : i32
      %dma_wait3A_208 = tpu.memref_slice %arg13[%add3A_16, %dma_wait3A_207] : memref<10240x128xf32, #tpu.memory_space<vmem_shared>> -> memref<128x128xf32, #tpu.memory_space<vmem_shared>>
      %dma_wait3A_209 = arith.constant 0 : i32
      %dma_wait3A_210 = tpu.memref_slice %arg13[%add3A_16, %dma_wait3A_209] : memref<10240x128xf32, #tpu.memory_space<vmem_shared>> -> memref<128x128xf32, #tpu.memory_space<vmem_shared>>
      tpu.wait_dma2 semaphore(%run_scoped3A_202 : memref<!tpu.dma_semaphore, #tpu.memory_space<semaphore_mem>>) src(%arg12 : memref<128x128xf32, #tpu.memory_space<vmem>>) dst(%dma_wait3A_210 : memref<128x128xf32, #tpu.memory_space<vmem_shared>>)
      tpu.yield
    }) : () -> ()
    %add3A_17 = arith.constant 384 : i32
    %add3A_18 = arith.addi %mul3A_4, %add3A_17 : i32
    "tpu.region"() ({
      %run_scoped3A_202 = tpu.sem_alloc : memref<!tpu.dma_semaphore, #tpu.memory_space<semaphore_mem>>
      %dma_start3A_203 = arith.constant 0 : i32
      %dma_start3A_204 = tpu.memref_slice %arg13[%add3A_18, %dma_start3A_203] : memref<10240x128xf32, #tpu.memory_space<vmem_shared>> -> memref<128x128xf32, #tpu.memory_space<vmem_shared>>
      %dma_start3A_205 = arith.constant 0 : i32
      %dma_start3A_206 = tpu.memref_slice %arg13[%add3A_18, %dma_start3A_205] : memref<10240x128xf32, #tpu.memory_space<vmem_shared>> -> memref<128x128xf32, #tpu.memory_space<vmem_shared>>
      tpu.enqueue_dma source(%arg12 : memref<128x128xf32, #tpu.memory_space<vmem>>) target(%dma_start3A_206 : memref<128x128xf32, #tpu.memory_space<vmem_shared>>) target_semaphore(%run_scoped3A_202 : memref<!tpu.dma_semaphore, #tpu.memory_space<semaphore_mem>>)
      %dma_wait3A_207 = arith.constant 0 : i32
      %dma_wait3A_208 = tpu.memref_slice %arg13[%add3A_18, %dma_wait3A_207] : memref<10240x128xf32, #tpu.memory_space<vmem_shared>> -> memref<128x128xf32, #tpu.memory_space<vmem_shared>>
      %dma_wait3A_209 = arith.constant 0 : i32
      %dma_wait3A_210 = tpu.memref_slice %arg13[%add3A_18, %dma_wait3A_209] : memref<10240x128xf32, #tpu.memory_space<vmem_shared>> -> memref<128x128xf32, #tpu.memory_space<vmem_shared>>
      tpu.wait_dma2 semaphore(%run_scoped3A_202 : memref<!tpu.dma_semaphore, #tpu.memory_space<semaphore_mem>>) src(%arg12 : memref<128x128xf32, #tpu.memory_space<vmem>>) dst(%dma_wait3A_210 : memref<128x128xf32, #tpu.memory_space<vmem_shared>>)
      tpu.yield
    }) : () -> ()
    %add3A_19 = arith.constant 512 : i32
    %add3A_20 = arith.addi %mul3A_4, %add3A_19 : i32
    "tpu.region"() ({
      %run_scoped3A_202 = tpu.sem_alloc : memref<!tpu.dma_semaphore, #tpu.memory_space<semaphore_mem>>
      %dma_start3A_203 = arith.constant 0 : i32
      %dma_start3A_204 = tpu.memref_slice %arg13[%add3A_20, %dma_start3A_203] : memref<10240x128xf32, #tpu.memory_space<vmem_shared>> -> memref<128x128xf32, #tpu.memory_space<vmem_shared>>
      %dma_start3A_205 = arith.constant 0 : i32
      %dma_start3A_206 = tpu.memref_slice %arg13[%add3A_20, %dma_start3A_205] : memref<10240x128xf32, #tpu.memory_space<vmem_shared>> -> memref<128x128xf32, #tpu.memory_space<vmem_shared>>
      tpu.enqueue_dma source(%arg12 : memref<128x128xf32, #tpu.memory_space<vmem>>) target(%dma_start3A_206 : memref<128x128xf32, #tpu.memory_space<vmem_shared>>) target_semaphore(%run_scoped3A_202 : memref<!tpu.dma_semaphore, #tpu.memory_space<semaphore_mem>>)
      %dma_wait3A_207 = arith.constant 0 : i32
      %dma_wait3A_208 = tpu.memref_slice %arg13[%add3A_20, %dma_wait3A_207] : memref<10240x128xf32, #tpu.memory_space<vmem_shared>> -> memref<128x128xf32, #tpu.memory_space<vmem_shared>>
      %dma_wait3A_209 = arith.constant 0 : i32
      %dma_wait3A_210 = tpu.memref_slice %arg13[%add3A_20, %dma_wait3A_209] : memref<10240x128xf32, #tpu.memory_space<vmem_shared>> -> memref<128x128xf32, #tpu.memory_space<vmem_shared>>
      tpu.wait_dma2 semaphore(%run_scoped3A_202 : memref<!tpu.dma_semaphore, #tpu.memory_space<semaphore_mem>>) src(%arg12 : memref<128x128xf32, #tpu.memory_space<vmem>>) dst(%dma_wait3A_210 : memref<128x128xf32, #tpu.memory_space<vmem_shared>>)
      tpu.yield
    }) : () -> ()
    %barrier3A = arith.constant 0 : index
    tpu.barrier barrier_id(%barrier3A)
    %scan3A_21 = arith.constant 0 : i32
    %scan3A_22 = arith.constant 0 : i32
    %scan3A_23 = arith.constant 39 : i32
    %scan3A_24 = arith.addi %scan3A_22, %scan3A_23 : i32
    %scan3A_25 = arith.constant 1 : i32
    scf.for %scan3A_202 = %scan3A_22 to %scan3A_24 step %scan3A_25  : i32 {
      %add3A_203 = arith.constant 0 : i32
      %add3A_204 = arith.addi %add3A_203, %add3A : i32
      %mul3A_205 = arith.constant 128 : i32
      %mul3A_206 = arith.muli %scan3A_202, %mul3A_205 : i32
      %add3A_207 = arith.addi %add3A_204, %mul3A_206 : i32
      "tpu.region"() ({
        %run_scoped3A_224 = tpu.sem_alloc : memref<!tpu.dma_semaphore, #tpu.memory_space<semaphore_mem>>
        %dma_start3A_225 = tpu.memref_slice %arg3[%add3A_207] : memref<800000xi32, #tpu.memory_space<hbm>> -> memref<128xi32, #tpu.memory_space<hbm>>
        %dma_start3A_226 = tpu.memref_slice %arg3[%add3A_207] : memref<800000xi32, #tpu.memory_space<hbm>> -> memref<128xi32, #tpu.memory_space<hbm>>
        tpu.enqueue_dma source(%dma_start3A_226 : memref<128xi32, #tpu.memory_space<hbm>>) target(%arg6 : memref<128xi32, #tpu.memory_space<vmem>>) target_semaphore(%run_scoped3A_224 : memref<!tpu.dma_semaphore, #tpu.memory_space<semaphore_mem>>)
        %dma_wait3A_227 = tpu.memref_slice %arg3[%add3A_207] : memref<800000xi32, #tpu.memory_space<hbm>> -> memref<128xi32, #tpu.memory_space<hbm>>
        %dma_wait3A_228 = tpu.memref_slice %arg3[%add3A_207] : memref<800000xi32, #tpu.memory_space<hbm>> -> memref<128xi32, #tpu.memory_space<hbm>>
        tpu.wait_dma2 semaphore(%run_scoped3A_224 : memref<!tpu.dma_semaphore, #tpu.memory_space<semaphore_mem>>) src(%dma_wait3A_228 : memref<128xi32, #tpu.memory_space<hbm>>) dst(%arg6 : memref<128xi32, #tpu.memory_space<vmem>>)
        tpu.yield
      }) : () -> ()
      "tpu.region"() ({
        %run_scoped3A_224 = tpu.sem_alloc : memref<!tpu.dma_semaphore, #tpu.memory_space<semaphore_mem>>
        %dma_start3A_225 = tpu.memref_slice %arg4[%add3A_207] : memref<800000xi32, #tpu.memory_space<hbm>> -> memref<128xi32, #tpu.memory_space<hbm>>
        %dma_start3A_226 = tpu.memref_slice %arg4[%add3A_207] : memref<800000xi32, #tpu.memory_space<hbm>> -> memref<128xi32, #tpu.memory_space<hbm>>
        tpu.enqueue_dma source(%dma_start3A_226 : memref<128xi32, #tpu.memory_space<hbm>>) target(%arg7 : memref<128xi32, #tpu.memory_space<vmem>>) target_semaphore(%run_scoped3A_224 : memref<!tpu.dma_semaphore, #tpu.memory_space<semaphore_mem>>)
        %dma_wait3A_227 = tpu.memref_slice %arg4[%add3A_207] : memref<800000xi32, #tpu.memory_space<hbm>> -> memref<128xi32, #tpu.memory_space<hbm>>
        %dma_wait3A_228 = tpu.memref_slice %arg4[%add3A_207] : memref<800000xi32, #tpu.memory_space<hbm>> -> memref<128xi32, #tpu.memory_space<hbm>>
        tpu.wait_dma2 semaphore(%run_scoped3A_224 : memref<!tpu.dma_semaphore, #tpu.memory_space<semaphore_mem>>) src(%dma_wait3A_228 : memref<128xi32, #tpu.memory_space<hbm>>) dst(%arg7 : memref<128xi32, #tpu.memory_space<vmem>>)
        tpu.yield
      }) : () -> ()
      %dma_start3A_208 = arith.constant 0 : i32
      %dma_start3A_209 = arith.constant 0 : i32
      %dma_start3A_210 = arith.constant 0 : i32
      %dma_start3A_211 = tpu.memref_slice %arg2[%dma_start3A_208, %dma_start3A_209, %dma_start3A_210] : memref<5x10240x128xf32, #tpu.memory_space<hbm>> -> memref<1x10240x128xf32, #tpu.memory_space<hbm>>
      %dma_start3A_212 = tpu.memref_squeeze %dma_start3A_211 : memref<1x10240x128xf32, #tpu.memory_space<hbm>> -> memref<10240x128xf32, #tpu.memory_space<hbm>>
      %dma_start3A_213 = arith.constant 0 : i32
      %dma_start3A_214 = arith.constant 0 : i32
      %dma_start3A_215 = tpu.memref_slice %dma_start3A_212[%dma_start3A_213, %dma_start3A_214] : memref<10240x128xf32, #tpu.memory_space<hbm>> -> memref<10240x128xf32, #tpu.memory_space<hbm>>
      tpu.enqueue_indirect_dma source(%dma_start3A_215 : memref<10240x128xf32, #tpu.memory_space<hbm>>) target(%arg8 : memref<128x128xf32, #tpu.memory_space<vmem>>) offsets(%arg6 : memref<128xi32, #tpu.memory_space<vmem>>) semaphore(%arg14 : memref<!tpu.dma_semaphore, #tpu.memory_space<semaphore_mem>>)
      %dma_wait3A_216 = arith.constant 0 : i32
      %dma_wait3A_217 = arith.constant 0 : i32
      %dma_wait3A_218 = arith.constant 0 : i32
      %dma_wait3A_219 = tpu.memref_slice %arg2[%dma_wait3A_216, %dma_wait3A_217, %dma_wait3A_218] : memref<5x10240x128xf32, #tpu.memory_space<hbm>> -> memref<1x10240x128xf32, #tpu.memory_space<hbm>>
      %dma_wait3A_220 = tpu.memref_squeeze %dma_wait3A_219 : memref<1x10240x128xf32, #tpu.memory_space<hbm>> -> memref<10240x128xf32, #tpu.memory_space<hbm>>
      %dma_wait3A_221 = arith.constant 0 : i32
      %dma_wait3A_222 = arith.constant 0 : i32
      %dma_wait3A_223 = tpu.memref_slice %dma_wait3A_220[%dma_wait3A_221, %dma_wait3A_222] : memref<10240x128xf32, #tpu.memory_space<hbm>> -> memref<10240x128xf32, #tpu.memory_space<hbm>>
      tpu.wait_indirect_dma semaphore(%arg14 : memref<!tpu.dma_semaphore, #tpu.memory_space<semaphore_mem>>) src(%dma_wait3A_223 : memref<10240x128xf32, #tpu.memory_space<hbm>>) dst(%arg8 : memref<128x128xf32, #tpu.memory_space<vmem>>)
      "tpu.region"() ({
        %run_scoped3A_224 = tpu.sem_alloc : memref<!tpu.dma_semaphore, #tpu.memory_space<semaphore_mem>>
        %dma_start3A_225 = arith.constant 0 : i32
        %dma_start3A_226 = arith.constant 0 : i32
        %dma_start3A_227 = tpu.memref_slice %arg13[%dma_start3A_225, %dma_start3A_226] : memref<10240x128xf32, #tpu.memory_space<vmem_shared>> -> memref<10240x128xf32, #tpu.memory_space<vmem_shared>>
        tpu.enqueue_indirect_dma source(%arg8 : memref<128x128xf32, #tpu.memory_space<vmem>>) target(%dma_start3A_227 : memref<10240x128xf32, #tpu.memory_space<vmem_shared>>) offsets(%arg7 : memref<128xi32, #tpu.memory_space<vmem>>) semaphore(%run_scoped3A_224 : memref<!tpu.dma_semaphore, #tpu.memory_space<semaphore_mem>>) {add = true}
        %dma_wait3A_228 = arith.constant 0 : i32
        %dma_wait3A_229 = arith.constant 0 : i32
        %dma_wait3A_230 = tpu.memref_slice %arg13[%dma_wait3A_228, %dma_wait3A_229] : memref<10240x128xf32, #tpu.memory_space<vmem_shared>> -> memref<10240x128xf32, #tpu.memory_space<vmem_shared>>
        tpu.wait_indirect_dma semaphore(%run_scoped3A_224 : memref<!tpu.dma_semaphore, #tpu.memory_space<semaphore_mem>>) src(%arg8 : memref<128x128xf32, #tpu.memory_space<vmem>>) dst(%dma_wait3A_230 : memref<10240x128xf32, #tpu.memory_space<vmem_shared>>)
        tpu.yield
      }) : () -> ()
    }
    %scan3A_26 = arith.constant 39 : i32
    %add3A_27 = arith.constant 0 : i32
    %add3A_28 = arith.addi %add3A_27, %add3A : i32
    %add3A_29 = arith.constant 4992 : i32
    %add3A_30 = arith.addi %add3A_28, %add3A_29 : i32
    "tpu.region"() ({
      %run_scoped3A_202 = tpu.sem_alloc : memref<!tpu.dma_semaphore, #tpu.memory_space<semaphore_mem>>
      %dma_start3A_203 = tpu.memref_slice %arg3[%add3A_30] : memref<800000xi32, #tpu.memory_space<hbm>> -> memref<8xi32, #tpu.memory_space<hbm>>
      %dma_start3A_204 = tpu.memref_slice %arg3[%add3A_30] : memref<800000xi32, #tpu.memory_space<hbm>> -> memref<8xi32, #tpu.memory_space<hbm>>
      tpu.enqueue_dma source(%dma_start3A_204 : memref<8xi32, #tpu.memory_space<hbm>>) target(%arg9 : memref<8xi32, #tpu.memory_space<vmem>>) target_semaphore(%run_scoped3A_202 : memref<!tpu.dma_semaphore, #tpu.memory_space<semaphore_mem>>)
      %dma_wait3A_205 = tpu.memref_slice %arg3[%add3A_30] : memref<800000xi32, #tpu.memory_space<hbm>> -> memref<8xi32, #tpu.memory_space<hbm>>
      %dma_wait3A_206 = tpu.memref_slice %arg3[%add3A_30] : memref<800000xi32, #tpu.memory_space<hbm>> -> memref<8xi32, #tpu.memory_space<hbm>>
      tpu.wait_dma2 semaphore(%run_scoped3A_202 : memref<!tpu.dma_semaphore, #tpu.memory_space<semaphore_mem>>) src(%dma_wait3A_206 : memref<8xi32, #tpu.memory_space<hbm>>) dst(%arg9 : memref<8xi32, #tpu.memory_space<vmem>>)
      tpu.yield
    }) : () -> ()
    "tpu.region"() ({
      %run_scoped3A_202 = tpu.sem_alloc : memref<!tpu.dma_semaphore, #tpu.memory_space<semaphore_mem>>
      %dma_start3A_203 = tpu.memref_slice %arg4[%add3A_30] : memref<800000xi32, #tpu.memory_space<hbm>> -> memref<8xi32, #tpu.memory_space<hbm>>
      %dma_start3A_204 = tpu.memref_slice %arg4[%add3A_30] : memref<800000xi32, #tpu.memory_space<hbm>> -> memref<8xi32, #tpu.memory_space<hbm>>
      tpu.enqueue_dma source(%dma_start3A_204 : memref<8xi32, #tpu.memory_space<hbm>>) target(%arg10 : memref<8xi32, #tpu.memory_space<vmem>>) target_semaphore(%run_scoped3A_202 : memref<!tpu.dma_semaphore, #tpu.memory_space<semaphore_mem>>)
      %dma_wait3A_205 = tpu.memref_slice %arg4[%add3A_30] : memref<800000xi32, #tpu.memory_space<hbm>> -> memref<8xi32, #tpu.memory_space<hbm>>
      %dma_wait3A_206 = tpu.memref_slice %arg4[%add3A_30] : memref<800000xi32, #tpu.memory_space<hbm>> -> memref<8xi32, #tpu.memory_space<hbm>>
      tpu.wait_dma2 semaphore(%run_scoped3A_202 : memref<!tpu.dma_semaphore, #tpu.memory_space<semaphore_mem>>) src(%dma_wait3A_206 : memref<8xi32, #tpu.memory_space<hbm>>) dst(%arg10 : memref<8xi32, #tpu.memory_space<vmem>>)
      tpu.yield
    }) : () -> ()
    %dma_start3A = arith.constant 0 : i32
    %dma_start3A_31 = arith.constant 0 : i32
    %dma_start3A_32 = arith.constant 0 : i32
    %dma_start3A_33 = tpu.memref_slice %arg2[%dma_start3A, %dma_start3A_31, %dma_start3A_32] : memref<5x10240x128xf32, #tpu.memory_space<hbm>> -> memref<1x10240x128xf32, #tpu.memory_space<hbm>>
    %dma_start3A_34 = tpu.memref_squeeze %dma_start3A_33 : memref<1x10240x128xf32, #tpu.memory_space<hbm>> -> memref<10240x128xf32, #tpu.memory_space<hbm>>
    %dma_start3A_35 = arith.constant 0 : i32
    %dma_start3A_36 = arith.constant 0 : i32
    %dma_start3A_37 = tpu.memref_slice %dma_start3A_34[%dma_start3A_35, %dma_start3A_36] : memref<10240x128xf32, #tpu.memory_space<hbm>> -> memref<10240x128xf32, #tpu.memory_space<hbm>>
    tpu.enqueue_indirect_dma source(%dma_start3A_37 : memref<10240x128xf32, #tpu.memory_space<hbm>>) target(%arg11 : memref<8x128xf32, #tpu.memory_space<vmem>>) offsets(%arg9 : memref<8xi32, #tpu.memory_space<vmem>>) semaphore(%arg14 : memref<!tpu.dma_semaphore, #tpu.memory_space<semaphore_mem>>)
    %dma_wait3A = arith.constant 0 : i32
    %dma_wait3A_38 = arith.constant 0 : i32
    %dma_wait3A_39 = arith.constant 0 : i32
    %dma_wait3A_40 = tpu.memref_slice %arg2[%dma_wait3A, %dma_wait3A_38, %dma_wait3A_39] : memref<5x10240x128xf32, #tpu.memory_space<hbm>> -> memref<1x10240x128xf32, #tpu.memory_space<hbm>>
    %dma_wait3A_41 = tpu.memref_squeeze %dma_wait3A_40 : memref<1x10240x128xf32, #tpu.memory_space<hbm>> -> memref<10240x128xf32, #tpu.memory_space<hbm>>
    %dma_wait3A_42 = arith.constant 0 : i32
    %dma_wait3A_43 = arith.constant 0 : i32
    %dma_wait3A_44 = tpu.memref_slice %dma_wait3A_41[%dma_wait3A_42, %dma_wait3A_43] : memref<10240x128xf32, #tpu.memory_space<hbm>> -> memref<10240x128xf32, #tpu.memory_space<hbm>>
    tpu.wait_indirect_dma semaphore(%arg14 : memref<!tpu.dma_semaphore, #tpu.memory_space<semaphore_mem>>) src(%dma_wait3A_44 : memref<10240x128xf32, #tpu.memory_space<hbm>>) dst(%arg11 : memref<8x128xf32, #tpu.memory_space<vmem>>)
    "tpu.region"() ({
      %run_scoped3A_202 = tpu.sem_alloc : memref<!tpu.dma_semaphore, #tpu.memory_space<semaphore_mem>>
      %dma_start3A_203 = arith.constant 0 : i32
      %dma_start3A_204 = arith.constant 0 : i32
      %dma_start3A_205 = tpu.memref_slice %arg13[%dma_start3A_203, %dma_start3A_204] : memref<10240x128xf32, #tpu.memory_space<vmem_shared>> -> memref<10240x128xf32, #tpu.memory_space<vmem_shared>>
      tpu.enqueue_indirect_dma source(%arg11 : memref<8x128xf32, #tpu.memory_space<vmem>>) target(%dma_start3A_205 : memref<10240x128xf32, #tpu.memory_space<vmem_shared>>) offsets(%arg10 : memref<8xi32, #tpu.memory_space<vmem>>) semaphore(%run_scoped3A_202 : memref<!tpu.dma_semaphore, #tpu.memory_space<semaphore_mem>>) {add = true}
      %dma_wait3A_206 = arith.constant 0 : i32
      %dma_wait3A_207 = arith.constant 0 : i32
      %dma_wait3A_208 = tpu.memref_slice %arg13[%dma_wait3A_206, %dma_wait3A_207] : memref<10240x128xf32, #tpu.memory_space<vmem_shared>> -> memref<10240x128xf32, #tpu.memory_space<vmem_shared>>
      tpu.wait_indirect_dma semaphore(%run_scoped3A_202 : memref<!tpu.dma_semaphore, #tpu.memory_space<semaphore_mem>>) src(%arg11 : memref<8x128xf32, #tpu.memory_space<vmem>>) dst(%dma_wait3A_208 : memref<10240x128xf32, #tpu.memory_space<vmem_shared>>)
      tpu.yield
    }) : () -> ()
    %barrier3A_45 = arith.constant 0 : index
    tpu.barrier barrier_id(%barrier3A_45)
    %run_scoped3A = arith.constant 0 : i32
    "tpu.region"() ({
      %run_scoped3A_202 = tpu.sem_alloc : memref<!tpu.dma_semaphore, #tpu.memory_space<semaphore_mem>>
      %dma_start3A_203 = arith.constant 0 : i32
      %dma_start3A_204 = tpu.memref_slice %arg5[%arg0, %run_scoped3A, %mul3A_4, %dma_start3A_203] : memref<2x5x10240x128xf32, #tpu.memory_space<hbm>> -> memref<1x1x640x128xf32, #tpu.memory_space<hbm>>
      %dma_start3A_205 = tpu.memref_squeeze %dma_start3A_204 : memref<1x1x640x128xf32, #tpu.memory_space<hbm>> -> memref<640x128xf32, #tpu.memory_space<hbm>>
      %dma_start3A_206 = arith.constant 0 : i32
      %dma_start3A_207 = tpu.memref_slice %arg13[%mul3A_4, %dma_start3A_206] : memref<10240x128xf32, #tpu.memory_space<vmem_shared>> -> memref<640x128xf32, #tpu.memory_space<vmem_shared>>
      tpu.enqueue_dma source(%dma_start3A_207 : memref<640x128xf32, #tpu.memory_space<vmem_shared>>) target(%dma_start3A_205 : memref<640x128xf32, #tpu.memory_space<hbm>>) target_semaphore(%run_scoped3A_202 : memref<!tpu.dma_semaphore, #tpu.memory_space<semaphore_mem>>)
      %dma_wait3A_208 = arith.constant 0 : i32
      %dma_wait3A_209 = tpu.memref_slice %arg5[%arg0, %run_scoped3A, %mul3A_4, %dma_wait3A_208] : memref<2x5x10240x128xf32, #tpu.memory_space<hbm>> -> memref<1x1x640x128xf32, #tpu.memory_space<hbm>>
      %dma_wait3A_210 = tpu.memref_squeeze %dma_wait3A_209 : memref<1x1x640x128xf32, #tpu.memory_space<hbm>> -> memref<640x128xf32, #tpu.memory_space<hbm>>
      %dma_wait3A_211 = arith.constant 0 : i32
      %dma_wait3A_212 = tpu.memref_slice %arg13[%mul3A_4, %dma_wait3A_211] : memref<10240x128xf32, #tpu.memory_space<vmem_shared>> -> memref<640x128xf32, #tpu.memory_space<vmem_shared>>
      tpu.wait_dma2 semaphore(%run_scoped3A_202 : memref<!tpu.dma_semaphore, #tpu.memory_space<semaphore_mem>>) src(%dma_wait3A_212 : memref<640x128xf32, #tpu.memory_space<vmem_shared>>) dst(%dma_wait3A_210 : memref<640x128xf32, #tpu.memory_space<hbm>>)
      tpu.yield
    }) : () -> ()
    %add3A_46 = arith.constant 0 : i32
    %add3A_47 = arith.addi %mul3A_4, %add3A_46 : i32
    "tpu.region"() ({
      %run_scoped3A_202 = tpu.sem_alloc : memref<!tpu.dma_semaphore, #tpu.memory_space<semaphore_mem>>
      %dma_start3A_203 = arith.constant 0 : i32
      %dma_start3A_204 = tpu.memref_slice %arg13[%add3A_47, %dma_start3A_203] : memref<10240x128xf32, #tpu.memory_space<vmem_shared>> -> memref<128x128xf32, #tpu.memory_space<vmem_shared>>
      %dma_start3A_205 = arith.constant 0 : i32
      %dma_start3A_206 = tpu.memref_slice %arg13[%add3A_47, %dma_start3A_205] : memref<10240x128xf32, #tpu.memory_space<vmem_shared>> -> memref<128x128xf32, #tpu.memory_space<vmem_shared>>
      tpu.enqueue_dma source(%arg12 : memref<128x128xf32, #tpu.memory_space<vmem>>) target(%dma_start3A_206 : memref<128x128xf32, #tpu.memory_space<vmem_shared>>) target_semaphore(%run_scoped3A_202 : memref<!tpu.dma_semaphore, #tpu.memory_space<semaphore_mem>>)
      %dma_wait3A_207 = arith.constant 0 : i32
      %dma_wait3A_208 = tpu.memref_slice %arg13[%add3A_47, %dma_wait3A_207] : memref<10240x128xf32, #tpu.memory_space<vmem_shared>> -> memref<128x128xf32, #tpu.memory_space<vmem_shared>>
      %dma_wait3A_209 = arith.constant 0 : i32
      %dma_wait3A_210 = tpu.memref_slice %arg13[%add3A_47, %dma_wait3A_209] : memref<10240x128xf32, #tpu.memory_space<vmem_shared>> -> memref<128x128xf32, #tpu.memory_space<vmem_shared>>
      tpu.wait_dma2 semaphore(%run_scoped3A_202 : memref<!tpu.dma_semaphore, #tpu.memory_space<semaphore_mem>>) src(%arg12 : memref<128x128xf32, #tpu.memory_space<vmem>>) dst(%dma_wait3A_210 : memref<128x128xf32, #tpu.memory_space<vmem_shared>>)
      tpu.yield
    }) : () -> ()
    %add3A_48 = arith.constant 128 : i32
    %add3A_49 = arith.addi %mul3A_4, %add3A_48 : i32
    "tpu.region"() ({
      %run_scoped3A_202 = tpu.sem_alloc : memref<!tpu.dma_semaphore, #tpu.memory_space<semaphore_mem>>
      %dma_start3A_203 = arith.constant 0 : i32
      %dma_start3A_204 = tpu.memref_slice %arg13[%add3A_49, %dma_start3A_203] : memref<10240x128xf32, #tpu.memory_space<vmem_shared>> -> memref<128x128xf32, #tpu.memory_space<vmem_shared>>
      %dma_start3A_205 = arith.constant 0 : i32
      %dma_start3A_206 = tpu.memref_slice %arg13[%add3A_49, %dma_start3A_205] : memref<10240x128xf32, #tpu.memory_space<vmem_shared>> -> memref<128x128xf32, #tpu.memory_space<vmem_shared>>
      tpu.enqueue_dma source(%arg12 : memref<128x128xf32, #tpu.memory_space<vmem>>) target(%dma_start3A_206 : memref<128x128xf32, #tpu.memory_space<vmem_shared>>) target_semaphore(%run_scoped3A_202 : memref<!tpu.dma_semaphore, #tpu.memory_space<semaphore_mem>>)
      %dma_wait3A_207 = arith.constant 0 : i32
      %dma_wait3A_208 = tpu.memref_slice %arg13[%add3A_49, %dma_wait3A_207] : memref<10240x128xf32, #tpu.memory_space<vmem_shared>> -> memref<128x128xf32, #tpu.memory_space<vmem_shared>>
      %dma_wait3A_209 = arith.constant 0 : i32
      %dma_wait3A_210 = tpu.memref_slice %arg13[%add3A_49, %dma_wait3A_209] : memref<10240x128xf32, #tpu.memory_space<vmem_shared>> -> memref<128x128xf32, #tpu.memory_space<vmem_shared>>
      tpu.wait_dma2 semaphore(%run_scoped3A_202 : memref<!tpu.dma_semaphore, #tpu.memory_space<semaphore_mem>>) src(%arg12 : memref<128x128xf32, #tpu.memory_space<vmem>>) dst(%dma_wait3A_210 : memref<128x128xf32, #tpu.memory_space<vmem_shared>>)
      tpu.yield
    }) : () -> ()
    %add3A_50 = arith.constant 256 : i32
    %add3A_51 = arith.addi %mul3A_4, %add3A_50 : i32
    "tpu.region"() ({
      %run_scoped3A_202 = tpu.sem_alloc : memref<!tpu.dma_semaphore, #tpu.memory_space<semaphore_mem>>
      %dma_start3A_203 = arith.constant 0 : i32
      %dma_start3A_204 = tpu.memref_slice %arg13[%add3A_51, %dma_start3A_203] : memref<10240x128xf32, #tpu.memory_space<vmem_shared>> -> memref<128x128xf32, #tpu.memory_space<vmem_shared>>
      %dma_start3A_205 = arith.constant 0 : i32
      %dma_start3A_206 = tpu.memref_slice %arg13[%add3A_51, %dma_start3A_205] : memref<10240x128xf32, #tpu.memory_space<vmem_shared>> -> memref<128x128xf32, #tpu.memory_space<vmem_shared>>
      tpu.enqueue_dma source(%arg12 : memref<128x128xf32, #tpu.memory_space<vmem>>) target(%dma_start3A_206 : memref<128x128xf32, #tpu.memory_space<vmem_shared>>) target_semaphore(%run_scoped3A_202 : memref<!tpu.dma_semaphore, #tpu.memory_space<semaphore_mem>>)
      %dma_wait3A_207 = arith.constant 0 : i32
      %dma_wait3A_208 = tpu.memref_slice %arg13[%add3A_51, %dma_wait3A_207] : memref<10240x128xf32, #tpu.memory_space<vmem_shared>> -> memref<128x128xf32, #tpu.memory_space<vmem_shared>>
      %dma_wait3A_209 = arith.constant 0 : i32
      %dma_wait3A_210 = tpu.memref_slice %arg13[%add3A_51, %dma_wait3A_209] : memref<10240x128xf32, #tpu.memory_space<vmem_shared>> -> memref<128x128xf32, #tpu.memory_space<vmem_shared>>
      tpu.wait_dma2 semaphore(%run_scoped3A_202 : memref<!tpu.dma_semaphore, #tpu.memory_space<semaphore_mem>>) src(%arg12 : memref<128x128xf32, #tpu.memory_space<vmem>>) dst(%dma_wait3A_210 : memref<128x128xf32, #tpu.memory_space<vmem_shared>>)
      tpu.yield
    }) : () -> ()
    %add3A_52 = arith.constant 384 : i32
    %add3A_53 = arith.addi %mul3A_4, %add3A_52 : i32
    "tpu.region"() ({
      %run_scoped3A_202 = tpu.sem_alloc : memref<!tpu.dma_semaphore, #tpu.memory_space<semaphore_mem>>
      %dma_start3A_203 = arith.constant 0 : i32
      %dma_start3A_204 = tpu.memref_slice %arg13[%add3A_53, %dma_start3A_203] : memref<10240x128xf32, #tpu.memory_space<vmem_shared>> -> memref<128x128xf32, #tpu.memory_space<vmem_shared>>
      %dma_start3A_205 = arith.constant 0 : i32
      %dma_start3A_206 = tpu.memref_slice %arg13[%add3A_53, %dma_start3A_205] : memref<10240x128xf32, #tpu.memory_space<vmem_shared>> -> memref<128x128xf32, #tpu.memory_space<vmem_shared>>
      tpu.enqueue_dma source(%arg12 : memref<128x128xf32, #tpu.memory_space<vmem>>) target(%dma_start3A_206 : memref<128x128xf32, #tpu.memory_space<vmem_shared>>) target_semaphore(%run_scoped3A_202 : memref<!tpu.dma_semaphore, #tpu.memory_space<semaphore_mem>>)
      %dma_wait3A_207 = arith.constant 0 : i32
      %dma_wait3A_208 = tpu.memref_slice %arg13[%add3A_53, %dma_wait3A_207] : memref<10240x128xf32, #tpu.memory_space<vmem_shared>> -> memref<128x128xf32, #tpu.memory_space<vmem_shared>>
      %dma_wait3A_209 = arith.constant 0 : i32
      %dma_wait3A_210 = tpu.memref_slice %arg13[%add3A_53, %dma_wait3A_209] : memref<10240x128xf32, #tpu.memory_space<vmem_shared>> -> memref<128x128xf32, #tpu.memory_space<vmem_shared>>
      tpu.wait_dma2 semaphore(%run_scoped3A_202 : memref<!tpu.dma_semaphore, #tpu.memory_space<semaphore_mem>>) src(%arg12 : memref<128x128xf32, #tpu.memory_space<vmem>>) dst(%dma_wait3A_210 : memref<128x128xf32, #tpu.memory_space<vmem_shared>>)
      tpu.yield
    }) : () -> ()
    %add3A_54 = arith.constant 512 : i32
    %add3A_55 = arith.addi %mul3A_4, %add3A_54 : i32
    "tpu.region"() ({
      %run_scoped3A_202 = tpu.sem_alloc : memref<!tpu.dma_semaphore, #tpu.memory_space<semaphore_mem>>
      %dma_start3A_203 = arith.constant 0 : i32
      %dma_start3A_204 = tpu.memref_slice %arg13[%add3A_55, %dma_start3A_203] : memref<10240x128xf32, #tpu.memory_space<vmem_shared>> -> memref<128x128xf32, #tpu.memory_space<vmem_shared>>
      %dma_start3A_205 = arith.constant 0 : i32
      %dma_start3A_206 = tpu.memref_slice %arg13[%add3A_55, %dma_start3A_205] : memref<10240x128xf32, #tpu.memory_space<vmem_shared>> -> memref<128x128xf32, #tpu.memory_space<vmem_shared>>
      tpu.enqueue_dma source(%arg12 : memref<128x128xf32, #tpu.memory_space<vmem>>) target(%dma_start3A_206 : memref<128x128xf32, #tpu.memory_space<vmem_shared>>) target_semaphore(%run_scoped3A_202 : memref<!tpu.dma_semaphore, #tpu.memory_space<semaphore_mem>>)
      %dma_wait3A_207 = arith.constant 0 : i32
      %dma_wait3A_208 = tpu.memref_slice %arg13[%add3A_55, %dma_wait3A_207] : memref<10240x128xf32, #tpu.memory_space<vmem_shared>> -> memref<128x128xf32, #tpu.memory_space<vmem_shared>>
      %dma_wait3A_209 = arith.constant 0 : i32
      %dma_wait3A_210 = tpu.memref_slice %arg13[%add3A_55, %dma_wait3A_209] : memref<10240x128xf32, #tpu.memory_space<vmem_shared>> -> memref<128x128xf32, #tpu.memory_space<vmem_shared>>
      tpu.wait_dma2 semaphore(%run_scoped3A_202 : memref<!tpu.dma_semaphore, #tpu.memory_space<semaphore_mem>>) src(%arg12 : memref<128x128xf32, #tpu.memory_space<vmem>>) dst(%dma_wait3A_210 : memref<128x128xf32, #tpu.memory_space<vmem_shared>>)
      tpu.yield
    }) : () -> ()
    %barrier3A_56 = arith.constant 0 : index
    tpu.barrier barrier_id(%barrier3A_56)
    %scan3A_57 = arith.constant 0 : i32
    %scan3A_58 = arith.constant 0 : i32
    %scan3A_59 = arith.constant 39 : i32
    %scan3A_60 = arith.addi %scan3A_58, %scan3A_59 : i32
    %scan3A_61 = arith.constant 1 : i32
    scf.for %scan3A_202 = %scan3A_58 to %scan3A_60 step %scan3A_61  : i32 {
      %add3A_203 = arith.constant 160000 : i32
      %add3A_204 = arith.addi %add3A_203, %add3A : i32
      %mul3A_205 = arith.constant 128 : i32
      %mul3A_206 = arith.muli %scan3A_202, %mul3A_205 : i32
      %add3A_207 = arith.addi %add3A_204, %mul3A_206 : i32
      "tpu.region"() ({
        %run_scoped3A_224 = tpu.sem_alloc : memref<!tpu.dma_semaphore, #tpu.memory_space<semaphore_mem>>
        %dma_start3A_225 = tpu.memref_slice %arg3[%add3A_207] : memref<800000xi32, #tpu.memory_space<hbm>> -> memref<128xi32, #tpu.memory_space<hbm>>
        %dma_start3A_226 = tpu.memref_slice %arg3[%add3A_207] : memref<800000xi32, #tpu.memory_space<hbm>> -> memref<128xi32, #tpu.memory_space<hbm>>
        tpu.enqueue_dma source(%dma_start3A_226 : memref<128xi32, #tpu.memory_space<hbm>>) target(%arg6 : memref<128xi32, #tpu.memory_space<vmem>>) target_semaphore(%run_scoped3A_224 : memref<!tpu.dma_semaphore, #tpu.memory_space<semaphore_mem>>)
        %dma_wait3A_227 = tpu.memref_slice %arg3[%add3A_207] : memref<800000xi32, #tpu.memory_space<hbm>> -> memref<128xi32, #tpu.memory_space<hbm>>
        %dma_wait3A_228 = tpu.memref_slice %arg3[%add3A_207] : memref<800000xi32, #tpu.memory_space<hbm>> -> memref<128xi32, #tpu.memory_space<hbm>>
        tpu.wait_dma2 semaphore(%run_scoped3A_224 : memref<!tpu.dma_semaphore, #tpu.memory_space<semaphore_mem>>) src(%dma_wait3A_228 : memref<128xi32, #tpu.memory_space<hbm>>) dst(%arg6 : memref<128xi32, #tpu.memory_space<vmem>>)
        tpu.yield
      }) : () -> ()
      "tpu.region"() ({
        %run_scoped3A_224 = tpu.sem_alloc : memref<!tpu.dma_semaphore, #tpu.memory_space<semaphore_mem>>
        %dma_start3A_225 = tpu.memref_slice %arg4[%add3A_207] : memref<800000xi32, #tpu.memory_space<hbm>> -> memref<128xi32, #tpu.memory_space<hbm>>
        %dma_start3A_226 = tpu.memref_slice %arg4[%add3A_207] : memref<800000xi32, #tpu.memory_space<hbm>> -> memref<128xi32, #tpu.memory_space<hbm>>
        tpu.enqueue_dma source(%dma_start3A_226 : memref<128xi32, #tpu.memory_space<hbm>>) target(%arg7 : memref<128xi32, #tpu.memory_space<vmem>>) target_semaphore(%run_scoped3A_224 : memref<!tpu.dma_semaphore, #tpu.memory_space<semaphore_mem>>)
        %dma_wait3A_227 = tpu.memref_slice %arg4[%add3A_207] : memref<800000xi32, #tpu.memory_space<hbm>> -> memref<128xi32, #tpu.memory_space<hbm>>
        %dma_wait3A_228 = tpu.memref_slice %arg4[%add3A_207] : memref<800000xi32, #tpu.memory_space<hbm>> -> memref<128xi32, #tpu.memory_space<hbm>>
        tpu.wait_dma2 semaphore(%run_scoped3A_224 : memref<!tpu.dma_semaphore, #tpu.memory_space<semaphore_mem>>) src(%dma_wait3A_228 : memref<128xi32, #tpu.memory_space<hbm>>) dst(%arg7 : memref<128xi32, #tpu.memory_space<vmem>>)
        tpu.yield
      }) : () -> ()
      %dma_start3A_208 = arith.constant 1 : i32
      %dma_start3A_209 = arith.constant 0 : i32
      %dma_start3A_210 = arith.constant 0 : i32
      %dma_start3A_211 = tpu.memref_slice %arg2[%dma_start3A_208, %dma_start3A_209, %dma_start3A_210] : memref<5x10240x128xf32, #tpu.memory_space<hbm>> -> memref<1x10240x128xf32, #tpu.memory_space<hbm>>
      %dma_start3A_212 = tpu.memref_squeeze %dma_start3A_211 : memref<1x10240x128xf32, #tpu.memory_space<hbm>> -> memref<10240x128xf32, #tpu.memory_space<hbm>>
      %dma_start3A_213 = arith.constant 0 : i32
      %dma_start3A_214 = arith.constant 0 : i32
      %dma_start3A_215 = tpu.memref_slice %dma_start3A_212[%dma_start3A_213, %dma_start3A_214] : memref<10240x128xf32, #tpu.memory_space<hbm>> -> memref<10240x128xf32, #tpu.memory_space<hbm>>
      tpu.enqueue_indirect_dma source(%dma_start3A_215 : memref<10240x128xf32, #tpu.memory_space<hbm>>) target(%arg8 : memref<128x128xf32, #tpu.memory_space<vmem>>) offsets(%arg6 : memref<128xi32, #tpu.memory_space<vmem>>) semaphore(%arg14 : memref<!tpu.dma_semaphore, #tpu.memory_space<semaphore_mem>>)
      %dma_wait3A_216 = arith.constant 1 : i32
      %dma_wait3A_217 = arith.constant 0 : i32
      %dma_wait3A_218 = arith.constant 0 : i32
      %dma_wait3A_219 = tpu.memref_slice %arg2[%dma_wait3A_216, %dma_wait3A_217, %dma_wait3A_218] : memref<5x10240x128xf32, #tpu.memory_space<hbm>> -> memref<1x10240x128xf32, #tpu.memory_space<hbm>>
      %dma_wait3A_220 = tpu.memref_squeeze %dma_wait3A_219 : memref<1x10240x128xf32, #tpu.memory_space<hbm>> -> memref<10240x128xf32, #tpu.memory_space<hbm>>
      %dma_wait3A_221 = arith.constant 0 : i32
      %dma_wait3A_222 = arith.constant 0 : i32
      %dma_wait3A_223 = tpu.memref_slice %dma_wait3A_220[%dma_wait3A_221, %dma_wait3A_222] : memref<10240x128xf32, #tpu.memory_space<hbm>> -> memref<10240x128xf32, #tpu.memory_space<hbm>>
      tpu.wait_indirect_dma semaphore(%arg14 : memref<!tpu.dma_semaphore, #tpu.memory_space<semaphore_mem>>) src(%dma_wait3A_223 : memref<10240x128xf32, #tpu.memory_space<hbm>>) dst(%arg8 : memref<128x128xf32, #tpu.memory_space<vmem>>)
      "tpu.region"() ({
        %run_scoped3A_224 = tpu.sem_alloc : memref<!tpu.dma_semaphore, #tpu.memory_space<semaphore_mem>>
        %dma_start3A_225 = arith.constant 0 : i32
        %dma_start3A_226 = arith.constant 0 : i32
        %dma_start3A_227 = tpu.memref_slice %arg13[%dma_start3A_225, %dma_start3A_226] : memref<10240x128xf32, #tpu.memory_space<vmem_shared>> -> memref<10240x128xf32, #tpu.memory_space<vmem_shared>>
        tpu.enqueue_indirect_dma source(%arg8 : memref<128x128xf32, #tpu.memory_space<vmem>>) target(%dma_start3A_227 : memref<10240x128xf32, #tpu.memory_space<vmem_shared>>) offsets(%arg7 : memref<128xi32, #tpu.memory_space<vmem>>) semaphore(%run_scoped3A_224 : memref<!tpu.dma_semaphore, #tpu.memory_space<semaphore_mem>>) {add = true}
        %dma_wait3A_228 = arith.constant 0 : i32
        %dma_wait3A_229 = arith.constant 0 : i32
        %dma_wait3A_230 = tpu.memref_slice %arg13[%dma_wait3A_228, %dma_wait3A_229] : memref<10240x128xf32, #tpu.memory_space<vmem_shared>> -> memref<10240x128xf32, #tpu.memory_space<vmem_shared>>
        tpu.wait_indirect_dma semaphore(%run_scoped3A_224 : memref<!tpu.dma_semaphore, #tpu.memory_space<semaphore_mem>>) src(%arg8 : memref<128x128xf32, #tpu.memory_space<vmem>>) dst(%dma_wait3A_230 : memref<10240x128xf32, #tpu.memory_space<vmem_shared>>)
        tpu.yield
      }) : () -> ()
    }
    %scan3A_62 = arith.constant 39 : i32
    %add3A_63 = arith.constant 160000 : i32
    %add3A_64 = arith.addi %add3A_63, %add3A : i32
    %add3A_65 = arith.constant 4992 : i32
    %add3A_66 = arith.addi %add3A_64, %add3A_65 : i32
    "tpu.region"() ({
      %run_scoped3A_202 = tpu.sem_alloc : memref<!tpu.dma_semaphore, #tpu.memory_space<semaphore_mem>>
      %dma_start3A_203 = tpu.memref_slice %arg3[%add3A_66] : memref<800000xi32, #tpu.memory_space<hbm>> -> memref<8xi32, #tpu.memory_space<hbm>>
      %dma_start3A_204 = tpu.memref_slice %arg3[%add3A_66] : memref<800000xi32, #tpu.memory_space<hbm>> -> memref<8xi32, #tpu.memory_space<hbm>>
      tpu.enqueue_dma source(%dma_start3A_204 : memref<8xi32, #tpu.memory_space<hbm>>) target(%arg9 : memref<8xi32, #tpu.memory_space<vmem>>) target_semaphore(%run_scoped3A_202 : memref<!tpu.dma_semaphore, #tpu.memory_space<semaphore_mem>>)
      %dma_wait3A_205 = tpu.memref_slice %arg3[%add3A_66] : memref<800000xi32, #tpu.memory_space<hbm>> -> memref<8xi32, #tpu.memory_space<hbm>>
      %dma_wait3A_206 = tpu.memref_slice %arg3[%add3A_66] : memref<800000xi32, #tpu.memory_space<hbm>> -> memref<8xi32, #tpu.memory_space<hbm>>
      tpu.wait_dma2 semaphore(%run_scoped3A_202 : memref<!tpu.dma_semaphore, #tpu.memory_space<semaphore_mem>>) src(%dma_wait3A_206 : memref<8xi32, #tpu.memory_space<hbm>>) dst(%arg9 : memref<8xi32, #tpu.memory_space<vmem>>)
      tpu.yield
    }) : () -> ()
    "tpu.region"() ({
      %run_scoped3A_202 = tpu.sem_alloc : memref<!tpu.dma_semaphore, #tpu.memory_space<semaphore_mem>>
      %dma_start3A_203 = tpu.memref_slice %arg4[%add3A_66] : memref<800000xi32, #tpu.memory_space<hbm>> -> memref<8xi32, #tpu.memory_space<hbm>>
      %dma_start3A_204 = tpu.memref_slice %arg4[%add3A_66] : memref<800000xi32, #tpu.memory_space<hbm>> -> memref<8xi32, #tpu.memory_space<hbm>>
      tpu.enqueue_dma source(%dma_start3A_204 : memref<8xi32, #tpu.memory_space<hbm>>) target(%arg10 : memref<8xi32, #tpu.memory_space<vmem>>) target_semaphore(%run_scoped3A_202 : memref<!tpu.dma_semaphore, #tpu.memory_space<semaphore_mem>>)
      %dma_wait3A_205 = tpu.memref_slice %arg4[%add3A_66] : memref<800000xi32, #tpu.memory_space<hbm>> -> memref<8xi32, #tpu.memory_space<hbm>>
      %dma_wait3A_206 = tpu.memref_slice %arg4[%add3A_66] : memref<800000xi32, #tpu.memory_space<hbm>> -> memref<8xi32, #tpu.memory_space<hbm>>
      tpu.wait_dma2 semaphore(%run_scoped3A_202 : memref<!tpu.dma_semaphore, #tpu.memory_space<semaphore_mem>>) src(%dma_wait3A_206 : memref<8xi32, #tpu.memory_space<hbm>>) dst(%arg10 : memref<8xi32, #tpu.memory_space<vmem>>)
      tpu.yield
    }) : () -> ()
    %dma_start3A_67 = arith.constant 1 : i32
    %dma_start3A_68 = arith.constant 0 : i32
    %dma_start3A_69 = arith.constant 0 : i32
    %dma_start3A_70 = tpu.memref_slice %arg2[%dma_start3A_67, %dma_start3A_68, %dma_start3A_69] : memref<5x10240x128xf32, #tpu.memory_space<hbm>> -> memref<1x10240x128xf32, #tpu.memory_space<hbm>>
    %dma_start3A_71 = tpu.memref_squeeze %dma_start3A_70 : memref<1x10240x128xf32, #tpu.memory_space<hbm>> -> memref<10240x128xf32, #tpu.memory_space<hbm>>
    %dma_start3A_72 = arith.constant 0 : i32
    %dma_start3A_73 = arith.constant 0 : i32
    %dma_start3A_74 = tpu.memref_slice %dma_start3A_71[%dma_start3A_72, %dma_start3A_73] : memref<10240x128xf32, #tpu.memory_space<hbm>> -> memref<10240x128xf32, #tpu.memory_space<hbm>>
    tpu.enqueue_indirect_dma source(%dma_start3A_74 : memref<10240x128xf32, #tpu.memory_space<hbm>>) target(%arg11 : memref<8x128xf32, #tpu.memory_space<vmem>>) offsets(%arg9 : memref<8xi32, #tpu.memory_space<vmem>>) semaphore(%arg14 : memref<!tpu.dma_semaphore, #tpu.memory_space<semaphore_mem>>)
    %dma_wait3A_75 = arith.constant 1 : i32
    %dma_wait3A_76 = arith.constant 0 : i32
    %dma_wait3A_77 = arith.constant 0 : i32
    %dma_wait3A_78 = tpu.memref_slice %arg2[%dma_wait3A_75, %dma_wait3A_76, %dma_wait3A_77] : memref<5x10240x128xf32, #tpu.memory_space<hbm>> -> memref<1x10240x128xf32, #tpu.memory_space<hbm>>
    %dma_wait3A_79 = tpu.memref_squeeze %dma_wait3A_78 : memref<1x10240x128xf32, #tpu.memory_space<hbm>> -> memref<10240x128xf32, #tpu.memory_space<hbm>>
    %dma_wait3A_80 = arith.constant 0 : i32
    %dma_wait3A_81 = arith.constant 0 : i32
    %dma_wait3A_82 = tpu.memref_slice %dma_wait3A_79[%dma_wait3A_80, %dma_wait3A_81] : memref<10240x128xf32, #tpu.memory_space<hbm>> -> memref<10240x128xf32, #tpu.memory_space<hbm>>
    tpu.wait_indirect_dma semaphore(%arg14 : memref<!tpu.dma_semaphore, #tpu.memory_space<semaphore_mem>>) src(%dma_wait3A_82 : memref<10240x128xf32, #tpu.memory_space<hbm>>) dst(%arg11 : memref<8x128xf32, #tpu.memory_space<vmem>>)
    "tpu.region"() ({
      %run_scoped3A_202 = tpu.sem_alloc : memref<!tpu.dma_semaphore, #tpu.memory_space<semaphore_mem>>
      %dma_start3A_203 = arith.constant 0 : i32
      %dma_start3A_204 = arith.constant 0 : i32
      %dma_start3A_205 = tpu.memref_slice %arg13[%dma_start3A_203, %dma_start3A_204] : memref<10240x128xf32, #tpu.memory_space<vmem_shared>> -> memref<10240x128xf32, #tpu.memory_space<vmem_shared>>
      tpu.enqueue_indirect_dma source(%arg11 : memref<8x128xf32, #tpu.memory_space<vmem>>) target(%dma_start3A_205 : memref<10240x128xf32, #tpu.memory_space<vmem_shared>>) offsets(%arg10 : memref<8xi32, #tpu.memory_space<vmem>>) semaphore(%run_scoped3A_202 : memref<!tpu.dma_semaphore, #tpu.memory_space<semaphore_mem>>) {add = true}
      %dma_wait3A_206 = arith.constant 0 : i32
      %dma_wait3A_207 = arith.constant 0 : i32
      %dma_wait3A_208 = tpu.memref_slice %arg13[%dma_wait3A_206, %dma_wait3A_207] : memref<10240x128xf32, #tpu.memory_space<vmem_shared>> -> memref<10240x128xf32, #tpu.memory_space<vmem_shared>>
      tpu.wait_indirect_dma semaphore(%run_scoped3A_202 : memref<!tpu.dma_semaphore, #tpu.memory_space<semaphore_mem>>) src(%arg11 : memref<8x128xf32, #tpu.memory_space<vmem>>) dst(%dma_wait3A_208 : memref<10240x128xf32, #tpu.memory_space<vmem_shared>>)
      tpu.yield
    }) : () -> ()
    %barrier3A_83 = arith.constant 0 : index
    tpu.barrier barrier_id(%barrier3A_83)
    %run_scoped3A_84 = arith.constant 1 : i32
    "tpu.region"() ({
      %run_scoped3A_202 = tpu.sem_alloc : memref<!tpu.dma_semaphore, #tpu.memory_space<semaphore_mem>>
      %dma_start3A_203 = arith.constant 0 : i32
      %dma_start3A_204 = tpu.memref_slice %arg5[%arg0, %run_scoped3A_84, %mul3A_4, %dma_start3A_203] : memref<2x5x10240x128xf32, #tpu.memory_space<hbm>> -> memref<1x1x640x128xf32, #tpu.memory_space<hbm>>
      %dma_start3A_205 = tpu.memref_squeeze %dma_start3A_204 : memref<1x1x640x128xf32, #tpu.memory_space<hbm>> -> memref<640x128xf32, #tpu.memory_space<hbm>>
      %dma_start3A_206 = arith.constant 0 : i32
      %dma_start3A_207 = tpu.memref_slice %arg13[%mul3A_4, %dma_start3A_206] : memref<10240x128xf32, #tpu.memory_space<vmem_shared>> -> memref<640x128xf32, #tpu.memory_space<vmem_shared>>
      tpu.enqueue_dma source(%dma_start3A_207 : memref<640x128xf32, #tpu.memory_space<vmem_shared>>) target(%dma_start3A_205 : memref<640x128xf32, #tpu.memory_space<hbm>>) target_semaphore(%run_scoped3A_202 : memref<!tpu.dma_semaphore, #tpu.memory_space<semaphore_mem>>)
      %dma_wait3A_208 = arith.constant 0 : i32
      %dma_wait3A_209 = tpu.memref_slice %arg5[%arg0, %run_scoped3A_84, %mul3A_4, %dma_wait3A_208] : memref<2x5x10240x128xf32, #tpu.memory_space<hbm>> -> memref<1x1x640x128xf32, #tpu.memory_space<hbm>>
      %dma_wait3A_210 = tpu.memref_squeeze %dma_wait3A_209 : memref<1x1x640x128xf32, #tpu.memory_space<hbm>> -> memref<640x128xf32, #tpu.memory_space<hbm>>
      %dma_wait3A_211 = arith.constant 0 : i32
      %dma_wait3A_212 = tpu.memref_slice %arg13[%mul3A_4, %dma_wait3A_211] : memref<10240x128xf32, #tpu.memory_space<vmem_shared>> -> memref<640x128xf32, #tpu.memory_space<vmem_shared>>
      tpu.wait_dma2 semaphore(%run_scoped3A_202 : memref<!tpu.dma_semaphore, #tpu.memory_space<semaphore_mem>>) src(%dma_wait3A_212 : memref<640x128xf32, #tpu.memory_space<vmem_shared>>) dst(%dma_wait3A_210 : memref<640x128xf32, #tpu.memory_space<hbm>>)
      tpu.yield
    }) : () -> ()
    %add3A_85 = arith.constant 0 : i32
    %add3A_86 = arith.addi %mul3A_4, %add3A_85 : i32
    "tpu.region"() ({
      %run_scoped3A_202 = tpu.sem_alloc : memref<!tpu.dma_semaphore, #tpu.memory_space<semaphore_mem>>
      %dma_start3A_203 = arith.constant 0 : i32
      %dma_start3A_204 = tpu.memref_slice %arg13[%add3A_86, %dma_start3A_203] : memref<10240x128xf32, #tpu.memory_space<vmem_shared>> -> memref<128x128xf32, #tpu.memory_space<vmem_shared>>
      %dma_start3A_205 = arith.constant 0 : i32
      %dma_start3A_206 = tpu.memref_slice %arg13[%add3A_86, %dma_start3A_205] : memref<10240x128xf32, #tpu.memory_space<vmem_shared>> -> memref<128x128xf32, #tpu.memory_space<vmem_shared>>
      tpu.enqueue_dma source(%arg12 : memref<128x128xf32, #tpu.memory_space<vmem>>) target(%dma_start3A_206 : memref<128x128xf32, #tpu.memory_space<vmem_shared>>) target_semaphore(%run_scoped3A_202 : memref<!tpu.dma_semaphore, #tpu.memory_space<semaphore_mem>>)
      %dma_wait3A_207 = arith.constant 0 : i32
      %dma_wait3A_208 = tpu.memref_slice %arg13[%add3A_86, %dma_wait3A_207] : memref<10240x128xf32, #tpu.memory_space<vmem_shared>> -> memref<128x128xf32, #tpu.memory_space<vmem_shared>>
      %dma_wait3A_209 = arith.constant 0 : i32
      %dma_wait3A_210 = tpu.memref_slice %arg13[%add3A_86, %dma_wait3A_209] : memref<10240x128xf32, #tpu.memory_space<vmem_shared>> -> memref<128x128xf32, #tpu.memory_space<vmem_shared>>
      tpu.wait_dma2 semaphore(%run_scoped3A_202 : memref<!tpu.dma_semaphore, #tpu.memory_space<semaphore_mem>>) src(%arg12 : memref<128x128xf32, #tpu.memory_space<vmem>>) dst(%dma_wait3A_210 : memref<128x128xf32, #tpu.memory_space<vmem_shared>>)
      tpu.yield
    }) : () -> ()
    %add3A_87 = arith.constant 128 : i32
    %add3A_88 = arith.addi %mul3A_4, %add3A_87 : i32
    "tpu.region"() ({
      %run_scoped3A_202 = tpu.sem_alloc : memref<!tpu.dma_semaphore, #tpu.memory_space<semaphore_mem>>
      %dma_start3A_203 = arith.constant 0 : i32
      %dma_start3A_204 = tpu.memref_slice %arg13[%add3A_88, %dma_start3A_203] : memref<10240x128xf32, #tpu.memory_space<vmem_shared>> -> memref<128x128xf32, #tpu.memory_space<vmem_shared>>
      %dma_start3A_205 = arith.constant 0 : i32
      %dma_start3A_206 = tpu.memref_slice %arg13[%add3A_88, %dma_start3A_205] : memref<10240x128xf32, #tpu.memory_space<vmem_shared>> -> memref<128x128xf32, #tpu.memory_space<vmem_shared>>
      tpu.enqueue_dma source(%arg12 : memref<128x128xf32, #tpu.memory_space<vmem>>) target(%dma_start3A_206 : memref<128x128xf32, #tpu.memory_space<vmem_shared>>) target_semaphore(%run_scoped3A_202 : memref<!tpu.dma_semaphore, #tpu.memory_space<semaphore_mem>>)
      %dma_wait3A_207 = arith.constant 0 : i32
      %dma_wait3A_208 = tpu.memref_slice %arg13[%add3A_88, %dma_wait3A_207] : memref<10240x128xf32, #tpu.memory_space<vmem_shared>> -> memref<128x128xf32, #tpu.memory_space<vmem_shared>>
      %dma_wait3A_209 = arith.constant 0 : i32
      %dma_wait3A_210 = tpu.memref_slice %arg13[%add3A_88, %dma_wait3A_209] : memref<10240x128xf32, #tpu.memory_space<vmem_shared>> -> memref<128x128xf32, #tpu.memory_space<vmem_shared>>
      tpu.wait_dma2 semaphore(%run_scoped3A_202 : memref<!tpu.dma_semaphore, #tpu.memory_space<semaphore_mem>>) src(%arg12 : memref<128x128xf32, #tpu.memory_space<vmem>>) dst(%dma_wait3A_210 : memref<128x128xf32, #tpu.memory_space<vmem_shared>>)
      tpu.yield
    }) : () -> ()
    %add3A_89 = arith.constant 256 : i32
    %add3A_90 = arith.addi %mul3A_4, %add3A_89 : i32
    "tpu.region"() ({
      %run_scoped3A_202 = tpu.sem_alloc : memref<!tpu.dma_semaphore, #tpu.memory_space<semaphore_mem>>
      %dma_start3A_203 = arith.constant 0 : i32
      %dma_start3A_204 = tpu.memref_slice %arg13[%add3A_90, %dma_start3A_203] : memref<10240x128xf32, #tpu.memory_space<vmem_shared>> -> memref<128x128xf32, #tpu.memory_space<vmem_shared>>
      %dma_start3A_205 = arith.constant 0 : i32
      %dma_start3A_206 = tpu.memref_slice %arg13[%add3A_90, %dma_start3A_205] : memref<10240x128xf32, #tpu.memory_space<vmem_shared>> -> memref<128x128xf32, #tpu.memory_space<vmem_shared>>
      tpu.enqueue_dma source(%arg12 : memref<128x128xf32, #tpu.memory_space<vmem>>) target(%dma_start3A_206 : memref<128x128xf32, #tpu.memory_space<vmem_shared>>) target_semaphore(%run_scoped3A_202 : memref<!tpu.dma_semaphore, #tpu.memory_space<semaphore_mem>>)
      %dma_wait3A_207 = arith.constant 0 : i32
      %dma_wait3A_208 = tpu.memref_slice %arg13[%add3A_90, %dma_wait3A_207] : memref<10240x128xf32, #tpu.memory_space<vmem_shared>> -> memref<128x128xf32, #tpu.memory_space<vmem_shared>>
      %dma_wait3A_209 = arith.constant 0 : i32
      %dma_wait3A_210 = tpu.memref_slice %arg13[%add3A_90, %dma_wait3A_209] : memref<10240x128xf32, #tpu.memory_space<vmem_shared>> -> memref<128x128xf32, #tpu.memory_space<vmem_shared>>
      tpu.wait_dma2 semaphore(%run_scoped3A_202 : memref<!tpu.dma_semaphore, #tpu.memory_space<semaphore_mem>>) src(%arg12 : memref<128x128xf32, #tpu.memory_space<vmem>>) dst(%dma_wait3A_210 : memref<128x128xf32, #tpu.memory_space<vmem_shared>>)
      tpu.yield
    }) : () -> ()
    %add3A_91 = arith.constant 384 : i32
    %add3A_92 = arith.addi %mul3A_4, %add3A_91 : i32
    "tpu.region"() ({
      %run_scoped3A_202 = tpu.sem_alloc : memref<!tpu.dma_semaphore, #tpu.memory_space<semaphore_mem>>
      %dma_start3A_203 = arith.constant 0 : i32
      %dma_start3A_204 = tpu.memref_slice %arg13[%add3A_92, %dma_start3A_203] : memref<10240x128xf32, #tpu.memory_space<vmem_shared>> -> memref<128x128xf32, #tpu.memory_space<vmem_shared>>
      %dma_start3A_205 = arith.constant 0 : i32
      %dma_start3A_206 = tpu.memref_slice %arg13[%add3A_92, %dma_start3A_205] : memref<10240x128xf32, #tpu.memory_space<vmem_shared>> -> memref<128x128xf32, #tpu.memory_space<vmem_shared>>
      tpu.enqueue_dma source(%arg12 : memref<128x128xf32, #tpu.memory_space<vmem>>) target(%dma_start3A_206 : memref<128x128xf32, #tpu.memory_space<vmem_shared>>) target_semaphore(%run_scoped3A_202 : memref<!tpu.dma_semaphore, #tpu.memory_space<semaphore_mem>>)
      %dma_wait3A_207 = arith.constant 0 : i32
      %dma_wait3A_208 = tpu.memref_slice %arg13[%add3A_92, %dma_wait3A_207] : memref<10240x128xf32, #tpu.memory_space<vmem_shared>> -> memref<128x128xf32, #tpu.memory_space<vmem_shared>>
      %dma_wait3A_209 = arith.constant 0 : i32
      %dma_wait3A_210 = tpu.memref_slice %arg13[%add3A_92, %dma_wait3A_209] : memref<10240x128xf32, #tpu.memory_space<vmem_shared>> -> memref<128x128xf32, #tpu.memory_space<vmem_shared>>
      tpu.wait_dma2 semaphore(%run_scoped3A_202 : memref<!tpu.dma_semaphore, #tpu.memory_space<semaphore_mem>>) src(%arg12 : memref<128x128xf32, #tpu.memory_space<vmem>>) dst(%dma_wait3A_210 : memref<128x128xf32, #tpu.memory_space<vmem_shared>>)
      tpu.yield
    }) : () -> ()
    %add3A_93 = arith.constant 512 : i32
    %add3A_94 = arith.addi %mul3A_4, %add3A_93 : i32
    "tpu.region"() ({
      %run_scoped3A_202 = tpu.sem_alloc : memref<!tpu.dma_semaphore, #tpu.memory_space<semaphore_mem>>
      %dma_start3A_203 = arith.constant 0 : i32
      %dma_start3A_204 = tpu.memref_slice %arg13[%add3A_94, %dma_start3A_203] : memref<10240x128xf32, #tpu.memory_space<vmem_shared>> -> memref<128x128xf32, #tpu.memory_space<vmem_shared>>
      %dma_start3A_205 = arith.constant 0 : i32
      %dma_start3A_206 = tpu.memref_slice %arg13[%add3A_94, %dma_start3A_205] : memref<10240x128xf32, #tpu.memory_space<vmem_shared>> -> memref<128x128xf32, #tpu.memory_space<vmem_shared>>
      tpu.enqueue_dma source(%arg12 : memref<128x128xf32, #tpu.memory_space<vmem>>) target(%dma_start3A_206 : memref<128x128xf32, #tpu.memory_space<vmem_shared>>) target_semaphore(%run_scoped3A_202 : memref<!tpu.dma_semaphore, #tpu.memory_space<semaphore_mem>>)
      %dma_wait3A_207 = arith.constant 0 : i32
      %dma_wait3A_208 = tpu.memref_slice %arg13[%add3A_94, %dma_wait3A_207] : memref<10240x128xf32, #tpu.memory_space<vmem_shared>> -> memref<128x128xf32, #tpu.memory_space<vmem_shared>>
      %dma_wait3A_209 = arith.constant 0 : i32
      %dma_wait3A_210 = tpu.memref_slice %arg13[%add3A_94, %dma_wait3A_209] : memref<10240x128xf32, #tpu.memory_space<vmem_shared>> -> memref<128x128xf32, #tpu.memory_space<vmem_shared>>
      tpu.wait_dma2 semaphore(%run_scoped3A_202 : memref<!tpu.dma_semaphore, #tpu.memory_space<semaphore_mem>>) src(%arg12 : memref<128x128xf32, #tpu.memory_space<vmem>>) dst(%dma_wait3A_210 : memref<128x128xf32, #tpu.memory_space<vmem_shared>>)
      tpu.yield
    }) : () -> ()
    %barrier3A_95 = arith.constant 0 : index
    tpu.barrier barrier_id(%barrier3A_95)
    %scan3A_96 = arith.constant 0 : i32
    %scan3A_97 = arith.constant 0 : i32
    %scan3A_98 = arith.constant 39 : i32
    %scan3A_99 = arith.addi %scan3A_97, %scan3A_98 : i32
    %scan3A_100 = arith.constant 1 : i32
    scf.for %scan3A_202 = %scan3A_97 to %scan3A_99 step %scan3A_100  : i32 {
      %add3A_203 = arith.constant 320000 : i32
      %add3A_204 = arith.addi %add3A_203, %add3A : i32
      %mul3A_205 = arith.constant 128 : i32
      %mul3A_206 = arith.muli %scan3A_202, %mul3A_205 : i32
      %add3A_207 = arith.addi %add3A_204, %mul3A_206 : i32
      "tpu.region"() ({
        %run_scoped3A_224 = tpu.sem_alloc : memref<!tpu.dma_semaphore, #tpu.memory_space<semaphore_mem>>
        %dma_start3A_225 = tpu.memref_slice %arg3[%add3A_207] : memref<800000xi32, #tpu.memory_space<hbm>> -> memref<128xi32, #tpu.memory_space<hbm>>
        %dma_start3A_226 = tpu.memref_slice %arg3[%add3A_207] : memref<800000xi32, #tpu.memory_space<hbm>> -> memref<128xi32, #tpu.memory_space<hbm>>
        tpu.enqueue_dma source(%dma_start3A_226 : memref<128xi32, #tpu.memory_space<hbm>>) target(%arg6 : memref<128xi32, #tpu.memory_space<vmem>>) target_semaphore(%run_scoped3A_224 : memref<!tpu.dma_semaphore, #tpu.memory_space<semaphore_mem>>)
        %dma_wait3A_227 = tpu.memref_slice %arg3[%add3A_207] : memref<800000xi32, #tpu.memory_space<hbm>> -> memref<128xi32, #tpu.memory_space<hbm>>
        %dma_wait3A_228 = tpu.memref_slice %arg3[%add3A_207] : memref<800000xi32, #tpu.memory_space<hbm>> -> memref<128xi32, #tpu.memory_space<hbm>>
        tpu.wait_dma2 semaphore(%run_scoped3A_224 : memref<!tpu.dma_semaphore, #tpu.memory_space<semaphore_mem>>) src(%dma_wait3A_228 : memref<128xi32, #tpu.memory_space<hbm>>) dst(%arg6 : memref<128xi32, #tpu.memory_space<vmem>>)
        tpu.yield
      }) : () -> ()
      "tpu.region"() ({
        %run_scoped3A_224 = tpu.sem_alloc : memref<!tpu.dma_semaphore, #tpu.memory_space<semaphore_mem>>
        %dma_start3A_225 = tpu.memref_slice %arg4[%add3A_207] : memref<800000xi32, #tpu.memory_space<hbm>> -> memref<128xi32, #tpu.memory_space<hbm>>
        %dma_start3A_226 = tpu.memref_slice %arg4[%add3A_207] : memref<800000xi32, #tpu.memory_space<hbm>> -> memref<128xi32, #tpu.memory_space<hbm>>
        tpu.enqueue_dma source(%dma_start3A_226 : memref<128xi32, #tpu.memory_space<hbm>>) target(%arg7 : memref<128xi32, #tpu.memory_space<vmem>>) target_semaphore(%run_scoped3A_224 : memref<!tpu.dma_semaphore, #tpu.memory_space<semaphore_mem>>)
        %dma_wait3A_227 = tpu.memref_slice %arg4[%add3A_207] : memref<800000xi32, #tpu.memory_space<hbm>> -> memref<128xi32, #tpu.memory_space<hbm>>
        %dma_wait3A_228 = tpu.memref_slice %arg4[%add3A_207] : memref<800000xi32, #tpu.memory_space<hbm>> -> memref<128xi32, #tpu.memory_space<hbm>>
        tpu.wait_dma2 semaphore(%run_scoped3A_224 : memref<!tpu.dma_semaphore, #tpu.memory_space<semaphore_mem>>) src(%dma_wait3A_228 : memref<128xi32, #tpu.memory_space<hbm>>) dst(%arg7 : memref<128xi32, #tpu.memory_space<vmem>>)
        tpu.yield
      }) : () -> ()
      %dma_start3A_208 = arith.constant 2 : i32
      %dma_start3A_209 = arith.constant 0 : i32
      %dma_start3A_210 = arith.constant 0 : i32
      %dma_start3A_211 = tpu.memref_slice %arg2[%dma_start3A_208, %dma_start3A_209, %dma_start3A_210] : memref<5x10240x128xf32, #tpu.memory_space<hbm>> -> memref<1x10240x128xf32, #tpu.memory_space<hbm>>
      %dma_start3A_212 = tpu.memref_squeeze %dma_start3A_211 : memref<1x10240x128xf32, #tpu.memory_space<hbm>> -> memref<10240x128xf32, #tpu.memory_space<hbm>>
      %dma_start3A_213 = arith.constant 0 : i32
      %dma_start3A_214 = arith.constant 0 : i32
      %dma_start3A_215 = tpu.memref_slice %dma_start3A_212[%dma_start3A_213, %dma_start3A_214] : memref<10240x128xf32, #tpu.memory_space<hbm>> -> memref<10240x128xf32, #tpu.memory_space<hbm>>
      tpu.enqueue_indirect_dma source(%dma_start3A_215 : memref<10240x128xf32, #tpu.memory_space<hbm>>) target(%arg8 : memref<128x128xf32, #tpu.memory_space<vmem>>) offsets(%arg6 : memref<128xi32, #tpu.memory_space<vmem>>) semaphore(%arg14 : memref<!tpu.dma_semaphore, #tpu.memory_space<semaphore_mem>>)
      %dma_wait3A_216 = arith.constant 2 : i32
      %dma_wait3A_217 = arith.constant 0 : i32
      %dma_wait3A_218 = arith.constant 0 : i32
      %dma_wait3A_219 = tpu.memref_slice %arg2[%dma_wait3A_216, %dma_wait3A_217, %dma_wait3A_218] : memref<5x10240x128xf32, #tpu.memory_space<hbm>> -> memref<1x10240x128xf32, #tpu.memory_space<hbm>>
      %dma_wait3A_220 = tpu.memref_squeeze %dma_wait3A_219 : memref<1x10240x128xf32, #tpu.memory_space<hbm>> -> memref<10240x128xf32, #tpu.memory_space<hbm>>
      %dma_wait3A_221 = arith.constant 0 : i32
      %dma_wait3A_222 = arith.constant 0 : i32
      %dma_wait3A_223 = tpu.memref_slice %dma_wait3A_220[%dma_wait3A_221, %dma_wait3A_222] : memref<10240x128xf32, #tpu.memory_space<hbm>> -> memref<10240x128xf32, #tpu.memory_space<hbm>>
      tpu.wait_indirect_dma semaphore(%arg14 : memref<!tpu.dma_semaphore, #tpu.memory_space<semaphore_mem>>) src(%dma_wait3A_223 : memref<10240x128xf32, #tpu.memory_space<hbm>>) dst(%arg8 : memref<128x128xf32, #tpu.memory_space<vmem>>)
      "tpu.region"() ({
        %run_scoped3A_224 = tpu.sem_alloc : memref<!tpu.dma_semaphore, #tpu.memory_space<semaphore_mem>>
        %dma_start3A_225 = arith.constant 0 : i32
        %dma_start3A_226 = arith.constant 0 : i32
        %dma_start3A_227 = tpu.memref_slice %arg13[%dma_start3A_225, %dma_start3A_226] : memref<10240x128xf32, #tpu.memory_space<vmem_shared>> -> memref<10240x128xf32, #tpu.memory_space<vmem_shared>>
        tpu.enqueue_indirect_dma source(%arg8 : memref<128x128xf32, #tpu.memory_space<vmem>>) target(%dma_start3A_227 : memref<10240x128xf32, #tpu.memory_space<vmem_shared>>) offsets(%arg7 : memref<128xi32, #tpu.memory_space<vmem>>) semaphore(%run_scoped3A_224 : memref<!tpu.dma_semaphore, #tpu.memory_space<semaphore_mem>>) {add = true}
        %dma_wait3A_228 = arith.constant 0 : i32
        %dma_wait3A_229 = arith.constant 0 : i32
        %dma_wait3A_230 = tpu.memref_slice %arg13[%dma_wait3A_228, %dma_wait3A_229] : memref<10240x128xf32, #tpu.memory_space<vmem_shared>> -> memref<10240x128xf32, #tpu.memory_space<vmem_shared>>
        tpu.wait_indirect_dma semaphore(%run_scoped3A_224 : memref<!tpu.dma_semaphore, #tpu.memory_space<semaphore_mem>>) src(%arg8 : memref<128x128xf32, #tpu.memory_space<vmem>>) dst(%dma_wait3A_230 : memref<10240x128xf32, #tpu.memory_space<vmem_shared>>)
        tpu.yield
      }) : () -> ()
    }
    %scan3A_101 = arith.constant 39 : i32
    %add3A_102 = arith.constant 320000 : i32
    %add3A_103 = arith.addi %add3A_102, %add3A : i32
    %add3A_104 = arith.constant 4992 : i32
    %add3A_105 = arith.addi %add3A_103, %add3A_104 : i32
    "tpu.region"() ({
      %run_scoped3A_202 = tpu.sem_alloc : memref<!tpu.dma_semaphore, #tpu.memory_space<semaphore_mem>>
      %dma_start3A_203 = tpu.memref_slice %arg3[%add3A_105] : memref<800000xi32, #tpu.memory_space<hbm>> -> memref<8xi32, #tpu.memory_space<hbm>>
      %dma_start3A_204 = tpu.memref_slice %arg3[%add3A_105] : memref<800000xi32, #tpu.memory_space<hbm>> -> memref<8xi32, #tpu.memory_space<hbm>>
      tpu.enqueue_dma source(%dma_start3A_204 : memref<8xi32, #tpu.memory_space<hbm>>) target(%arg9 : memref<8xi32, #tpu.memory_space<vmem>>) target_semaphore(%run_scoped3A_202 : memref<!tpu.dma_semaphore, #tpu.memory_space<semaphore_mem>>)
      %dma_wait3A_205 = tpu.memref_slice %arg3[%add3A_105] : memref<800000xi32, #tpu.memory_space<hbm>> -> memref<8xi32, #tpu.memory_space<hbm>>
      %dma_wait3A_206 = tpu.memref_slice %arg3[%add3A_105] : memref<800000xi32, #tpu.memory_space<hbm>> -> memref<8xi32, #tpu.memory_space<hbm>>
      tpu.wait_dma2 semaphore(%run_scoped3A_202 : memref<!tpu.dma_semaphore, #tpu.memory_space<semaphore_mem>>) src(%dma_wait3A_206 : memref<8xi32, #tpu.memory_space<hbm>>) dst(%arg9 : memref<8xi32, #tpu.memory_space<vmem>>)
      tpu.yield
    }) : () -> ()
    "tpu.region"() ({
      %run_scoped3A_202 = tpu.sem_alloc : memref<!tpu.dma_semaphore, #tpu.memory_space<semaphore_mem>>
      %dma_start3A_203 = tpu.memref_slice %arg4[%add3A_105] : memref<800000xi32, #tpu.memory_space<hbm>> -> memref<8xi32, #tpu.memory_space<hbm>>
      %dma_start3A_204 = tpu.memref_slice %arg4[%add3A_105] : memref<800000xi32, #tpu.memory_space<hbm>> -> memref<8xi32, #tpu.memory_space<hbm>>
      tpu.enqueue_dma source(%dma_start3A_204 : memref<8xi32, #tpu.memory_space<hbm>>) target(%arg10 : memref<8xi32, #tpu.memory_space<vmem>>) target_semaphore(%run_scoped3A_202 : memref<!tpu.dma_semaphore, #tpu.memory_space<semaphore_mem>>)
      %dma_wait3A_205 = tpu.memref_slice %arg4[%add3A_105] : memref<800000xi32, #tpu.memory_space<hbm>> -> memref<8xi32, #tpu.memory_space<hbm>>
      %dma_wait3A_206 = tpu.memref_slice %arg4[%add3A_105] : memref<800000xi32, #tpu.memory_space<hbm>> -> memref<8xi32, #tpu.memory_space<hbm>>
      tpu.wait_dma2 semaphore(%run_scoped3A_202 : memref<!tpu.dma_semaphore, #tpu.memory_space<semaphore_mem>>) src(%dma_wait3A_206 : memref<8xi32, #tpu.memory_space<hbm>>) dst(%arg10 : memref<8xi32, #tpu.memory_space<vmem>>)
      tpu.yield
    }) : () -> ()
    %dma_start3A_106 = arith.constant 2 : i32
    %dma_start3A_107 = arith.constant 0 : i32
    %dma_start3A_108 = arith.constant 0 : i32
    %dma_start3A_109 = tpu.memref_slice %arg2[%dma_start3A_106, %dma_start3A_107, %dma_start3A_108] : memref<5x10240x128xf32, #tpu.memory_space<hbm>> -> memref<1x10240x128xf32, #tpu.memory_space<hbm>>
    %dma_start3A_110 = tpu.memref_squeeze %dma_start3A_109 : memref<1x10240x128xf32, #tpu.memory_space<hbm>> -> memref<10240x128xf32, #tpu.memory_space<hbm>>
    %dma_start3A_111 = arith.constant 0 : i32
    %dma_start3A_112 = arith.constant 0 : i32
    %dma_start3A_113 = tpu.memref_slice %dma_start3A_110[%dma_start3A_111, %dma_start3A_112] : memref<10240x128xf32, #tpu.memory_space<hbm>> -> memref<10240x128xf32, #tpu.memory_space<hbm>>
    tpu.enqueue_indirect_dma source(%dma_start3A_113 : memref<10240x128xf32, #tpu.memory_space<hbm>>) target(%arg11 : memref<8x128xf32, #tpu.memory_space<vmem>>) offsets(%arg9 : memref<8xi32, #tpu.memory_space<vmem>>) semaphore(%arg14 : memref<!tpu.dma_semaphore, #tpu.memory_space<semaphore_mem>>)
    %dma_wait3A_114 = arith.constant 2 : i32
    %dma_wait3A_115 = arith.constant 0 : i32
    %dma_wait3A_116 = arith.constant 0 : i32
    %dma_wait3A_117 = tpu.memref_slice %arg2[%dma_wait3A_114, %dma_wait3A_115, %dma_wait3A_116] : memref<5x10240x128xf32, #tpu.memory_space<hbm>> -> memref<1x10240x128xf32, #tpu.memory_space<hbm>>
    %dma_wait3A_118 = tpu.memref_squeeze %dma_wait3A_117 : memref<1x10240x128xf32, #tpu.memory_space<hbm>> -> memref<10240x128xf32, #tpu.memory_space<hbm>>
    %dma_wait3A_119 = arith.constant 0 : i32
    %dma_wait3A_120 = arith.constant 0 : i32
    %dma_wait3A_121 = tpu.memref_slice %dma_wait3A_118[%dma_wait3A_119, %dma_wait3A_120] : memref<10240x128xf32, #tpu.memory_space<hbm>> -> memref<10240x128xf32, #tpu.memory_space<hbm>>
    tpu.wait_indirect_dma semaphore(%arg14 : memref<!tpu.dma_semaphore, #tpu.memory_space<semaphore_mem>>) src(%dma_wait3A_121 : memref<10240x128xf32, #tpu.memory_space<hbm>>) dst(%arg11 : memref<8x128xf32, #tpu.memory_space<vmem>>)
    "tpu.region"() ({
      %run_scoped3A_202 = tpu.sem_alloc : memref<!tpu.dma_semaphore, #tpu.memory_space<semaphore_mem>>
      %dma_start3A_203 = arith.constant 0 : i32
      %dma_start3A_204 = arith.constant 0 : i32
      %dma_start3A_205 = tpu.memref_slice %arg13[%dma_start3A_203, %dma_start3A_204] : memref<10240x128xf32, #tpu.memory_space<vmem_shared>> -> memref<10240x128xf32, #tpu.memory_space<vmem_shared>>
      tpu.enqueue_indirect_dma source(%arg11 : memref<8x128xf32, #tpu.memory_space<vmem>>) target(%dma_start3A_205 : memref<10240x128xf32, #tpu.memory_space<vmem_shared>>) offsets(%arg10 : memref<8xi32, #tpu.memory_space<vmem>>) semaphore(%run_scoped3A_202 : memref<!tpu.dma_semaphore, #tpu.memory_space<semaphore_mem>>) {add = true}
      %dma_wait3A_206 = arith.constant 0 : i32
      %dma_wait3A_207 = arith.constant 0 : i32
      %dma_wait3A_208 = tpu.memref_slice %arg13[%dma_wait3A_206, %dma_wait3A_207] : memref<10240x128xf32, #tpu.memory_space<vmem_shared>> -> memref<10240x128xf32, #tpu.memory_space<vmem_shared>>
      tpu.wait_indirect_dma semaphore(%run_scoped3A_202 : memref<!tpu.dma_semaphore, #tpu.memory_space<semaphore_mem>>) src(%arg11 : memref<8x128xf32, #tpu.memory_space<vmem>>) dst(%dma_wait3A_208 : memref<10240x128xf32, #tpu.memory_space<vmem_shared>>)
      tpu.yield
    }) : () -> ()
    %barrier3A_122 = arith.constant 0 : index
    tpu.barrier barrier_id(%barrier3A_122)
    %run_scoped3A_123 = arith.constant 2 : i32
    "tpu.region"() ({
      %run_scoped3A_202 = tpu.sem_alloc : memref<!tpu.dma_semaphore, #tpu.memory_space<semaphore_mem>>
      %dma_start3A_203 = arith.constant 0 : i32
      %dma_start3A_204 = tpu.memref_slice %arg5[%arg0, %run_scoped3A_123, %mul3A_4, %dma_start3A_203] : memref<2x5x10240x128xf32, #tpu.memory_space<hbm>> -> memref<1x1x640x128xf32, #tpu.memory_space<hbm>>
      %dma_start3A_205 = tpu.memref_squeeze %dma_start3A_204 : memref<1x1x640x128xf32, #tpu.memory_space<hbm>> -> memref<640x128xf32, #tpu.memory_space<hbm>>
      %dma_start3A_206 = arith.constant 0 : i32
      %dma_start3A_207 = tpu.memref_slice %arg13[%mul3A_4, %dma_start3A_206] : memref<10240x128xf32, #tpu.memory_space<vmem_shared>> -> memref<640x128xf32, #tpu.memory_space<vmem_shared>>
      tpu.enqueue_dma source(%dma_start3A_207 : memref<640x128xf32, #tpu.memory_space<vmem_shared>>) target(%dma_start3A_205 : memref<640x128xf32, #tpu.memory_space<hbm>>) target_semaphore(%run_scoped3A_202 : memref<!tpu.dma_semaphore, #tpu.memory_space<semaphore_mem>>)
      %dma_wait3A_208 = arith.constant 0 : i32
      %dma_wait3A_209 = tpu.memref_slice %arg5[%arg0, %run_scoped3A_123, %mul3A_4, %dma_wait3A_208] : memref<2x5x10240x128xf32, #tpu.memory_space<hbm>> -> memref<1x1x640x128xf32, #tpu.memory_space<hbm>>
      %dma_wait3A_210 = tpu.memref_squeeze %dma_wait3A_209 : memref<1x1x640x128xf32, #tpu.memory_space<hbm>> -> memref<640x128xf32, #tpu.memory_space<hbm>>
      %dma_wait3A_211 = arith.constant 0 : i32
      %dma_wait3A_212 = tpu.memref_slice %arg13[%mul3A_4, %dma_wait3A_211] : memref<10240x128xf32, #tpu.memory_space<vmem_shared>> -> memref<640x128xf32, #tpu.memory_space<vmem_shared>>
      tpu.wait_dma2 semaphore(%run_scoped3A_202 : memref<!tpu.dma_semaphore, #tpu.memory_space<semaphore_mem>>) src(%dma_wait3A_212 : memref<640x128xf32, #tpu.memory_space<vmem_shared>>) dst(%dma_wait3A_210 : memref<640x128xf32, #tpu.memory_space<hbm>>)
      tpu.yield
    }) : () -> ()
    %add3A_124 = arith.constant 0 : i32
    %add3A_125 = arith.addi %mul3A_4, %add3A_124 : i32
    "tpu.region"() ({
      %run_scoped3A_202 = tpu.sem_alloc : memref<!tpu.dma_semaphore, #tpu.memory_space<semaphore_mem>>
      %dma_start3A_203 = arith.constant 0 : i32
      %dma_start3A_204 = tpu.memref_slice %arg13[%add3A_125, %dma_start3A_203] : memref<10240x128xf32, #tpu.memory_space<vmem_shared>> -> memref<128x128xf32, #tpu.memory_space<vmem_shared>>
      %dma_start3A_205 = arith.constant 0 : i32
      %dma_start3A_206 = tpu.memref_slice %arg13[%add3A_125, %dma_start3A_205] : memref<10240x128xf32, #tpu.memory_space<vmem_shared>> -> memref<128x128xf32, #tpu.memory_space<vmem_shared>>
      tpu.enqueue_dma source(%arg12 : memref<128x128xf32, #tpu.memory_space<vmem>>) target(%dma_start3A_206 : memref<128x128xf32, #tpu.memory_space<vmem_shared>>) target_semaphore(%run_scoped3A_202 : memref<!tpu.dma_semaphore, #tpu.memory_space<semaphore_mem>>)
      %dma_wait3A_207 = arith.constant 0 : i32
      %dma_wait3A_208 = tpu.memref_slice %arg13[%add3A_125, %dma_wait3A_207] : memref<10240x128xf32, #tpu.memory_space<vmem_shared>> -> memref<128x128xf32, #tpu.memory_space<vmem_shared>>
      %dma_wait3A_209 = arith.constant 0 : i32
      %dma_wait3A_210 = tpu.memref_slice %arg13[%add3A_125, %dma_wait3A_209] : memref<10240x128xf32, #tpu.memory_space<vmem_shared>> -> memref<128x128xf32, #tpu.memory_space<vmem_shared>>
      tpu.wait_dma2 semaphore(%run_scoped3A_202 : memref<!tpu.dma_semaphore, #tpu.memory_space<semaphore_mem>>) src(%arg12 : memref<128x128xf32, #tpu.memory_space<vmem>>) dst(%dma_wait3A_210 : memref<128x128xf32, #tpu.memory_space<vmem_shared>>)
      tpu.yield
    }) : () -> ()
    %add3A_126 = arith.constant 128 : i32
    %add3A_127 = arith.addi %mul3A_4, %add3A_126 : i32
    "tpu.region"() ({
      %run_scoped3A_202 = tpu.sem_alloc : memref<!tpu.dma_semaphore, #tpu.memory_space<semaphore_mem>>
      %dma_start3A_203 = arith.constant 0 : i32
      %dma_start3A_204 = tpu.memref_slice %arg13[%add3A_127, %dma_start3A_203] : memref<10240x128xf32, #tpu.memory_space<vmem_shared>> -> memref<128x128xf32, #tpu.memory_space<vmem_shared>>
      %dma_start3A_205 = arith.constant 0 : i32
      %dma_start3A_206 = tpu.memref_slice %arg13[%add3A_127, %dma_start3A_205] : memref<10240x128xf32, #tpu.memory_space<vmem_shared>> -> memref<128x128xf32, #tpu.memory_space<vmem_shared>>
      tpu.enqueue_dma source(%arg12 : memref<128x128xf32, #tpu.memory_space<vmem>>) target(%dma_start3A_206 : memref<128x128xf32, #tpu.memory_space<vmem_shared>>) target_semaphore(%run_scoped3A_202 : memref<!tpu.dma_semaphore, #tpu.memory_space<semaphore_mem>>)
      %dma_wait3A_207 = arith.constant 0 : i32
      %dma_wait3A_208 = tpu.memref_slice %arg13[%add3A_127, %dma_wait3A_207] : memref<10240x128xf32, #tpu.memory_space<vmem_shared>> -> memref<128x128xf32, #tpu.memory_space<vmem_shared>>
      %dma_wait3A_209 = arith.constant 0 : i32
      %dma_wait3A_210 = tpu.memref_slice %arg13[%add3A_127, %dma_wait3A_209] : memref<10240x128xf32, #tpu.memory_space<vmem_shared>> -> memref<128x128xf32, #tpu.memory_space<vmem_shared>>
      tpu.wait_dma2 semaphore(%run_scoped3A_202 : memref<!tpu.dma_semaphore, #tpu.memory_space<semaphore_mem>>) src(%arg12 : memref<128x128xf32, #tpu.memory_space<vmem>>) dst(%dma_wait3A_210 : memref<128x128xf32, #tpu.memory_space<vmem_shared>>)
      tpu.yield
    }) : () -> ()
    %add3A_128 = arith.constant 256 : i32
    %add3A_129 = arith.addi %mul3A_4, %add3A_128 : i32
    "tpu.region"() ({
      %run_scoped3A_202 = tpu.sem_alloc : memref<!tpu.dma_semaphore, #tpu.memory_space<semaphore_mem>>
      %dma_start3A_203 = arith.constant 0 : i32
      %dma_start3A_204 = tpu.memref_slice %arg13[%add3A_129, %dma_start3A_203] : memref<10240x128xf32, #tpu.memory_space<vmem_shared>> -> memref<128x128xf32, #tpu.memory_space<vmem_shared>>
      %dma_start3A_205 = arith.constant 0 : i32
      %dma_start3A_206 = tpu.memref_slice %arg13[%add3A_129, %dma_start3A_205] : memref<10240x128xf32, #tpu.memory_space<vmem_shared>> -> memref<128x128xf32, #tpu.memory_space<vmem_shared>>
      tpu.enqueue_dma source(%arg12 : memref<128x128xf32, #tpu.memory_space<vmem>>) target(%dma_start3A_206 : memref<128x128xf32, #tpu.memory_space<vmem_shared>>) target_semaphore(%run_scoped3A_202 : memref<!tpu.dma_semaphore, #tpu.memory_space<semaphore_mem>>)
      %dma_wait3A_207 = arith.constant 0 : i32
      %dma_wait3A_208 = tpu.memref_slice %arg13[%add3A_129, %dma_wait3A_207] : memref<10240x128xf32, #tpu.memory_space<vmem_shared>> -> memref<128x128xf32, #tpu.memory_space<vmem_shared>>
      %dma_wait3A_209 = arith.constant 0 : i32
      %dma_wait3A_210 = tpu.memref_slice %arg13[%add3A_129, %dma_wait3A_209] : memref<10240x128xf32, #tpu.memory_space<vmem_shared>> -> memref<128x128xf32, #tpu.memory_space<vmem_shared>>
      tpu.wait_dma2 semaphore(%run_scoped3A_202 : memref<!tpu.dma_semaphore, #tpu.memory_space<semaphore_mem>>) src(%arg12 : memref<128x128xf32, #tpu.memory_space<vmem>>) dst(%dma_wait3A_210 : memref<128x128xf32, #tpu.memory_space<vmem_shared>>)
      tpu.yield
    }) : () -> ()
    %add3A_130 = arith.constant 384 : i32
    %add3A_131 = arith.addi %mul3A_4, %add3A_130 : i32
    "tpu.region"() ({
      %run_scoped3A_202 = tpu.sem_alloc : memref<!tpu.dma_semaphore, #tpu.memory_space<semaphore_mem>>
      %dma_start3A_203 = arith.constant 0 : i32
      %dma_start3A_204 = tpu.memref_slice %arg13[%add3A_131, %dma_start3A_203] : memref<10240x128xf32, #tpu.memory_space<vmem_shared>> -> memref<128x128xf32, #tpu.memory_space<vmem_shared>>
      %dma_start3A_205 = arith.constant 0 : i32
      %dma_start3A_206 = tpu.memref_slice %arg13[%add3A_131, %dma_start3A_205] : memref<10240x128xf32, #tpu.memory_space<vmem_shared>> -> memref<128x128xf32, #tpu.memory_space<vmem_shared>>
      tpu.enqueue_dma source(%arg12 : memref<128x128xf32, #tpu.memory_space<vmem>>) target(%dma_start3A_206 : memref<128x128xf32, #tpu.memory_space<vmem_shared>>) target_semaphore(%run_scoped3A_202 : memref<!tpu.dma_semaphore, #tpu.memory_space<semaphore_mem>>)
      %dma_wait3A_207 = arith.constant 0 : i32
      %dma_wait3A_208 = tpu.memref_slice %arg13[%add3A_131, %dma_wait3A_207] : memref<10240x128xf32, #tpu.memory_space<vmem_shared>> -> memref<128x128xf32, #tpu.memory_space<vmem_shared>>
      %dma_wait3A_209 = arith.constant 0 : i32
      %dma_wait3A_210 = tpu.memref_slice %arg13[%add3A_131, %dma_wait3A_209] : memref<10240x128xf32, #tpu.memory_space<vmem_shared>> -> memref<128x128xf32, #tpu.memory_space<vmem_shared>>
      tpu.wait_dma2 semaphore(%run_scoped3A_202 : memref<!tpu.dma_semaphore, #tpu.memory_space<semaphore_mem>>) src(%arg12 : memref<128x128xf32, #tpu.memory_space<vmem>>) dst(%dma_wait3A_210 : memref<128x128xf32, #tpu.memory_space<vmem_shared>>)
      tpu.yield
    }) : () -> ()
    %add3A_132 = arith.constant 512 : i32
    %add3A_133 = arith.addi %mul3A_4, %add3A_132 : i32
    "tpu.region"() ({
      %run_scoped3A_202 = tpu.sem_alloc : memref<!tpu.dma_semaphore, #tpu.memory_space<semaphore_mem>>
      %dma_start3A_203 = arith.constant 0 : i32
      %dma_start3A_204 = tpu.memref_slice %arg13[%add3A_133, %dma_start3A_203] : memref<10240x128xf32, #tpu.memory_space<vmem_shared>> -> memref<128x128xf32, #tpu.memory_space<vmem_shared>>
      %dma_start3A_205 = arith.constant 0 : i32
      %dma_start3A_206 = tpu.memref_slice %arg13[%add3A_133, %dma_start3A_205] : memref<10240x128xf32, #tpu.memory_space<vmem_shared>> -> memref<128x128xf32, #tpu.memory_space<vmem_shared>>
      tpu.enqueue_dma source(%arg12 : memref<128x128xf32, #tpu.memory_space<vmem>>) target(%dma_start3A_206 : memref<128x128xf32, #tpu.memory_space<vmem_shared>>) target_semaphore(%run_scoped3A_202 : memref<!tpu.dma_semaphore, #tpu.memory_space<semaphore_mem>>)
      %dma_wait3A_207 = arith.constant 0 : i32
      %dma_wait3A_208 = tpu.memref_slice %arg13[%add3A_133, %dma_wait3A_207] : memref<10240x128xf32, #tpu.memory_space<vmem_shared>> -> memref<128x128xf32, #tpu.memory_space<vmem_shared>>
      %dma_wait3A_209 = arith.constant 0 : i32
      %dma_wait3A_210 = tpu.memref_slice %arg13[%add3A_133, %dma_wait3A_209] : memref<10240x128xf32, #tpu.memory_space<vmem_shared>> -> memref<128x128xf32, #tpu.memory_space<vmem_shared>>
      tpu.wait_dma2 semaphore(%run_scoped3A_202 : memref<!tpu.dma_semaphore, #tpu.memory_space<semaphore_mem>>) src(%arg12 : memref<128x128xf32, #tpu.memory_space<vmem>>) dst(%dma_wait3A_210 : memref<128x128xf32, #tpu.memory_space<vmem_shared>>)
      tpu.yield
    }) : () -> ()
    %barrier3A_134 = arith.constant 0 : index
    tpu.barrier barrier_id(%barrier3A_134)
    %scan3A_135 = arith.constant 0 : i32
    %scan3A_136 = arith.constant 0 : i32
    %scan3A_137 = arith.constant 39 : i32
    %scan3A_138 = arith.addi %scan3A_136, %scan3A_137 : i32
    %scan3A_139 = arith.constant 1 : i32
    scf.for %scan3A_202 = %scan3A_136 to %scan3A_138 step %scan3A_139  : i32 {
      %add3A_203 = arith.constant 480000 : i32
      %add3A_204 = arith.addi %add3A_203, %add3A : i32
      %mul3A_205 = arith.constant 128 : i32
      %mul3A_206 = arith.muli %scan3A_202, %mul3A_205 : i32
      %add3A_207 = arith.addi %add3A_204, %mul3A_206 : i32
      "tpu.region"() ({
        %run_scoped3A_224 = tpu.sem_alloc : memref<!tpu.dma_semaphore, #tpu.memory_space<semaphore_mem>>
        %dma_start3A_225 = tpu.memref_slice %arg3[%add3A_207] : memref<800000xi32, #tpu.memory_space<hbm>> -> memref<128xi32, #tpu.memory_space<hbm>>
        %dma_start3A_226 = tpu.memref_slice %arg3[%add3A_207] : memref<800000xi32, #tpu.memory_space<hbm>> -> memref<128xi32, #tpu.memory_space<hbm>>
        tpu.enqueue_dma source(%dma_start3A_226 : memref<128xi32, #tpu.memory_space<hbm>>) target(%arg6 : memref<128xi32, #tpu.memory_space<vmem>>) target_semaphore(%run_scoped3A_224 : memref<!tpu.dma_semaphore, #tpu.memory_space<semaphore_mem>>)
        %dma_wait3A_227 = tpu.memref_slice %arg3[%add3A_207] : memref<800000xi32, #tpu.memory_space<hbm>> -> memref<128xi32, #tpu.memory_space<hbm>>
        %dma_wait3A_228 = tpu.memref_slice %arg3[%add3A_207] : memref<800000xi32, #tpu.memory_space<hbm>> -> memref<128xi32, #tpu.memory_space<hbm>>
        tpu.wait_dma2 semaphore(%run_scoped3A_224 : memref<!tpu.dma_semaphore, #tpu.memory_space<semaphore_mem>>) src(%dma_wait3A_228 : memref<128xi32, #tpu.memory_space<hbm>>) dst(%arg6 : memref<128xi32, #tpu.memory_space<vmem>>)
        tpu.yield
      }) : () -> ()
      "tpu.region"() ({
        %run_scoped3A_224 = tpu.sem_alloc : memref<!tpu.dma_semaphore, #tpu.memory_space<semaphore_mem>>
        %dma_start3A_225 = tpu.memref_slice %arg4[%add3A_207] : memref<800000xi32, #tpu.memory_space<hbm>> -> memref<128xi32, #tpu.memory_space<hbm>>
        %dma_start3A_226 = tpu.memref_slice %arg4[%add3A_207] : memref<800000xi32, #tpu.memory_space<hbm>> -> memref<128xi32, #tpu.memory_space<hbm>>
        tpu.enqueue_dma source(%dma_start3A_226 : memref<128xi32, #tpu.memory_space<hbm>>) target(%arg7 : memref<128xi32, #tpu.memory_space<vmem>>) target_semaphore(%run_scoped3A_224 : memref<!tpu.dma_semaphore, #tpu.memory_space<semaphore_mem>>)
        %dma_wait3A_227 = tpu.memref_slice %arg4[%add3A_207] : memref<800000xi32, #tpu.memory_space<hbm>> -> memref<128xi32, #tpu.memory_space<hbm>>
        %dma_wait3A_228 = tpu.memref_slice %arg4[%add3A_207] : memref<800000xi32, #tpu.memory_space<hbm>> -> memref<128xi32, #tpu.memory_space<hbm>>
        tpu.wait_dma2 semaphore(%run_scoped3A_224 : memref<!tpu.dma_semaphore, #tpu.memory_space<semaphore_mem>>) src(%dma_wait3A_228 : memref<128xi32, #tpu.memory_space<hbm>>) dst(%arg7 : memref<128xi32, #tpu.memory_space<vmem>>)
        tpu.yield
      }) : () -> ()
      %dma_start3A_208 = arith.constant 3 : i32
      %dma_start3A_209 = arith.constant 0 : i32
      %dma_start3A_210 = arith.constant 0 : i32
      %dma_start3A_211 = tpu.memref_slice %arg2[%dma_start3A_208, %dma_start3A_209, %dma_start3A_210] : memref<5x10240x128xf32, #tpu.memory_space<hbm>> -> memref<1x10240x128xf32, #tpu.memory_space<hbm>>
      %dma_start3A_212 = tpu.memref_squeeze %dma_start3A_211 : memref<1x10240x128xf32, #tpu.memory_space<hbm>> -> memref<10240x128xf32, #tpu.memory_space<hbm>>
      %dma_start3A_213 = arith.constant 0 : i32
      %dma_start3A_214 = arith.constant 0 : i32
      %dma_start3A_215 = tpu.memref_slice %dma_start3A_212[%dma_start3A_213, %dma_start3A_214] : memref<10240x128xf32, #tpu.memory_space<hbm>> -> memref<10240x128xf32, #tpu.memory_space<hbm>>
      tpu.enqueue_indirect_dma source(%dma_start3A_215 : memref<10240x128xf32, #tpu.memory_space<hbm>>) target(%arg8 : memref<128x128xf32, #tpu.memory_space<vmem>>) offsets(%arg6 : memref<128xi32, #tpu.memory_space<vmem>>) semaphore(%arg14 : memref<!tpu.dma_semaphore, #tpu.memory_space<semaphore_mem>>)
      %dma_wait3A_216 = arith.constant 3 : i32
      %dma_wait3A_217 = arith.constant 0 : i32
      %dma_wait3A_218 = arith.constant 0 : i32
      %dma_wait3A_219 = tpu.memref_slice %arg2[%dma_wait3A_216, %dma_wait3A_217, %dma_wait3A_218] : memref<5x10240x128xf32, #tpu.memory_space<hbm>> -> memref<1x10240x128xf32, #tpu.memory_space<hbm>>
      %dma_wait3A_220 = tpu.memref_squeeze %dma_wait3A_219 : memref<1x10240x128xf32, #tpu.memory_space<hbm>> -> memref<10240x128xf32, #tpu.memory_space<hbm>>
      %dma_wait3A_221 = arith.constant 0 : i32
      %dma_wait3A_222 = arith.constant 0 : i32
      %dma_wait3A_223 = tpu.memref_slice %dma_wait3A_220[%dma_wait3A_221, %dma_wait3A_222] : memref<10240x128xf32, #tpu.memory_space<hbm>> -> memref<10240x128xf32, #tpu.memory_space<hbm>>
      tpu.wait_indirect_dma semaphore(%arg14 : memref<!tpu.dma_semaphore, #tpu.memory_space<semaphore_mem>>) src(%dma_wait3A_223 : memref<10240x128xf32, #tpu.memory_space<hbm>>) dst(%arg8 : memref<128x128xf32, #tpu.memory_space<vmem>>)
      "tpu.region"() ({
        %run_scoped3A_224 = tpu.sem_alloc : memref<!tpu.dma_semaphore, #tpu.memory_space<semaphore_mem>>
        %dma_start3A_225 = arith.constant 0 : i32
        %dma_start3A_226 = arith.constant 0 : i32
        %dma_start3A_227 = tpu.memref_slice %arg13[%dma_start3A_225, %dma_start3A_226] : memref<10240x128xf32, #tpu.memory_space<vmem_shared>> -> memref<10240x128xf32, #tpu.memory_space<vmem_shared>>
        tpu.enqueue_indirect_dma source(%arg8 : memref<128x128xf32, #tpu.memory_space<vmem>>) target(%dma_start3A_227 : memref<10240x128xf32, #tpu.memory_space<vmem_shared>>) offsets(%arg7 : memref<128xi32, #tpu.memory_space<vmem>>) semaphore(%run_scoped3A_224 : memref<!tpu.dma_semaphore, #tpu.memory_space<semaphore_mem>>) {add = true}
        %dma_wait3A_228 = arith.constant 0 : i32
        %dma_wait3A_229 = arith.constant 0 : i32
        %dma_wait3A_230 = tpu.memref_slice %arg13[%dma_wait3A_228, %dma_wait3A_229] : memref<10240x128xf32, #tpu.memory_space<vmem_shared>> -> memref<10240x128xf32, #tpu.memory_space<vmem_shared>>
        tpu.wait_indirect_dma semaphore(%run_scoped3A_224 : memref<!tpu.dma_semaphore, #tpu.memory_space<semaphore_mem>>) src(%arg8 : memref<128x128xf32, #tpu.memory_space<vmem>>) dst(%dma_wait3A_230 : memref<10240x128xf32, #tpu.memory_space<vmem_shared>>)
        tpu.yield
      }) : () -> ()
    }
    %scan3A_140 = arith.constant 39 : i32
    %add3A_141 = arith.constant 480000 : i32
    %add3A_142 = arith.addi %add3A_141, %add3A : i32
    %add3A_143 = arith.constant 4992 : i32
    %add3A_144 = arith.addi %add3A_142, %add3A_143 : i32
    "tpu.region"() ({
      %run_scoped3A_202 = tpu.sem_alloc : memref<!tpu.dma_semaphore, #tpu.memory_space<semaphore_mem>>
      %dma_start3A_203 = tpu.memref_slice %arg3[%add3A_144] : memref<800000xi32, #tpu.memory_space<hbm>> -> memref<8xi32, #tpu.memory_space<hbm>>
      %dma_start3A_204 = tpu.memref_slice %arg3[%add3A_144] : memref<800000xi32, #tpu.memory_space<hbm>> -> memref<8xi32, #tpu.memory_space<hbm>>
      tpu.enqueue_dma source(%dma_start3A_204 : memref<8xi32, #tpu.memory_space<hbm>>) target(%arg9 : memref<8xi32, #tpu.memory_space<vmem>>) target_semaphore(%run_scoped3A_202 : memref<!tpu.dma_semaphore, #tpu.memory_space<semaphore_mem>>)
      %dma_wait3A_205 = tpu.memref_slice %arg3[%add3A_144] : memref<800000xi32, #tpu.memory_space<hbm>> -> memref<8xi32, #tpu.memory_space<hbm>>
      %dma_wait3A_206 = tpu.memref_slice %arg3[%add3A_144] : memref<800000xi32, #tpu.memory_space<hbm>> -> memref<8xi32, #tpu.memory_space<hbm>>
      tpu.wait_dma2 semaphore(%run_scoped3A_202 : memref<!tpu.dma_semaphore, #tpu.memory_space<semaphore_mem>>) src(%dma_wait3A_206 : memref<8xi32, #tpu.memory_space<hbm>>) dst(%arg9 : memref<8xi32, #tpu.memory_space<vmem>>)
      tpu.yield
    }) : () -> ()
    "tpu.region"() ({
      %run_scoped3A_202 = tpu.sem_alloc : memref<!tpu.dma_semaphore, #tpu.memory_space<semaphore_mem>>
      %dma_start3A_203 = tpu.memref_slice %arg4[%add3A_144] : memref<800000xi32, #tpu.memory_space<hbm>> -> memref<8xi32, #tpu.memory_space<hbm>>
      %dma_start3A_204 = tpu.memref_slice %arg4[%add3A_144] : memref<800000xi32, #tpu.memory_space<hbm>> -> memref<8xi32, #tpu.memory_space<hbm>>
      tpu.enqueue_dma source(%dma_start3A_204 : memref<8xi32, #tpu.memory_space<hbm>>) target(%arg10 : memref<8xi32, #tpu.memory_space<vmem>>) target_semaphore(%run_scoped3A_202 : memref<!tpu.dma_semaphore, #tpu.memory_space<semaphore_mem>>)
      %dma_wait3A_205 = tpu.memref_slice %arg4[%add3A_144] : memref<800000xi32, #tpu.memory_space<hbm>> -> memref<8xi32, #tpu.memory_space<hbm>>
      %dma_wait3A_206 = tpu.memref_slice %arg4[%add3A_144] : memref<800000xi32, #tpu.memory_space<hbm>> -> memref<8xi32, #tpu.memory_space<hbm>>
      tpu.wait_dma2 semaphore(%run_scoped3A_202 : memref<!tpu.dma_semaphore, #tpu.memory_space<semaphore_mem>>) src(%dma_wait3A_206 : memref<8xi32, #tpu.memory_space<hbm>>) dst(%arg10 : memref<8xi32, #tpu.memory_space<vmem>>)
      tpu.yield
    }) : () -> ()
    %dma_start3A_145 = arith.constant 3 : i32
    %dma_start3A_146 = arith.constant 0 : i32
    %dma_start3A_147 = arith.constant 0 : i32
    %dma_start3A_148 = tpu.memref_slice %arg2[%dma_start3A_145, %dma_start3A_146, %dma_start3A_147] : memref<5x10240x128xf32, #tpu.memory_space<hbm>> -> memref<1x10240x128xf32, #tpu.memory_space<hbm>>
    %dma_start3A_149 = tpu.memref_squeeze %dma_start3A_148 : memref<1x10240x128xf32, #tpu.memory_space<hbm>> -> memref<10240x128xf32, #tpu.memory_space<hbm>>
    %dma_start3A_150 = arith.constant 0 : i32
    %dma_start3A_151 = arith.constant 0 : i32
    %dma_start3A_152 = tpu.memref_slice %dma_start3A_149[%dma_start3A_150, %dma_start3A_151] : memref<10240x128xf32, #tpu.memory_space<hbm>> -> memref<10240x128xf32, #tpu.memory_space<hbm>>
    tpu.enqueue_indirect_dma source(%dma_start3A_152 : memref<10240x128xf32, #tpu.memory_space<hbm>>) target(%arg11 : memref<8x128xf32, #tpu.memory_space<vmem>>) offsets(%arg9 : memref<8xi32, #tpu.memory_space<vmem>>) semaphore(%arg14 : memref<!tpu.dma_semaphore, #tpu.memory_space<semaphore_mem>>)
    %dma_wait3A_153 = arith.constant 3 : i32
    %dma_wait3A_154 = arith.constant 0 : i32
    %dma_wait3A_155 = arith.constant 0 : i32
    %dma_wait3A_156 = tpu.memref_slice %arg2[%dma_wait3A_153, %dma_wait3A_154, %dma_wait3A_155] : memref<5x10240x128xf32, #tpu.memory_space<hbm>> -> memref<1x10240x128xf32, #tpu.memory_space<hbm>>
    %dma_wait3A_157 = tpu.memref_squeeze %dma_wait3A_156 : memref<1x10240x128xf32, #tpu.memory_space<hbm>> -> memref<10240x128xf32, #tpu.memory_space<hbm>>
    %dma_wait3A_158 = arith.constant 0 : i32
    %dma_wait3A_159 = arith.constant 0 : i32
    %dma_wait3A_160 = tpu.memref_slice %dma_wait3A_157[%dma_wait3A_158, %dma_wait3A_159] : memref<10240x128xf32, #tpu.memory_space<hbm>> -> memref<10240x128xf32, #tpu.memory_space<hbm>>
    tpu.wait_indirect_dma semaphore(%arg14 : memref<!tpu.dma_semaphore, #tpu.memory_space<semaphore_mem>>) src(%dma_wait3A_160 : memref<10240x128xf32, #tpu.memory_space<hbm>>) dst(%arg11 : memref<8x128xf32, #tpu.memory_space<vmem>>)
    "tpu.region"() ({
      %run_scoped3A_202 = tpu.sem_alloc : memref<!tpu.dma_semaphore, #tpu.memory_space<semaphore_mem>>
      %dma_start3A_203 = arith.constant 0 : i32
      %dma_start3A_204 = arith.constant 0 : i32
      %dma_start3A_205 = tpu.memref_slice %arg13[%dma_start3A_203, %dma_start3A_204] : memref<10240x128xf32, #tpu.memory_space<vmem_shared>> -> memref<10240x128xf32, #tpu.memory_space<vmem_shared>>
      tpu.enqueue_indirect_dma source(%arg11 : memref<8x128xf32, #tpu.memory_space<vmem>>) target(%dma_start3A_205 : memref<10240x128xf32, #tpu.memory_space<vmem_shared>>) offsets(%arg10 : memref<8xi32, #tpu.memory_space<vmem>>) semaphore(%run_scoped3A_202 : memref<!tpu.dma_semaphore, #tpu.memory_space<semaphore_mem>>) {add = true}
      %dma_wait3A_206 = arith.constant 0 : i32
      %dma_wait3A_207 = arith.constant 0 : i32
      %dma_wait3A_208 = tpu.memref_slice %arg13[%dma_wait3A_206, %dma_wait3A_207] : memref<10240x128xf32, #tpu.memory_space<vmem_shared>> -> memref<10240x128xf32, #tpu.memory_space<vmem_shared>>
      tpu.wait_indirect_dma semaphore(%run_scoped3A_202 : memref<!tpu.dma_semaphore, #tpu.memory_space<semaphore_mem>>) src(%arg11 : memref<8x128xf32, #tpu.memory_space<vmem>>) dst(%dma_wait3A_208 : memref<10240x128xf32, #tpu.memory_space<vmem_shared>>)
      tpu.yield
    }) : () -> ()
    %barrier3A_161 = arith.constant 0 : index
    tpu.barrier barrier_id(%barrier3A_161)
    %run_scoped3A_162 = arith.constant 3 : i32
    "tpu.region"() ({
      %run_scoped3A_202 = tpu.sem_alloc : memref<!tpu.dma_semaphore, #tpu.memory_space<semaphore_mem>>
      %dma_start3A_203 = arith.constant 0 : i32
      %dma_start3A_204 = tpu.memref_slice %arg5[%arg0, %run_scoped3A_162, %mul3A_4, %dma_start3A_203] : memref<2x5x10240x128xf32, #tpu.memory_space<hbm>> -> memref<1x1x640x128xf32, #tpu.memory_space<hbm>>
      %dma_start3A_205 = tpu.memref_squeeze %dma_start3A_204 : memref<1x1x640x128xf32, #tpu.memory_space<hbm>> -> memref<640x128xf32, #tpu.memory_space<hbm>>
      %dma_start3A_206 = arith.constant 0 : i32
      %dma_start3A_207 = tpu.memref_slice %arg13[%mul3A_4, %dma_start3A_206] : memref<10240x128xf32, #tpu.memory_space<vmem_shared>> -> memref<640x128xf32, #tpu.memory_space<vmem_shared>>
      tpu.enqueue_dma source(%dma_start3A_207 : memref<640x128xf32, #tpu.memory_space<vmem_shared>>) target(%dma_start3A_205 : memref<640x128xf32, #tpu.memory_space<hbm>>) target_semaphore(%run_scoped3A_202 : memref<!tpu.dma_semaphore, #tpu.memory_space<semaphore_mem>>)
      %dma_wait3A_208 = arith.constant 0 : i32
      %dma_wait3A_209 = tpu.memref_slice %arg5[%arg0, %run_scoped3A_162, %mul3A_4, %dma_wait3A_208] : memref<2x5x10240x128xf32, #tpu.memory_space<hbm>> -> memref<1x1x640x128xf32, #tpu.memory_space<hbm>>
      %dma_wait3A_210 = tpu.memref_squeeze %dma_wait3A_209 : memref<1x1x640x128xf32, #tpu.memory_space<hbm>> -> memref<640x128xf32, #tpu.memory_space<hbm>>
      %dma_wait3A_211 = arith.constant 0 : i32
      %dma_wait3A_212 = tpu.memref_slice %arg13[%mul3A_4, %dma_wait3A_211] : memref<10240x128xf32, #tpu.memory_space<vmem_shared>> -> memref<640x128xf32, #tpu.memory_space<vmem_shared>>
      tpu.wait_dma2 semaphore(%run_scoped3A_202 : memref<!tpu.dma_semaphore, #tpu.memory_space<semaphore_mem>>) src(%dma_wait3A_212 : memref<640x128xf32, #tpu.memory_space<vmem_shared>>) dst(%dma_wait3A_210 : memref<640x128xf32, #tpu.memory_space<hbm>>)
      tpu.yield
    }) : () -> ()
    %add3A_163 = arith.constant 0 : i32
    %add3A_164 = arith.addi %mul3A_4, %add3A_163 : i32
    "tpu.region"() ({
      %run_scoped3A_202 = tpu.sem_alloc : memref<!tpu.dma_semaphore, #tpu.memory_space<semaphore_mem>>
      %dma_start3A_203 = arith.constant 0 : i32
      %dma_start3A_204 = tpu.memref_slice %arg13[%add3A_164, %dma_start3A_203] : memref<10240x128xf32, #tpu.memory_space<vmem_shared>> -> memref<128x128xf32, #tpu.memory_space<vmem_shared>>
      %dma_start3A_205 = arith.constant 0 : i32
      %dma_start3A_206 = tpu.memref_slice %arg13[%add3A_164, %dma_start3A_205] : memref<10240x128xf32, #tpu.memory_space<vmem_shared>> -> memref<128x128xf32, #tpu.memory_space<vmem_shared>>
      tpu.enqueue_dma source(%arg12 : memref<128x128xf32, #tpu.memory_space<vmem>>) target(%dma_start3A_206 : memref<128x128xf32, #tpu.memory_space<vmem_shared>>) target_semaphore(%run_scoped3A_202 : memref<!tpu.dma_semaphore, #tpu.memory_space<semaphore_mem>>)
      %dma_wait3A_207 = arith.constant 0 : i32
      %dma_wait3A_208 = tpu.memref_slice %arg13[%add3A_164, %dma_wait3A_207] : memref<10240x128xf32, #tpu.memory_space<vmem_shared>> -> memref<128x128xf32, #tpu.memory_space<vmem_shared>>
      %dma_wait3A_209 = arith.constant 0 : i32
      %dma_wait3A_210 = tpu.memref_slice %arg13[%add3A_164, %dma_wait3A_209] : memref<10240x128xf32, #tpu.memory_space<vmem_shared>> -> memref<128x128xf32, #tpu.memory_space<vmem_shared>>
      tpu.wait_dma2 semaphore(%run_scoped3A_202 : memref<!tpu.dma_semaphore, #tpu.memory_space<semaphore_mem>>) src(%arg12 : memref<128x128xf32, #tpu.memory_space<vmem>>) dst(%dma_wait3A_210 : memref<128x128xf32, #tpu.memory_space<vmem_shared>>)
      tpu.yield
    }) : () -> ()
    %add3A_165 = arith.constant 128 : i32
    %add3A_166 = arith.addi %mul3A_4, %add3A_165 : i32
    "tpu.region"() ({
      %run_scoped3A_202 = tpu.sem_alloc : memref<!tpu.dma_semaphore, #tpu.memory_space<semaphore_mem>>
      %dma_start3A_203 = arith.constant 0 : i32
      %dma_start3A_204 = tpu.memref_slice %arg13[%add3A_166, %dma_start3A_203] : memref<10240x128xf32, #tpu.memory_space<vmem_shared>> -> memref<128x128xf32, #tpu.memory_space<vmem_shared>>
      %dma_start3A_205 = arith.constant 0 : i32
      %dma_start3A_206 = tpu.memref_slice %arg13[%add3A_166, %dma_start3A_205] : memref<10240x128xf32, #tpu.memory_space<vmem_shared>> -> memref<128x128xf32, #tpu.memory_space<vmem_shared>>
      tpu.enqueue_dma source(%arg12 : memref<128x128xf32, #tpu.memory_space<vmem>>) target(%dma_start3A_206 : memref<128x128xf32, #tpu.memory_space<vmem_shared>>) target_semaphore(%run_scoped3A_202 : memref<!tpu.dma_semaphore, #tpu.memory_space<semaphore_mem>>)
      %dma_wait3A_207 = arith.constant 0 : i32
      %dma_wait3A_208 = tpu.memref_slice %arg13[%add3A_166, %dma_wait3A_207] : memref<10240x128xf32, #tpu.memory_space<vmem_shared>> -> memref<128x128xf32, #tpu.memory_space<vmem_shared>>
      %dma_wait3A_209 = arith.constant 0 : i32
      %dma_wait3A_210 = tpu.memref_slice %arg13[%add3A_166, %dma_wait3A_209] : memref<10240x128xf32, #tpu.memory_space<vmem_shared>> -> memref<128x128xf32, #tpu.memory_space<vmem_shared>>
      tpu.wait_dma2 semaphore(%run_scoped3A_202 : memref<!tpu.dma_semaphore, #tpu.memory_space<semaphore_mem>>) src(%arg12 : memref<128x128xf32, #tpu.memory_space<vmem>>) dst(%dma_wait3A_210 : memref<128x128xf32, #tpu.memory_space<vmem_shared>>)
      tpu.yield
    }) : () -> ()
    %add3A_167 = arith.constant 256 : i32
    %add3A_168 = arith.addi %mul3A_4, %add3A_167 : i32
    "tpu.region"() ({
      %run_scoped3A_202 = tpu.sem_alloc : memref<!tpu.dma_semaphore, #tpu.memory_space<semaphore_mem>>
      %dma_start3A_203 = arith.constant 0 : i32
      %dma_start3A_204 = tpu.memref_slice %arg13[%add3A_168, %dma_start3A_203] : memref<10240x128xf32, #tpu.memory_space<vmem_shared>> -> memref<128x128xf32, #tpu.memory_space<vmem_shared>>
      %dma_start3A_205 = arith.constant 0 : i32
      %dma_start3A_206 = tpu.memref_slice %arg13[%add3A_168, %dma_start3A_205] : memref<10240x128xf32, #tpu.memory_space<vmem_shared>> -> memref<128x128xf32, #tpu.memory_space<vmem_shared>>
      tpu.enqueue_dma source(%arg12 : memref<128x128xf32, #tpu.memory_space<vmem>>) target(%dma_start3A_206 : memref<128x128xf32, #tpu.memory_space<vmem_shared>>) target_semaphore(%run_scoped3A_202 : memref<!tpu.dma_semaphore, #tpu.memory_space<semaphore_mem>>)
      %dma_wait3A_207 = arith.constant 0 : i32
      %dma_wait3A_208 = tpu.memref_slice %arg13[%add3A_168, %dma_wait3A_207] : memref<10240x128xf32, #tpu.memory_space<vmem_shared>> -> memref<128x128xf32, #tpu.memory_space<vmem_shared>>
      %dma_wait3A_209 = arith.constant 0 : i32
      %dma_wait3A_210 = tpu.memref_slice %arg13[%add3A_168, %dma_wait3A_209] : memref<10240x128xf32, #tpu.memory_space<vmem_shared>> -> memref<128x128xf32, #tpu.memory_space<vmem_shared>>
      tpu.wait_dma2 semaphore(%run_scoped3A_202 : memref<!tpu.dma_semaphore, #tpu.memory_space<semaphore_mem>>) src(%arg12 : memref<128x128xf32, #tpu.memory_space<vmem>>) dst(%dma_wait3A_210 : memref<128x128xf32, #tpu.memory_space<vmem_shared>>)
      tpu.yield
    }) : () -> ()
    %add3A_169 = arith.constant 384 : i32
    %add3A_170 = arith.addi %mul3A_4, %add3A_169 : i32
    "tpu.region"() ({
      %run_scoped3A_202 = tpu.sem_alloc : memref<!tpu.dma_semaphore, #tpu.memory_space<semaphore_mem>>
      %dma_start3A_203 = arith.constant 0 : i32
      %dma_start3A_204 = tpu.memref_slice %arg13[%add3A_170, %dma_start3A_203] : memref<10240x128xf32, #tpu.memory_space<vmem_shared>> -> memref<128x128xf32, #tpu.memory_space<vmem_shared>>
      %dma_start3A_205 = arith.constant 0 : i32
      %dma_start3A_206 = tpu.memref_slice %arg13[%add3A_170, %dma_start3A_205] : memref<10240x128xf32, #tpu.memory_space<vmem_shared>> -> memref<128x128xf32, #tpu.memory_space<vmem_shared>>
      tpu.enqueue_dma source(%arg12 : memref<128x128xf32, #tpu.memory_space<vmem>>) target(%dma_start3A_206 : memref<128x128xf32, #tpu.memory_space<vmem_shared>>) target_semaphore(%run_scoped3A_202 : memref<!tpu.dma_semaphore, #tpu.memory_space<semaphore_mem>>)
      %dma_wait3A_207 = arith.constant 0 : i32
      %dma_wait3A_208 = tpu.memref_slice %arg13[%add3A_170, %dma_wait3A_207] : memref<10240x128xf32, #tpu.memory_space<vmem_shared>> -> memref<128x128xf32, #tpu.memory_space<vmem_shared>>
      %dma_wait3A_209 = arith.constant 0 : i32
      %dma_wait3A_210 = tpu.memref_slice %arg13[%add3A_170, %dma_wait3A_209] : memref<10240x128xf32, #tpu.memory_space<vmem_shared>> -> memref<128x128xf32, #tpu.memory_space<vmem_shared>>
      tpu.wait_dma2 semaphore(%run_scoped3A_202 : memref<!tpu.dma_semaphore, #tpu.memory_space<semaphore_mem>>) src(%arg12 : memref<128x128xf32, #tpu.memory_space<vmem>>) dst(%dma_wait3A_210 : memref<128x128xf32, #tpu.memory_space<vmem_shared>>)
      tpu.yield
    }) : () -> ()
    %add3A_171 = arith.constant 512 : i32
    %add3A_172 = arith.addi %mul3A_4, %add3A_171 : i32
    "tpu.region"() ({
      %run_scoped3A_202 = tpu.sem_alloc : memref<!tpu.dma_semaphore, #tpu.memory_space<semaphore_mem>>
      %dma_start3A_203 = arith.constant 0 : i32
      %dma_start3A_204 = tpu.memref_slice %arg13[%add3A_172, %dma_start3A_203] : memref<10240x128xf32, #tpu.memory_space<vmem_shared>> -> memref<128x128xf32, #tpu.memory_space<vmem_shared>>
      %dma_start3A_205 = arith.constant 0 : i32
      %dma_start3A_206 = tpu.memref_slice %arg13[%add3A_172, %dma_start3A_205] : memref<10240x128xf32, #tpu.memory_space<vmem_shared>> -> memref<128x128xf32, #tpu.memory_space<vmem_shared>>
      tpu.enqueue_dma source(%arg12 : memref<128x128xf32, #tpu.memory_space<vmem>>) target(%dma_start3A_206 : memref<128x128xf32, #tpu.memory_space<vmem_shared>>) target_semaphore(%run_scoped3A_202 : memref<!tpu.dma_semaphore, #tpu.memory_space<semaphore_mem>>)
      %dma_wait3A_207 = arith.constant 0 : i32
      %dma_wait3A_208 = tpu.memref_slice %arg13[%add3A_172, %dma_wait3A_207] : memref<10240x128xf32, #tpu.memory_space<vmem_shared>> -> memref<128x128xf32, #tpu.memory_space<vmem_shared>>
      %dma_wait3A_209 = arith.constant 0 : i32
      %dma_wait3A_210 = tpu.memref_slice %arg13[%add3A_172, %dma_wait3A_209] : memref<10240x128xf32, #tpu.memory_space<vmem_shared>> -> memref<128x128xf32, #tpu.memory_space<vmem_shared>>
      tpu.wait_dma2 semaphore(%run_scoped3A_202 : memref<!tpu.dma_semaphore, #tpu.memory_space<semaphore_mem>>) src(%arg12 : memref<128x128xf32, #tpu.memory_space<vmem>>) dst(%dma_wait3A_210 : memref<128x128xf32, #tpu.memory_space<vmem_shared>>)
      tpu.yield
    }) : () -> ()
    %barrier3A_173 = arith.constant 0 : index
    tpu.barrier barrier_id(%barrier3A_173)
    %scan3A_174 = arith.constant 0 : i32
    %scan3A_175 = arith.constant 0 : i32
    %scan3A_176 = arith.constant 39 : i32
    %scan3A_177 = arith.addi %scan3A_175, %scan3A_176 : i32
    %scan3A_178 = arith.constant 1 : i32
    scf.for %scan3A_202 = %scan3A_175 to %scan3A_177 step %scan3A_178  : i32 {
      %add3A_203 = arith.constant 640000 : i32
      %add3A_204 = arith.addi %add3A_203, %add3A : i32
      %mul3A_205 = arith.constant 128 : i32
      %mul3A_206 = arith.muli %scan3A_202, %mul3A_205 : i32
      %add3A_207 = arith.addi %add3A_204, %mul3A_206 : i32
      "tpu.region"() ({
        %run_scoped3A_224 = tpu.sem_alloc : memref<!tpu.dma_semaphore, #tpu.memory_space<semaphore_mem>>
        %dma_start3A_225 = tpu.memref_slice %arg3[%add3A_207] : memref<800000xi32, #tpu.memory_space<hbm>> -> memref<128xi32, #tpu.memory_space<hbm>>
        %dma_start3A_226 = tpu.memref_slice %arg3[%add3A_207] : memref<800000xi32, #tpu.memory_space<hbm>> -> memref<128xi32, #tpu.memory_space<hbm>>
        tpu.enqueue_dma source(%dma_start3A_226 : memref<128xi32, #tpu.memory_space<hbm>>) target(%arg6 : memref<128xi32, #tpu.memory_space<vmem>>) target_semaphore(%run_scoped3A_224 : memref<!tpu.dma_semaphore, #tpu.memory_space<semaphore_mem>>)
        %dma_wait3A_227 = tpu.memref_slice %arg3[%add3A_207] : memref<800000xi32, #tpu.memory_space<hbm>> -> memref<128xi32, #tpu.memory_space<hbm>>
        %dma_wait3A_228 = tpu.memref_slice %arg3[%add3A_207] : memref<800000xi32, #tpu.memory_space<hbm>> -> memref<128xi32, #tpu.memory_space<hbm>>
        tpu.wait_dma2 semaphore(%run_scoped3A_224 : memref<!tpu.dma_semaphore, #tpu.memory_space<semaphore_mem>>) src(%dma_wait3A_228 : memref<128xi32, #tpu.memory_space<hbm>>) dst(%arg6 : memref<128xi32, #tpu.memory_space<vmem>>)
        tpu.yield
      }) : () -> ()
      "tpu.region"() ({
        %run_scoped3A_224 = tpu.sem_alloc : memref<!tpu.dma_semaphore, #tpu.memory_space<semaphore_mem>>
        %dma_start3A_225 = tpu.memref_slice %arg4[%add3A_207] : memref<800000xi32, #tpu.memory_space<hbm>> -> memref<128xi32, #tpu.memory_space<hbm>>
        %dma_start3A_226 = tpu.memref_slice %arg4[%add3A_207] : memref<800000xi32, #tpu.memory_space<hbm>> -> memref<128xi32, #tpu.memory_space<hbm>>
        tpu.enqueue_dma source(%dma_start3A_226 : memref<128xi32, #tpu.memory_space<hbm>>) target(%arg7 : memref<128xi32, #tpu.memory_space<vmem>>) target_semaphore(%run_scoped3A_224 : memref<!tpu.dma_semaphore, #tpu.memory_space<semaphore_mem>>)
        %dma_wait3A_227 = tpu.memref_slice %arg4[%add3A_207] : memref<800000xi32, #tpu.memory_space<hbm>> -> memref<128xi32, #tpu.memory_space<hbm>>
        %dma_wait3A_228 = tpu.memref_slice %arg4[%add3A_207] : memref<800000xi32, #tpu.memory_space<hbm>> -> memref<128xi32, #tpu.memory_space<hbm>>
        tpu.wait_dma2 semaphore(%run_scoped3A_224 : memref<!tpu.dma_semaphore, #tpu.memory_space<semaphore_mem>>) src(%dma_wait3A_228 : memref<128xi32, #tpu.memory_space<hbm>>) dst(%arg7 : memref<128xi32, #tpu.memory_space<vmem>>)
        tpu.yield
      }) : () -> ()
      %dma_start3A_208 = arith.constant 4 : i32
      %dma_start3A_209 = arith.constant 0 : i32
      %dma_start3A_210 = arith.constant 0 : i32
      %dma_start3A_211 = tpu.memref_slice %arg2[%dma_start3A_208, %dma_start3A_209, %dma_start3A_210] : memref<5x10240x128xf32, #tpu.memory_space<hbm>> -> memref<1x10240x128xf32, #tpu.memory_space<hbm>>
      %dma_start3A_212 = tpu.memref_squeeze %dma_start3A_211 : memref<1x10240x128xf32, #tpu.memory_space<hbm>> -> memref<10240x128xf32, #tpu.memory_space<hbm>>
      %dma_start3A_213 = arith.constant 0 : i32
      %dma_start3A_214 = arith.constant 0 : i32
      %dma_start3A_215 = tpu.memref_slice %dma_start3A_212[%dma_start3A_213, %dma_start3A_214] : memref<10240x128xf32, #tpu.memory_space<hbm>> -> memref<10240x128xf32, #tpu.memory_space<hbm>>
      tpu.enqueue_indirect_dma source(%dma_start3A_215 : memref<10240x128xf32, #tpu.memory_space<hbm>>) target(%arg8 : memref<128x128xf32, #tpu.memory_space<vmem>>) offsets(%arg6 : memref<128xi32, #tpu.memory_space<vmem>>) semaphore(%arg14 : memref<!tpu.dma_semaphore, #tpu.memory_space<semaphore_mem>>)
      %dma_wait3A_216 = arith.constant 4 : i32
      %dma_wait3A_217 = arith.constant 0 : i32
      %dma_wait3A_218 = arith.constant 0 : i32
      %dma_wait3A_219 = tpu.memref_slice %arg2[%dma_wait3A_216, %dma_wait3A_217, %dma_wait3A_218] : memref<5x10240x128xf32, #tpu.memory_space<hbm>> -> memref<1x10240x128xf32, #tpu.memory_space<hbm>>
      %dma_wait3A_220 = tpu.memref_squeeze %dma_wait3A_219 : memref<1x10240x128xf32, #tpu.memory_space<hbm>> -> memref<10240x128xf32, #tpu.memory_space<hbm>>
      %dma_wait3A_221 = arith.constant 0 : i32
      %dma_wait3A_222 = arith.constant 0 : i32
      %dma_wait3A_223 = tpu.memref_slice %dma_wait3A_220[%dma_wait3A_221, %dma_wait3A_222] : memref<10240x128xf32, #tpu.memory_space<hbm>> -> memref<10240x128xf32, #tpu.memory_space<hbm>>
      tpu.wait_indirect_dma semaphore(%arg14 : memref<!tpu.dma_semaphore, #tpu.memory_space<semaphore_mem>>) src(%dma_wait3A_223 : memref<10240x128xf32, #tpu.memory_space<hbm>>) dst(%arg8 : memref<128x128xf32, #tpu.memory_space<vmem>>)
      "tpu.region"() ({
        %run_scoped3A_224 = tpu.sem_alloc : memref<!tpu.dma_semaphore, #tpu.memory_space<semaphore_mem>>
        %dma_start3A_225 = arith.constant 0 : i32
        %dma_start3A_226 = arith.constant 0 : i32
        %dma_start3A_227 = tpu.memref_slice %arg13[%dma_start3A_225, %dma_start3A_226] : memref<10240x128xf32, #tpu.memory_space<vmem_shared>> -> memref<10240x128xf32, #tpu.memory_space<vmem_shared>>
        tpu.enqueue_indirect_dma source(%arg8 : memref<128x128xf32, #tpu.memory_space<vmem>>) target(%dma_start3A_227 : memref<10240x128xf32, #tpu.memory_space<vmem_shared>>) offsets(%arg7 : memref<128xi32, #tpu.memory_space<vmem>>) semaphore(%run_scoped3A_224 : memref<!tpu.dma_semaphore, #tpu.memory_space<semaphore_mem>>) {add = true}
        %dma_wait3A_228 = arith.constant 0 : i32
        %dma_wait3A_229 = arith.constant 0 : i32
        %dma_wait3A_230 = tpu.memref_slice %arg13[%dma_wait3A_228, %dma_wait3A_229] : memref<10240x128xf32, #tpu.memory_space<vmem_shared>> -> memref<10240x128xf32, #tpu.memory_space<vmem_shared>>
        tpu.wait_indirect_dma semaphore(%run_scoped3A_224 : memref<!tpu.dma_semaphore, #tpu.memory_space<semaphore_mem>>) src(%arg8 : memref<128x128xf32, #tpu.memory_space<vmem>>) dst(%dma_wait3A_230 : memref<10240x128xf32, #tpu.memory_space<vmem_shared>>)
        tpu.yield
      }) : () -> ()
    }
    %scan3A_179 = arith.constant 39 : i32
    %add3A_180 = arith.constant 640000 : i32
    %add3A_181 = arith.addi %add3A_180, %add3A : i32
    %add3A_182 = arith.constant 4992 : i32
    %add3A_183 = arith.addi %add3A_181, %add3A_182 : i32
    "tpu.region"() ({
      %run_scoped3A_202 = tpu.sem_alloc : memref<!tpu.dma_semaphore, #tpu.memory_space<semaphore_mem>>
      %dma_start3A_203 = tpu.memref_slice %arg3[%add3A_183] : memref<800000xi32, #tpu.memory_space<hbm>> -> memref<8xi32, #tpu.memory_space<hbm>>
      %dma_start3A_204 = tpu.memref_slice %arg3[%add3A_183] : memref<800000xi32, #tpu.memory_space<hbm>> -> memref<8xi32, #tpu.memory_space<hbm>>
      tpu.enqueue_dma source(%dma_start3A_204 : memref<8xi32, #tpu.memory_space<hbm>>) target(%arg9 : memref<8xi32, #tpu.memory_space<vmem>>) target_semaphore(%run_scoped3A_202 : memref<!tpu.dma_semaphore, #tpu.memory_space<semaphore_mem>>)
      %dma_wait3A_205 = tpu.memref_slice %arg3[%add3A_183] : memref<800000xi32, #tpu.memory_space<hbm>> -> memref<8xi32, #tpu.memory_space<hbm>>
      %dma_wait3A_206 = tpu.memref_slice %arg3[%add3A_183] : memref<800000xi32, #tpu.memory_space<hbm>> -> memref<8xi32, #tpu.memory_space<hbm>>
      tpu.wait_dma2 semaphore(%run_scoped3A_202 : memref<!tpu.dma_semaphore, #tpu.memory_space<semaphore_mem>>) src(%dma_wait3A_206 : memref<8xi32, #tpu.memory_space<hbm>>) dst(%arg9 : memref<8xi32, #tpu.memory_space<vmem>>)
      tpu.yield
    }) : () -> ()
    "tpu.region"() ({
      %run_scoped3A_202 = tpu.sem_alloc : memref<!tpu.dma_semaphore, #tpu.memory_space<semaphore_mem>>
      %dma_start3A_203 = tpu.memref_slice %arg4[%add3A_183] : memref<800000xi32, #tpu.memory_space<hbm>> -> memref<8xi32, #tpu.memory_space<hbm>>
      %dma_start3A_204 = tpu.memref_slice %arg4[%add3A_183] : memref<800000xi32, #tpu.memory_space<hbm>> -> memref<8xi32, #tpu.memory_space<hbm>>
      tpu.enqueue_dma source(%dma_start3A_204 : memref<8xi32, #tpu.memory_space<hbm>>) target(%arg10 : memref<8xi32, #tpu.memory_space<vmem>>) target_semaphore(%run_scoped3A_202 : memref<!tpu.dma_semaphore, #tpu.memory_space<semaphore_mem>>)
      %dma_wait3A_205 = tpu.memref_slice %arg4[%add3A_183] : memref<800000xi32, #tpu.memory_space<hbm>> -> memref<8xi32, #tpu.memory_space<hbm>>
      %dma_wait3A_206 = tpu.memref_slice %arg4[%add3A_183] : memref<800000xi32, #tpu.memory_space<hbm>> -> memref<8xi32, #tpu.memory_space<hbm>>
      tpu.wait_dma2 semaphore(%run_scoped3A_202 : memref<!tpu.dma_semaphore, #tpu.memory_space<semaphore_mem>>) src(%dma_wait3A_206 : memref<8xi32, #tpu.memory_space<hbm>>) dst(%arg10 : memref<8xi32, #tpu.memory_space<vmem>>)
      tpu.yield
    }) : () -> ()
    %dma_start3A_184 = arith.constant 4 : i32
    %dma_start3A_185 = arith.constant 0 : i32
    %dma_start3A_186 = arith.constant 0 : i32
    %dma_start3A_187 = tpu.memref_slice %arg2[%dma_start3A_184, %dma_start3A_185, %dma_start3A_186] : memref<5x10240x128xf32, #tpu.memory_space<hbm>> -> memref<1x10240x128xf32, #tpu.memory_space<hbm>>
    %dma_start3A_188 = tpu.memref_squeeze %dma_start3A_187 : memref<1x10240x128xf32, #tpu.memory_space<hbm>> -> memref<10240x128xf32, #tpu.memory_space<hbm>>
    %dma_start3A_189 = arith.constant 0 : i32
    %dma_start3A_190 = arith.constant 0 : i32
    %dma_start3A_191 = tpu.memref_slice %dma_start3A_188[%dma_start3A_189, %dma_start3A_190] : memref<10240x128xf32, #tpu.memory_space<hbm>> -> memref<10240x128xf32, #tpu.memory_space<hbm>>
    tpu.enqueue_indirect_dma source(%dma_start3A_191 : memref<10240x128xf32, #tpu.memory_space<hbm>>) target(%arg11 : memref<8x128xf32, #tpu.memory_space<vmem>>) offsets(%arg9 : memref<8xi32, #tpu.memory_space<vmem>>) semaphore(%arg14 : memref<!tpu.dma_semaphore, #tpu.memory_space<semaphore_mem>>)
    %dma_wait3A_192 = arith.constant 4 : i32
    %dma_wait3A_193 = arith.constant 0 : i32
    %dma_wait3A_194 = arith.constant 0 : i32
    %dma_wait3A_195 = tpu.memref_slice %arg2[%dma_wait3A_192, %dma_wait3A_193, %dma_wait3A_194] : memref<5x10240x128xf32, #tpu.memory_space<hbm>> -> memref<1x10240x128xf32, #tpu.memory_space<hbm>>
    %dma_wait3A_196 = tpu.memref_squeeze %dma_wait3A_195 : memref<1x10240x128xf32, #tpu.memory_space<hbm>> -> memref<10240x128xf32, #tpu.memory_space<hbm>>
    %dma_wait3A_197 = arith.constant 0 : i32
    %dma_wait3A_198 = arith.constant 0 : i32
    %dma_wait3A_199 = tpu.memref_slice %dma_wait3A_196[%dma_wait3A_197, %dma_wait3A_198] : memref<10240x128xf32, #tpu.memory_space<hbm>> -> memref<10240x128xf32, #tpu.memory_space<hbm>>
    tpu.wait_indirect_dma semaphore(%arg14 : memref<!tpu.dma_semaphore, #tpu.memory_space<semaphore_mem>>) src(%dma_wait3A_199 : memref<10240x128xf32, #tpu.memory_space<hbm>>) dst(%arg11 : memref<8x128xf32, #tpu.memory_space<vmem>>)
    "tpu.region"() ({
      %run_scoped3A_202 = tpu.sem_alloc : memref<!tpu.dma_semaphore, #tpu.memory_space<semaphore_mem>>
      %dma_start3A_203 = arith.constant 0 : i32
      %dma_start3A_204 = arith.constant 0 : i32
      %dma_start3A_205 = tpu.memref_slice %arg13[%dma_start3A_203, %dma_start3A_204] : memref<10240x128xf32, #tpu.memory_space<vmem_shared>> -> memref<10240x128xf32, #tpu.memory_space<vmem_shared>>
      tpu.enqueue_indirect_dma source(%arg11 : memref<8x128xf32, #tpu.memory_space<vmem>>) target(%dma_start3A_205 : memref<10240x128xf32, #tpu.memory_space<vmem_shared>>) offsets(%arg10 : memref<8xi32, #tpu.memory_space<vmem>>) semaphore(%run_scoped3A_202 : memref<!tpu.dma_semaphore, #tpu.memory_space<semaphore_mem>>) {add = true}
      %dma_wait3A_206 = arith.constant 0 : i32
      %dma_wait3A_207 = arith.constant 0 : i32
      %dma_wait3A_208 = tpu.memref_slice %arg13[%dma_wait3A_206, %dma_wait3A_207] : memref<10240x128xf32, #tpu.memory_space<vmem_shared>> -> memref<10240x128xf32, #tpu.memory_space<vmem_shared>>
      tpu.wait_indirect_dma semaphore(%run_scoped3A_202 : memref<!tpu.dma_semaphore, #tpu.memory_space<semaphore_mem>>) src(%arg11 : memref<8x128xf32, #tpu.memory_space<vmem>>) dst(%dma_wait3A_208 : memref<10240x128xf32, #tpu.memory_space<vmem_shared>>)
      tpu.yield
    }) : () -> ()
    %barrier3A_200 = arith.constant 0 : index
    tpu.barrier barrier_id(%barrier3A_200)
    %run_scoped3A_201 = arith.constant 4 : i32
    "tpu.region"() ({
      %run_scoped3A_202 = tpu.sem_alloc : memref<!tpu.dma_semaphore, #tpu.memory_space<semaphore_mem>>
      %dma_start3A_203 = arith.constant 0 : i32
      %dma_start3A_204 = tpu.memref_slice %arg5[%arg0, %run_scoped3A_201, %mul3A_4, %dma_start3A_203] : memref<2x5x10240x128xf32, #tpu.memory_space<hbm>> -> memref<1x1x640x128xf32, #tpu.memory_space<hbm>>
      %dma_start3A_205 = tpu.memref_squeeze %dma_start3A_204 : memref<1x1x640x128xf32, #tpu.memory_space<hbm>> -> memref<640x128xf32, #tpu.memory_space<hbm>>
      %dma_start3A_206 = arith.constant 0 : i32
      %dma_start3A_207 = tpu.memref_slice %arg13[%mul3A_4, %dma_start3A_206] : memref<10240x128xf32, #tpu.memory_space<vmem_shared>> -> memref<640x128xf32, #tpu.memory_space<vmem_shared>>
      tpu.enqueue_dma source(%dma_start3A_207 : memref<640x128xf32, #tpu.memory_space<vmem_shared>>) target(%dma_start3A_205 : memref<640x128xf32, #tpu.memory_space<hbm>>) target_semaphore(%run_scoped3A_202 : memref<!tpu.dma_semaphore, #tpu.memory_space<semaphore_mem>>)
      %dma_wait3A_208 = arith.constant 0 : i32
      %dma_wait3A_209 = tpu.memref_slice %arg5[%arg0, %run_scoped3A_201, %mul3A_4, %dma_wait3A_208] : memref<2x5x10240x128xf32, #tpu.memory_space<hbm>> -> memref<1x1x640x128xf32, #tpu.memory_space<hbm>>
      %dma_wait3A_210 = tpu.memref_squeeze %dma_wait3A_209 : memref<1x1x640x128xf32, #tpu.memory_space<hbm>> -> memref<640x128xf32, #tpu.memory_space<hbm>>
      %dma_wait3A_211 = arith.constant 0 : i32
      %dma_wait3A_212 = tpu.memref_slice %arg13[%mul3A_4, %dma_wait3A_211] : memref<10240x128xf32, #tpu.memory_space<vmem_shared>> -> memref<640x128xf32, #tpu.memory_space<vmem_shared>>
      tpu.wait_dma2 semaphore(%run_scoped3A_202 : memref<!tpu.dma_semaphore, #tpu.memory_space<semaphore_mem>>) src(%dma_wait3A_212 : memref<640x128xf32, #tpu.memory_space<vmem_shared>>) dst(%dma_wait3A_210 : memref<640x128xf32, #tpu.memory_space<hbm>>)
      tpu.yield
    }) : () -> ()
    return
  }
}

#map = affine_map<(d0, d1) -> (0, 0, 0)>
#map1 = affine_map<(d0, d1) -> (0)>
#map2 = affine_map<(d0, d1) -> (0, 0, 0, 0)>
module attributes {stable_mosaic.version = 14 : i64} {
  func.func @k(%arg0: i32, %arg1: i32, %arg2: memref<5x10240x128xf32, #tpu.memory_space<hbm>>, %arg3: memref<800000xi32, #tpu.memory_space<hbm>>, %arg4: memref<800000xi32, #tpu.memory_space<hbm>>, %arg5: memref<2x5x10240x128xf32, #tpu.memory_space<hbm>>, %arg6: memref<128xi32, #tpu.memory_space<vmem>>, %arg7: memref<128xi32, #tpu.memory_space<vmem>>, %arg8: memref<128x128xf32, #tpu.memory_space<vmem>>, %arg9: memref<8xi32, #tpu.memory_space<vmem>>, %arg10: memref<8xi32, #tpu.memory_space<vmem>>, %arg11: memref<8x128xf32, #tpu.memory_space<vmem>>, %arg12: memref<128x128xf32, #tpu.memory_space<vmem>>, %arg13: memref<10240x128xf32, #tpu.memory_space<vmem_shared>>, %arg14: memref<!tpu.dma_semaphore, #tpu.memory_space<semaphore_mem>>) attributes {dimension_semantics = [#tpu.dimension_semantics<core_parallel>, #tpu.dimension_semantics<subcore_parallel>], iteration_bounds = array<i64: 2, 16>, scalar_prefetch = 0 : i64, scratch_operands = 9 : i64, tpu.core_type = #tpu.core_type<sc_vector_subcore>, window_params = [{transform_indices = #map}, {transform_indices = #map1}, {transform_indices = #map1}, {transform_indices = #map2}]} {
    %mul3A = arith.constant 80000 : i32
    %mul3A_0 = arith.muli %arg0, %mul3A : i32
    %mul3A_1 = arith.constant 5000 : i32
    %mul3A_2 = arith.muli %arg1, %mul3A_1 : i32
    %add3A = arith.addi %mul3A_0, %mul3A_2 : i32
    %mul3A_3 = arith.constant 640 : i32
    %mul3A_4 = arith.muli %arg1, %mul3A_3 : i32
    %broadcast_in_dim3A = arith.constant 0.000000e+00 : f32
    %broadcast_in_dim3A_5 = vector.broadcast %broadcast_in_dim3A : f32 to vector<16xf32>
    %scan3A = arith.constant 0 : i32
    %scan3A_6 = arith.constant 0 : i32
    %scan3A_7 = arith.constant 1024 : i32
    %scan3A_8 = arith.addi %scan3A_6, %scan3A_7 : i32
    %scan3A_9 = arith.constant 1 : i32
    scf.for %scan3A_202 = %scan3A_6 to %scan3A_8 step %scan3A_9  : i32 {
      %jit3A = arith.constant 8 : i32
      %div3A = arith.divsi %scan3A_202, %jit3A : i32
      %sign3A = arith.constant 0 : i32
      %sign3A_203 = arith.cmpi sgt, %scan3A_202, %sign3A : i32
      %sign3A_204 = arith.extui %sign3A_203 : i1 to i32
      %sign3A_205 = arith.constant 0 : i32
      %sign3A_206 = arith.cmpi slt, %scan3A_202, %sign3A_205 : i32
      %sign3A_207 = arith.extui %sign3A_206 : i1 to i32
      %sign3A_208 = arith.subi %sign3A_204, %sign3A_207 : i32
      %sign3A_209 = arith.constant 0 : i32
      %sign3A_210 = arith.cmpi sgt, %jit3A, %sign3A_209 : i32
      %sign3A_211 = arith.extui %sign3A_210 : i1 to i32
      %sign3A_212 = arith.constant 0 : i32
      %sign3A_213 = arith.cmpi slt, %jit3A, %sign3A_212 : i32
      %sign3A_214 = arith.extui %sign3A_213 : i1 to i32
      %sign3A_215 = arith.subi %sign3A_211, %sign3A_214 : i32
      %ne3A = arith.cmpi ne, %sign3A_208, %sign3A_215 : i32
      %rem3A = arith.remsi %scan3A_202, %jit3A : i32
      %ne3A_216 = arith.constant 0 : i32
      %ne3A_217 = arith.cmpi ne, %rem3A, %ne3A_216 : i32
      %and3A = arith.andi %ne3A, %ne3A_217 : i1
      %sub3A = arith.constant 1 : i32
      %sub3A_218 = arith.subi %div3A, %sub3A : i32
      %select_n3A = arith.select %and3A, %sub3A_218, %div3A : i32
      %jit3A_219 = arith.constant 8 : i32
      %eq3A = arith.constant 0 : i32
      %eq3A_220 = arith.cmpi eq, %jit3A_219, %eq3A : i32
      %jit3A_221 = arith.constant 1 : i32
      %select_n3A_222 = arith.select %eq3A_220, %jit3A_221, %jit3A_219 : i32
      %rem3A_223 = arith.remsi %scan3A_202, %select_n3A_222 : i32
      %ne3A_224 = arith.constant 0 : i32
      %ne3A_225 = arith.cmpi ne, %rem3A_223, %ne3A_224 : i32
      %lt3A = arith.constant 0 : i32
      %lt3A_226 = arith.cmpi slt, %rem3A_223, %lt3A : i32
      %lt3A_227 = arith.constant 0 : i32
      %lt3A_228 = arith.cmpi slt, %select_n3A_222, %lt3A_227 : i32
      %ne3A_229 = arith.xori %lt3A_226, %lt3A_228 : i1
      %and3A_230 = arith.andi %ne3A_229, %ne3A_225 : i1
      %add3A_231 = arith.addi %rem3A_223, %select_n3A_222 : i32
      %select_n3A_232 = arith.select %and3A_230, %add3A_231, %rem3A_223 : i32
      %mul3A_233 = arith.constant 16 : i32
      %mul3A_234 = arith.muli %select_n3A_232, %mul3A_233 : i32
      %swap3A = arith.index_cast %select_n3A : i32 to index
      %swap3A_235 = arith.index_cast %mul3A_234 : i32 to index
      %swap3A_236 = tpu.vector_load %arg12[%swap3A, %swap3A_235] {strides = array<i32>} : memref<128x128xf32, #tpu.memory_space<vmem>>, vector<1x16xf32>,
      %swap3A_237 = vector.shape_cast %swap3A_236 : vector<1x16xf32> to vector<16xf32>
      %swap3A_238 = vector.shape_cast %broadcast_in_dim3A_5 : vector<16xf32> to vector<1x16xf32>
      tpu.vector_store %arg12[%swap3A, %swap3A_235], %swap3A_238 {strides = array<i32>} : memref<128x128xf32, #tpu.memory_space<vmem>>, vector<1x16xf32>,
    }
    %scan3A_10 = arith.constant 1024 : i32
    %add3A_11 = arith.constant 0 : i32
    %add3A_12 = arith.addi %mul3A_4, %add3A_11 : i32
    "tpu.region"() ({
      %run_scoped3A_202 = tpu.sem_alloc : memref<!tpu.dma_semaphore, #tpu.memory_space<semaphore_mem>>
      %dma_start3A_203 = arith.constant 0 : i32
      %dma_start3A_204 = tpu.memref_slice %arg13[%add3A_12, %dma_start3A_203] : memref<10240x128xf32, #tpu.memory_space<vmem_shared>> -> memref<128x128xf32, #tpu.memory_space<vmem_shared>>
      %dma_start3A_205 = arith.constant 0 : i32
      %dma_start3A_206 = tpu.memref_slice %arg13[%add3A_12, %dma_start3A_205] : memref<10240x128xf32, #tpu.memory_space<vmem_shared>> -> memref<128x128xf32, #tpu.memory_space<vmem_shared>>
      tpu.enqueue_dma source(%arg12 : memref<128x128xf32, #tpu.memory_space<vmem>>) target(%dma_start3A_206 : memref<128x128xf32, #tpu.memory_space<vmem_shared>>) target_semaphore(%run_scoped3A_202 : memref<!tpu.dma_semaphore, #tpu.memory_space<semaphore_mem>>)
      %dma_wait3A_207 = arith.constant 0 : i32
      %dma_wait3A_208 = tpu.memref_slice %arg13[%add3A_12, %dma_wait3A_207] : memref<10240x128xf32, #tpu.memory_space<vmem_shared>> -> memref<128x128xf32, #tpu.memory_space<vmem_shared>>
      %dma_wait3A_209 = arith.constant 0 : i32
      %dma_wait3A_210 = tpu.memref_slice %arg13[%add3A_12, %dma_wait3A_209] : memref<10240x128xf32, #tpu.memory_space<vmem_shared>> -> memref<128x128xf32, #tpu.memory_space<vmem_shared>>
      tpu.wait_dma2 semaphore(%run_scoped3A_202 : memref<!tpu.dma_semaphore, #tpu.memory_space<semaphore_mem>>) src(%arg12 : memref<128x128xf32, #tpu.memory_space<vmem>>) dst(%dma_wait3A_210 : memref<128x128xf32, #tpu.memory_space<vmem_shared>>)
      tpu.yield
    }) : () -> ()
    %add3A_13 = arith.constant 128 : i32
    %add3A_14 = arith.addi %mul3A_4, %add3A_13 : i32
    "tpu.region"() ({
      %run_scoped3A_202 = tpu.sem_alloc : memref<!tpu.dma_semaphore, #tpu.memory_space<semaphore_mem>>
      %dma_start3A_203 = arith.constant 0 : i32
      %dma_start3A_204 = tpu.memref_slice %arg13[%add3A_14, %dma_start3A_203] : memref<10240x128xf32, #tpu.memory_space<vmem_shared>> -> memref<128x128xf32, #tpu.memory_space<vmem_shared>>
      %dma_start3A_205 = arith.constant 0 : i32
      %dma_start3A_206 = tpu.memref_slice %arg13[%add3A_14, %dma_start3A_205] : memref<10240x128xf32, #tpu.memory_space<vmem_shared>> -> memref<128x128xf32, #tpu.memory_space<vmem_shared>>
      tpu.enqueue_dma source(%arg12 : memref<128x128xf32, #tpu.memory_space<vmem>>) target(%dma_start3A_206 : memref<128x128xf32, #tpu.memory_space<vmem_shared>>) target_semaphore(%run_scoped3A_202 : memref<!tpu.dma_semaphore, #tpu.memory_space<semaphore_mem>>)
      %dma_wait3A_207 = arith.constant 0 : i32
      %dma_wait3A_208 = tpu.memref_slice %arg13[%add3A_14, %dma_wait3A_207] : memref<10240x128xf32, #tpu.memory_space<vmem_shared>> -> memref<128x128xf32, #tpu.memory_space<vmem_shared>>
      %dma_wait3A_209 = arith.constant 0 : i32
      %dma_wait3A_210 = tpu.memref_slice %arg13[%add3A_14, %dma_wait3A_209] : memref<10240x128xf32, #tpu.memory_space<vmem_shared>> -> memref<128x128xf32, #tpu.memory_space<vmem_shared>>
      tpu.wait_dma2 semaphore(%run_scoped3A_202 : memref<!tpu.dma_semaphore, #tpu.memory_space<semaphore_mem>>) src(%arg12 : memref<128x128xf32, #tpu.memory_space<vmem>>) dst(%dma_wait3A_210 : memref<128x128xf32, #tpu.memory_space<vmem_shared>>)
      tpu.yield
    }) : () -> ()
    %add3A_15 = arith.constant 256 : i32
    %add3A_16 = arith.addi %mul3A_4, %add3A_15 : i32
    "tpu.region"() ({
      %run_scoped3A_202 = tpu.sem_alloc : memref<!tpu.dma_semaphore, #tpu.memory_space<semaphore_mem>>
      %dma_start3A_203 = arith.constant 0 : i32
      %dma_start3A_204 = tpu.memref_slice %arg13[%add3A_16, %dma_start3A_203] : memref<10240x128xf32, #tpu.memory_space<vmem_shared>> -> memref<128x128xf32, #tpu.memory_space<vmem_shared>>
      %dma_start3A_205 = arith.constant 0 : i32
      %dma_start3A_206 = tpu.memref_slice %arg13[%add3A_16, %dma_start3A_205] : memref<10240x128xf32, #tpu.memory_space<vmem_shared>> -> memref<128x128xf32, #tpu.memory_space<vmem_shared>>
      tpu.enqueue_dma source(%arg12 : memref<128x128xf32, #tpu.memory_space<vmem>>) target(%dma_start3A_206 : memref<128x128xf32, #tpu.memory_space<vmem_shared>>) target_semaphore(%run_scoped3A_202 : memref<!tpu.dma_semaphore, #tpu.memory_space<semaphore_mem>>)
      %dma_wait3A_207 = arith.constant 0 : i32
      %dma_wait3A_208 = tpu.memref_slice %arg13[%add3A_16, %dma_wait3A_207] : memref<10240x128xf32, #tpu.memory_space<vmem_shared>> -> memref<128x128xf32, #tpu.memory_space<vmem_shared>>
      %dma_wait3A_209 = arith.constant 0 : i32
      %dma_wait3A_210 = tpu.memref_slice %arg13[%add3A_16, %dma_wait3A_209] : memref<10240x128xf32, #tpu.memory_space<vmem_shared>> -> memref<128x128xf32, #tpu.memory_space<vmem_shared>>
      tpu.wait_dma2 semaphore(%run_scoped3A_202 : memref<!tpu.dma_semaphore, #tpu.memory_space<semaphore_mem>>) src(%arg12 : memref<128x128xf32, #tpu.memory_space<vmem>>) dst(%dma_wait3A_210 : memref<128x128xf32, #tpu.memory_space<vmem_shared>>)
      tpu.yield
    }) : () -> ()
    %add3A_17 = arith.constant 384 : i32
    %add3A_18 = arith.addi %mul3A_4, %add3A_17 : i32
    "tpu.region"() ({
      %run_scoped3A_202 = tpu.sem_alloc : memref<!tpu.dma_semaphore, #tpu.memory_space<semaphore_mem>>
      %dma_start3A_203 = arith.constant 0 : i32
      %dma_start3A_204 = tpu.memref_slice %arg13[%add3A_18, %dma_start3A_203] : memref<10240x128xf32, #tpu.memory_space<vmem_shared>> -> memref<128x128xf32, #tpu.memory_space<vmem_shared>>
      %dma_start3A_205 = arith.constant 0 : i32
      %dma_start3A_206 = tpu.memref_slice %arg13[%add3A_18, %dma_start3A_205] : memref<10240x128xf32, #tpu.memory_space<vmem_shared>> -> memref<128x128xf32, #tpu.memory_space<vmem_shared>>
      tpu.enqueue_dma source(%arg12 : memref<128x128xf32, #tpu.memory_space<vmem>>) target(%dma_start3A_206 : memref<128x128xf32, #tpu.memory_space<vmem_shared>>) target_semaphore(%run_scoped3A_202 : memref<!tpu.dma_semaphore, #tpu.memory_space<semaphore_mem>>)
      %dma_wait3A_207 = arith.constant 0 : i32
      %dma_wait3A_208 = tpu.memref_slice %arg13[%add3A_18, %dma_wait3A_207] : memref<10240x128xf32, #tpu.memory_space<vmem_shared>> -> memref<128x128xf32, #tpu.memory_space<vmem_shared>>
      %dma_wait3A_209 = arith.constant 0 : i32
      %dma_wait3A_210 = tpu.memref_slice %arg13[%add3A_18, %dma_wait3A_209] : memref<10240x128xf32, #tpu.memory_space<vmem_shared>> -> memref<128x128xf32, #tpu.memory_space<vmem_shared>>
      tpu.wait_dma2 semaphore(%run_scoped3A_202 : memref<!tpu.dma_semaphore, #tpu.memory_space<semaphore_mem>>) src(%arg12 : memref<128x128xf32, #tpu.memory_space<vmem>>) dst(%dma_wait3A_210 : memref<128x128xf32, #tpu.memory_space<vmem_shared>>)
      tpu.yield
    }) : () -> ()
    %add3A_19 = arith.constant 512 : i32
    %add3A_20 = arith.addi %mul3A_4, %add3A_19 : i32
    "tpu.region"() ({
      %run_scoped3A_202 = tpu.sem_alloc : memref<!tpu.dma_semaphore, #tpu.memory_space<semaphore_mem>>
      %dma_start3A_203 = arith.constant 0 : i32
      %dma_start3A_204 = tpu.memref_slice %arg13[%add3A_20, %dma_start3A_203] : memref<10240x128xf32, #tpu.memory_space<vmem_shared>> -> memref<128x128xf32, #tpu.memory_space<vmem_shared>>
      %dma_start3A_205 = arith.constant 0 : i32
      %dma_start3A_206 = tpu.memref_slice %arg13[%add3A_20, %dma_start3A_205] : memref<10240x128xf32, #tpu.memory_space<vmem_shared>> -> memref<128x128xf32, #tpu.memory_space<vmem_shared>>
      tpu.enqueue_dma source(%arg12 : memref<128x128xf32, #tpu.memory_space<vmem>>) target(%dma_start3A_206 : memref<128x128xf32, #tpu.memory_space<vmem_shared>>) target_semaphore(%run_scoped3A_202 : memref<!tpu.dma_semaphore, #tpu.memory_space<semaphore_mem>>)
      %dma_wait3A_207 = arith.constant 0 : i32
      %dma_wait3A_208 = tpu.memref_slice %arg13[%add3A_20, %dma_wait3A_207] : memref<10240x128xf32, #tpu.memory_space<vmem_shared>> -> memref<128x128xf32, #tpu.memory_space<vmem_shared>>
      %dma_wait3A_209 = arith.constant 0 : i32
      %dma_wait3A_210 = tpu.memref_slice %arg13[%add3A_20, %dma_wait3A_209] : memref<10240x128xf32, #tpu.memory_space<vmem_shared>> -> memref<128x128xf32, #tpu.memory_space<vmem_shared>>
      tpu.wait_dma2 semaphore(%run_scoped3A_202 : memref<!tpu.dma_semaphore, #tpu.memory_space<semaphore_mem>>) src(%arg12 : memref<128x128xf32, #tpu.memory_space<vmem>>) dst(%dma_wait3A_210 : memref<128x128xf32, #tpu.memory_space<vmem_shared>>)
      tpu.yield
    }) : () -> ()
    %barrier3A = arith.constant 0 : index
    tpu.barrier barrier_id(%barrier3A)
    %scan3A_21 = arith.constant 0 : i32
    %scan3A_22 = arith.constant 0 : i32
    %scan3A_23 = arith.constant 39 : i32
    %scan3A_24 = arith.addi %scan3A_22, %scan3A_23 : i32
    %scan3A_25 = arith.constant 1 : i32
    scf.for %scan3A_202 = %scan3A_22 to %scan3A_24 step %scan3A_25  : i32 {
      %add3A_203 = arith.constant 0 : i32
      %add3A_204 = arith.addi %add3A_203, %add3A : i32
      %mul3A_205 = arith.constant 128 : i32
      %mul3A_206 = arith.muli %scan3A_202, %mul3A_205 : i32
      %add3A_207 = arith.addi %add3A_204, %mul3A_206 : i32
      "tpu.region"() ({
        %run_scoped3A_224 = tpu.sem_alloc : memref<!tpu.dma_semaphore, #tpu.memory_space<semaphore_mem>>
        %dma_start3A_225 = tpu.memref_slice %arg3[%add3A_207] : memref<800000xi32, #tpu.memory_space<hbm>> -> memref<128xi32, #tpu.memory_space<hbm>>
        %dma_start3A_226 = tpu.memref_slice %arg3[%add3A_207] : memref<800000xi32, #tpu.memory_space<hbm>> -> memref<128xi32, #tpu.memory_space<hbm>>
        tpu.enqueue_dma source(%dma_start3A_226 : memref<128xi32, #tpu.memory_space<hbm>>) target(%arg6 : memref<128xi32, #tpu.memory_space<vmem>>) target_semaphore(%run_scoped3A_224 : memref<!tpu.dma_semaphore, #tpu.memory_space<semaphore_mem>>)
        %dma_wait3A_227 = tpu.memref_slice %arg3[%add3A_207] : memref<800000xi32, #tpu.memory_space<hbm>> -> memref<128xi32, #tpu.memory_space<hbm>>
        %dma_wait3A_228 = tpu.memref_slice %arg3[%add3A_207] : memref<800000xi32, #tpu.memory_space<hbm>> -> memref<128xi32, #tpu.memory_space<hbm>>
        tpu.wait_dma2 semaphore(%run_scoped3A_224 : memref<!tpu.dma_semaphore, #tpu.memory_space<semaphore_mem>>) src(%dma_wait3A_228 : memref<128xi32, #tpu.memory_space<hbm>>) dst(%arg6 : memref<128xi32, #tpu.memory_space<vmem>>)
        tpu.yield
      }) : () -> ()
      "tpu.region"() ({
        %run_scoped3A_224 = tpu.sem_alloc : memref<!tpu.dma_semaphore, #tpu.memory_space<semaphore_mem>>
        %dma_start3A_225 = tpu.memref_slice %arg4[%add3A_207] : memref<800000xi32, #tpu.memory_space<hbm>> -> memref<128xi32, #tpu.memory_space<hbm>>
        %dma_start3A_226 = tpu.memref_slice %arg4[%add3A_207] : memref<800000xi32, #tpu.memory_space<hbm>> -> memref<128xi32, #tpu.memory_space<hbm>>
        tpu.enqueue_dma source(%dma_start3A_226 : memref<128xi32, #tpu.memory_space<hbm>>) target(%arg7 : memref<128xi32, #tpu.memory_space<vmem>>) target_semaphore(%run_scoped3A_224 : memref<!tpu.dma_semaphore, #tpu.memory_space<semaphore_mem>>)
        %dma_wait3A_227 = tpu.memref_slice %arg4[%add3A_207] : memref<800000xi32, #tpu.memory_space<hbm>> -> memref<128xi32, #tpu.memory_space<hbm>>
        %dma_wait3A_228 = tpu.memref_slice %arg4[%add3A_207] : memref<800000xi32, #tpu.memory_space<hbm>> -> memref<128xi32, #tpu.memory_space<hbm>>
        tpu.wait_dma2 semaphore(%run_scoped3A_224 : memref<!tpu.dma_semaphore, #tpu.memory_space<semaphore_mem>>) src(%dma_wait3A_228 : memref<128xi32, #tpu.memory_space<hbm>>) dst(%arg7 : memref<128xi32, #tpu.memory_space<vmem>>)
        tpu.yield
      }) : () -> ()
      %dma_start3A_208 = arith.constant 0 : i32
      %dma_start3A_209 = arith.constant 0 : i32
      %dma_start3A_210 = arith.constant 0 : i32
      %dma_start3A_211 = tpu.memref_slice %arg2[%dma_start3A_208, %dma_start3A_209, %dma_start3A_210] : memref<5x10240x128xf32, #tpu.memory_space<hbm>> -> memref<1x10240x128xf32, #tpu.memory_space<hbm>>
      %dma_start3A_212 = tpu.memref_squeeze %dma_start3A_211 : memref<1x10240x128xf32, #tpu.memory_space<hbm>> -> memref<10240x128xf32, #tpu.memory_space<hbm>>
      %dma_start3A_213 = arith.constant 0 : i32
      %dma_start3A_214 = arith.constant 0 : i32
      %dma_start3A_215 = tpu.memref_slice %dma_start3A_212[%dma_start3A_213, %dma_start3A_214] : memref<10240x128xf32, #tpu.memory_space<hbm>> -> memref<10240x128xf32, #tpu.memory_space<hbm>>
      tpu.enqueue_indirect_dma source(%dma_start3A_215 : memref<10240x128xf32, #tpu.memory_space<hbm>>) target(%arg8 : memref<128x128xf32, #tpu.memory_space<vmem>>) offsets(%arg6 : memref<128xi32, #tpu.memory_space<vmem>>) semaphore(%arg14 : memref<!tpu.dma_semaphore, #tpu.memory_space<semaphore_mem>>)
      %dma_wait3A_216 = arith.constant 0 : i32
      %dma_wait3A_217 = arith.constant 0 : i32
      %dma_wait3A_218 = arith.constant 0 : i32
      %dma_wait3A_219 = tpu.memref_slice %arg2[%dma_wait3A_216, %dma_wait3A_217, %dma_wait3A_218] : memref<5x10240x128xf32, #tpu.memory_space<hbm>> -> memref<1x10240x128xf32, #tpu.memory_space<hbm>>
      %dma_wait3A_220 = tpu.memref_squeeze %dma_wait3A_219 : memref<1x10240x128xf32, #tpu.memory_space<hbm>> -> memref<10240x128xf32, #tpu.memory_space<hbm>>
      %dma_wait3A_221 = arith.constant 0 : i32
      %dma_wait3A_222 = arith.constant 0 : i32
      %dma_wait3A_223 = tpu.memref_slice %dma_wait3A_220[%dma_wait3A_221, %dma_wait3A_222] : memref<10240x128xf32, #tpu.memory_space<hbm>> -> memref<10240x128xf32, #tpu.memory_space<hbm>>
      tpu.wait_indirect_dma semaphore(%arg14 : memref<!tpu.dma_semaphore, #tpu.memory_space<semaphore_mem>>) src(%dma_wait3A_223 : memref<10240x128xf32, #tpu.memory_space<hbm>>) dst(%arg8 : memref<128x128xf32, #tpu.memory_space<vmem>>)
      "tpu.region"() ({
        %run_scoped3A_224 = tpu.sem_alloc : memref<!tpu.dma_semaphore, #tpu.memory_space<semaphore_mem>>
        %dma_start3A_225 = arith.constant 0 : i32
        %dma_start3A_226 = arith.constant 0 : i32
        %dma_start3A_227 = tpu.memref_slice %arg13[%dma_start3A_225, %dma_start3A_226] : memref<10240x128xf32, #tpu.memory_space<vmem_shared>> -> memref<10240x128xf32, #tpu.memory_space<vmem_shared>>
        tpu.enqueue_indirect_dma source(%arg8 : memref<128x128xf32, #tpu.memory_space<vmem>>) target(%dma_start3A_227 : memref<10240x128xf32, #tpu.memory_space<vmem_shared>>) offsets(%arg7 : memref<128xi32, #tpu.memory_space<vmem>>) semaphore(%run_scoped3A_224 : memref<!tpu.dma_semaphore, #tpu.memory_space<semaphore_mem>>) {add = true}
        %dma_wait3A_228 = arith.constant 0 : i32
        %dma_wait3A_229 = arith.constant 0 : i32
        %dma_wait3A_230 = tpu.memref_slice %arg13[%dma_wait3A_228, %dma_wait3A_229] : memref<10240x128xf32, #tpu.memory_space<vmem_shared>> -> memref<10240x128xf32, #tpu.memory_space<vmem_shared>>
        tpu.wait_indirect_dma semaphore(%run_scoped3A_224 : memref<!tpu.dma_semaphore, #tpu.memory_space<semaphore_mem>>) src(%arg8 : memref<128x128xf32, #tpu.memory_space<vmem>>) dst(%dma_wait3A_230 : memref<10240x128xf32, #tpu.memory_space<vmem_shared>>)
        tpu.yield
      }) : () -> ()
    }
    %scan3A_26 = arith.constant 39 : i32
    %add3A_27 = arith.constant 0 : i32
    %add3A_28 = arith.addi %add3A_27, %add3A : i32
    %add3A_29 = arith.constant 4992 : i32
    %add3A_30 = arith.addi %add3A_28, %add3A_29 : i32
    "tpu.region"() ({
      %run_scoped3A_202 = tpu.sem_alloc : memref<!tpu.dma_semaphore, #tpu.memory_space<semaphore_mem>>
      %dma_start3A_203 = tpu.memref_slice %arg3[%add3A_30] : memref<800000xi32, #tpu.memory_space<hbm>> -> memref<8xi32, #tpu.memory_space<hbm>>
      %dma_start3A_204 = tpu.memref_slice %arg3[%add3A_30] : memref<800000xi32, #tpu.memory_space<hbm>> -> memref<8xi32, #tpu.memory_space<hbm>>
      tpu.enqueue_dma source(%dma_start3A_204 : memref<8xi32, #tpu.memory_space<hbm>>) target(%arg9 : memref<8xi32, #tpu.memory_space<vmem>>) target_semaphore(%run_scoped3A_202 : memref<!tpu.dma_semaphore, #tpu.memory_space<semaphore_mem>>)
      %dma_wait3A_205 = tpu.memref_slice %arg3[%add3A_30] : memref<800000xi32, #tpu.memory_space<hbm>> -> memref<8xi32, #tpu.memory_space<hbm>>
      %dma_wait3A_206 = tpu.memref_slice %arg3[%add3A_30] : memref<800000xi32, #tpu.memory_space<hbm>> -> memref<8xi32, #tpu.memory_space<hbm>>
      tpu.wait_dma2 semaphore(%run_scoped3A_202 : memref<!tpu.dma_semaphore, #tpu.memory_space<semaphore_mem>>) src(%dma_wait3A_206 : memref<8xi32, #tpu.memory_space<hbm>>) dst(%arg9 : memref<8xi32, #tpu.memory_space<vmem>>)
      tpu.yield
    }) : () -> ()
    "tpu.region"() ({
      %run_scoped3A_202 = tpu.sem_alloc : memref<!tpu.dma_semaphore, #tpu.memory_space<semaphore_mem>>
      %dma_start3A_203 = tpu.memref_slice %arg4[%add3A_30] : memref<800000xi32, #tpu.memory_space<hbm>> -> memref<8xi32, #tpu.memory_space<hbm>>
      %dma_start3A_204 = tpu.memref_slice %arg4[%add3A_30] : memref<800000xi32, #tpu.memory_space<hbm>> -> memref<8xi32, #tpu.memory_space<hbm>>
      tpu.enqueue_dma source(%dma_start3A_204 : memref<8xi32, #tpu.memory_space<hbm>>) target(%arg10 : memref<8xi32, #tpu.memory_space<vmem>>) target_semaphore(%run_scoped3A_202 : memref<!tpu.dma_semaphore, #tpu.memory_space<semaphore_mem>>)
      %dma_wait3A_205 = tpu.memref_slice %arg4[%add3A_30] : memref<800000xi32, #tpu.memory_space<hbm>> -> memref<8xi32, #tpu.memory_space<hbm>>
      %dma_wait3A_206 = tpu.memref_slice %arg4[%add3A_30] : memref<800000xi32, #tpu.memory_space<hbm>> -> memref<8xi32, #tpu.memory_space<hbm>>
      tpu.wait_dma2 semaphore(%run_scoped3A_202 : memref<!tpu.dma_semaphore, #tpu.memory_space<semaphore_mem>>) src(%dma_wait3A_206 : memref<8xi32, #tpu.memory_space<hbm>>) dst(%arg10 : memref<8xi32, #tpu.memory_space<vmem>>)
      tpu.yield
    }) : () -> ()
    %dma_start3A = arith.constant 0 : i32
    %dma_start3A_31 = arith.constant 0 : i32
    %dma_start3A_32 = arith.constant 0 : i32
    %dma_start3A_33 = tpu.memref_slice %arg2[%dma_start3A, %dma_start3A_31, %dma_start3A_32] : memref<5x10240x128xf32, #tpu.memory_space<hbm>> -> memref<1x10240x128xf32, #tpu.memory_space<hbm>>
    %dma_start3A_34 = tpu.memref_squeeze %dma_start3A_33 : memref<1x10240x128xf32, #tpu.memory_space<hbm>> -> memref<10240x128xf32, #tpu.memory_space<hbm>>
    %dma_start3A_35 = arith.constant 0 : i32
    %dma_start3A_36 = arith.constant 0 : i32
    %dma_start3A_37 = tpu.memref_slice %dma_start3A_34[%dma_start3A_35, %dma_start3A_36] : memref<10240x128xf32, #tpu.memory_space<hbm>> -> memref<10240x128xf32, #tpu.memory_space<hbm>>
    tpu.enqueue_indirect_dma source(%dma_start3A_37 : memref<10240x128xf32, #tpu.memory_space<hbm>>) target(%arg11 : memref<8x128xf32, #tpu.memory_space<vmem>>) offsets(%arg9 : memref<8xi32, #tpu.memory_space<vmem>>) semaphore(%arg14 : memref<!tpu.dma_semaphore, #tpu.memory_space<semaphore_mem>>)
    %dma_wait3A = arith.constant 0 : i32
    %dma_wait3A_38 = arith.constant 0 : i32
    %dma_wait3A_39 = arith.constant 0 : i32
    %dma_wait3A_40 = tpu.memref_slice %arg2[%dma_wait3A, %dma_wait3A_38, %dma_wait3A_39] : memref<5x10240x128xf32, #tpu.memory_space<hbm>> -> memref<1x10240x128xf32, #tpu.memory_space<hbm>>
    %dma_wait3A_41 = tpu.memref_squeeze %dma_wait3A_40 : memref<1x10240x128xf32, #tpu.memory_space<hbm>> -> memref<10240x128xf32, #tpu.memory_space<hbm>>
    %dma_wait3A_42 = arith.constant 0 : i32
    %dma_wait3A_43 = arith.constant 0 : i32
    %dma_wait3A_44 = tpu.memref_slice %dma_wait3A_41[%dma_wait3A_42, %dma_wait3A_43] : memref<10240x128xf32, #tpu.memory_space<hbm>> -> memref<10240x128xf32, #tpu.memory_space<hbm>>
    tpu.wait_indirect_dma semaphore(%arg14 : memref<!tpu.dma_semaphore, #tpu.memory_space<semaphore_mem>>) src(%dma_wait3A_44 : memref<10240x128xf32, #tpu.memory_space<hbm>>) dst(%arg11 : memref<8x128xf32, #tpu.memory_space<vmem>>)
    "tpu.region"() ({
      %run_scoped3A_202 = tpu.sem_alloc : memref<!tpu.dma_semaphore, #tpu.memory_space<semaphore_mem>>
      %dma_start3A_203 = arith.constant 0 : i32
      %dma_start3A_204 = arith.constant 0 : i32
      %dma_start3A_205 = tpu.memref_slice %arg13[%dma_start3A_203, %dma_start3A_204] : memref<10240x128xf32, #tpu.memory_space<vmem_shared>> -> memref<10240x128xf32, #tpu.memory_space<vmem_shared>>
      tpu.enqueue_indirect_dma source(%arg11 : memref<8x128xf32, #tpu.memory_space<vmem>>) target(%dma_start3A_205 : memref<10240x128xf32, #tpu.memory_space<vmem_shared>>) offsets(%arg10 : memref<8xi32, #tpu.memory_space<vmem>>) semaphore(%run_scoped3A_202 : memref<!tpu.dma_semaphore, #tpu.memory_space<semaphore_mem>>) {add = true}
      %dma_wait3A_206 = arith.constant 0 : i32
      %dma_wait3A_207 = arith.constant 0 : i32
      %dma_wait3A_208 = tpu.memref_slice %arg13[%dma_wait3A_206, %dma_wait3A_207] : memref<10240x128xf32, #tpu.memory_space<vmem_shared>> -> memref<10240x128xf32, #tpu.memory_space<vmem_shared>>
      tpu.wait_indirect_dma semaphore(%run_scoped3A_202 : memref<!tpu.dma_semaphore, #tpu.memory_space<semaphore_mem>>) src(%arg11 : memref<8x128xf32, #tpu.memory_space<vmem>>) dst(%dma_wait3A_208 : memref<10240x128xf32, #tpu.memory_space<vmem_shared>>)
      tpu.yield
    }) : () -> ()
    %barrier3A_45 = arith.constant 0 : index
    tpu.barrier barrier_id(%barrier3A_45)
    %run_scoped3A = arith.constant 0 : i32
    "tpu.region"() ({
      %run_scoped3A_202 = tpu.sem_alloc : memref<!tpu.dma_semaphore, #tpu.memory_space<semaphore_mem>>
      %dma_start3A_203 = arith.constant 0 : i32
      %dma_start3A_204 = tpu.memref_slice %arg5[%arg0, %run_scoped3A, %mul3A_4, %dma_start3A_203] : memref<2x5x10240x128xf32, #tpu.memory_space<hbm>> -> memref<1x1x640x128xf32, #tpu.memory_space<hbm>>
      %dma_start3A_205 = tpu.memref_squeeze %dma_start3A_204 : memref<1x1x640x128xf32, #tpu.memory_space<hbm>> -> memref<640x128xf32, #tpu.memory_space<hbm>>
      %dma_start3A_206 = arith.constant 0 : i32
      %dma_start3A_207 = tpu.memref_slice %arg13[%mul3A_4, %dma_start3A_206] : memref<10240x128xf32, #tpu.memory_space<vmem_shared>> -> memref<640x128xf32, #tpu.memory_space<vmem_shared>>
      tpu.enqueue_dma source(%dma_start3A_207 : memref<640x128xf32, #tpu.memory_space<vmem_shared>>) target(%dma_start3A_205 : memref<640x128xf32, #tpu.memory_space<hbm>>) target_semaphore(%run_scoped3A_202 : memref<!tpu.dma_semaphore, #tpu.memory_space<semaphore_mem>>)
      %dma_wait3A_208 = arith.constant 0 : i32
      %dma_wait3A_209 = tpu.memref_slice %arg5[%arg0, %run_scoped3A, %mul3A_4, %dma_wait3A_208] : memref<2x5x10240x128xf32, #tpu.memory_space<hbm>> -> memref<1x1x640x128xf32, #tpu.memory_space<hbm>>
      %dma_wait3A_210 = tpu.memref_squeeze %dma_wait3A_209 : memref<1x1x640x128xf32, #tpu.memory_space<hbm>> -> memref<640x128xf32, #tpu.memory_space<hbm>>
      %dma_wait3A_211 = arith.constant 0 : i32
      %dma_wait3A_212 = tpu.memref_slice %arg13[%mul3A_4, %dma_wait3A_211] : memref<10240x128xf32, #tpu.memory_space<vmem_shared>> -> memref<640x128xf32, #tpu.memory_space<vmem_shared>>
      tpu.wait_dma2 semaphore(%run_scoped3A_202 : memref<!tpu.dma_semaphore, #tpu.memory_space<semaphore_mem>>) src(%dma_wait3A_212 : memref<640x128xf32, #tpu.memory_space<vmem_shared>>) dst(%dma_wait3A_210 : memref<640x128xf32, #tpu.memory_space<hbm>>)
      tpu.yield
    }) : () -> ()
    %add3A_46 = arith.constant 0 : i32
    %add3A_47 = arith.addi %mul3A_4, %add3A_46 : i32
    "tpu.region"() ({
      %run_scoped3A_202 = tpu.sem_alloc : memref<!tpu.dma_semaphore, #tpu.memory_space<semaphore_mem>>
      %dma_start3A_203 = arith.constant 0 : i32
      %dma_start3A_204 = tpu.memref_slice %arg13[%add3A_47, %dma_start3A_203] : memref<10240x128xf32, #tpu.memory_space<vmem_shared>> -> memref<128x128xf32, #tpu.memory_space<vmem_shared>>
      %dma_start3A_205 = arith.constant 0 : i32
      %dma_start3A_206 = tpu.memref_slice %arg13[%add3A_47, %dma_start3A_205] : memref<10240x128xf32, #tpu.memory_space<vmem_shared>> -> memref<128x128xf32, #tpu.memory_space<vmem_shared>>
      tpu.enqueue_dma source(%arg12 : memref<128x128xf32, #tpu.memory_space<vmem>>) target(%dma_start3A_206 : memref<128x128xf32, #tpu.memory_space<vmem_shared>>) target_semaphore(%run_scoped3A_202 : memref<!tpu.dma_semaphore, #tpu.memory_space<semaphore_mem>>)
      %dma_wait3A_207 = arith.constant 0 : i32
      %dma_wait3A_208 = tpu.memref_slice %arg13[%add3A_47, %dma_wait3A_207] : memref<10240x128xf32, #tpu.memory_space<vmem_shared>> -> memref<128x128xf32, #tpu.memory_space<vmem_shared>>
      %dma_wait3A_209 = arith.constant 0 : i32
      %dma_wait3A_210 = tpu.memref_slice %arg13[%add3A_47, %dma_wait3A_209] : memref<10240x128xf32, #tpu.memory_space<vmem_shared>> -> memref<128x128xf32, #tpu.memory_space<vmem_shared>>
      tpu.wait_dma2 semaphore(%run_scoped3A_202 : memref<!tpu.dma_semaphore, #tpu.memory_space<semaphore_mem>>) src(%arg12 : memref<128x128xf32, #tpu.memory_space<vmem>>) dst(%dma_wait3A_210 : memref<128x128xf32, #tpu.memory_space<vmem_shared>>)
      tpu.yield
    }) : () -> ()
    %add3A_48 = arith.constant 128 : i32
    %add3A_49 = arith.addi %mul3A_4, %add3A_48 : i32
    "tpu.region"() ({
      %run_scoped3A_202 = tpu.sem_alloc : memref<!tpu.dma_semaphore, #tpu.memory_space<semaphore_mem>>
      %dma_start3A_203 = arith.constant 0 : i32
      %dma_start3A_204 = tpu.memref_slice %arg13[%add3A_49, %dma_start3A_203] : memref<10240x128xf32, #tpu.memory_space<vmem_shared>> -> memref<128x128xf32, #tpu.memory_space<vmem_shared>>
      %dma_start3A_205 = arith.constant 0 : i32
      %dma_start3A_206 = tpu.memref_slice %arg13[%add3A_49, %dma_start3A_205] : memref<10240x128xf32, #tpu.memory_space<vmem_shared>> -> memref<128x128xf32, #tpu.memory_space<vmem_shared>>
      tpu.enqueue_dma source(%arg12 : memref<128x128xf32, #tpu.memory_space<vmem>>) target(%dma_start3A_206 : memref<128x128xf32, #tpu.memory_space<vmem_shared>>) target_semaphore(%run_scoped3A_202 : memref<!tpu.dma_semaphore, #tpu.memory_space<semaphore_mem>>)
      %dma_wait3A_207 = arith.constant 0 : i32
      %dma_wait3A_208 = tpu.memref_slice %arg13[%add3A_49, %dma_wait3A_207] : memref<10240x128xf32, #tpu.memory_space<vmem_shared>> -> memref<128x128xf32, #tpu.memory_space<vmem_shared>>
      %dma_wait3A_209 = arith.constant 0 : i32
      %dma_wait3A_210 = tpu.memref_slice %arg13[%add3A_49, %dma_wait3A_209] : memref<10240x128xf32, #tpu.memory_space<vmem_shared>> -> memref<128x128xf32, #tpu.memory_space<vmem_shared>>
      tpu.wait_dma2 semaphore(%run_scoped3A_202 : memref<!tpu.dma_semaphore, #tpu.memory_space<semaphore_mem>>) src(%arg12 : memref<128x128xf32, #tpu.memory_space<vmem>>) dst(%dma_wait3A_210 : memref<128x128xf32, #tpu.memory_space<vmem_shared>>)
      tpu.yield
    }) : () -> ()
    %add3A_50 = arith.constant 256 : i32
    %add3A_51 = arith.addi %mul3A_4, %add3A_50 : i32
    "tpu.region"() ({
      %run_scoped3A_202 = tpu.sem_alloc : memref<!tpu.dma_semaphore, #tpu.memory_space<semaphore_mem>>
      %dma_start3A_203 = arith.constant 0 : i32
      %dma_start3A_204 = tpu.memref_slice %arg13[%add3A_51, %dma_start3A_203] : memref<10240x128xf32, #tpu.memory_space<vmem_shared>> -> memref<128x128xf32, #tpu.memory_space<vmem_shared>>
      %dma_start3A_205 = arith.constant 0 : i32
      %dma_start3A_206 = tpu.memref_slice %arg13[%add3A_51, %dma_start3A_205] : memref<10240x128xf32, #tpu.memory_space<vmem_shared>> -> memref<128x128xf32, #tpu.memory_space<vmem_shared>>
      tpu.enqueue_dma source(%arg12 : memref<128x128xf32, #tpu.memory_space<vmem>>) target(%dma_start3A_206 : memref<128x128xf32, #tpu.memory_space<vmem_shared>>) target_semaphore(%run_scoped3A_202 : memref<!tpu.dma_semaphore, #tpu.memory_space<semaphore_mem>>)
      %dma_wait3A_207 = arith.constant 0 : i32
      %dma_wait3A_208 = tpu.memref_slice %arg13[%add3A_51, %dma_wait3A_207] : memref<10240x128xf32, #tpu.memory_space<vmem_shared>> -> memref<128x128xf32, #tpu.memory_space<vmem_shared>>
      %dma_wait3A_209 = arith.constant 0 : i32
      %dma_wait3A_210 = tpu.memref_slice %arg13[%add3A_51, %dma_wait3A_209] : memref<10240x128xf32, #tpu.memory_space<vmem_shared>> -> memref<128x128xf32, #tpu.memory_space<vmem_shared>>
      tpu.wait_dma2 semaphore(%run_scoped3A_202 : memref<!tpu.dma_semaphore, #tpu.memory_space<semaphore_mem>>) src(%arg12 : memref<128x128xf32, #tpu.memory_space<vmem>>) dst(%dma_wait3A_210 : memref<128x128xf32, #tpu.memory_space<vmem_shared>>)
      tpu.yield
    }) : () -> ()
    %add3A_52 = arith.constant 384 : i32
    %add3A_53 = arith.addi %mul3A_4, %add3A_52 : i32
    "tpu.region"() ({
      %run_scoped3A_202 = tpu.sem_alloc : memref<!tpu.dma_semaphore, #tpu.memory_space<semaphore_mem>>
      %dma_start3A_203 = arith.constant 0 : i32
      %dma_start3A_204 = tpu.memref_slice %arg13[%add3A_53, %dma_start3A_203] : memref<10240x128xf32, #tpu.memory_space<vmem_shared>> -> memref<128x128xf32, #tpu.memory_space<vmem_shared>>
      %dma_start3A_205 = arith.constant 0 : i32
      %dma_start3A_206 = tpu.memref_slice %arg13[%add3A_53, %dma_start3A_205] : memref<10240x128xf32, #tpu.memory_space<vmem_shared>> -> memref<128x128xf32, #tpu.memory_space<vmem_shared>>
      tpu.enqueue_dma source(%arg12 : memref<128x128xf32, #tpu.memory_space<vmem>>) target(%dma_start3A_206 : memref<128x128xf32, #tpu.memory_space<vmem_shared>>) target_semaphore(%run_scoped3A_202 : memref<!tpu.dma_semaphore, #tpu.memory_space<semaphore_mem>>)
      %dma_wait3A_207 = arith.constant 0 : i32
      %dma_wait3A_208 = tpu.memref_slice %arg13[%add3A_53, %dma_wait3A_207] : memref<10240x128xf32, #tpu.memory_space<vmem_shared>> -> memref<128x128xf32, #tpu.memory_space<vmem_shared>>
      %dma_wait3A_209 = arith.constant 0 : i32
      %dma_wait3A_210 = tpu.memref_slice %arg13[%add3A_53, %dma_wait3A_209] : memref<10240x128xf32, #tpu.memory_space<vmem_shared>> -> memref<128x128xf32, #tpu.memory_space<vmem_shared>>
      tpu.wait_dma2 semaphore(%run_scoped3A_202 : memref<!tpu.dma_semaphore, #tpu.memory_space<semaphore_mem>>) src(%arg12 : memref<128x128xf32, #tpu.memory_space<vmem>>) dst(%dma_wait3A_210 : memref<128x128xf32, #tpu.memory_space<vmem_shared>>)
      tpu.yield
    }) : () -> ()
    %add3A_54 = arith.constant 512 : i32
    %add3A_55 = arith.addi %mul3A_4, %add3A_54 : i32
    "tpu.region"() ({
      %run_scoped3A_202 = tpu.sem_alloc : memref<!tpu.dma_semaphore, #tpu.memory_space<semaphore_mem>>
      %dma_start3A_203 = arith.constant 0 : i32
      %dma_start3A_204 = tpu.memref_slice %arg13[%add3A_55, %dma_start3A_203] : memref<10240x128xf32, #tpu.memory_space<vmem_shared>> -> memref<128x128xf32, #tpu.memory_space<vmem_shared>>
      %dma_start3A_205 = arith.constant 0 : i32
      %dma_start3A_206 = tpu.memref_slice %arg13[%add3A_55, %dma_start3A_205] : memref<10240x128xf32, #tpu.memory_space<vmem_shared>> -> memref<128x128xf32, #tpu.memory_space<vmem_shared>>
      tpu.enqueue_dma source(%arg12 : memref<128x128xf32, #tpu.memory_space<vmem>>) target(%dma_start3A_206 : memref<128x128xf32, #tpu.memory_space<vmem_shared>>) target_semaphore(%run_scoped3A_202 : memref<!tpu.dma_semaphore, #tpu.memory_space<semaphore_mem>>)
      %dma_wait3A_207 = arith.constant 0 : i32
      %dma_wait3A_208 = tpu.memref_slice %arg13[%add3A_55, %dma_wait3A_207] : memref<10240x128xf32, #tpu.memory_space<vmem_shared>> -> memref<128x128xf32, #tpu.memory_space<vmem_shared>>
      %dma_wait3A_209 = arith.constant 0 : i32
      %dma_wait3A_210 = tpu.memref_slice %arg13[%add3A_55, %dma_wait3A_209] : memref<10240x128xf32, #tpu.memory_space<vmem_shared>> -> memref<128x128xf32, #tpu.memory_space<vmem_shared>>
      tpu.wait_dma2 semaphore(%run_scoped3A_202 : memref<!tpu.dma_semaphore, #tpu.memory_space<semaphore_mem>>) src(%arg12 : memref<128x128xf32, #tpu.memory_space<vmem>>) dst(%dma_wait3A_210 : memref<128x128xf32, #tpu.memory_space<vmem_shared>>)
      tpu.yield
    }) : () -> ()
    %barrier3A_56 = arith.constant 0 : index
    tpu.barrier barrier_id(%barrier3A_56)
    %scan3A_57 = arith.constant 0 : i32
    %scan3A_58 = arith.constant 0 : i32
    %scan3A_59 = arith.constant 39 : i32
    %scan3A_60 = arith.addi %scan3A_58, %scan3A_59 : i32
    %scan3A_61 = arith.constant 1 : i32
    scf.for %scan3A_202 = %scan3A_58 to %scan3A_60 step %scan3A_61  : i32 {
      %add3A_203 = arith.constant 160000 : i32
      %add3A_204 = arith.addi %add3A_203, %add3A : i32
      %mul3A_205 = arith.constant 128 : i32
      %mul3A_206 = arith.muli %scan3A_202, %mul3A_205 : i32
      %add3A_207 = arith.addi %add3A_204, %mul3A_206 : i32
      "tpu.region"() ({
        %run_scoped3A_224 = tpu.sem_alloc : memref<!tpu.dma_semaphore, #tpu.memory_space<semaphore_mem>>
        %dma_start3A_225 = tpu.memref_slice %arg3[%add3A_207] : memref<800000xi32, #tpu.memory_space<hbm>> -> memref<128xi32, #tpu.memory_space<hbm>>
        %dma_start3A_226 = tpu.memref_slice %arg3[%add3A_207] : memref<800000xi32, #tpu.memory_space<hbm>> -> memref<128xi32, #tpu.memory_space<hbm>>
        tpu.enqueue_dma source(%dma_start3A_226 : memref<128xi32, #tpu.memory_space<hbm>>) target(%arg6 : memref<128xi32, #tpu.memory_space<vmem>>) target_semaphore(%run_scoped3A_224 : memref<!tpu.dma_semaphore, #tpu.memory_space<semaphore_mem>>)
        %dma_wait3A_227 = tpu.memref_slice %arg3[%add3A_207] : memref<800000xi32, #tpu.memory_space<hbm>> -> memref<128xi32, #tpu.memory_space<hbm>>
        %dma_wait3A_228 = tpu.memref_slice %arg3[%add3A_207] : memref<800000xi32, #tpu.memory_space<hbm>> -> memref<128xi32, #tpu.memory_space<hbm>>
        tpu.wait_dma2 semaphore(%run_scoped3A_224 : memref<!tpu.dma_semaphore, #tpu.memory_space<semaphore_mem>>) src(%dma_wait3A_228 : memref<128xi32, #tpu.memory_space<hbm>>) dst(%arg6 : memref<128xi32, #tpu.memory_space<vmem>>)
        tpu.yield
      }) : () -> ()
      "tpu.region"() ({
        %run_scoped3A_224 = tpu.sem_alloc : memref<!tpu.dma_semaphore, #tpu.memory_space<semaphore_mem>>
        %dma_start3A_225 = tpu.memref_slice %arg4[%add3A_207] : memref<800000xi32, #tpu.memory_space<hbm>> -> memref<128xi32, #tpu.memory_space<hbm>>
        %dma_start3A_226 = tpu.memref_slice %arg4[%add3A_207] : memref<800000xi32, #tpu.memory_space<hbm>> -> memref<128xi32, #tpu.memory_space<hbm>>
        tpu.enqueue_dma source(%dma_start3A_226 : memref<128xi32, #tpu.memory_space<hbm>>) target(%arg7 : memref<128xi32, #tpu.memory_space<vmem>>) target_semaphore(%run_scoped3A_224 : memref<!tpu.dma_semaphore, #tpu.memory_space<semaphore_mem>>)
        %dma_wait3A_227 = tpu.memref_slice %arg4[%add3A_207] : memref<800000xi32, #tpu.memory_space<hbm>> -> memref<128xi32, #tpu.memory_space<hbm>>
        %dma_wait3A_228 = tpu.memref_slice %arg4[%add3A_207] : memref<800000xi32, #tpu.memory_space<hbm>> -> memref<128xi32, #tpu.memory_space<hbm>>
        tpu.wait_dma2 semaphore(%run_scoped3A_224 : memref<!tpu.dma_semaphore, #tpu.memory_space<semaphore_mem>>) src(%dma_wait3A_228 : memref<128xi32, #tpu.memory_space<hbm>>) dst(%arg7 : memref<128xi32, #tpu.memory_space<vmem>>)
        tpu.yield
      }) : () -> ()
      %dma_start3A_208 = arith.constant 1 : i32
      %dma_start3A_209 = arith.constant 0 : i32
      %dma_start3A_210 = arith.constant 0 : i32
      %dma_start3A_211 = tpu.memref_slice %arg2[%dma_start3A_208, %dma_start3A_209, %dma_start3A_210] : memref<5x10240x128xf32, #tpu.memory_space<hbm>> -> memref<1x10240x128xf32, #tpu.memory_space<hbm>>
      %dma_start3A_212 = tpu.memref_squeeze %dma_start3A_211 : memref<1x10240x128xf32, #tpu.memory_space<hbm>> -> memref<10240x128xf32, #tpu.memory_space<hbm>>
      %dma_start3A_213 = arith.constant 0 : i32
      %dma_start3A_214 = arith.constant 0 : i32
      %dma_start3A_215 = tpu.memref_slice %dma_start3A_212[%dma_start3A_213, %dma_start3A_214] : memref<10240x128xf32, #tpu.memory_space<hbm>> -> memref<10240x128xf32, #tpu.memory_space<hbm>>
      tpu.enqueue_indirect_dma source(%dma_start3A_215 : memref<10240x128xf32, #tpu.memory_space<hbm>>) target(%arg8 : memref<128x128xf32, #tpu.memory_space<vmem>>) offsets(%arg6 : memref<128xi32, #tpu.memory_space<vmem>>) semaphore(%arg14 : memref<!tpu.dma_semaphore, #tpu.memory_space<semaphore_mem>>)
      %dma_wait3A_216 = arith.constant 1 : i32
      %dma_wait3A_217 = arith.constant 0 : i32
      %dma_wait3A_218 = arith.constant 0 : i32
      %dma_wait3A_219 = tpu.memref_slice %arg2[%dma_wait3A_216, %dma_wait3A_217, %dma_wait3A_218] : memref<5x10240x128xf32, #tpu.memory_space<hbm>> -> memref<1x10240x128xf32, #tpu.memory_space<hbm>>
      %dma_wait3A_220 = tpu.memref_squeeze %dma_wait3A_219 : memref<1x10240x128xf32, #tpu.memory_space<hbm>> -> memref<10240x128xf32, #tpu.memory_space<hbm>>
      %dma_wait3A_221 = arith.constant 0 : i32
      %dma_wait3A_222 = arith.constant 0 : i32
      %dma_wait3A_223 = tpu.memref_slice %dma_wait3A_220[%dma_wait3A_221, %dma_wait3A_222] : memref<10240x128xf32, #tpu.memory_space<hbm>> -> memref<10240x128xf32, #tpu.memory_space<hbm>>
      tpu.wait_indirect_dma semaphore(%arg14 : memref<!tpu.dma_semaphore, #tpu.memory_space<semaphore_mem>>) src(%dma_wait3A_223 : memref<10240x128xf32, #tpu.memory_space<hbm>>) dst(%arg8 : memref<128x128xf32, #tpu.memory_space<vmem>>)
      "tpu.region"() ({
        %run_scoped3A_224 = tpu.sem_alloc : memref<!tpu.dma_semaphore, #tpu.memory_space<semaphore_mem>>
        %dma_start3A_225 = arith.constant 0 : i32
        %dma_start3A_226 = arith.constant 0 : i32
        %dma_start3A_227 = tpu.memref_slice %arg13[%dma_start3A_225, %dma_start3A_226] : memref<10240x128xf32, #tpu.memory_space<vmem_shared>> -> memref<10240x128xf32, #tpu.memory_space<vmem_shared>>
        tpu.enqueue_indirect_dma source(%arg8 : memref<128x128xf32, #tpu.memory_space<vmem>>) target(%dma_start3A_227 : memref<10240x128xf32, #tpu.memory_space<vmem_shared>>) offsets(%arg7 : memref<128xi32, #tpu.memory_space<vmem>>) semaphore(%run_scoped3A_224 : memref<!tpu.dma_semaphore, #tpu.memory_space<semaphore_mem>>) {add = true}
        %dma_wait3A_228 = arith.constant 0 : i32
        %dma_wait3A_229 = arith.constant 0 : i32
        %dma_wait3A_230 = tpu.memref_slice %arg13[%dma_wait3A_228, %dma_wait3A_229] : memref<10240x128xf32, #tpu.memory_space<vmem_shared>> -> memref<10240x128xf32, #tpu.memory_space<vmem_shared>>
        tpu.wait_indirect_dma semaphore(%run_scoped3A_224 : memref<!tpu.dma_semaphore, #tpu.memory_space<semaphore_mem>>) src(%arg8 : memref<128x128xf32, #tpu.memory_space<vmem>>) dst(%dma_wait3A_230 : memref<10240x128xf32, #tpu.memory_space<vmem_shared>>)
        tpu.yield
      }) : () -> ()
    }
    %scan3A_62 = arith.constant 39 : i32
    %add3A_63 = arith.constant 160000 : i32
    %add3A_64 = arith.addi %add3A_63, %add3A : i32
    %add3A_65 = arith.constant 4992 : i32
    %add3A_66 = arith.addi %add3A_64, %add3A_65 : i32
    "tpu.region"() ({
      %run_scoped3A_202 = tpu.sem_alloc : memref<!tpu.dma_semaphore, #tpu.memory_space<semaphore_mem>>
      %dma_start3A_203 = tpu.memref_slice %arg3[%add3A_66] : memref<800000xi32, #tpu.memory_space<hbm>> -> memref<8xi32, #tpu.memory_space<hbm>>
      %dma_start3A_204 = tpu.memref_slice %arg3[%add3A_66] : memref<800000xi32, #tpu.memory_space<hbm>> -> memref<8xi32, #tpu.memory_space<hbm>>
      tpu.enqueue_dma source(%dma_start3A_204 : memref<8xi32, #tpu.memory_space<hbm>>) target(%arg9 : memref<8xi32, #tpu.memory_space<vmem>>) target_semaphore(%run_scoped3A_202 : memref<!tpu.dma_semaphore, #tpu.memory_space<semaphore_mem>>)
      %dma_wait3A_205 = tpu.memref_slice %arg3[%add3A_66] : memref<800000xi32, #tpu.memory_space<hbm>> -> memref<8xi32, #tpu.memory_space<hbm>>
      %dma_wait3A_206 = tpu.memref_slice %arg3[%add3A_66] : memref<800000xi32, #tpu.memory_space<hbm>> -> memref<8xi32, #tpu.memory_space<hbm>>
      tpu.wait_dma2 semaphore(%run_scoped3A_202 : memref<!tpu.dma_semaphore, #tpu.memory_space<semaphore_mem>>) src(%dma_wait3A_206 : memref<8xi32, #tpu.memory_space<hbm>>) dst(%arg9 : memref<8xi32, #tpu.memory_space<vmem>>)
      tpu.yield
    }) : () -> ()
    "tpu.region"() ({
      %run_scoped3A_202 = tpu.sem_alloc : memref<!tpu.dma_semaphore, #tpu.memory_space<semaphore_mem>>
      %dma_start3A_203 = tpu.memref_slice %arg4[%add3A_66] : memref<800000xi32, #tpu.memory_space<hbm>> -> memref<8xi32, #tpu.memory_space<hbm>>
      %dma_start3A_204 = tpu.memref_slice %arg4[%add3A_66] : memref<800000xi32, #tpu.memory_space<hbm>> -> memref<8xi32, #tpu.memory_space<hbm>>
      tpu.enqueue_dma source(%dma_start3A_204 : memref<8xi32, #tpu.memory_space<hbm>>) target(%arg10 : memref<8xi32, #tpu.memory_space<vmem>>) target_semaphore(%run_scoped3A_202 : memref<!tpu.dma_semaphore, #tpu.memory_space<semaphore_mem>>)
      %dma_wait3A_205 = tpu.memref_slice %arg4[%add3A_66] : memref<800000xi32, #tpu.memory_space<hbm>> -> memref<8xi32, #tpu.memory_space<hbm>>
      %dma_wait3A_206 = tpu.memref_slice %arg4[%add3A_66] : memref<800000xi32, #tpu.memory_space<hbm>> -> memref<8xi32, #tpu.memory_space<hbm>>
      tpu.wait_dma2 semaphore(%run_scoped3A_202 : memref<!tpu.dma_semaphore, #tpu.memory_space<semaphore_mem>>) src(%dma_wait3A_206 : memref<8xi32, #tpu.memory_space<hbm>>) dst(%arg10 : memref<8xi32, #tpu.memory_space<vmem>>)
      tpu.yield
    }) : () -> ()
    %dma_start3A_67 = arith.constant 1 : i32
    %dma_start3A_68 = arith.constant 0 : i32
    %dma_start3A_69 = arith.constant 0 : i32
    %dma_start3A_70 = tpu.memref_slice %arg2[%dma_start3A_67, %dma_start3A_68, %dma_start3A_69] : memref<5x10240x128xf32, #tpu.memory_space<hbm>> -> memref<1x10240x128xf32, #tpu.memory_space<hbm>>
    %dma_start3A_71 = tpu.memref_squeeze %dma_start3A_70 : memref<1x10240x128xf32, #tpu.memory_space<hbm>> -> memref<10240x128xf32, #tpu.memory_space<hbm>>
    %dma_start3A_72 = arith.constant 0 : i32
    %dma_start3A_73 = arith.constant 0 : i32
    %dma_start3A_74 = tpu.memref_slice %dma_start3A_71[%dma_start3A_72, %dma_start3A_73] : memref<10240x128xf32, #tpu.memory_space<hbm>> -> memref<10240x128xf32, #tpu.memory_space<hbm>>
    tpu.enqueue_indirect_dma source(%dma_start3A_74 : memref<10240x128xf32, #tpu.memory_space<hbm>>) target(%arg11 : memref<8x128xf32, #tpu.memory_space<vmem>>) offsets(%arg9 : memref<8xi32, #tpu.memory_space<vmem>>) semaphore(%arg14 : memref<!tpu.dma_semaphore, #tpu.memory_space<semaphore_mem>>)
    %dma_wait3A_75 = arith.constant 1 : i32
    %dma_wait3A_76 = arith.constant 0 : i32
    %dma_wait3A_77 = arith.constant 0 : i32
    %dma_wait3A_78 = tpu.memref_slice %arg2[%dma_wait3A_75, %dma_wait3A_76, %dma_wait3A_77] : memref<5x10240x128xf32, #tpu.memory_space<hbm>> -> memref<1x10240x128xf32, #tpu.memory_space<hbm>>
    %dma_wait3A_79 = tpu.memref_squeeze %dma_wait3A_78 : memref<1x10240x128xf32, #tpu.memory_space<hbm>> -> memref<10240x128xf32, #tpu.memory_space<hbm>>
    %dma_wait3A_80 = arith.constant 0 : i32
    %dma_wait3A_81 = arith.constant 0 : i32
    %dma_wait3A_82 = tpu.memref_slice %dma_wait3A_79[%dma_wait3A_80, %dma_wait3A_81] : memref<10240x128xf32, #tpu.memory_space<hbm>> -> memref<10240x128xf32, #tpu.memory_space<hbm>>
    tpu.wait_indirect_dma semaphore(%arg14 : memref<!tpu.dma_semaphore, #tpu.memory_space<semaphore_mem>>) src(%dma_wait3A_82 : memref<10240x128xf32, #tpu.memory_space<hbm>>) dst(%arg11 : memref<8x128xf32, #tpu.memory_space<vmem>>)
    "tpu.region"() ({
      %run_scoped3A_202 = tpu.sem_alloc : memref<!tpu.dma_semaphore, #tpu.memory_space<semaphore_mem>>
      %dma_start3A_203 = arith.constant 0 : i32
      %dma_start3A_204 = arith.constant 0 : i32
      %dma_start3A_205 = tpu.memref_slice %arg13[%dma_start3A_203, %dma_start3A_204] : memref<10240x128xf32, #tpu.memory_space<vmem_shared>> -> memref<10240x128xf32, #tpu.memory_space<vmem_shared>>
      tpu.enqueue_indirect_dma source(%arg11 : memref<8x128xf32, #tpu.memory_space<vmem>>) target(%dma_start3A_205 : memref<10240x128xf32, #tpu.memory_space<vmem_shared>>) offsets(%arg10 : memref<8xi32, #tpu.memory_space<vmem>>) semaphore(%run_scoped3A_202 : memref<!tpu.dma_semaphore, #tpu.memory_space<semaphore_mem>>) {add = true}
      %dma_wait3A_206 = arith.constant 0 : i32
      %dma_wait3A_207 = arith.constant 0 : i32
      %dma_wait3A_208 = tpu.memref_slice %arg13[%dma_wait3A_206, %dma_wait3A_207] : memref<10240x128xf32, #tpu.memory_space<vmem_shared>> -> memref<10240x128xf32, #tpu.memory_space<vmem_shared>>
      tpu.wait_indirect_dma semaphore(%run_scoped3A_202 : memref<!tpu.dma_semaphore, #tpu.memory_space<semaphore_mem>>) src(%arg11 : memref<8x128xf32, #tpu.memory_space<vmem>>) dst(%dma_wait3A_208 : memref<10240x128xf32, #tpu.memory_space<vmem_shared>>)
      tpu.yield
    }) : () -> ()
    %barrier3A_83 = arith.constant 0 : index
    tpu.barrier barrier_id(%barrier3A_83)
    %run_scoped3A_84 = arith.constant 1 : i32
    "tpu.region"() ({
      %run_scoped3A_202 = tpu.sem_alloc : memref<!tpu.dma_semaphore, #tpu.memory_space<semaphore_mem>>
      %dma_start3A_203 = arith.constant 0 : i32
      %dma_start3A_204 = tpu.memref_slice %arg5[%arg0, %run_scoped3A_84, %mul3A_4, %dma_start3A_203] : memref<2x5x10240x128xf32, #tpu.memory_space<hbm>> -> memref<1x1x640x128xf32, #tpu.memory_space<hbm>>
      %dma_start3A_205 = tpu.memref_squeeze %dma_start3A_204 : memref<1x1x640x128xf32, #tpu.memory_space<hbm>> -> memref<640x128xf32, #tpu.memory_space<hbm>>
      %dma_start3A_206 = arith.constant 0 : i32
      %dma_start3A_207 = tpu.memref_slice %arg13[%mul3A_4, %dma_start3A_206] : memref<10240x128xf32, #tpu.memory_space<vmem_shared>> -> memref<640x128xf32, #tpu.memory_space<vmem_shared>>
      tpu.enqueue_dma source(%dma_start3A_207 : memref<640x128xf32, #tpu.memory_space<vmem_shared>>) target(%dma_start3A_205 : memref<640x128xf32, #tpu.memory_space<hbm>>) target_semaphore(%run_scoped3A_202 : memref<!tpu.dma_semaphore, #tpu.memory_space<semaphore_mem>>)
      %dma_wait3A_208 = arith.constant 0 : i32
      %dma_wait3A_209 = tpu.memref_slice %arg5[%arg0, %run_scoped3A_84, %mul3A_4, %dma_wait3A_208] : memref<2x5x10240x128xf32, #tpu.memory_space<hbm>> -> memref<1x1x640x128xf32, #tpu.memory_space<hbm>>
      %dma_wait3A_210 = tpu.memref_squeeze %dma_wait3A_209 : memref<1x1x640x128xf32, #tpu.memory_space<hbm>> -> memref<640x128xf32, #tpu.memory_space<hbm>>
      %dma_wait3A_211 = arith.constant 0 : i32
      %dma_wait3A_212 = tpu.memref_slice %arg13[%mul3A_4, %dma_wait3A_211] : memref<10240x128xf32, #tpu.memory_space<vmem_shared>> -> memref<640x128xf32, #tpu.memory_space<vmem_shared>>
      tpu.wait_dma2 semaphore(%run_scoped3A_202 : memref<!tpu.dma_semaphore, #tpu.memory_space<semaphore_mem>>) src(%dma_wait3A_212 : memref<640x128xf32, #tpu.memory_space<vmem_shared>>) dst(%dma_wait3A_210 : memref<640x128xf32, #tpu.memory_space<hbm>>)
      tpu.yield
    }) : () -> ()
    %add3A_85 = arith.constant 0 : i32
    %add3A_86 = arith.addi %mul3A_4, %add3A_85 : i32
    "tpu.region"() ({
      %run_scoped3A_202 = tpu.sem_alloc : memref<!tpu.dma_semaphore, #tpu.memory_space<semaphore_mem>>
      %dma_start3A_203 = arith.constant 0 : i32
      %dma_start3A_204 = tpu.memref_slice %arg13[%add3A_86, %dma_start3A_203] : memref<10240x128xf32, #tpu.memory_space<vmem_shared>> -> memref<128x128xf32, #tpu.memory_space<vmem_shared>>
      %dma_start3A_205 = arith.constant 0 : i32
      %dma_start3A_206 = tpu.memref_slice %arg13[%add3A_86, %dma_start3A_205] : memref<10240x128xf32, #tpu.memory_space<vmem_shared>> -> memref<128x128xf32, #tpu.memory_space<vmem_shared>>
      tpu.enqueue_dma source(%arg12 : memref<128x128xf32, #tpu.memory_space<vmem>>) target(%dma_start3A_206 : memref<128x128xf32, #tpu.memory_space<vmem_shared>>) target_semaphore(%run_scoped3A_202 : memref<!tpu.dma_semaphore, #tpu.memory_space<semaphore_mem>>)
      %dma_wait3A_207 = arith.constant 0 : i32
      %dma_wait3A_208 = tpu.memref_slice %arg13[%add3A_86, %dma_wait3A_207] : memref<10240x128xf32, #tpu.memory_space<vmem_shared>> -> memref<128x128xf32, #tpu.memory_space<vmem_shared>>
      %dma_wait3A_209 = arith.constant 0 : i32
      %dma_wait3A_210 = tpu.memref_slice %arg13[%add3A_86, %dma_wait3A_209] : memref<10240x128xf32, #tpu.memory_space<vmem_shared>> -> memref<128x128xf32, #tpu.memory_space<vmem_shared>>
      tpu.wait_dma2 semaphore(%run_scoped3A_202 : memref<!tpu.dma_semaphore, #tpu.memory_space<semaphore_mem>>) src(%arg12 : memref<128x128xf32, #tpu.memory_space<vmem>>) dst(%dma_wait3A_210 : memref<128x128xf32, #tpu.memory_space<vmem_shared>>)
      tpu.yield
    }) : () -> ()
    %add3A_87 = arith.constant 128 : i32
    %add3A_88 = arith.addi %mul3A_4, %add3A_87 : i32
    "tpu.region"() ({
      %run_scoped3A_202 = tpu.sem_alloc : memref<!tpu.dma_semaphore, #tpu.memory_space<semaphore_mem>>
      %dma_start3A_203 = arith.constant 0 : i32
      %dma_start3A_204 = tpu.memref_slice %arg13[%add3A_88, %dma_start3A_203] : memref<10240x128xf32, #tpu.memory_space<vmem_shared>> -> memref<128x128xf32, #tpu.memory_space<vmem_shared>>
      %dma_start3A_205 = arith.constant 0 : i32
      %dma_start3A_206 = tpu.memref_slice %arg13[%add3A_88, %dma_start3A_205] : memref<10240x128xf32, #tpu.memory_space<vmem_shared>> -> memref<128x128xf32, #tpu.memory_space<vmem_shared>>
      tpu.enqueue_dma source(%arg12 : memref<128x128xf32, #tpu.memory_space<vmem>>) target(%dma_start3A_206 : memref<128x128xf32, #tpu.memory_space<vmem_shared>>) target_semaphore(%run_scoped3A_202 : memref<!tpu.dma_semaphore, #tpu.memory_space<semaphore_mem>>)
      %dma_wait3A_207 = arith.constant 0 : i32
      %dma_wait3A_208 = tpu.memref_slice %arg13[%add3A_88, %dma_wait3A_207] : memref<10240x128xf32, #tpu.memory_space<vmem_shared>> -> memref<128x128xf32, #tpu.memory_space<vmem_shared>>
      %dma_wait3A_209 = arith.constant 0 : i32
      %dma_wait3A_210 = tpu.memref_slice %arg13[%add3A_88, %dma_wait3A_209] : memref<10240x128xf32, #tpu.memory_space<vmem_shared>> -> memref<128x128xf32, #tpu.memory_space<vmem_shared>>
      tpu.wait_dma2 semaphore(%run_scoped3A_202 : memref<!tpu.dma_semaphore, #tpu.memory_space<semaphore_mem>>) src(%arg12 : memref<128x128xf32, #tpu.memory_space<vmem>>) dst(%dma_wait3A_210 : memref<128x128xf32, #tpu.memory_space<vmem_shared>>)
      tpu.yield
    }) : () -> ()
    %add3A_89 = arith.constant 256 : i32
    %add3A_90 = arith.addi %mul3A_4, %add3A_89 : i32
    "tpu.region"() ({
      %run_scoped3A_202 = tpu.sem_alloc : memref<!tpu.dma_semaphore, #tpu.memory_space<semaphore_mem>>
      %dma_start3A_203 = arith.constant 0 : i32
      %dma_start3A_204 = tpu.memref_slice %arg13[%add3A_90, %dma_start3A_203] : memref<10240x128xf32, #tpu.memory_space<vmem_shared>> -> memref<128x128xf32, #tpu.memory_space<vmem_shared>>
      %dma_start3A_205 = arith.constant 0 : i32
      %dma_start3A_206 = tpu.memref_slice %arg13[%add3A_90, %dma_start3A_205] : memref<10240x128xf32, #tpu.memory_space<vmem_shared>> -> memref<128x128xf32, #tpu.memory_space<vmem_shared>>
      tpu.enqueue_dma source(%arg12 : memref<128x128xf32, #tpu.memory_space<vmem>>) target(%dma_start3A_206 : memref<128x128xf32, #tpu.memory_space<vmem_shared>>) target_semaphore(%run_scoped3A_202 : memref<!tpu.dma_semaphore, #tpu.memory_space<semaphore_mem>>)
      %dma_wait3A_207 = arith.constant 0 : i32
      %dma_wait3A_208 = tpu.memref_slice %arg13[%add3A_90, %dma_wait3A_207] : memref<10240x128xf32, #tpu.memory_space<vmem_shared>> -> memref<128x128xf32, #tpu.memory_space<vmem_shared>>
      %dma_wait3A_209 = arith.constant 0 : i32
      %dma_wait3A_210 = tpu.memref_slice %arg13[%add3A_90, %dma_wait3A_209] : memref<10240x128xf32, #tpu.memory_space<vmem_shared>> -> memref<128x128xf32, #tpu.memory_space<vmem_shared>>
      tpu.wait_dma2 semaphore(%run_scoped3A_202 : memref<!tpu.dma_semaphore, #tpu.memory_space<semaphore_mem>>) src(%arg12 : memref<128x128xf32, #tpu.memory_space<vmem>>) dst(%dma_wait3A_210 : memref<128x128xf32, #tpu.memory_space<vmem_shared>>)
      tpu.yield
    }) : () -> ()
    %add3A_91 = arith.constant 384 : i32
    %add3A_92 = arith.addi %mul3A_4, %add3A_91 : i32
    "tpu.region"() ({
      %run_scoped3A_202 = tpu.sem_alloc : memref<!tpu.dma_semaphore, #tpu.memory_space<semaphore_mem>>
      %dma_start3A_203 = arith.constant 0 : i32
      %dma_start3A_204 = tpu.memref_slice %arg13[%add3A_92, %dma_start3A_203] : memref<10240x128xf32, #tpu.memory_space<vmem_shared>> -> memref<128x128xf32, #tpu.memory_space<vmem_shared>>
      %dma_start3A_205 = arith.constant 0 : i32
      %dma_start3A_206 = tpu.memref_slice %arg13[%add3A_92, %dma_start3A_205] : memref<10240x128xf32, #tpu.memory_space<vmem_shared>> -> memref<128x128xf32, #tpu.memory_space<vmem_shared>>
      tpu.enqueue_dma source(%arg12 : memref<128x128xf32, #tpu.memory_space<vmem>>) target(%dma_start3A_206 : memref<128x128xf32, #tpu.memory_space<vmem_shared>>) target_semaphore(%run_scoped3A_202 : memref<!tpu.dma_semaphore, #tpu.memory_space<semaphore_mem>>)
      %dma_wait3A_207 = arith.constant 0 : i32
      %dma_wait3A_208 = tpu.memref_slice %arg13[%add3A_92, %dma_wait3A_207] : memref<10240x128xf32, #tpu.memory_space<vmem_shared>> -> memref<128x128xf32, #tpu.memory_space<vmem_shared>>
      %dma_wait3A_209 = arith.constant 0 : i32
      %dma_wait3A_210 = tpu.memref_slice %arg13[%add3A_92, %dma_wait3A_209] : memref<10240x128xf32, #tpu.memory_space<vmem_shared>> -> memref<128x128xf32, #tpu.memory_space<vmem_shared>>
      tpu.wait_dma2 semaphore(%run_scoped3A_202 : memref<!tpu.dma_semaphore, #tpu.memory_space<semaphore_mem>>) src(%arg12 : memref<128x128xf32, #tpu.memory_space<vmem>>) dst(%dma_wait3A_210 : memref<128x128xf32, #tpu.memory_space<vmem_shared>>)
      tpu.yield
    }) : () -> ()
    %add3A_93 = arith.constant 512 : i32
    %add3A_94 = arith.addi %mul3A_4, %add3A_93 : i32
    "tpu.region"() ({
      %run_scoped3A_202 = tpu.sem_alloc : memref<!tpu.dma_semaphore, #tpu.memory_space<semaphore_mem>>
      %dma_start3A_203 = arith.constant 0 : i32
      %dma_start3A_204 = tpu.memref_slice %arg13[%add3A_94, %dma_start3A_203] : memref<10240x128xf32, #tpu.memory_space<vmem_shared>> -> memref<128x128xf32, #tpu.memory_space<vmem_shared>>
      %dma_start3A_205 = arith.constant 0 : i32
      %dma_start3A_206 = tpu.memref_slice %arg13[%add3A_94, %dma_start3A_205] : memref<10240x128xf32, #tpu.memory_space<vmem_shared>> -> memref<128x128xf32, #tpu.memory_space<vmem_shared>>
      tpu.enqueue_dma source(%arg12 : memref<128x128xf32, #tpu.memory_space<vmem>>) target(%dma_start3A_206 : memref<128x128xf32, #tpu.memory_space<vmem_shared>>) target_semaphore(%run_scoped3A_202 : memref<!tpu.dma_semaphore, #tpu.memory_space<semaphore_mem>>)
      %dma_wait3A_207 = arith.constant 0 : i32
      %dma_wait3A_208 = tpu.memref_slice %arg13[%add3A_94, %dma_wait3A_207] : memref<10240x128xf32, #tpu.memory_space<vmem_shared>> -> memref<128x128xf32, #tpu.memory_space<vmem_shared>>
      %dma_wait3A_209 = arith.constant 0 : i32
      %dma_wait3A_210 = tpu.memref_slice %arg13[%add3A_94, %dma_wait3A_209] : memref<10240x128xf32, #tpu.memory_space<vmem_shared>> -> memref<128x128xf32, #tpu.memory_space<vmem_shared>>
      tpu.wait_dma2 semaphore(%run_scoped3A_202 : memref<!tpu.dma_semaphore, #tpu.memory_space<semaphore_mem>>) src(%arg12 : memref<128x128xf32, #tpu.memory_space<vmem>>) dst(%dma_wait3A_210 : memref<128x128xf32, #tpu.memory_space<vmem_shared>>)
      tpu.yield
    }) : () -> ()
    %barrier3A_95 = arith.constant 0 : index
    tpu.barrier barrier_id(%barrier3A_95)
    %scan3A_96 = arith.constant 0 : i32
    %scan3A_97 = arith.constant 0 : i32
    %scan3A_98 = arith.constant 39 : i32
    %scan3A_99 = arith.addi %scan3A_97, %scan3A_98 : i32
    %scan3A_100 = arith.constant 1 : i32
    scf.for %scan3A_202 = %scan3A_97 to %scan3A_99 step %scan3A_100  : i32 {
      %add3A_203 = arith.constant 320000 : i32
      %add3A_204 = arith.addi %add3A_203, %add3A : i32
      %mul3A_205 = arith.constant 128 : i32
      %mul3A_206 = arith.muli %scan3A_202, %mul3A_205 : i32
      %add3A_207 = arith.addi %add3A_204, %mul3A_206 : i32
      "tpu.region"() ({
        %run_scoped3A_224 = tpu.sem_alloc : memref<!tpu.dma_semaphore, #tpu.memory_space<semaphore_mem>>
        %dma_start3A_225 = tpu.memref_slice %arg3[%add3A_207] : memref<800000xi32, #tpu.memory_space<hbm>> -> memref<128xi32, #tpu.memory_space<hbm>>
        %dma_start3A_226 = tpu.memref_slice %arg3[%add3A_207] : memref<800000xi32, #tpu.memory_space<hbm>> -> memref<128xi32, #tpu.memory_space<hbm>>
        tpu.enqueue_dma source(%dma_start3A_226 : memref<128xi32, #tpu.memory_space<hbm>>) target(%arg6 : memref<128xi32, #tpu.memory_space<vmem>>) target_semaphore(%run_scoped3A_224 : memref<!tpu.dma_semaphore, #tpu.memory_space<semaphore_mem>>)
        %dma_wait3A_227 = tpu.memref_slice %arg3[%add3A_207] : memref<800000xi32, #tpu.memory_space<hbm>> -> memref<128xi32, #tpu.memory_space<hbm>>
        %dma_wait3A_228 = tpu.memref_slice %arg3[%add3A_207] : memref<800000xi32, #tpu.memory_space<hbm>> -> memref<128xi32, #tpu.memory_space<hbm>>
        tpu.wait_dma2 semaphore(%run_scoped3A_224 : memref<!tpu.dma_semaphore, #tpu.memory_space<semaphore_mem>>) src(%dma_wait3A_228 : memref<128xi32, #tpu.memory_space<hbm>>) dst(%arg6 : memref<128xi32, #tpu.memory_space<vmem>>)
        tpu.yield
      }) : () -> ()
      "tpu.region"() ({
        %run_scoped3A_224 = tpu.sem_alloc : memref<!tpu.dma_semaphore, #tpu.memory_space<semaphore_mem>>
        %dma_start3A_225 = tpu.memref_slice %arg4[%add3A_207] : memref<800000xi32, #tpu.memory_space<hbm>> -> memref<128xi32, #tpu.memory_space<hbm>>
        %dma_start3A_226 = tpu.memref_slice %arg4[%add3A_207] : memref<800000xi32, #tpu.memory_space<hbm>> -> memref<128xi32, #tpu.memory_space<hbm>>
        tpu.enqueue_dma source(%dma_start3A_226 : memref<128xi32, #tpu.memory_space<hbm>>) target(%arg7 : memref<128xi32, #tpu.memory_space<vmem>>) target_semaphore(%run_scoped3A_224 : memref<!tpu.dma_semaphore, #tpu.memory_space<semaphore_mem>>)
        %dma_wait3A_227 = tpu.memref_slice %arg4[%add3A_207] : memref<800000xi32, #tpu.memory_space<hbm>> -> memref<128xi32, #tpu.memory_space<hbm>>
        %dma_wait3A_228 = tpu.memref_slice %arg4[%add3A_207] : memref<800000xi32, #tpu.memory_space<hbm>> -> memref<128xi32, #tpu.memory_space<hbm>>
        tpu.wait_dma2 semaphore(%run_scoped3A_224 : memref<!tpu.dma_semaphore, #tpu.memory_space<semaphore_mem>>) src(%dma_wait3A_228 : memref<128xi32, #tpu.memory_space<hbm>>) dst(%arg7 : memref<128xi32, #tpu.memory_space<vmem>>)
        tpu.yield
      }) : () -> ()
      %dma_start3A_208 = arith.constant 2 : i32
      %dma_start3A_209 = arith.constant 0 : i32
      %dma_start3A_210 = arith.constant 0 : i32
      %dma_start3A_211 = tpu.memref_slice %arg2[%dma_start3A_208, %dma_start3A_209, %dma_start3A_210] : memref<5x10240x128xf32, #tpu.memory_space<hbm>> -> memref<1x10240x128xf32, #tpu.memory_space<hbm>>
      %dma_start3A_212 = tpu.memref_squeeze %dma_start3A_211 : memref<1x10240x128xf32, #tpu.memory_space<hbm>> -> memref<10240x128xf32, #tpu.memory_space<hbm>>
      %dma_start3A_213 = arith.constant 0 : i32
      %dma_start3A_214 = arith.constant 0 : i32
      %dma_start3A_215 = tpu.memref_slice %dma_start3A_212[%dma_start3A_213, %dma_start3A_214] : memref<10240x128xf32, #tpu.memory_space<hbm>> -> memref<10240x128xf32, #tpu.memory_space<hbm>>
      tpu.enqueue_indirect_dma source(%dma_start3A_215 : memref<10240x128xf32, #tpu.memory_space<hbm>>) target(%arg8 : memref<128x128xf32, #tpu.memory_space<vmem>>) offsets(%arg6 : memref<128xi32, #tpu.memory_space<vmem>>) semaphore(%arg14 : memref<!tpu.dma_semaphore, #tpu.memory_space<semaphore_mem>>)
      %dma_wait3A_216 = arith.constant 2 : i32
      %dma_wait3A_217 = arith.constant 0 : i32
      %dma_wait3A_218 = arith.constant 0 : i32
      %dma_wait3A_219 = tpu.memref_slice %arg2[%dma_wait3A_216, %dma_wait3A_217, %dma_wait3A_218] : memref<5x10240x128xf32, #tpu.memory_space<hbm>> -> memref<1x10240x128xf32, #tpu.memory_space<hbm>>
      %dma_wait3A_220 = tpu.memref_squeeze %dma_wait3A_219 : memref<1x10240x128xf32, #tpu.memory_space<hbm>> -> memref<10240x128xf32, #tpu.memory_space<hbm>>
      %dma_wait3A_221 = arith.constant 0 : i32
      %dma_wait3A_222 = arith.constant 0 : i32
      %dma_wait3A_223 = tpu.memref_slice %dma_wait3A_220[%dma_wait3A_221, %dma_wait3A_222] : memref<10240x128xf32, #tpu.memory_space<hbm>> -> memref<10240x128xf32, #tpu.memory_space<hbm>>
      tpu.wait_indirect_dma semaphore(%arg14 : memref<!tpu.dma_semaphore, #tpu.memory_space<semaphore_mem>>) src(%dma_wait3A_223 : memref<10240x128xf32, #tpu.memory_space<hbm>>) dst(%arg8 : memref<128x128xf32, #tpu.memory_space<vmem>>)
      "tpu.region"() ({
        %run_scoped3A_224 = tpu.sem_alloc : memref<!tpu.dma_semaphore, #tpu.memory_space<semaphore_mem>>
        %dma_start3A_225 = arith.constant 0 : i32
        %dma_start3A_226 = arith.constant 0 : i32
        %dma_start3A_227 = tpu.memref_slice %arg13[%dma_start3A_225, %dma_start3A_226] : memref<10240x128xf32, #tpu.memory_space<vmem_shared>> -> memref<10240x128xf32, #tpu.memory_space<vmem_shared>>
        tpu.enqueue_indirect_dma source(%arg8 : memref<128x128xf32, #tpu.memory_space<vmem>>) target(%dma_start3A_227 : memref<10240x128xf32, #tpu.memory_space<vmem_shared>>) offsets(%arg7 : memref<128xi32, #tpu.memory_space<vmem>>) semaphore(%run_scoped3A_224 : memref<!tpu.dma_semaphore, #tpu.memory_space<semaphore_mem>>) {add = true}
        %dma_wait3A_228 = arith.constant 0 : i32
        %dma_wait3A_229 = arith.constant 0 : i32
        %dma_wait3A_230 = tpu.memref_slice %arg13[%dma_wait3A_228, %dma_wait3A_229] : memref<10240x128xf32, #tpu.memory_space<vmem_shared>> -> memref<10240x128xf32, #tpu.memory_space<vmem_shared>>
        tpu.wait_indirect_dma semaphore(%run_scoped3A_224 : memref<!tpu.dma_semaphore, #tpu.memory_space<semaphore_mem>>) src(%arg8 : memref<128x128xf32, #tpu.memory_space<vmem>>) dst(%dma_wait3A_230 : memref<10240x128xf32, #tpu.memory_space<vmem_shared>>)
        tpu.yield
      }) : () -> ()
    }
    %scan3A_101 = arith.constant 39 : i32
    %add3A_102 = arith.constant 320000 : i32
    %add3A_103 = arith.addi %add3A_102, %add3A : i32
    %add3A_104 = arith.constant 4992 : i32
    %add3A_105 = arith.addi %add3A_103, %add3A_104 : i32
    "tpu.region"() ({
      %run_scoped3A_202 = tpu.sem_alloc : memref<!tpu.dma_semaphore, #tpu.memory_space<semaphore_mem>>
      %dma_start3A_203 = tpu.memref_slice %arg3[%add3A_105] : memref<800000xi32, #tpu.memory_space<hbm>> -> memref<8xi32, #tpu.memory_space<hbm>>
      %dma_start3A_204 = tpu.memref_slice %arg3[%add3A_105] : memref<800000xi32, #tpu.memory_space<hbm>> -> memref<8xi32, #tpu.memory_space<hbm>>
      tpu.enqueue_dma source(%dma_start3A_204 : memref<8xi32, #tpu.memory_space<hbm>>) target(%arg9 : memref<8xi32, #tpu.memory_space<vmem>>) target_semaphore(%run_scoped3A_202 : memref<!tpu.dma_semaphore, #tpu.memory_space<semaphore_mem>>)
      %dma_wait3A_205 = tpu.memref_slice %arg3[%add3A_105] : memref<800000xi32, #tpu.memory_space<hbm>> -> memref<8xi32, #tpu.memory_space<hbm>>
      %dma_wait3A_206 = tpu.memref_slice %arg3[%add3A_105] : memref<800000xi32, #tpu.memory_space<hbm>> -> memref<8xi32, #tpu.memory_space<hbm>>
      tpu.wait_dma2 semaphore(%run_scoped3A_202 : memref<!tpu.dma_semaphore, #tpu.memory_space<semaphore_mem>>) src(%dma_wait3A_206 : memref<8xi32, #tpu.memory_space<hbm>>) dst(%arg9 : memref<8xi32, #tpu.memory_space<vmem>>)
      tpu.yield
    }) : () -> ()
    "tpu.region"() ({
      %run_scoped3A_202 = tpu.sem_alloc : memref<!tpu.dma_semaphore, #tpu.memory_space<semaphore_mem>>
      %dma_start3A_203 = tpu.memref_slice %arg4[%add3A_105] : memref<800000xi32, #tpu.memory_space<hbm>> -> memref<8xi32, #tpu.memory_space<hbm>>
      %dma_start3A_204 = tpu.memref_slice %arg4[%add3A_105] : memref<800000xi32, #tpu.memory_space<hbm>> -> memref<8xi32, #tpu.memory_space<hbm>>
      tpu.enqueue_dma source(%dma_start3A_204 : memref<8xi32, #tpu.memory_space<hbm>>) target(%arg10 : memref<8xi32, #tpu.memory_space<vmem>>) target_semaphore(%run_scoped3A_202 : memref<!tpu.dma_semaphore, #tpu.memory_space<semaphore_mem>>)
      %dma_wait3A_205 = tpu.memref_slice %arg4[%add3A_105] : memref<800000xi32, #tpu.memory_space<hbm>> -> memref<8xi32, #tpu.memory_space<hbm>>
      %dma_wait3A_206 = tpu.memref_slice %arg4[%add3A_105] : memref<800000xi32, #tpu.memory_space<hbm>> -> memref<8xi32, #tpu.memory_space<hbm>>
      tpu.wait_dma2 semaphore(%run_scoped3A_202 : memref<!tpu.dma_semaphore, #tpu.memory_space<semaphore_mem>>) src(%dma_wait3A_206 : memref<8xi32, #tpu.memory_space<hbm>>) dst(%arg10 : memref<8xi32, #tpu.memory_space<vmem>>)
      tpu.yield
    }) : () -> ()
    %dma_start3A_106 = arith.constant 2 : i32
    %dma_start3A_107 = arith.constant 0 : i32
    %dma_start3A_108 = arith.constant 0 : i32
    %dma_start3A_109 = tpu.memref_slice %arg2[%dma_start3A_106, %dma_start3A_107, %dma_start3A_108] : memref<5x10240x128xf32, #tpu.memory_space<hbm>> -> memref<1x10240x128xf32, #tpu.memory_space<hbm>>
    %dma_start3A_110 = tpu.memref_squeeze %dma_start3A_109 : memref<1x10240x128xf32, #tpu.memory_space<hbm>> -> memref<10240x128xf32, #tpu.memory_space<hbm>>
    %dma_start3A_111 = arith.constant 0 : i32
    %dma_start3A_112 = arith.constant 0 : i32
    %dma_start3A_113 = tpu.memref_slice %dma_start3A_110[%dma_start3A_111, %dma_start3A_112] : memref<10240x128xf32, #tpu.memory_space<hbm>> -> memref<10240x128xf32, #tpu.memory_space<hbm>>
    tpu.enqueue_indirect_dma source(%dma_start3A_113 : memref<10240x128xf32, #tpu.memory_space<hbm>>) target(%arg11 : memref<8x128xf32, #tpu.memory_space<vmem>>) offsets(%arg9 : memref<8xi32, #tpu.memory_space<vmem>>) semaphore(%arg14 : memref<!tpu.dma_semaphore, #tpu.memory_space<semaphore_mem>>)
    %dma_wait3A_114 = arith.constant 2 : i32
    %dma_wait3A_115 = arith.constant 0 : i32
    %dma_wait3A_116 = arith.constant 0 : i32
    %dma_wait3A_117 = tpu.memref_slice %arg2[%dma_wait3A_114, %dma_wait3A_115, %dma_wait3A_116] : memref<5x10240x128xf32, #tpu.memory_space<hbm>> -> memref<1x10240x128xf32, #tpu.memory_space<hbm>>
    %dma_wait3A_118 = tpu.memref_squeeze %dma_wait3A_117 : memref<1x10240x128xf32, #tpu.memory_space<hbm>> -> memref<10240x128xf32, #tpu.memory_space<hbm>>
    %dma_wait3A_119 = arith.constant 0 : i32
    %dma_wait3A_120 = arith.constant 0 : i32
    %dma_wait3A_121 = tpu.memref_slice %dma_wait3A_118[%dma_wait3A_119, %dma_wait3A_120] : memref<10240x128xf32, #tpu.memory_space<hbm>> -> memref<10240x128xf32, #tpu.memory_space<hbm>>
    tpu.wait_indirect_dma semaphore(%arg14 : memref<!tpu.dma_semaphore, #tpu.memory_space<semaphore_mem>>) src(%dma_wait3A_121 : memref<10240x128xf32, #tpu.memory_space<hbm>>) dst(%arg11 : memref<8x128xf32, #tpu.memory_space<vmem>>)
    "tpu.region"() ({
      %run_scoped3A_202 = tpu.sem_alloc : memref<!tpu.dma_semaphore, #tpu.memory_space<semaphore_mem>>
      %dma_start3A_203 = arith.constant 0 : i32
      %dma_start3A_204 = arith.constant 0 : i32
      %dma_start3A_205 = tpu.memref_slice %arg13[%dma_start3A_203, %dma_start3A_204] : memref<10240x128xf32, #tpu.memory_space<vmem_shared>> -> memref<10240x128xf32, #tpu.memory_space<vmem_shared>>
      tpu.enqueue_indirect_dma source(%arg11 : memref<8x128xf32, #tpu.memory_space<vmem>>) target(%dma_start3A_205 : memref<10240x128xf32, #tpu.memory_space<vmem_shared>>) offsets(%arg10 : memref<8xi32, #tpu.memory_space<vmem>>) semaphore(%run_scoped3A_202 : memref<!tpu.dma_semaphore, #tpu.memory_space<semaphore_mem>>) {add = true}
      %dma_wait3A_206 = arith.constant 0 : i32
      %dma_wait3A_207 = arith.constant 0 : i32
      %dma_wait3A_208 = tpu.memref_slice %arg13[%dma_wait3A_206, %dma_wait3A_207] : memref<10240x128xf32, #tpu.memory_space<vmem_shared>> -> memref<10240x128xf32, #tpu.memory_space<vmem_shared>>
      tpu.wait_indirect_dma semaphore(%run_scoped3A_202 : memref<!tpu.dma_semaphore, #tpu.memory_space<semaphore_mem>>) src(%arg11 : memref<8x128xf32, #tpu.memory_space<vmem>>) dst(%dma_wait3A_208 : memref<10240x128xf32, #tpu.memory_space<vmem_shared>>)
      tpu.yield
    }) : () -> ()
    %barrier3A_122 = arith.constant 0 : index
    tpu.barrier barrier_id(%barrier3A_122)
    %run_scoped3A_123 = arith.constant 2 : i32
    "tpu.region"() ({
      %run_scoped3A_202 = tpu.sem_alloc : memref<!tpu.dma_semaphore, #tpu.memory_space<semaphore_mem>>
      %dma_start3A_203 = arith.constant 0 : i32
      %dma_start3A_204 = tpu.memref_slice %arg5[%arg0, %run_scoped3A_123, %mul3A_4, %dma_start3A_203] : memref<2x5x10240x128xf32, #tpu.memory_space<hbm>> -> memref<1x1x640x128xf32, #tpu.memory_space<hbm>>
      %dma_start3A_205 = tpu.memref_squeeze %dma_start3A_204 : memref<1x1x640x128xf32, #tpu.memory_space<hbm>> -> memref<640x128xf32, #tpu.memory_space<hbm>>
      %dma_start3A_206 = arith.constant 0 : i32
      %dma_start3A_207 = tpu.memref_slice %arg13[%mul3A_4, %dma_start3A_206] : memref<10240x128xf32, #tpu.memory_space<vmem_shared>> -> memref<640x128xf32, #tpu.memory_space<vmem_shared>>
      tpu.enqueue_dma source(%dma_start3A_207 : memref<640x128xf32, #tpu.memory_space<vmem_shared>>) target(%dma_start3A_205 : memref<640x128xf32, #tpu.memory_space<hbm>>) target_semaphore(%run_scoped3A_202 : memref<!tpu.dma_semaphore, #tpu.memory_space<semaphore_mem>>)
      %dma_wait3A_208 = arith.constant 0 : i32
      %dma_wait3A_209 = tpu.memref_slice %arg5[%arg0, %run_scoped3A_123, %mul3A_4, %dma_wait3A_208] : memref<2x5x10240x128xf32, #tpu.memory_space<hbm>> -> memref<1x1x640x128xf32, #tpu.memory_space<hbm>>
      %dma_wait3A_210 = tpu.memref_squeeze %dma_wait3A_209 : memref<1x1x640x128xf32, #tpu.memory_space<hbm>> -> memref<640x128xf32, #tpu.memory_space<hbm>>
      %dma_wait3A_211 = arith.constant 0 : i32
      %dma_wait3A_212 = tpu.memref_slice %arg13[%mul3A_4, %dma_wait3A_211] : memref<10240x128xf32, #tpu.memory_space<vmem_shared>> -> memref<640x128xf32, #tpu.memory_space<vmem_shared>>
      tpu.wait_dma2 semaphore(%run_scoped3A_202 : memref<!tpu.dma_semaphore, #tpu.memory_space<semaphore_mem>>) src(%dma_wait3A_212 : memref<640x128xf32, #tpu.memory_space<vmem_shared>>) dst(%dma_wait3A_210 : memref<640x128xf32, #tpu.memory_space<hbm>>)
      tpu.yield
    }) : () -> ()
    %add3A_124 = arith.constant 0 : i32
    %add3A_125 = arith.addi %mul3A_4, %add3A_124 : i32
    "tpu.region"() ({
      %run_scoped3A_202 = tpu.sem_alloc : memref<!tpu.dma_semaphore, #tpu.memory_space<semaphore_mem>>
      %dma_start3A_203 = arith.constant 0 : i32
      %dma_start3A_204 = tpu.memref_slice %arg13[%add3A_125, %dma_start3A_203] : memref<10240x128xf32, #tpu.memory_space<vmem_shared>> -> memref<128x128xf32, #tpu.memory_space<vmem_shared>>
      %dma_start3A_205 = arith.constant 0 : i32
      %dma_start3A_206 = tpu.memref_slice %arg13[%add3A_125, %dma_start3A_205] : memref<10240x128xf32, #tpu.memory_space<vmem_shared>> -> memref<128x128xf32, #tpu.memory_space<vmem_shared>>
      tpu.enqueue_dma source(%arg12 : memref<128x128xf32, #tpu.memory_space<vmem>>) target(%dma_start3A_206 : memref<128x128xf32, #tpu.memory_space<vmem_shared>>) target_semaphore(%run_scoped3A_202 : memref<!tpu.dma_semaphore, #tpu.memory_space<semaphore_mem>>)
      %dma_wait3A_207 = arith.constant 0 : i32
      %dma_wait3A_208 = tpu.memref_slice %arg13[%add3A_125, %dma_wait3A_207] : memref<10240x128xf32, #tpu.memory_space<vmem_shared>> -> memref<128x128xf32, #tpu.memory_space<vmem_shared>>
      %dma_wait3A_209 = arith.constant 0 : i32
      %dma_wait3A_210 = tpu.memref_slice %arg13[%add3A_125, %dma_wait3A_209] : memref<10240x128xf32, #tpu.memory_space<vmem_shared>> -> memref<128x128xf32, #tpu.memory_space<vmem_shared>>
      tpu.wait_dma2 semaphore(%run_scoped3A_202 : memref<!tpu.dma_semaphore, #tpu.memory_space<semaphore_mem>>) src(%arg12 : memref<128x128xf32, #tpu.memory_space<vmem>>) dst(%dma_wait3A_210 : memref<128x128xf32, #tpu.memory_space<vmem_shared>>)
      tpu.yield
    }) : () -> ()
    %add3A_126 = arith.constant 128 : i32
    %add3A_127 = arith.addi %mul3A_4, %add3A_126 : i32
    "tpu.region"() ({
      %run_scoped3A_202 = tpu.sem_alloc : memref<!tpu.dma_semaphore, #tpu.memory_space<semaphore_mem>>
      %dma_start3A_203 = arith.constant 0 : i32
      %dma_start3A_204 = tpu.memref_slice %arg13[%add3A_127, %dma_start3A_203] : memref<10240x128xf32, #tpu.memory_space<vmem_shared>> -> memref<128x128xf32, #tpu.memory_space<vmem_shared>>
      %dma_start3A_205 = arith.constant 0 : i32
      %dma_start3A_206 = tpu.memref_slice %arg13[%add3A_127, %dma_start3A_205] : memref<10240x128xf32, #tpu.memory_space<vmem_shared>> -> memref<128x128xf32, #tpu.memory_space<vmem_shared>>
      tpu.enqueue_dma source(%arg12 : memref<128x128xf32, #tpu.memory_space<vmem>>) target(%dma_start3A_206 : memref<128x128xf32, #tpu.memory_space<vmem_shared>>) target_semaphore(%run_scoped3A_202 : memref<!tpu.dma_semaphore, #tpu.memory_space<semaphore_mem>>)
      %dma_wait3A_207 = arith.constant 0 : i32
      %dma_wait3A_208 = tpu.memref_slice %arg13[%add3A_127, %dma_wait3A_207] : memref<10240x128xf32, #tpu.memory_space<vmem_shared>> -> memref<128x128xf32, #tpu.memory_space<vmem_shared>>
      %dma_wait3A_209 = arith.constant 0 : i32
      %dma_wait3A_210 = tpu.memref_slice %arg13[%add3A_127, %dma_wait3A_209] : memref<10240x128xf32, #tpu.memory_space<vmem_shared>> -> memref<128x128xf32, #tpu.memory_space<vmem_shared>>
      tpu.wait_dma2 semaphore(%run_scoped3A_202 : memref<!tpu.dma_semaphore, #tpu.memory_space<semaphore_mem>>) src(%arg12 : memref<128x128xf32, #tpu.memory_space<vmem>>) dst(%dma_wait3A_210 : memref<128x128xf32, #tpu.memory_space<vmem_shared>>)
      tpu.yield
    }) : () -> ()
    %add3A_128 = arith.constant 256 : i32
    %add3A_129 = arith.addi %mul3A_4, %add3A_128 : i32
    "tpu.region"() ({
      %run_scoped3A_202 = tpu.sem_alloc : memref<!tpu.dma_semaphore, #tpu.memory_space<semaphore_mem>>
      %dma_start3A_203 = arith.constant 0 : i32
      %dma_start3A_204 = tpu.memref_slice %arg13[%add3A_129, %dma_start3A_203] : memref<10240x128xf32, #tpu.memory_space<vmem_shared>> -> memref<128x128xf32, #tpu.memory_space<vmem_shared>>
      %dma_start3A_205 = arith.constant 0 : i32
      %dma_start3A_206 = tpu.memref_slice %arg13[%add3A_129, %dma_start3A_205] : memref<10240x128xf32, #tpu.memory_space<vmem_shared>> -> memref<128x128xf32, #tpu.memory_space<vmem_shared>>
      tpu.enqueue_dma source(%arg12 : memref<128x128xf32, #tpu.memory_space<vmem>>) target(%dma_start3A_206 : memref<128x128xf32, #tpu.memory_space<vmem_shared>>) target_semaphore(%run_scoped3A_202 : memref<!tpu.dma_semaphore, #tpu.memory_space<semaphore_mem>>)
      %dma_wait3A_207 = arith.constant 0 : i32
      %dma_wait3A_208 = tpu.memref_slice %arg13[%add3A_129, %dma_wait3A_207] : memref<10240x128xf32, #tpu.memory_space<vmem_shared>> -> memref<128x128xf32, #tpu.memory_space<vmem_shared>>
      %dma_wait3A_209 = arith.constant 0 : i32
      %dma_wait3A_210 = tpu.memref_slice %arg13[%add3A_129, %dma_wait3A_209] : memref<10240x128xf32, #tpu.memory_space<vmem_shared>> -> memref<128x128xf32, #tpu.memory_space<vmem_shared>>
      tpu.wait_dma2 semaphore(%run_scoped3A_202 : memref<!tpu.dma_semaphore, #tpu.memory_space<semaphore_mem>>) src(%arg12 : memref<128x128xf32, #tpu.memory_space<vmem>>) dst(%dma_wait3A_210 : memref<128x128xf32, #tpu.memory_space<vmem_shared>>)
      tpu.yield
    }) : () -> ()
    %add3A_130 = arith.constant 384 : i32
    %add3A_131 = arith.addi %mul3A_4, %add3A_130 : i32
    "tpu.region"() ({
      %run_scoped3A_202 = tpu.sem_alloc : memref<!tpu.dma_semaphore, #tpu.memory_space<semaphore_mem>>
      %dma_start3A_203 = arith.constant 0 : i32
      %dma_start3A_204 = tpu.memref_slice %arg13[%add3A_131, %dma_start3A_203] : memref<10240x128xf32, #tpu.memory_space<vmem_shared>> -> memref<128x128xf32, #tpu.memory_space<vmem_shared>>
      %dma_start3A_205 = arith.constant 0 : i32
      %dma_start3A_206 = tpu.memref_slice %arg13[%add3A_131, %dma_start3A_205] : memref<10240x128xf32, #tpu.memory_space<vmem_shared>> -> memref<128x128xf32, #tpu.memory_space<vmem_shared>>
      tpu.enqueue_dma source(%arg12 : memref<128x128xf32, #tpu.memory_space<vmem>>) target(%dma_start3A_206 : memref<128x128xf32, #tpu.memory_space<vmem_shared>>) target_semaphore(%run_scoped3A_202 : memref<!tpu.dma_semaphore, #tpu.memory_space<semaphore_mem>>)
      %dma_wait3A_207 = arith.constant 0 : i32
      %dma_wait3A_208 = tpu.memref_slice %arg13[%add3A_131, %dma_wait3A_207] : memref<10240x128xf32, #tpu.memory_space<vmem_shared>> -> memref<128x128xf32, #tpu.memory_space<vmem_shared>>
      %dma_wait3A_209 = arith.constant 0 : i32
      %dma_wait3A_210 = tpu.memref_slice %arg13[%add3A_131, %dma_wait3A_209] : memref<10240x128xf32, #tpu.memory_space<vmem_shared>> -> memref<128x128xf32, #tpu.memory_space<vmem_shared>>
      tpu.wait_dma2 semaphore(%run_scoped3A_202 : memref<!tpu.dma_semaphore, #tpu.memory_space<semaphore_mem>>) src(%arg12 : memref<128x128xf32, #tpu.memory_space<vmem>>) dst(%dma_wait3A_210 : memref<128x128xf32, #tpu.memory_space<vmem_shared>>)
      tpu.yield
    }) : () -> ()
    %add3A_132 = arith.constant 512 : i32
    %add3A_133 = arith.addi %mul3A_4, %add3A_132 : i32
    "tpu.region"() ({
      %run_scoped3A_202 = tpu.sem_alloc : memref<!tpu.dma_semaphore, #tpu.memory_space<semaphore_mem>>
      %dma_start3A_203 = arith.constant 0 : i32
      %dma_start3A_204 = tpu.memref_slice %arg13[%add3A_133, %dma_start3A_203] : memref<10240x128xf32, #tpu.memory_space<vmem_shared>> -> memref<128x128xf32, #tpu.memory_space<vmem_shared>>
      %dma_start3A_205 = arith.constant 0 : i32
      %dma_start3A_206 = tpu.memref_slice %arg13[%add3A_133, %dma_start3A_205] : memref<10240x128xf32, #tpu.memory_space<vmem_shared>> -> memref<128x128xf32, #tpu.memory_space<vmem_shared>>
      tpu.enqueue_dma source(%arg12 : memref<128x128xf32, #tpu.memory_space<vmem>>) target(%dma_start3A_206 : memref<128x128xf32, #tpu.memory_space<vmem_shared>>) target_semaphore(%run_scoped3A_202 : memref<!tpu.dma_semaphore, #tpu.memory_space<semaphore_mem>>)
      %dma_wait3A_207 = arith.constant 0 : i32
      %dma_wait3A_208 = tpu.memref_slice %arg13[%add3A_133, %dma_wait3A_207] : memref<10240x128xf32, #tpu.memory_space<vmem_shared>> -> memref<128x128xf32, #tpu.memory_space<vmem_shared>>
      %dma_wait3A_209 = arith.constant 0 : i32
      %dma_wait3A_210 = tpu.memref_slice %arg13[%add3A_133, %dma_wait3A_209] : memref<10240x128xf32, #tpu.memory_space<vmem_shared>> -> memref<128x128xf32, #tpu.memory_space<vmem_shared>>
      tpu.wait_dma2 semaphore(%run_scoped3A_202 : memref<!tpu.dma_semaphore, #tpu.memory_space<semaphore_mem>>) src(%arg12 : memref<128x128xf32, #tpu.memory_space<vmem>>) dst(%dma_wait3A_210 : memref<128x128xf32, #tpu.memory_space<vmem_shared>>)
      tpu.yield
    }) : () -> ()
    %barrier3A_134 = arith.constant 0 : index
    tpu.barrier barrier_id(%barrier3A_134)
    %scan3A_135 = arith.constant 0 : i32
    %scan3A_136 = arith.constant 0 : i32
    %scan3A_137 = arith.constant 39 : i32
    %scan3A_138 = arith.addi %scan3A_136, %scan3A_137 : i32
    %scan3A_139 = arith.constant 1 : i32
    scf.for %scan3A_202 = %scan3A_136 to %scan3A_138 step %scan3A_139  : i32 {
      %add3A_203 = arith.constant 480000 : i32
      %add3A_204 = arith.addi %add3A_203, %add3A : i32
      %mul3A_205 = arith.constant 128 : i32
      %mul3A_206 = arith.muli %scan3A_202, %mul3A_205 : i32
      %add3A_207 = arith.addi %add3A_204, %mul3A_206 : i32
      "tpu.region"() ({
        %run_scoped3A_224 = tpu.sem_alloc : memref<!tpu.dma_semaphore, #tpu.memory_space<semaphore_mem>>
        %dma_start3A_225 = tpu.memref_slice %arg3[%add3A_207] : memref<800000xi32, #tpu.memory_space<hbm>> -> memref<128xi32, #tpu.memory_space<hbm>>
        %dma_start3A_226 = tpu.memref_slice %arg3[%add3A_207] : memref<800000xi32, #tpu.memory_space<hbm>> -> memref<128xi32, #tpu.memory_space<hbm>>
        tpu.enqueue_dma source(%dma_start3A_226 : memref<128xi32, #tpu.memory_space<hbm>>) target(%arg6 : memref<128xi32, #tpu.memory_space<vmem>>) target_semaphore(%run_scoped3A_224 : memref<!tpu.dma_semaphore, #tpu.memory_space<semaphore_mem>>)
        %dma_wait3A_227 = tpu.memref_slice %arg3[%add3A_207] : memref<800000xi32, #tpu.memory_space<hbm>> -> memref<128xi32, #tpu.memory_space<hbm>>
        %dma_wait3A_228 = tpu.memref_slice %arg3[%add3A_207] : memref<800000xi32, #tpu.memory_space<hbm>> -> memref<128xi32, #tpu.memory_space<hbm>>
        tpu.wait_dma2 semaphore(%run_scoped3A_224 : memref<!tpu.dma_semaphore, #tpu.memory_space<semaphore_mem>>) src(%dma_wait3A_228 : memref<128xi32, #tpu.memory_space<hbm>>) dst(%arg6 : memref<128xi32, #tpu.memory_space<vmem>>)
        tpu.yield
      }) : () -> ()
      "tpu.region"() ({
        %run_scoped3A_224 = tpu.sem_alloc : memref<!tpu.dma_semaphore, #tpu.memory_space<semaphore_mem>>
        %dma_start3A_225 = tpu.memref_slice %arg4[%add3A_207] : memref<800000xi32, #tpu.memory_space<hbm>> -> memref<128xi32, #tpu.memory_space<hbm>>
        %dma_start3A_226 = tpu.memref_slice %arg4[%add3A_207] : memref<800000xi32, #tpu.memory_space<hbm>> -> memref<128xi32, #tpu.memory_space<hbm>>
        tpu.enqueue_dma source(%dma_start3A_226 : memref<128xi32, #tpu.memory_space<hbm>>) target(%arg7 : memref<128xi32, #tpu.memory_space<vmem>>) target_semaphore(%run_scoped3A_224 : memref<!tpu.dma_semaphore, #tpu.memory_space<semaphore_mem>>)
        %dma_wait3A_227 = tpu.memref_slice %arg4[%add3A_207] : memref<800000xi32, #tpu.memory_space<hbm>> -> memref<128xi32, #tpu.memory_space<hbm>>
        %dma_wait3A_228 = tpu.memref_slice %arg4[%add3A_207] : memref<800000xi32, #tpu.memory_space<hbm>> -> memref<128xi32, #tpu.memory_space<hbm>>
        tpu.wait_dma2 semaphore(%run_scoped3A_224 : memref<!tpu.dma_semaphore, #tpu.memory_space<semaphore_mem>>) src(%dma_wait3A_228 : memref<128xi32, #tpu.memory_space<hbm>>) dst(%arg7 : memref<128xi32, #tpu.memory_space<vmem>>)
        tpu.yield
      }) : () -> ()
      %dma_start3A_208 = arith.constant 3 : i32
      %dma_start3A_209 = arith.constant 0 : i32
      %dma_start3A_210 = arith.constant 0 : i32
      %dma_start3A_211 = tpu.memref_slice %arg2[%dma_start3A_208, %dma_start3A_209, %dma_start3A_210] : memref<5x10240x128xf32, #tpu.memory_space<hbm>> -> memref<1x10240x128xf32, #tpu.memory_space<hbm>>
      %dma_start3A_212 = tpu.memref_squeeze %dma_start3A_211 : memref<1x10240x128xf32, #tpu.memory_space<hbm>> -> memref<10240x128xf32, #tpu.memory_space<hbm>>
      %dma_start3A_213 = arith.constant 0 : i32
      %dma_start3A_214 = arith.constant 0 : i32
      %dma_start3A_215 = tpu.memref_slice %dma_start3A_212[%dma_start3A_213, %dma_start3A_214] : memref<10240x128xf32, #tpu.memory_space<hbm>> -> memref<10240x128xf32, #tpu.memory_space<hbm>>
      tpu.enqueue_indirect_dma source(%dma_start3A_215 : memref<10240x128xf32, #tpu.memory_space<hbm>>) target(%arg8 : memref<128x128xf32, #tpu.memory_space<vmem>>) offsets(%arg6 : memref<128xi32, #tpu.memory_space<vmem>>) semaphore(%arg14 : memref<!tpu.dma_semaphore, #tpu.memory_space<semaphore_mem>>)
      %dma_wait3A_216 = arith.constant 3 : i32
      %dma_wait3A_217 = arith.constant 0 : i32
      %dma_wait3A_218 = arith.constant 0 : i32
      %dma_wait3A_219 = tpu.memref_slice %arg2[%dma_wait3A_216, %dma_wait3A_217, %dma_wait3A_218] : memref<5x10240x128xf32, #tpu.memory_space<hbm>> -> memref<1x10240x128xf32, #tpu.memory_space<hbm>>
      %dma_wait3A_220 = tpu.memref_squeeze %dma_wait3A_219 : memref<1x10240x128xf32, #tpu.memory_space<hbm>> -> memref<10240x128xf32, #tpu.memory_space<hbm>>
      %dma_wait3A_221 = arith.constant 0 : i32
      %dma_wait3A_222 = arith.constant 0 : i32
      %dma_wait3A_223 = tpu.memref_slice %dma_wait3A_220[%dma_wait3A_221, %dma_wait3A_222] : memref<10240x128xf32, #tpu.memory_space<hbm>> -> memref<10240x128xf32, #tpu.memory_space<hbm>>
      tpu.wait_indirect_dma semaphore(%arg14 : memref<!tpu.dma_semaphore, #tpu.memory_space<semaphore_mem>>) src(%dma_wait3A_223 : memref<10240x128xf32, #tpu.memory_space<hbm>>) dst(%arg8 : memref<128x128xf32, #tpu.memory_space<vmem>>)
      "tpu.region"() ({
        %run_scoped3A_224 = tpu.sem_alloc : memref<!tpu.dma_semaphore, #tpu.memory_space<semaphore_mem>>
        %dma_start3A_225 = arith.constant 0 : i32
        %dma_start3A_226 = arith.constant 0 : i32
        %dma_start3A_227 = tpu.memref_slice %arg13[%dma_start3A_225, %dma_start3A_226] : memref<10240x128xf32, #tpu.memory_space<vmem_shared>> -> memref<10240x128xf32, #tpu.memory_space<vmem_shared>>
        tpu.enqueue_indirect_dma source(%arg8 : memref<128x128xf32, #tpu.memory_space<vmem>>) target(%dma_start3A_227 : memref<10240x128xf32, #tpu.memory_space<vmem_shared>>) offsets(%arg7 : memref<128xi32, #tpu.memory_space<vmem>>) semaphore(%run_scoped3A_224 : memref<!tpu.dma_semaphore, #tpu.memory_space<semaphore_mem>>) {add = true}
        %dma_wait3A_228 = arith.constant 0 : i32
        %dma_wait3A_229 = arith.constant 0 : i32
        %dma_wait3A_230 = tpu.memref_slice %arg13[%dma_wait3A_228, %dma_wait3A_229] : memref<10240x128xf32, #tpu.memory_space<vmem_shared>> -> memref<10240x128xf32, #tpu.memory_space<vmem_shared>>
        tpu.wait_indirect_dma semaphore(%run_scoped3A_224 : memref<!tpu.dma_semaphore, #tpu.memory_space<semaphore_mem>>) src(%arg8 : memref<128x128xf32, #tpu.memory_space<vmem>>) dst(%dma_wait3A_230 : memref<10240x128xf32, #tpu.memory_space<vmem_shared>>)
        tpu.yield
      }) : () -> ()
    }
    %scan3A_140 = arith.constant 39 : i32
    %add3A_141 = arith.constant 480000 : i32
    %add3A_142 = arith.addi %add3A_141, %add3A : i32
    %add3A_143 = arith.constant 4992 : i32
    %add3A_144 = arith.addi %add3A_142, %add3A_143 : i32
    "tpu.region"() ({
      %run_scoped3A_202 = tpu.sem_alloc : memref<!tpu.dma_semaphore, #tpu.memory_space<semaphore_mem>>
      %dma_start3A_203 = tpu.memref_slice %arg3[%add3A_144] : memref<800000xi32, #tpu.memory_space<hbm>> -> memref<8xi32, #tpu.memory_space<hbm>>
      %dma_start3A_204 = tpu.memref_slice %arg3[%add3A_144] : memref<800000xi32, #tpu.memory_space<hbm>> -> memref<8xi32, #tpu.memory_space<hbm>>
      tpu.enqueue_dma source(%dma_start3A_204 : memref<8xi32, #tpu.memory_space<hbm>>) target(%arg9 : memref<8xi32, #tpu.memory_space<vmem>>) target_semaphore(%run_scoped3A_202 : memref<!tpu.dma_semaphore, #tpu.memory_space<semaphore_mem>>)
      %dma_wait3A_205 = tpu.memref_slice %arg3[%add3A_144] : memref<800000xi32, #tpu.memory_space<hbm>> -> memref<8xi32, #tpu.memory_space<hbm>>
      %dma_wait3A_206 = tpu.memref_slice %arg3[%add3A_144] : memref<800000xi32, #tpu.memory_space<hbm>> -> memref<8xi32, #tpu.memory_space<hbm>>
      tpu.wait_dma2 semaphore(%run_scoped3A_202 : memref<!tpu.dma_semaphore, #tpu.memory_space<semaphore_mem>>) src(%dma_wait3A_206 : memref<8xi32, #tpu.memory_space<hbm>>) dst(%arg9 : memref<8xi32, #tpu.memory_space<vmem>>)
      tpu.yield
    }) : () -> ()
    "tpu.region"() ({
      %run_scoped3A_202 = tpu.sem_alloc : memref<!tpu.dma_semaphore, #tpu.memory_space<semaphore_mem>>
      %dma_start3A_203 = tpu.memref_slice %arg4[%add3A_144] : memref<800000xi32, #tpu.memory_space<hbm>> -> memref<8xi32, #tpu.memory_space<hbm>>
      %dma_start3A_204 = tpu.memref_slice %arg4[%add3A_144] : memref<800000xi32, #tpu.memory_space<hbm>> -> memref<8xi32, #tpu.memory_space<hbm>>
      tpu.enqueue_dma source(%dma_start3A_204 : memref<8xi32, #tpu.memory_space<hbm>>) target(%arg10 : memref<8xi32, #tpu.memory_space<vmem>>) target_semaphore(%run_scoped3A_202 : memref<!tpu.dma_semaphore, #tpu.memory_space<semaphore_mem>>)
      %dma_wait3A_205 = tpu.memref_slice %arg4[%add3A_144] : memref<800000xi32, #tpu.memory_space<hbm>> -> memref<8xi32, #tpu.memory_space<hbm>>
      %dma_wait3A_206 = tpu.memref_slice %arg4[%add3A_144] : memref<800000xi32, #tpu.memory_space<hbm>> -> memref<8xi32, #tpu.memory_space<hbm>>
      tpu.wait_dma2 semaphore(%run_scoped3A_202 : memref<!tpu.dma_semaphore, #tpu.memory_space<semaphore_mem>>) src(%dma_wait3A_206 : memref<8xi32, #tpu.memory_space<hbm>>) dst(%arg10 : memref<8xi32, #tpu.memory_space<vmem>>)
      tpu.yield
    }) : () -> ()
    %dma_start3A_145 = arith.constant 3 : i32
    %dma_start3A_146 = arith.constant 0 : i32
    %dma_start3A_147 = arith.constant 0 : i32
    %dma_start3A_148 = tpu.memref_slice %arg2[%dma_start3A_145, %dma_start3A_146, %dma_start3A_147] : memref<5x10240x128xf32, #tpu.memory_space<hbm>> -> memref<1x10240x128xf32, #tpu.memory_space<hbm>>
    %dma_start3A_149 = tpu.memref_squeeze %dma_start3A_148 : memref<1x10240x128xf32, #tpu.memory_space<hbm>> -> memref<10240x128xf32, #tpu.memory_space<hbm>>
    %dma_start3A_150 = arith.constant 0 : i32
    %dma_start3A_151 = arith.constant 0 : i32
    %dma_start3A_152 = tpu.memref_slice %dma_start3A_149[%dma_start3A_150, %dma_start3A_151] : memref<10240x128xf32, #tpu.memory_space<hbm>> -> memref<10240x128xf32, #tpu.memory_space<hbm>>
    tpu.enqueue_indirect_dma source(%dma_start3A_152 : memref<10240x128xf32, #tpu.memory_space<hbm>>) target(%arg11 : memref<8x128xf32, #tpu.memory_space<vmem>>) offsets(%arg9 : memref<8xi32, #tpu.memory_space<vmem>>) semaphore(%arg14 : memref<!tpu.dma_semaphore, #tpu.memory_space<semaphore_mem>>)
    %dma_wait3A_153 = arith.constant 3 : i32
    %dma_wait3A_154 = arith.constant 0 : i32
    %dma_wait3A_155 = arith.constant 0 : i32
    %dma_wait3A_156 = tpu.memref_slice %arg2[%dma_wait3A_153, %dma_wait3A_154, %dma_wait3A_155] : memref<5x10240x128xf32, #tpu.memory_space<hbm>> -> memref<1x10240x128xf32, #tpu.memory_space<hbm>>
    %dma_wait3A_157 = tpu.memref_squeeze %dma_wait3A_156 : memref<1x10240x128xf32, #tpu.memory_space<hbm>> -> memref<10240x128xf32, #tpu.memory_space<hbm>>
    %dma_wait3A_158 = arith.constant 0 : i32
    %dma_wait3A_159 = arith.constant 0 : i32
    %dma_wait3A_160 = tpu.memref_slice %dma_wait3A_157[%dma_wait3A_158, %dma_wait3A_159] : memref<10240x128xf32, #tpu.memory_space<hbm>> -> memref<10240x128xf32, #tpu.memory_space<hbm>>
    tpu.wait_indirect_dma semaphore(%arg14 : memref<!tpu.dma_semaphore, #tpu.memory_space<semaphore_mem>>) src(%dma_wait3A_160 : memref<10240x128xf32, #tpu.memory_space<hbm>>) dst(%arg11 : memref<8x128xf32, #tpu.memory_space<vmem>>)
    "tpu.region"() ({
      %run_scoped3A_202 = tpu.sem_alloc : memref<!tpu.dma_semaphore, #tpu.memory_space<semaphore_mem>>
      %dma_start3A_203 = arith.constant 0 : i32
      %dma_start3A_204 = arith.constant 0 : i32
      %dma_start3A_205 = tpu.memref_slice %arg13[%dma_start3A_203, %dma_start3A_204] : memref<10240x128xf32, #tpu.memory_space<vmem_shared>> -> memref<10240x128xf32, #tpu.memory_space<vmem_shared>>
      tpu.enqueue_indirect_dma source(%arg11 : memref<8x128xf32, #tpu.memory_space<vmem>>) target(%dma_start3A_205 : memref<10240x128xf32, #tpu.memory_space<vmem_shared>>) offsets(%arg10 : memref<8xi32, #tpu.memory_space<vmem>>) semaphore(%run_scoped3A_202 : memref<!tpu.dma_semaphore, #tpu.memory_space<semaphore_mem>>) {add = true}
      %dma_wait3A_206 = arith.constant 0 : i32
      %dma_wait3A_207 = arith.constant 0 : i32
      %dma_wait3A_208 = tpu.memref_slice %arg13[%dma_wait3A_206, %dma_wait3A_207] : memref<10240x128xf32, #tpu.memory_space<vmem_shared>> -> memref<10240x128xf32, #tpu.memory_space<vmem_shared>>
      tpu.wait_indirect_dma semaphore(%run_scoped3A_202 : memref<!tpu.dma_semaphore, #tpu.memory_space<semaphore_mem>>) src(%arg11 : memref<8x128xf32, #tpu.memory_space<vmem>>) dst(%dma_wait3A_208 : memref<10240x128xf32, #tpu.memory_space<vmem_shared>>)
      tpu.yield
    }) : () -> ()
    %barrier3A_161 = arith.constant 0 : index
    tpu.barrier barrier_id(%barrier3A_161)
    %run_scoped3A_162 = arith.constant 3 : i32
    "tpu.region"() ({
      %run_scoped3A_202 = tpu.sem_alloc : memref<!tpu.dma_semaphore, #tpu.memory_space<semaphore_mem>>
      %dma_start3A_203 = arith.constant 0 : i32
      %dma_start3A_204 = tpu.memref_slice %arg5[%arg0, %run_scoped3A_162, %mul3A_4, %dma_start3A_203] : memref<2x5x10240x128xf32, #tpu.memory_space<hbm>> -> memref<1x1x640x128xf32, #tpu.memory_space<hbm>>
      %dma_start3A_205 = tpu.memref_squeeze %dma_start3A_204 : memref<1x1x640x128xf32, #tpu.memory_space<hbm>> -> memref<640x128xf32, #tpu.memory_space<hbm>>
      %dma_start3A_206 = arith.constant 0 : i32
      %dma_start3A_207 = tpu.memref_slice %arg13[%mul3A_4, %dma_start3A_206] : memref<10240x128xf32, #tpu.memory_space<vmem_shared>> -> memref<640x128xf32, #tpu.memory_space<vmem_shared>>
      tpu.enqueue_dma source(%dma_start3A_207 : memref<640x128xf32, #tpu.memory_space<vmem_shared>>) target(%dma_start3A_205 : memref<640x128xf32, #tpu.memory_space<hbm>>) target_semaphore(%run_scoped3A_202 : memref<!tpu.dma_semaphore, #tpu.memory_space<semaphore_mem>>)
      %dma_wait3A_208 = arith.constant 0 : i32
      %dma_wait3A_209 = tpu.memref_slice %arg5[%arg0, %run_scoped3A_162, %mul3A_4, %dma_wait3A_208] : memref<2x5x10240x128xf32, #tpu.memory_space<hbm>> -> memref<1x1x640x128xf32, #tpu.memory_space<hbm>>
      %dma_wait3A_210 = tpu.memref_squeeze %dma_wait3A_209 : memref<1x1x640x128xf32, #tpu.memory_space<hbm>> -> memref<640x128xf32, #tpu.memory_space<hbm>>
      %dma_wait3A_211 = arith.constant 0 : i32
      %dma_wait3A_212 = tpu.memref_slice %arg13[%mul3A_4, %dma_wait3A_211] : memref<10240x128xf32, #tpu.memory_space<vmem_shared>> -> memref<640x128xf32, #tpu.memory_space<vmem_shared>>
      tpu.wait_dma2 semaphore(%run_scoped3A_202 : memref<!tpu.dma_semaphore, #tpu.memory_space<semaphore_mem>>) src(%dma_wait3A_212 : memref<640x128xf32, #tpu.memory_space<vmem_shared>>) dst(%dma_wait3A_210 : memref<640x128xf32, #tpu.memory_space<hbm>>)
      tpu.yield
    }) : () -> ()
    %add3A_163 = arith.constant 0 : i32
    %add3A_164 = arith.addi %mul3A_4, %add3A_163 : i32
    "tpu.region"() ({
      %run_scoped3A_202 = tpu.sem_alloc : memref<!tpu.dma_semaphore, #tpu.memory_space<semaphore_mem>>
      %dma_start3A_203 = arith.constant 0 : i32
      %dma_start3A_204 = tpu.memref_slice %arg13[%add3A_164, %dma_start3A_203] : memref<10240x128xf32, #tpu.memory_space<vmem_shared>> -> memref<128x128xf32, #tpu.memory_space<vmem_shared>>
      %dma_start3A_205 = arith.constant 0 : i32
      %dma_start3A_206 = tpu.memref_slice %arg13[%add3A_164, %dma_start3A_205] : memref<10240x128xf32, #tpu.memory_space<vmem_shared>> -> memref<128x128xf32, #tpu.memory_space<vmem_shared>>
      tpu.enqueue_dma source(%arg12 : memref<128x128xf32, #tpu.memory_space<vmem>>) target(%dma_start3A_206 : memref<128x128xf32, #tpu.memory_space<vmem_shared>>) target_semaphore(%run_scoped3A_202 : memref<!tpu.dma_semaphore, #tpu.memory_space<semaphore_mem>>)
      %dma_wait3A_207 = arith.constant 0 : i32
      %dma_wait3A_208 = tpu.memref_slice %arg13[%add3A_164, %dma_wait3A_207] : memref<10240x128xf32, #tpu.memory_space<vmem_shared>> -> memref<128x128xf32, #tpu.memory_space<vmem_shared>>
      %dma_wait3A_209 = arith.constant 0 : i32
      %dma_wait3A_210 = tpu.memref_slice %arg13[%add3A_164, %dma_wait3A_209] : memref<10240x128xf32, #tpu.memory_space<vmem_shared>> -> memref<128x128xf32, #tpu.memory_space<vmem_shared>>
      tpu.wait_dma2 semaphore(%run_scoped3A_202 : memref<!tpu.dma_semaphore, #tpu.memory_space<semaphore_mem>>) src(%arg12 : memref<128x128xf32, #tpu.memory_space<vmem>>) dst(%dma_wait3A_210 : memref<128x128xf32, #tpu.memory_space<vmem_shared>>)
      tpu.yield
    }) : () -> ()
    %add3A_165 = arith.constant 128 : i32
    %add3A_166 = arith.addi %mul3A_4, %add3A_165 : i32
    "tpu.region"() ({
      %run_scoped3A_202 = tpu.sem_alloc : memref<!tpu.dma_semaphore, #tpu.memory_space<semaphore_mem>>
      %dma_start3A_203 = arith.constant 0 : i32
      %dma_start3A_204 = tpu.memref_slice %arg13[%add3A_166, %dma_start3A_203] : memref<10240x128xf32, #tpu.memory_space<vmem_shared>> -> memref<128x128xf32, #tpu.memory_space<vmem_shared>>
      %dma_start3A_205 = arith.constant 0 : i32
      %dma_start3A_206 = tpu.memref_slice %arg13[%add3A_166, %dma_start3A_205] : memref<10240x128xf32, #tpu.memory_space<vmem_shared>> -> memref<128x128xf32, #tpu.memory_space<vmem_shared>>
      tpu.enqueue_dma source(%arg12 : memref<128x128xf32, #tpu.memory_space<vmem>>) target(%dma_start3A_206 : memref<128x128xf32, #tpu.memory_space<vmem_shared>>) target_semaphore(%run_scoped3A_202 : memref<!tpu.dma_semaphore, #tpu.memory_space<semaphore_mem>>)
      %dma_wait3A_207 = arith.constant 0 : i32
      %dma_wait3A_208 = tpu.memref_slice %arg13[%add3A_166, %dma_wait3A_207] : memref<10240x128xf32, #tpu.memory_space<vmem_shared>> -> memref<128x128xf32, #tpu.memory_space<vmem_shared>>
      %dma_wait3A_209 = arith.constant 0 : i32
      %dma_wait3A_210 = tpu.memref_slice %arg13[%add3A_166, %dma_wait3A_209] : memref<10240x128xf32, #tpu.memory_space<vmem_shared>> -> memref<128x128xf32, #tpu.memory_space<vmem_shared>>
      tpu.wait_dma2 semaphore(%run_scoped3A_202 : memref<!tpu.dma_semaphore, #tpu.memory_space<semaphore_mem>>) src(%arg12 : memref<128x128xf32, #tpu.memory_space<vmem>>) dst(%dma_wait3A_210 : memref<128x128xf32, #tpu.memory_space<vmem_shared>>)
      tpu.yield
    }) : () -> ()
    %add3A_167 = arith.constant 256 : i32
    %add3A_168 = arith.addi %mul3A_4, %add3A_167 : i32
    "tpu.region"() ({
      %run_scoped3A_202 = tpu.sem_alloc : memref<!tpu.dma_semaphore, #tpu.memory_space<semaphore_mem>>
      %dma_start3A_203 = arith.constant 0 : i32
      %dma_start3A_204 = tpu.memref_slice %arg13[%add3A_168, %dma_start3A_203] : memref<10240x128xf32, #tpu.memory_space<vmem_shared>> -> memref<128x128xf32, #tpu.memory_space<vmem_shared>>
      %dma_start3A_205 = arith.constant 0 : i32
      %dma_start3A_206 = tpu.memref_slice %arg13[%add3A_168, %dma_start3A_205] : memref<10240x128xf32, #tpu.memory_space<vmem_shared>> -> memref<128x128xf32, #tpu.memory_space<vmem_shared>>
      tpu.enqueue_dma source(%arg12 : memref<128x128xf32, #tpu.memory_space<vmem>>) target(%dma_start3A_206 : memref<128x128xf32, #tpu.memory_space<vmem_shared>>) target_semaphore(%run_scoped3A_202 : memref<!tpu.dma_semaphore, #tpu.memory_space<semaphore_mem>>)
      %dma_wait3A_207 = arith.constant 0 : i32
      %dma_wait3A_208 = tpu.memref_slice %arg13[%add3A_168, %dma_wait3A_207] : memref<10240x128xf32, #tpu.memory_space<vmem_shared>> -> memref<128x128xf32, #tpu.memory_space<vmem_shared>>
      %dma_wait3A_209 = arith.constant 0 : i32
      %dma_wait3A_210 = tpu.memref_slice %arg13[%add3A_168, %dma_wait3A_209] : memref<10240x128xf32, #tpu.memory_space<vmem_shared>> -> memref<128x128xf32, #tpu.memory_space<vmem_shared>>
      tpu.wait_dma2 semaphore(%run_scoped3A_202 : memref<!tpu.dma_semaphore, #tpu.memory_space<semaphore_mem>>) src(%arg12 : memref<128x128xf32, #tpu.memory_space<vmem>>) dst(%dma_wait3A_210 : memref<128x128xf32, #tpu.memory_space<vmem_shared>>)
      tpu.yield
    }) : () -> ()
    %add3A_169 = arith.constant 384 : i32
    %add3A_170 = arith.addi %mul3A_4, %add3A_169 : i32
    "tpu.region"() ({
      %run_scoped3A_202 = tpu.sem_alloc : memref<!tpu.dma_semaphore, #tpu.memory_space<semaphore_mem>>
      %dma_start3A_203 = arith.constant 0 : i32
      %dma_start3A_204 = tpu.memref_slice %arg13[%add3A_170, %dma_start3A_203] : memref<10240x128xf32, #tpu.memory_space<vmem_shared>> -> memref<128x128xf32, #tpu.memory_space<vmem_shared>>
      %dma_start3A_205 = arith.constant 0 : i32
      %dma_start3A_206 = tpu.memref_slice %arg13[%add3A_170, %dma_start3A_205] : memref<10240x128xf32, #tpu.memory_space<vmem_shared>> -> memref<128x128xf32, #tpu.memory_space<vmem_shared>>
      tpu.enqueue_dma source(%arg12 : memref<128x128xf32, #tpu.memory_space<vmem>>) target(%dma_start3A_206 : memref<128x128xf32, #tpu.memory_space<vmem_shared>>) target_semaphore(%run_scoped3A_202 : memref<!tpu.dma_semaphore, #tpu.memory_space<semaphore_mem>>)
      %dma_wait3A_207 = arith.constant 0 : i32
      %dma_wait3A_208 = tpu.memref_slice %arg13[%add3A_170, %dma_wait3A_207] : memref<10240x128xf32, #tpu.memory_space<vmem_shared>> -> memref<128x128xf32, #tpu.memory_space<vmem_shared>>
      %dma_wait3A_209 = arith.constant 0 : i32
      %dma_wait3A_210 = tpu.memref_slice %arg13[%add3A_170, %dma_wait3A_209] : memref<10240x128xf32, #tpu.memory_space<vmem_shared>> -> memref<128x128xf32, #tpu.memory_space<vmem_shared>>
      tpu.wait_dma2 semaphore(%run_scoped3A_202 : memref<!tpu.dma_semaphore, #tpu.memory_space<semaphore_mem>>) src(%arg12 : memref<128x128xf32, #tpu.memory_space<vmem>>) dst(%dma_wait3A_210 : memref<128x128xf32, #tpu.memory_space<vmem_shared>>)
      tpu.yield
    }) : () -> ()
    %add3A_171 = arith.constant 512 : i32
    %add3A_172 = arith.addi %mul3A_4, %add3A_171 : i32
    "tpu.region"() ({
      %run_scoped3A_202 = tpu.sem_alloc : memref<!tpu.dma_semaphore, #tpu.memory_space<semaphore_mem>>
      %dma_start3A_203 = arith.constant 0 : i32
      %dma_start3A_204 = tpu.memref_slice %arg13[%add3A_172, %dma_start3A_203] : memref<10240x128xf32, #tpu.memory_space<vmem_shared>> -> memref<128x128xf32, #tpu.memory_space<vmem_shared>>
      %dma_start3A_205 = arith.constant 0 : i32
      %dma_start3A_206 = tpu.memref_slice %arg13[%add3A_172, %dma_start3A_205] : memref<10240x128xf32, #tpu.memory_space<vmem_shared>> -> memref<128x128xf32, #tpu.memory_space<vmem_shared>>
      tpu.enqueue_dma source(%arg12 : memref<128x128xf32, #tpu.memory_space<vmem>>) target(%dma_start3A_206 : memref<128x128xf32, #tpu.memory_space<vmem_shared>>) target_semaphore(%run_scoped3A_202 : memref<!tpu.dma_semaphore, #tpu.memory_space<semaphore_mem>>)
      %dma_wait3A_207 = arith.constant 0 : i32
      %dma_wait3A_208 = tpu.memref_slice %arg13[%add3A_172, %dma_wait3A_207] : memref<10240x128xf32, #tpu.memory_space<vmem_shared>> -> memref<128x128xf32, #tpu.memory_space<vmem_shared>>
      %dma_wait3A_209 = arith.constant 0 : i32
      %dma_wait3A_210 = tpu.memref_slice %arg13[%add3A_172, %dma_wait3A_209] : memref<10240x128xf32, #tpu.memory_space<vmem_shared>> -> memref<128x128xf32, #tpu.memory_space<vmem_shared>>
      tpu.wait_dma2 semaphore(%run_scoped3A_202 : memref<!tpu.dma_semaphore, #tpu.memory_space<semaphore_mem>>) src(%arg12 : memref<128x128xf32, #tpu.memory_space<vmem>>) dst(%dma_wait3A_210 : memref<128x128xf32, #tpu.memory_space<vmem_shared>>)
      tpu.yield
    }) : () -> ()
    %barrier3A_173 = arith.constant 0 : index
    tpu.barrier barrier_id(%barrier3A_173)
    %scan3A_174 = arith.constant 0 : i32
    %scan3A_175 = arith.constant 0 : i32
    %scan3A_176 = arith.constant 39 : i32
    %scan3A_177 = arith.addi %scan3A_175, %scan3A_176 : i32
    %scan3A_178 = arith.constant 1 : i32
    scf.for %scan3A_202 = %scan3A_175 to %scan3A_177 step %scan3A_178  : i32 {
      %add3A_203 = arith.constant 640000 : i32
      %add3A_204 = arith.addi %add3A_203, %add3A : i32
      %mul3A_205 = arith.constant 128 : i32
      %mul3A_206 = arith.muli %scan3A_202, %mul3A_205 : i32
      %add3A_207 = arith.addi %add3A_204, %mul3A_206 : i32
      "tpu.region"() ({
        %run_scoped3A_224 = tpu.sem_alloc : memref<!tpu.dma_semaphore, #tpu.memory_space<semaphore_mem>>
        %dma_start3A_225 = tpu.memref_slice %arg3[%add3A_207] : memref<800000xi32, #tpu.memory_space<hbm>> -> memref<128xi32, #tpu.memory_space<hbm>>
        %dma_start3A_226 = tpu.memref_slice %arg3[%add3A_207] : memref<800000xi32, #tpu.memory_space<hbm>> -> memref<128xi32, #tpu.memory_space<hbm>>
        tpu.enqueue_dma source(%dma_start3A_226 : memref<128xi32, #tpu.memory_space<hbm>>) target(%arg6 : memref<128xi32, #tpu.memory_space<vmem>>) target_semaphore(%run_scoped3A_224 : memref<!tpu.dma_semaphore, #tpu.memory_space<semaphore_mem>>)
        %dma_wait3A_227 = tpu.memref_slice %arg3[%add3A_207] : memref<800000xi32, #tpu.memory_space<hbm>> -> memref<128xi32, #tpu.memory_space<hbm>>
        %dma_wait3A_228 = tpu.memref_slice %arg3[%add3A_207] : memref<800000xi32, #tpu.memory_space<hbm>> -> memref<128xi32, #tpu.memory_space<hbm>>
        tpu.wait_dma2 semaphore(%run_scoped3A_224 : memref<!tpu.dma_semaphore, #tpu.memory_space<semaphore_mem>>) src(%dma_wait3A_228 : memref<128xi32, #tpu.memory_space<hbm>>) dst(%arg6 : memref<128xi32, #tpu.memory_space<vmem>>)
        tpu.yield
      }) : () -> ()
      "tpu.region"() ({
        %run_scoped3A_224 = tpu.sem_alloc : memref<!tpu.dma_semaphore, #tpu.memory_space<semaphore_mem>>
        %dma_start3A_225 = tpu.memref_slice %arg4[%add3A_207] : memref<800000xi32, #tpu.memory_space<hbm>> -> memref<128xi32, #tpu.memory_space<hbm>>
        %dma_start3A_226 = tpu.memref_slice %arg4[%add3A_207] : memref<800000xi32, #tpu.memory_space<hbm>> -> memref<128xi32, #tpu.memory_space<hbm>>
        tpu.enqueue_dma source(%dma_start3A_226 : memref<128xi32, #tpu.memory_space<hbm>>) target(%arg7 : memref<128xi32, #tpu.memory_space<vmem>>) target_semaphore(%run_scoped3A_224 : memref<!tpu.dma_semaphore, #tpu.memory_space<semaphore_mem>>)
        %dma_wait3A_227 = tpu.memref_slice %arg4[%add3A_207] : memref<800000xi32, #tpu.memory_space<hbm>> -> memref<128xi32, #tpu.memory_space<hbm>>
        %dma_wait3A_228 = tpu.memref_slice %arg4[%add3A_207] : memref<800000xi32, #tpu.memory_space<hbm>> -> memref<128xi32, #tpu.memory_space<hbm>>
        tpu.wait_dma2 semaphore(%run_scoped3A_224 : memref<!tpu.dma_semaphore, #tpu.memory_space<semaphore_mem>>) src(%dma_wait3A_228 : memref<128xi32, #tpu.memory_space<hbm>>) dst(%arg7 : memref<128xi32, #tpu.memory_space<vmem>>)
        tpu.yield
      }) : () -> ()
      %dma_start3A_208 = arith.constant 4 : i32
      %dma_start3A_209 = arith.constant 0 : i32
      %dma_start3A_210 = arith.constant 0 : i32
      %dma_start3A_211 = tpu.memref_slice %arg2[%dma_start3A_208, %dma_start3A_209, %dma_start3A_210] : memref<5x10240x128xf32, #tpu.memory_space<hbm>> -> memref<1x10240x128xf32, #tpu.memory_space<hbm>>
      %dma_start3A_212 = tpu.memref_squeeze %dma_start3A_211 : memref<1x10240x128xf32, #tpu.memory_space<hbm>> -> memref<10240x128xf32, #tpu.memory_space<hbm>>
      %dma_start3A_213 = arith.constant 0 : i32
      %dma_start3A_214 = arith.constant 0 : i32
      %dma_start3A_215 = tpu.memref_slice %dma_start3A_212[%dma_start3A_213, %dma_start3A_214] : memref<10240x128xf32, #tpu.memory_space<hbm>> -> memref<10240x128xf32, #tpu.memory_space<hbm>>
      tpu.enqueue_indirect_dma source(%dma_start3A_215 : memref<10240x128xf32, #tpu.memory_space<hbm>>) target(%arg8 : memref<128x128xf32, #tpu.memory_space<vmem>>) offsets(%arg6 : memref<128xi32, #tpu.memory_space<vmem>>) semaphore(%arg14 : memref<!tpu.dma_semaphore, #tpu.memory_space<semaphore_mem>>)
      %dma_wait3A_216 = arith.constant 4 : i32
      %dma_wait3A_217 = arith.constant 0 : i32
      %dma_wait3A_218 = arith.constant 0 : i32
      %dma_wait3A_219 = tpu.memref_slice %arg2[%dma_wait3A_216, %dma_wait3A_217, %dma_wait3A_218] : memref<5x10240x128xf32, #tpu.memory_space<hbm>> -> memref<1x10240x128xf32, #tpu.memory_space<hbm>>
      %dma_wait3A_220 = tpu.memref_squeeze %dma_wait3A_219 : memref<1x10240x128xf32, #tpu.memory_space<hbm>> -> memref<10240x128xf32, #tpu.memory_space<hbm>>
      %dma_wait3A_221 = arith.constant 0 : i32
      %dma_wait3A_222 = arith.constant 0 : i32
      %dma_wait3A_223 = tpu.memref_slice %dma_wait3A_220[%dma_wait3A_221, %dma_wait3A_222] : memref<10240x128xf32, #tpu.memory_space<hbm>> -> memref<10240x128xf32, #tpu.memory_space<hbm>>
      tpu.wait_indirect_dma semaphore(%arg14 : memref<!tpu.dma_semaphore, #tpu.memory_space<semaphore_mem>>) src(%dma_wait3A_223 : memref<10240x128xf32, #tpu.memory_space<hbm>>) dst(%arg8 : memref<128x128xf32, #tpu.memory_space<vmem>>)
      "tpu.region"() ({
        %run_scoped3A_224 = tpu.sem_alloc : memref<!tpu.dma_semaphore, #tpu.memory_space<semaphore_mem>>
        %dma_start3A_225 = arith.constant 0 : i32
        %dma_start3A_226 = arith.constant 0 : i32
        %dma_start3A_227 = tpu.memref_slice %arg13[%dma_start3A_225, %dma_start3A_226] : memref<10240x128xf32, #tpu.memory_space<vmem_shared>> -> memref<10240x128xf32, #tpu.memory_space<vmem_shared>>
        tpu.enqueue_indirect_dma source(%arg8 : memref<128x128xf32, #tpu.memory_space<vmem>>) target(%dma_start3A_227 : memref<10240x128xf32, #tpu.memory_space<vmem_shared>>) offsets(%arg7 : memref<128xi32, #tpu.memory_space<vmem>>) semaphore(%run_scoped3A_224 : memref<!tpu.dma_semaphore, #tpu.memory_space<semaphore_mem>>) {add = true}
        %dma_wait3A_228 = arith.constant 0 : i32
        %dma_wait3A_229 = arith.constant 0 : i32
        %dma_wait3A_230 = tpu.memref_slice %arg13[%dma_wait3A_228, %dma_wait3A_229] : memref<10240x128xf32, #tpu.memory_space<vmem_shared>> -> memref<10240x128xf32, #tpu.memory_space<vmem_shared>>
        tpu.wait_indirect_dma semaphore(%run_scoped3A_224 : memref<!tpu.dma_semaphore, #tpu.memory_space<semaphore_mem>>) src(%arg8 : memref<128x128xf32, #tpu.memory_space<vmem>>) dst(%dma_wait3A_230 : memref<10240x128xf32, #tpu.memory_space<vmem_shared>>)
        tpu.yield
      }) : () -> ()
    }
    %scan3A_179 = arith.constant 39 : i32
    %add3A_180 = arith.constant 640000 : i32
    %add3A_181 = arith.addi %add3A_180, %add3A : i32
    %add3A_182 = arith.constant 4992 : i32
    %add3A_183 = arith.addi %add3A_181, %add3A_182 : i32
    "tpu.region"() ({
      %run_scoped3A_202 = tpu.sem_alloc : memref<!tpu.dma_semaphore, #tpu.memory_space<semaphore_mem>>
      %dma_start3A_203 = tpu.memref_slice %arg3[%add3A_183] : memref<800000xi32, #tpu.memory_space<hbm>> -> memref<8xi32, #tpu.memory_space<hbm>>
      %dma_start3A_204 = tpu.memref_slice %arg3[%add3A_183] : memref<800000xi32, #tpu.memory_space<hbm>> -> memref<8xi32, #tpu.memory_space<hbm>>
      tpu.enqueue_dma source(%dma_start3A_204 : memref<8xi32, #tpu.memory_space<hbm>>) target(%arg9 : memref<8xi32, #tpu.memory_space<vmem>>) target_semaphore(%run_scoped3A_202 : memref<!tpu.dma_semaphore, #tpu.memory_space<semaphore_mem>>)
      %dma_wait3A_205 = tpu.memref_slice %arg3[%add3A_183] : memref<800000xi32, #tpu.memory_space<hbm>> -> memref<8xi32, #tpu.memory_space<hbm>>
      %dma_wait3A_206 = tpu.memref_slice %arg3[%add3A_183] : memref<800000xi32, #tpu.memory_space<hbm>> -> memref<8xi32, #tpu.memory_space<hbm>>
      tpu.wait_dma2 semaphore(%run_scoped3A_202 : memref<!tpu.dma_semaphore, #tpu.memory_space<semaphore_mem>>) src(%dma_wait3A_206 : memref<8xi32, #tpu.memory_space<hbm>>) dst(%arg9 : memref<8xi32, #tpu.memory_space<vmem>>)
      tpu.yield
    }) : () -> ()
    "tpu.region"() ({
      %run_scoped3A_202 = tpu.sem_alloc : memref<!tpu.dma_semaphore, #tpu.memory_space<semaphore_mem>>
      %dma_start3A_203 = tpu.memref_slice %arg4[%add3A_183] : memref<800000xi32, #tpu.memory_space<hbm>> -> memref<8xi32, #tpu.memory_space<hbm>>
      %dma_start3A_204 = tpu.memref_slice %arg4[%add3A_183] : memref<800000xi32, #tpu.memory_space<hbm>> -> memref<8xi32, #tpu.memory_space<hbm>>
      tpu.enqueue_dma source(%dma_start3A_204 : memref<8xi32, #tpu.memory_space<hbm>>) target(%arg10 : memref<8xi32, #tpu.memory_space<vmem>>) target_semaphore(%run_scoped3A_202 : memref<!tpu.dma_semaphore, #tpu.memory_space<semaphore_mem>>)
      %dma_wait3A_205 = tpu.memref_slice %arg4[%add3A_183] : memref<800000xi32, #tpu.memory_space<hbm>> -> memref<8xi32, #tpu.memory_space<hbm>>
      %dma_wait3A_206 = tpu.memref_slice %arg4[%add3A_183] : memref<800000xi32, #tpu.memory_space<hbm>> -> memref<8xi32, #tpu.memory_space<hbm>>
      tpu.wait_dma2 semaphore(%run_scoped3A_202 : memref<!tpu.dma_semaphore, #tpu.memory_space<semaphore_mem>>) src(%dma_wait3A_206 : memref<8xi32, #tpu.memory_space<hbm>>) dst(%arg10 : memref<8xi32, #tpu.memory_space<vmem>>)
      tpu.yield
    }) : () -> ()
    %dma_start3A_184 = arith.constant 4 : i32
    %dma_start3A_185 = arith.constant 0 : i32
    %dma_start3A_186 = arith.constant 0 : i32
    %dma_start3A_187 = tpu.memref_slice %arg2[%dma_start3A_184, %dma_start3A_185, %dma_start3A_186] : memref<5x10240x128xf32, #tpu.memory_space<hbm>> -> memref<1x10240x128xf32, #tpu.memory_space<hbm>>
    %dma_start3A_188 = tpu.memref_squeeze %dma_start3A_187 : memref<1x10240x128xf32, #tpu.memory_space<hbm>> -> memref<10240x128xf32, #tpu.memory_space<hbm>>
    %dma_start3A_189 = arith.constant 0 : i32
    %dma_start3A_190 = arith.constant 0 : i32
    %dma_start3A_191 = tpu.memref_slice %dma_start3A_188[%dma_start3A_189, %dma_start3A_190] : memref<10240x128xf32, #tpu.memory_space<hbm>> -> memref<10240x128xf32, #tpu.memory_space<hbm>>
    tpu.enqueue_indirect_dma source(%dma_start3A_191 : memref<10240x128xf32, #tpu.memory_space<hbm>>) target(%arg11 : memref<8x128xf32, #tpu.memory_space<vmem>>) offsets(%arg9 : memref<8xi32, #tpu.memory_space<vmem>>) semaphore(%arg14 : memref<!tpu.dma_semaphore, #tpu.memory_space<semaphore_mem>>)
    %dma_wait3A_192 = arith.constant 4 : i32
    %dma_wait3A_193 = arith.constant 0 : i32
    %dma_wait3A_194 = arith.constant 0 : i32
    %dma_wait3A_195 = tpu.memref_slice %arg2[%dma_wait3A_192, %dma_wait3A_193, %dma_wait3A_194] : memref<5x10240x128xf32, #tpu.memory_space<hbm>> -> memref<1x10240x128xf32, #tpu.memory_space<hbm>>
    %dma_wait3A_196 = tpu.memref_squeeze %dma_wait3A_195 : memref<1x10240x128xf32, #tpu.memory_space<hbm>> -> memref<10240x128xf32, #tpu.memory_space<hbm>>
    %dma_wait3A_197 = arith.constant 0 : i32
    %dma_wait3A_198 = arith.constant 0 : i32
    %dma_wait3A_199 = tpu.memref_slice %dma_wait3A_196[%dma_wait3A_197, %dma_wait3A_198] : memref<10240x128xf32, #tpu.memory_space<hbm>> -> memref<10240x128xf32, #tpu.memory_space<hbm>>
    tpu.wait_indirect_dma semaphore(%arg14 : memref<!tpu.dma_semaphore, #tpu.memory_space<semaphore_mem>>) src(%dma_wait3A_199 : memref<10240x128xf32, #tpu.memory_space<hbm>>) dst(%arg11 : memref<8x128xf32, #tpu.memory_space<vmem>>)
    "tpu.region"() ({
      %run_scoped3A_202 = tpu.sem_alloc : memref<!tpu.dma_semaphore, #tpu.memory_space<semaphore_mem>>
      %dma_start3A_203 = arith.constant 0 : i32
      %dma_start3A_204 = arith.constant 0 : i32
      %dma_start3A_205 = tpu.memref_slice %arg13[%dma_start3A_203, %dma_start3A_204] : memref<10240x128xf32, #tpu.memory_space<vmem_shared>> -> memref<10240x128xf32, #tpu.memory_space<vmem_shared>>
      tpu.enqueue_indirect_dma source(%arg11 : memref<8x128xf32, #tpu.memory_space<vmem>>) target(%dma_start3A_205 : memref<10240x128xf32, #tpu.memory_space<vmem_shared>>) offsets(%arg10 : memref<8xi32, #tpu.memory_space<vmem>>) semaphore(%run_scoped3A_202 : memref<!tpu.dma_semaphore, #tpu.memory_space<semaphore_mem>>) {add = true}
      %dma_wait3A_206 = arith.constant 0 : i32
      %dma_wait3A_207 = arith.constant 0 : i32
      %dma_wait3A_208 = tpu.memref_slice %arg13[%dma_wait3A_206, %dma_wait3A_207] : memref<10240x128xf32, #tpu.memory_space<vmem_shared>> -> memref<10240x128xf32, #tpu.memory_space<vmem_shared>>
      tpu.wait_indirect_dma semaphore(%run_scoped3A_202 : memref<!tpu.dma_semaphore, #tpu.memory_space<semaphore_mem>>) src(%arg11 : memref<8x128xf32, #tpu.memory_space<vmem>>) dst(%dma_wait3A_208 : memref<10240x128xf32, #tpu.memory_space<vmem_shared>>)
      tpu.yield
    }) : () -> ()
    %barrier3A_200 = arith.constant 0 : index
    tpu.barrier barrier_id(%barrier3A_200)
    %run_scoped3A_201 = arith.constant 4 : i32
    "tpu.region"() ({
      %run_scoped3A_202 = tpu.sem_alloc : memref<!tpu.dma_semaphore, #tpu.memory_space<semaphore_mem>>
      %dma_start3A_203 = arith.constant 0 : i32
      %dma_start3A_204 = tpu.memref_slice %arg5[%arg0, %run_scoped3A_201, %mul3A_4, %dma_start3A_203] : memref<2x5x10240x128xf32, #tpu.memory_space<hbm>> -> memref<1x1x640x128xf32, #tpu.memory_space<hbm>>
      %dma_start3A_205 = tpu.memref_squeeze %dma_start3A_204 : memref<1x1x640x128xf32, #tpu.memory_space<hbm>> -> memref<640x128xf32, #tpu.memory_space<hbm>>
      %dma_start3A_206 = arith.constant 0 : i32
      %dma_start3A_207 = tpu.memref_slice %arg13[%mul3A_4, %dma_start3A_206] : memref<10240x128xf32, #tpu.memory_space<vmem_shared>> -> memref<640x128xf32, #tpu.memory_space<vmem_shared>>
      tpu.enqueue_dma source(%dma_start3A_207 : memref<640x128xf32, #tpu.memory_space<vmem_shared>>) target(%dma_start3A_205 : memref<640x128xf32, #tpu.memory_space<hbm>>) target_semaphore(%run_scoped3A_202 : memref<!tpu.dma_semaphore, #tpu.memory_space<semaphore_mem>>)
      %dma_wait3A_208 = arith.constant 0 : i32
      %dma_wait3A_209 = tpu.memref_slice %arg5[%arg0, %run_scoped3A_201, %mul3A_4, %dma_wait3A_208] : memref<2x5x10240x128xf32, #tpu.memory_space<hbm>> -> memref<1x1x640x128xf32, #tpu.memory_space<hbm>>
      %dma_wait3A_210 = tpu.memref_squeeze %dma_wait3A_209 : memref<1x1x640x128xf32, #tpu.memory_space<hbm>> -> memref<640x128xf32, #tpu.memory_space<hbm>>
      %dma_wait3A_211 = arith.constant 0 : i32
      %dma_wait3A_212 = tpu.memref_slice %arg13[%mul3A_4, %dma_wait3A_211] : memref<10240x128xf32, #tpu.memory_space<vmem_shared>> -> memref<640x128xf32, #tpu.memory_space<vmem_shared>>
      tpu.wait_dma2 semaphore(%run_scoped3A_202 : memref<!tpu.dma_semaphore, #tpu.memory_space<semaphore_mem>>) src(%dma_wait3A_212 : memref<640x128xf32, #tpu.memory_space<vmem_shared>>) dst(%dma_wait3A_210 : memref<640x128xf32, #tpu.memory_space<hbm>>)
      tpu.yield
    }) : () -> ()
    return
  }
}

#map = affine_map<(d0, d1) -> (0)>
module attributes {stable_mosaic.version = 14 : i64} {
  func.func @k(%arg0: i32, %arg1: i32, %arg2: memref<800000xi32, #tpu.memory_space<hbm>>, %arg3: memref<1638400xf32, #tpu.memory_space<hbm>>, %arg4: memref<5016xi32, #tpu.memory_space<vmem>>, %arg5: memref<10240xf32, #tpu.memory_space<vmem>>) attributes {dimension_semantics = [#tpu.dimension_semantics<core_parallel>, #tpu.dimension_semantics<subcore_parallel>], iteration_bounds = array<i64: 2, 16>, scalar_prefetch = 0 : i64, scratch_operands = 2 : i64, tpu.core_type = #tpu.core_type<sc_vector_subcore>, window_params = [{transform_indices = #map}, {transform_indices = #map}]} {
    %mul3A = arith.constant 2 : i32
    %mul3A_0 = arith.muli %arg1, %mul3A : i32
    %add3A = arith.addi %mul3A_0, %arg0 : i32
    %mul3A_1 = arith.constant 5000 : i32
    %mul3A_2 = arith.muli %add3A, %mul3A_1 : i32
    %broadcast_in_dim3A = arith.constant 1.000000e+00 : f32
    %broadcast_in_dim3A_3 = vector.broadcast %broadcast_in_dim3A : f32 to vector<16xf32>
    %broadcast_in_dim3A_4 = arith.constant 0.000000e+00 : f32
    %broadcast_in_dim3A_5 = vector.broadcast %broadcast_in_dim3A_4 : f32 to vector<16xf32>
    %scan3A = arith.constant 0 : i32
    %scan3A_6 = arith.constant 0 : i32
    %scan3A_7 = arith.constant 640 : i32
    %scan3A_8 = arith.addi %scan3A_6, %scan3A_7 : i32
    %scan3A_9 = arith.constant 1 : i32
    scf.for %scan3A_151 = %scan3A_6 to %scan3A_8 step %scan3A_9  : i32 {
      %mul3A_152 = arith.constant 16 : i32
      %mul3A_153 = arith.muli %scan3A_151, %mul3A_152 : i32
      %swap3A_154 = arith.index_cast %mul3A_153 : i32 to index
      %swap3A_155 = tpu.vector_load %arg5[%swap3A_154] {strides = array<i32>} : memref<10240xf32, #tpu.memory_space<vmem>>, vector<16xf32>,
      tpu.vector_store %arg5[%swap3A_154], %broadcast_in_dim3A_5 {strides = array<i32>} : memref<10240xf32, #tpu.memory_space<vmem>>, vector<16xf32>,
    }
    %scan3A_10 = arith.constant 640 : i32
    %broadcast_in_dim3A_11 = arith.constant 0 : i32
    %broadcast_in_dim3A_12 = vector.broadcast %broadcast_in_dim3A_11 : i32 to vector<16xi32>
    %swap3A = arith.constant 4992 : index
    %swap3A_13 = tpu.vector_load %arg4[%swap3A] {strides = array<i32>} : memref<5016xi32, #tpu.memory_space<vmem>>, vector<16xi32>,
    tpu.vector_store %arg4[%swap3A], %broadcast_in_dim3A_12 {strides = array<i32>} : memref<5016xi32, #tpu.memory_space<vmem>>, vector<16xi32>,
    %add3A_14 = arith.constant 0 : i32
    %add3A_15 = arith.addi %add3A_14, %mul3A_2 : i32
    "tpu.region"() ({
      %run_scoped3A = tpu.sem_alloc : memref<!tpu.dma_semaphore, #tpu.memory_space<semaphore_mem>>
      %dma_start3A = arith.constant 0 : i32
      %dma_start3A_151 = tpu.memref_slice %arg4[%dma_start3A] : memref<5016xi32, #tpu.memory_space<vmem>> -> memref<5000xi32, #tpu.memory_space<vmem>>
      %dma_start3A_152 = tpu.memref_slice %arg2[%add3A_15] : memref<800000xi32, #tpu.memory_space<hbm>> -> memref<5000xi32, #tpu.memory_space<hbm>>
      %dma_start3A_153 = arith.constant 0 : i32
      %dma_start3A_154 = tpu.memref_slice %arg4[%dma_start3A_153] : memref<5016xi32, #tpu.memory_space<vmem>> -> memref<5000xi32, #tpu.memory_space<vmem>>
      %dma_start3A_155 = tpu.memref_slice %arg2[%add3A_15] : memref<800000xi32, #tpu.memory_space<hbm>> -> memref<5000xi32, #tpu.memory_space<hbm>>
      tpu.enqueue_dma source(%dma_start3A_155 : memref<5000xi32, #tpu.memory_space<hbm>>) target(%dma_start3A_154 : memref<5000xi32, #tpu.memory_space<vmem>>) target_semaphore(%run_scoped3A : memref<!tpu.dma_semaphore, #tpu.memory_space<semaphore_mem>>)
      %dma_wait3A = arith.constant 0 : i32
      %dma_wait3A_156 = tpu.memref_slice %arg4[%dma_wait3A] : memref<5016xi32, #tpu.memory_space<vmem>> -> memref<5000xi32, #tpu.memory_space<vmem>>
      %dma_wait3A_157 = tpu.memref_slice %arg2[%add3A_15] : memref<800000xi32, #tpu.memory_space<hbm>> -> memref<5000xi32, #tpu.memory_space<hbm>>
      %dma_wait3A_158 = arith.constant 0 : i32
      %dma_wait3A_159 = tpu.memref_slice %arg4[%dma_wait3A_158] : memref<5016xi32, #tpu.memory_space<vmem>> -> memref<5000xi32, #tpu.memory_space<vmem>>
      %dma_wait3A_160 = tpu.memref_slice %arg2[%add3A_15] : memref<800000xi32, #tpu.memory_space<hbm>> -> memref<5000xi32, #tpu.memory_space<hbm>>
      tpu.wait_dma2 semaphore(%run_scoped3A : memref<!tpu.dma_semaphore, #tpu.memory_space<semaphore_mem>>) src(%dma_wait3A_160 : memref<5000xi32, #tpu.memory_space<hbm>>) dst(%dma_wait3A_159 : memref<5000xi32, #tpu.memory_space<vmem>>)
      tpu.yield
    }) : () -> ()
    %scan3A_16 = arith.constant 0 : i32
    %scan3A_17 = arith.constant 0 : i32
    %scan3A_18 = arith.constant 312 : i32
    %scan3A_19 = arith.addi %scan3A_17, %scan3A_18 : i32
    %scan3A_20 = arith.constant 1 : i32
    scf.for %scan3A_151 = %scan3A_17 to %scan3A_19 step %scan3A_20  : i32 {
      %mul3A_152 = arith.constant 16 : i32
      %mul3A_153 = arith.muli %scan3A_151, %mul3A_152 : i32
      %get3A_154 = arith.index_cast %mul3A_153 : i32 to index
      %get3A_155 = tpu.vector_load %arg4[%get3A_154] {strides = array<i32>} : memref<5016xi32, #tpu.memory_space<vmem>>, vector<16xi32>,
      tpu.vector_store_idx %arg5[%get3A_155], %broadcast_in_dim3A_3 {add = true} : memref<10240xf32, #tpu.memory_space<vmem>>[vector<16xi32>], vector<16xf32>,
    }
    %scan3A_21 = arith.constant 312 : i32
    %get3A = arith.constant 4992 : index
    %get3A_22 = tpu.vector_load %arg4[%get3A] {strides = array<i32>} : memref<5016xi32, #tpu.memory_space<vmem>>, vector<16xi32>,
    %iota3A = tpu.iota {dimensions = array<i32: 0>} : vector<16xi32>
    %lt3A = arith.constant 8 : i32
    %lt3A_23 = vector.broadcast %lt3A : i32 to vector<16xi32>
    %lt3A_24 = arith.cmpi slt, %iota3A, %lt3A_23 : vector<16xi32>
    tpu.vector_store_idx %arg5[%get3A_22], %broadcast_in_dim3A_3 masked %lt3A_24 {add = true} : memref<10240xf32, #tpu.memory_space<vmem>>[vector<16xi32>], vector<16xf32>, vector<16xi1>
    %mul3A_25 = arith.constant 5 : i32
    %mul3A_26 = arith.muli %add3A, %mul3A_25 : i32
    %add3A_27 = arith.constant 0 : i32
    %add3A_28 = arith.addi %mul3A_26, %add3A_27 : i32
    %mul3A_29 = arith.constant 10240 : i32
    %mul3A_30 = arith.muli %add3A_28, %mul3A_29 : i32
    "tpu.region"() ({
      %run_scoped3A = tpu.sem_alloc : memref<!tpu.dma_semaphore, #tpu.memory_space<semaphore_mem>>
      %dma_start3A = tpu.memref_slice %arg3[%mul3A_30] : memref<1638400xf32, #tpu.memory_space<hbm>> -> memref<10240xf32, #tpu.memory_space<hbm>>
      %dma_start3A_151 = tpu.memref_slice %arg3[%mul3A_30] : memref<1638400xf32, #tpu.memory_space<hbm>> -> memref<10240xf32, #tpu.memory_space<hbm>>
      tpu.enqueue_dma source(%arg5 : memref<10240xf32, #tpu.memory_space<vmem>>) target(%dma_start3A_151 : memref<10240xf32, #tpu.memory_space<hbm>>) target_semaphore(%run_scoped3A : memref<!tpu.dma_semaphore, #tpu.memory_space<semaphore_mem>>)
      %dma_wait3A = tpu.memref_slice %arg3[%mul3A_30] : memref<1638400xf32, #tpu.memory_space<hbm>> -> memref<10240xf32, #tpu.memory_space<hbm>>
      %dma_wait3A_152 = tpu.memref_slice %arg3[%mul3A_30] : memref<1638400xf32, #tpu.memory_space<hbm>> -> memref<10240xf32, #tpu.memory_space<hbm>>
      tpu.wait_dma2 semaphore(%run_scoped3A : memref<!tpu.dma_semaphore, #tpu.memory_space<semaphore_mem>>) src(%arg5 : memref<10240xf32, #tpu.memory_space<vmem>>) dst(%dma_wait3A_152 : memref<10240xf32, #tpu.memory_space<hbm>>)
      tpu.yield
    }) : () -> ()
    %scan3A_31 = arith.constant 0 : i32
    %scan3A_32 = arith.constant 0 : i32
    %scan3A_33 = arith.constant 640 : i32
    %scan3A_34 = arith.addi %scan3A_32, %scan3A_33 : i32
    %scan3A_35 = arith.constant 1 : i32
    scf.for %scan3A_151 = %scan3A_32 to %scan3A_34 step %scan3A_35  : i32 {
      %mul3A_152 = arith.constant 16 : i32
      %mul3A_153 = arith.muli %scan3A_151, %mul3A_152 : i32
      %swap3A_154 = arith.index_cast %mul3A_153 : i32 to index
      %swap3A_155 = tpu.vector_load %arg5[%swap3A_154] {strides = array<i32>} : memref<10240xf32, #tpu.memory_space<vmem>>, vector<16xf32>,
      tpu.vector_store %arg5[%swap3A_154], %broadcast_in_dim3A_5 {strides = array<i32>} : memref<10240xf32, #tpu.memory_space<vmem>>, vector<16xf32>,
    }
    %scan3A_36 = arith.constant 640 : i32
    %broadcast_in_dim3A_37 = arith.constant 0 : i32
    %broadcast_in_dim3A_38 = vector.broadcast %broadcast_in_dim3A_37 : i32 to vector<16xi32>
    %swap3A_39 = arith.constant 4992 : index
    %swap3A_40 = tpu.vector_load %arg4[%swap3A_39] {strides = array<i32>} : memref<5016xi32, #tpu.memory_space<vmem>>, vector<16xi32>,
    tpu.vector_store %arg4[%swap3A_39], %broadcast_in_dim3A_38 {strides = array<i32>} : memref<5016xi32, #tpu.memory_space<vmem>>, vector<16xi32>,
    %add3A_41 = arith.constant 160000 : i32
    %add3A_42 = arith.addi %add3A_41, %mul3A_2 : i32
    "tpu.region"() ({
      %run_scoped3A = tpu.sem_alloc : memref<!tpu.dma_semaphore, #tpu.memory_space<semaphore_mem>>
      %dma_start3A = arith.constant 0 : i32
      %dma_start3A_151 = tpu.memref_slice %arg4[%dma_start3A] : memref<5016xi32, #tpu.memory_space<vmem>> -> memref<5000xi32, #tpu.memory_space<vmem>>
      %dma_start3A_152 = tpu.memref_slice %arg2[%add3A_42] : memref<800000xi32, #tpu.memory_space<hbm>> -> memref<5000xi32, #tpu.memory_space<hbm>>
      %dma_start3A_153 = arith.constant 0 : i32
      %dma_start3A_154 = tpu.memref_slice %arg4[%dma_start3A_153] : memref<5016xi32, #tpu.memory_space<vmem>> -> memref<5000xi32, #tpu.memory_space<vmem>>
      %dma_start3A_155 = tpu.memref_slice %arg2[%add3A_42] : memref<800000xi32, #tpu.memory_space<hbm>> -> memref<5000xi32, #tpu.memory_space<hbm>>
      tpu.enqueue_dma source(%dma_start3A_155 : memref<5000xi32, #tpu.memory_space<hbm>>) target(%dma_start3A_154 : memref<5000xi32, #tpu.memory_space<vmem>>) target_semaphore(%run_scoped3A : memref<!tpu.dma_semaphore, #tpu.memory_space<semaphore_mem>>)
      %dma_wait3A = arith.constant 0 : i32
      %dma_wait3A_156 = tpu.memref_slice %arg4[%dma_wait3A] : memref<5016xi32, #tpu.memory_space<vmem>> -> memref<5000xi32, #tpu.memory_space<vmem>>
      %dma_wait3A_157 = tpu.memref_slice %arg2[%add3A_42] : memref<800000xi32, #tpu.memory_space<hbm>> -> memref<5000xi32, #tpu.memory_space<hbm>>
      %dma_wait3A_158 = arith.constant 0 : i32
      %dma_wait3A_159 = tpu.memref_slice %arg4[%dma_wait3A_158] : memref<5016xi32, #tpu.memory_space<vmem>> -> memref<5000xi32, #tpu.memory_space<vmem>>
      %dma_wait3A_160 = tpu.memref_slice %arg2[%add3A_42] : memref<800000xi32, #tpu.memory_space<hbm>> -> memref<5000xi32, #tpu.memory_space<hbm>>
      tpu.wait_dma2 semaphore(%run_scoped3A : memref<!tpu.dma_semaphore, #tpu.memory_space<semaphore_mem>>) src(%dma_wait3A_160 : memref<5000xi32, #tpu.memory_space<hbm>>) dst(%dma_wait3A_159 : memref<5000xi32, #tpu.memory_space<vmem>>)
      tpu.yield
    }) : () -> ()
    %scan3A_43 = arith.constant 0 : i32
    %scan3A_44 = arith.constant 0 : i32
    %scan3A_45 = arith.constant 312 : i32
    %scan3A_46 = arith.addi %scan3A_44, %scan3A_45 : i32
    %scan3A_47 = arith.constant 1 : i32
    scf.for %scan3A_151 = %scan3A_44 to %scan3A_46 step %scan3A_47  : i32 {
      %mul3A_152 = arith.constant 16 : i32
      %mul3A_153 = arith.muli %scan3A_151, %mul3A_152 : i32
      %get3A_154 = arith.index_cast %mul3A_153 : i32 to index
      %get3A_155 = tpu.vector_load %arg4[%get3A_154] {strides = array<i32>} : memref<5016xi32, #tpu.memory_space<vmem>>, vector<16xi32>,
      tpu.vector_store_idx %arg5[%get3A_155], %broadcast_in_dim3A_3 {add = true} : memref<10240xf32, #tpu.memory_space<vmem>>[vector<16xi32>], vector<16xf32>,
    }
    %scan3A_48 = arith.constant 312 : i32
    %get3A_49 = arith.constant 4992 : index
    %get3A_50 = tpu.vector_load %arg4[%get3A_49] {strides = array<i32>} : memref<5016xi32, #tpu.memory_space<vmem>>, vector<16xi32>,
    %iota3A_51 = tpu.iota {dimensions = array<i32: 0>} : vector<16xi32>
    %lt3A_52 = arith.constant 8 : i32
    %lt3A_53 = vector.broadcast %lt3A_52 : i32 to vector<16xi32>
    %lt3A_54 = arith.cmpi slt, %iota3A_51, %lt3A_53 : vector<16xi32>
    tpu.vector_store_idx %arg5[%get3A_50], %broadcast_in_dim3A_3 masked %lt3A_54 {add = true} : memref<10240xf32, #tpu.memory_space<vmem>>[vector<16xi32>], vector<16xf32>, vector<16xi1>
    %mul3A_55 = arith.constant 5 : i32
    %mul3A_56 = arith.muli %add3A, %mul3A_55 : i32
    %add3A_57 = arith.constant 1 : i32
    %add3A_58 = arith.addi %mul3A_56, %add3A_57 : i32
    %mul3A_59 = arith.constant 10240 : i32
    %mul3A_60 = arith.muli %add3A_58, %mul3A_59 : i32
    "tpu.region"() ({
      %run_scoped3A = tpu.sem_alloc : memref<!tpu.dma_semaphore, #tpu.memory_space<semaphore_mem>>
      %dma_start3A = tpu.memref_slice %arg3[%mul3A_60] : memref<1638400xf32, #tpu.memory_space<hbm>> -> memref<10240xf32, #tpu.memory_space<hbm>>
      %dma_start3A_151 = tpu.memref_slice %arg3[%mul3A_60] : memref<1638400xf32, #tpu.memory_space<hbm>> -> memref<10240xf32, #tpu.memory_space<hbm>>
      tpu.enqueue_dma source(%arg5 : memref<10240xf32, #tpu.memory_space<vmem>>) target(%dma_start3A_151 : memref<10240xf32, #tpu.memory_space<hbm>>) target_semaphore(%run_scoped3A : memref<!tpu.dma_semaphore, #tpu.memory_space<semaphore_mem>>)
      %dma_wait3A = tpu.memref_slice %arg3[%mul3A_60] : memref<1638400xf32, #tpu.memory_space<hbm>> -> memref<10240xf32, #tpu.memory_space<hbm>>
      %dma_wait3A_152 = tpu.memref_slice %arg3[%mul3A_60] : memref<1638400xf32, #tpu.memory_space<hbm>> -> memref<10240xf32, #tpu.memory_space<hbm>>
      tpu.wait_dma2 semaphore(%run_scoped3A : memref<!tpu.dma_semaphore, #tpu.memory_space<semaphore_mem>>) src(%arg5 : memref<10240xf32, #tpu.memory_space<vmem>>) dst(%dma_wait3A_152 : memref<10240xf32, #tpu.memory_space<hbm>>)
      tpu.yield
    }) : () -> ()
    %scan3A_61 = arith.constant 0 : i32
    %scan3A_62 = arith.constant 0 : i32
    %scan3A_63 = arith.constant 640 : i32
    %scan3A_64 = arith.addi %scan3A_62, %scan3A_63 : i32
    %scan3A_65 = arith.constant 1 : i32
    scf.for %scan3A_151 = %scan3A_62 to %scan3A_64 step %scan3A_65  : i32 {
      %mul3A_152 = arith.constant 16 : i32
      %mul3A_153 = arith.muli %scan3A_151, %mul3A_152 : i32
      %swap3A_154 = arith.index_cast %mul3A_153 : i32 to index
      %swap3A_155 = tpu.vector_load %arg5[%swap3A_154] {strides = array<i32>} : memref<10240xf32, #tpu.memory_space<vmem>>, vector<16xf32>,
      tpu.vector_store %arg5[%swap3A_154], %broadcast_in_dim3A_5 {strides = array<i32>} : memref<10240xf32, #tpu.memory_space<vmem>>, vector<16xf32>,
    }
    %scan3A_66 = arith.constant 640 : i32
    %broadcast_in_dim3A_67 = arith.constant 0 : i32
    %broadcast_in_dim3A_68 = vector.broadcast %broadcast_in_dim3A_67 : i32 to vector<16xi32>
    %swap3A_69 = arith.constant 4992 : index
    %swap3A_70 = tpu.vector_load %arg4[%swap3A_69] {strides = array<i32>} : memref<5016xi32, #tpu.memory_space<vmem>>, vector<16xi32>,
    tpu.vector_store %arg4[%swap3A_69], %broadcast_in_dim3A_68 {strides = array<i32>} : memref<5016xi32, #tpu.memory_space<vmem>>, vector<16xi32>,
    %add3A_71 = arith.constant 320000 : i32
    %add3A_72 = arith.addi %add3A_71, %mul3A_2 : i32
    "tpu.region"() ({
      %run_scoped3A = tpu.sem_alloc : memref<!tpu.dma_semaphore, #tpu.memory_space<semaphore_mem>>
      %dma_start3A = arith.constant 0 : i32
      %dma_start3A_151 = tpu.memref_slice %arg4[%dma_start3A] : memref<5016xi32, #tpu.memory_space<vmem>> -> memref<5000xi32, #tpu.memory_space<vmem>>
      %dma_start3A_152 = tpu.memref_slice %arg2[%add3A_72] : memref<800000xi32, #tpu.memory_space<hbm>> -> memref<5000xi32, #tpu.memory_space<hbm>>
      %dma_start3A_153 = arith.constant 0 : i32
      %dma_start3A_154 = tpu.memref_slice %arg4[%dma_start3A_153] : memref<5016xi32, #tpu.memory_space<vmem>> -> memref<5000xi32, #tpu.memory_space<vmem>>
      %dma_start3A_155 = tpu.memref_slice %arg2[%add3A_72] : memref<800000xi32, #tpu.memory_space<hbm>> -> memref<5000xi32, #tpu.memory_space<hbm>>
      tpu.enqueue_dma source(%dma_start3A_155 : memref<5000xi32, #tpu.memory_space<hbm>>) target(%dma_start3A_154 : memref<5000xi32, #tpu.memory_space<vmem>>) target_semaphore(%run_scoped3A : memref<!tpu.dma_semaphore, #tpu.memory_space<semaphore_mem>>)
      %dma_wait3A = arith.constant 0 : i32
      %dma_wait3A_156 = tpu.memref_slice %arg4[%dma_wait3A] : memref<5016xi32, #tpu.memory_space<vmem>> -> memref<5000xi32, #tpu.memory_space<vmem>>
      %dma_wait3A_157 = tpu.memref_slice %arg2[%add3A_72] : memref<800000xi32, #tpu.memory_space<hbm>> -> memref<5000xi32, #tpu.memory_space<hbm>>
      %dma_wait3A_158 = arith.constant 0 : i32
      %dma_wait3A_159 = tpu.memref_slice %arg4[%dma_wait3A_158] : memref<5016xi32, #tpu.memory_space<vmem>> -> memref<5000xi32, #tpu.memory_space<vmem>>
      %dma_wait3A_160 = tpu.memref_slice %arg2[%add3A_72] : memref<800000xi32, #tpu.memory_space<hbm>> -> memref<5000xi32, #tpu.memory_space<hbm>>
      tpu.wait_dma2 semaphore(%run_scoped3A : memref<!tpu.dma_semaphore, #tpu.memory_space<semaphore_mem>>) src(%dma_wait3A_160 : memref<5000xi32, #tpu.memory_space<hbm>>) dst(%dma_wait3A_159 : memref<5000xi32, #tpu.memory_space<vmem>>)
      tpu.yield
    }) : () -> ()
    %scan3A_73 = arith.constant 0 : i32
    %scan3A_74 = arith.constant 0 : i32
    %scan3A_75 = arith.constant 312 : i32
    %scan3A_76 = arith.addi %scan3A_74, %scan3A_75 : i32
    %scan3A_77 = arith.constant 1 : i32
    scf.for %scan3A_151 = %scan3A_74 to %scan3A_76 step %scan3A_77  : i32 {
      %mul3A_152 = arith.constant 16 : i32
      %mul3A_153 = arith.muli %scan3A_151, %mul3A_152 : i32
      %get3A_154 = arith.index_cast %mul3A_153 : i32 to index
      %get3A_155 = tpu.vector_load %arg4[%get3A_154] {strides = array<i32>} : memref<5016xi32, #tpu.memory_space<vmem>>, vector<16xi32>,
      tpu.vector_store_idx %arg5[%get3A_155], %broadcast_in_dim3A_3 {add = true} : memref<10240xf32, #tpu.memory_space<vmem>>[vector<16xi32>], vector<16xf32>,
    }
    %scan3A_78 = arith.constant 312 : i32
    %get3A_79 = arith.constant 4992 : index
    %get3A_80 = tpu.vector_load %arg4[%get3A_79] {strides = array<i32>} : memref<5016xi32, #tpu.memory_space<vmem>>, vector<16xi32>,
    %iota3A_81 = tpu.iota {dimensions = array<i32: 0>} : vector<16xi32>
    %lt3A_82 = arith.constant 8 : i32
    %lt3A_83 = vector.broadcast %lt3A_82 : i32 to vector<16xi32>
    %lt3A_84 = arith.cmpi slt, %iota3A_81, %lt3A_83 : vector<16xi32>
    tpu.vector_store_idx %arg5[%get3A_80], %broadcast_in_dim3A_3 masked %lt3A_84 {add = true} : memref<10240xf32, #tpu.memory_space<vmem>>[vector<16xi32>], vector<16xf32>, vector<16xi1>
    %mul3A_85 = arith.constant 5 : i32
    %mul3A_86 = arith.muli %add3A, %mul3A_85 : i32
    %add3A_87 = arith.constant 2 : i32
    %add3A_88 = arith.addi %mul3A_86, %add3A_87 : i32
    %mul3A_89 = arith.constant 10240 : i32
    %mul3A_90 = arith.muli %add3A_88, %mul3A_89 : i32
    "tpu.region"() ({
      %run_scoped3A = tpu.sem_alloc : memref<!tpu.dma_semaphore, #tpu.memory_space<semaphore_mem>>
      %dma_start3A = tpu.memref_slice %arg3[%mul3A_90] : memref<1638400xf32, #tpu.memory_space<hbm>> -> memref<10240xf32, #tpu.memory_space<hbm>>
      %dma_start3A_151 = tpu.memref_slice %arg3[%mul3A_90] : memref<1638400xf32, #tpu.memory_space<hbm>> -> memref<10240xf32, #tpu.memory_space<hbm>>
      tpu.enqueue_dma source(%arg5 : memref<10240xf32, #tpu.memory_space<vmem>>) target(%dma_start3A_151 : memref<10240xf32, #tpu.memory_space<hbm>>) target_semaphore(%run_scoped3A : memref<!tpu.dma_semaphore, #tpu.memory_space<semaphore_mem>>)
      %dma_wait3A = tpu.memref_slice %arg3[%mul3A_90] : memref<1638400xf32, #tpu.memory_space<hbm>> -> memref<10240xf32, #tpu.memory_space<hbm>>
      %dma_wait3A_152 = tpu.memref_slice %arg3[%mul3A_90] : memref<1638400xf32, #tpu.memory_space<hbm>> -> memref<10240xf32, #tpu.memory_space<hbm>>
      tpu.wait_dma2 semaphore(%run_scoped3A : memref<!tpu.dma_semaphore, #tpu.memory_space<semaphore_mem>>) src(%arg5 : memref<10240xf32, #tpu.memory_space<vmem>>) dst(%dma_wait3A_152 : memref<10240xf32, #tpu.memory_space<hbm>>)
      tpu.yield
    }) : () -> ()
    %scan3A_91 = arith.constant 0 : i32
    %scan3A_92 = arith.constant 0 : i32
    %scan3A_93 = arith.constant 640 : i32
    %scan3A_94 = arith.addi %scan3A_92, %scan3A_93 : i32
    %scan3A_95 = arith.constant 1 : i32
    scf.for %scan3A_151 = %scan3A_92 to %scan3A_94 step %scan3A_95  : i32 {
      %mul3A_152 = arith.constant 16 : i32
      %mul3A_153 = arith.muli %scan3A_151, %mul3A_152 : i32
      %swap3A_154 = arith.index_cast %mul3A_153 : i32 to index
      %swap3A_155 = tpu.vector_load %arg5[%swap3A_154] {strides = array<i32>} : memref<10240xf32, #tpu.memory_space<vmem>>, vector<16xf32>,
      tpu.vector_store %arg5[%swap3A_154], %broadcast_in_dim3A_5 {strides = array<i32>} : memref<10240xf32, #tpu.memory_space<vmem>>, vector<16xf32>,
    }
    %scan3A_96 = arith.constant 640 : i32
    %broadcast_in_dim3A_97 = arith.constant 0 : i32
    %broadcast_in_dim3A_98 = vector.broadcast %broadcast_in_dim3A_97 : i32 to vector<16xi32>
    %swap3A_99 = arith.constant 4992 : index
    %swap3A_100 = tpu.vector_load %arg4[%swap3A_99] {strides = array<i32>} : memref<5016xi32, #tpu.memory_space<vmem>>, vector<16xi32>,
    tpu.vector_store %arg4[%swap3A_99], %broadcast_in_dim3A_98 {strides = array<i32>} : memref<5016xi32, #tpu.memory_space<vmem>>, vector<16xi32>,
    %add3A_101 = arith.constant 480000 : i32
    %add3A_102 = arith.addi %add3A_101, %mul3A_2 : i32
    "tpu.region"() ({
      %run_scoped3A = tpu.sem_alloc : memref<!tpu.dma_semaphore, #tpu.memory_space<semaphore_mem>>
      %dma_start3A = arith.constant 0 : i32
      %dma_start3A_151 = tpu.memref_slice %arg4[%dma_start3A] : memref<5016xi32, #tpu.memory_space<vmem>> -> memref<5000xi32, #tpu.memory_space<vmem>>
      %dma_start3A_152 = tpu.memref_slice %arg2[%add3A_102] : memref<800000xi32, #tpu.memory_space<hbm>> -> memref<5000xi32, #tpu.memory_space<hbm>>
      %dma_start3A_153 = arith.constant 0 : i32
      %dma_start3A_154 = tpu.memref_slice %arg4[%dma_start3A_153] : memref<5016xi32, #tpu.memory_space<vmem>> -> memref<5000xi32, #tpu.memory_space<vmem>>
      %dma_start3A_155 = tpu.memref_slice %arg2[%add3A_102] : memref<800000xi32, #tpu.memory_space<hbm>> -> memref<5000xi32, #tpu.memory_space<hbm>>
      tpu.enqueue_dma source(%dma_start3A_155 : memref<5000xi32, #tpu.memory_space<hbm>>) target(%dma_start3A_154 : memref<5000xi32, #tpu.memory_space<vmem>>) target_semaphore(%run_scoped3A : memref<!tpu.dma_semaphore, #tpu.memory_space<semaphore_mem>>)
      %dma_wait3A = arith.constant 0 : i32
      %dma_wait3A_156 = tpu.memref_slice %arg4[%dma_wait3A] : memref<5016xi32, #tpu.memory_space<vmem>> -> memref<5000xi32, #tpu.memory_space<vmem>>
      %dma_wait3A_157 = tpu.memref_slice %arg2[%add3A_102] : memref<800000xi32, #tpu.memory_space<hbm>> -> memref<5000xi32, #tpu.memory_space<hbm>>
      %dma_wait3A_158 = arith.constant 0 : i32
      %dma_wait3A_159 = tpu.memref_slice %arg4[%dma_wait3A_158] : memref<5016xi32, #tpu.memory_space<vmem>> -> memref<5000xi32, #tpu.memory_space<vmem>>
      %dma_wait3A_160 = tpu.memref_slice %arg2[%add3A_102] : memref<800000xi32, #tpu.memory_space<hbm>> -> memref<5000xi32, #tpu.memory_space<hbm>>
      tpu.wait_dma2 semaphore(%run_scoped3A : memref<!tpu.dma_semaphore, #tpu.memory_space<semaphore_mem>>) src(%dma_wait3A_160 : memref<5000xi32, #tpu.memory_space<hbm>>) dst(%dma_wait3A_159 : memref<5000xi32, #tpu.memory_space<vmem>>)
      tpu.yield
    }) : () -> ()
    %scan3A_103 = arith.constant 0 : i32
    %scan3A_104 = arith.constant 0 : i32
    %scan3A_105 = arith.constant 312 : i32
    %scan3A_106 = arith.addi %scan3A_104, %scan3A_105 : i32
    %scan3A_107 = arith.constant 1 : i32
    scf.for %scan3A_151 = %scan3A_104 to %scan3A_106 step %scan3A_107  : i32 {
      %mul3A_152 = arith.constant 16 : i32
      %mul3A_153 = arith.muli %scan3A_151, %mul3A_152 : i32
      %get3A_154 = arith.index_cast %mul3A_153 : i32 to index
      %get3A_155 = tpu.vector_load %arg4[%get3A_154] {strides = array<i32>} : memref<5016xi32, #tpu.memory_space<vmem>>, vector<16xi32>,
      tpu.vector_store_idx %arg5[%get3A_155], %broadcast_in_dim3A_3 {add = true} : memref<10240xf32, #tpu.memory_space<vmem>>[vector<16xi32>], vector<16xf32>,
    }
    %scan3A_108 = arith.constant 312 : i32
    %get3A_109 = arith.constant 4992 : index
    %get3A_110 = tpu.vector_load %arg4[%get3A_109] {strides = array<i32>} : memref<5016xi32, #tpu.memory_space<vmem>>, vector<16xi32>,
    %iota3A_111 = tpu.iota {dimensions = array<i32: 0>} : vector<16xi32>
    %lt3A_112 = arith.constant 8 : i32
    %lt3A_113 = vector.broadcast %lt3A_112 : i32 to vector<16xi32>
    %lt3A_114 = arith.cmpi slt, %iota3A_111, %lt3A_113 : vector<16xi32>
    tpu.vector_store_idx %arg5[%get3A_110], %broadcast_in_dim3A_3 masked %lt3A_114 {add = true} : memref<10240xf32, #tpu.memory_space<vmem>>[vector<16xi32>], vector<16xf32>, vector<16xi1>
    %mul3A_115 = arith.constant 5 : i32
    %mul3A_116 = arith.muli %add3A, %mul3A_115 : i32
    %add3A_117 = arith.constant 3 : i32
    %add3A_118 = arith.addi %mul3A_116, %add3A_117 : i32
    %mul3A_119 = arith.constant 10240 : i32
    %mul3A_120 = arith.muli %add3A_118, %mul3A_119 : i32
    "tpu.region"() ({
      %run_scoped3A = tpu.sem_alloc : memref<!tpu.dma_semaphore, #tpu.memory_space<semaphore_mem>>
      %dma_start3A = tpu.memref_slice %arg3[%mul3A_120] : memref<1638400xf32, #tpu.memory_space<hbm>> -> memref<10240xf32, #tpu.memory_space<hbm>>
      %dma_start3A_151 = tpu.memref_slice %arg3[%mul3A_120] : memref<1638400xf32, #tpu.memory_space<hbm>> -> memref<10240xf32, #tpu.memory_space<hbm>>
      tpu.enqueue_dma source(%arg5 : memref<10240xf32, #tpu.memory_space<vmem>>) target(%dma_start3A_151 : memref<10240xf32, #tpu.memory_space<hbm>>) target_semaphore(%run_scoped3A : memref<!tpu.dma_semaphore, #tpu.memory_space<semaphore_mem>>)
      %dma_wait3A = tpu.memref_slice %arg3[%mul3A_120] : memref<1638400xf32, #tpu.memory_space<hbm>> -> memref<10240xf32, #tpu.memory_space<hbm>>
      %dma_wait3A_152 = tpu.memref_slice %arg3[%mul3A_120] : memref<1638400xf32, #tpu.memory_space<hbm>> -> memref<10240xf32, #tpu.memory_space<hbm>>
      tpu.wait_dma2 semaphore(%run_scoped3A : memref<!tpu.dma_semaphore, #tpu.memory_space<semaphore_mem>>) src(%arg5 : memref<10240xf32, #tpu.memory_space<vmem>>) dst(%dma_wait3A_152 : memref<10240xf32, #tpu.memory_space<hbm>>)
      tpu.yield
    }) : () -> ()
    %scan3A_121 = arith.constant 0 : i32
    %scan3A_122 = arith.constant 0 : i32
    %scan3A_123 = arith.constant 640 : i32
    %scan3A_124 = arith.addi %scan3A_122, %scan3A_123 : i32
    %scan3A_125 = arith.constant 1 : i32
    scf.for %scan3A_151 = %scan3A_122 to %scan3A_124 step %scan3A_125  : i32 {
      %mul3A_152 = arith.constant 16 : i32
      %mul3A_153 = arith.muli %scan3A_151, %mul3A_152 : i32
      %swap3A_154 = arith.index_cast %mul3A_153 : i32 to index
      %swap3A_155 = tpu.vector_load %arg5[%swap3A_154] {strides = array<i32>} : memref<10240xf32, #tpu.memory_space<vmem>>, vector<16xf32>,
      tpu.vector_store %arg5[%swap3A_154], %broadcast_in_dim3A_5 {strides = array<i32>} : memref<10240xf32, #tpu.memory_space<vmem>>, vector<16xf32>,
    }
    %scan3A_126 = arith.constant 640 : i32
    %broadcast_in_dim3A_127 = arith.constant 0 : i32
    %broadcast_in_dim3A_128 = vector.broadcast %broadcast_in_dim3A_127 : i32 to vector<16xi32>
    %swap3A_129 = arith.constant 4992 : index
    %swap3A_130 = tpu.vector_load %arg4[%swap3A_129] {strides = array<i32>} : memref<5016xi32, #tpu.memory_space<vmem>>, vector<16xi32>,
    tpu.vector_store %arg4[%swap3A_129], %broadcast_in_dim3A_128 {strides = array<i32>} : memref<5016xi32, #tpu.memory_space<vmem>>, vector<16xi32>,
    %add3A_131 = arith.constant 640000 : i32
    %add3A_132 = arith.addi %add3A_131, %mul3A_2 : i32
    "tpu.region"() ({
      %run_scoped3A = tpu.sem_alloc : memref<!tpu.dma_semaphore, #tpu.memory_space<semaphore_mem>>
      %dma_start3A = arith.constant 0 : i32
      %dma_start3A_151 = tpu.memref_slice %arg4[%dma_start3A] : memref<5016xi32, #tpu.memory_space<vmem>> -> memref<5000xi32, #tpu.memory_space<vmem>>
      %dma_start3A_152 = tpu.memref_slice %arg2[%add3A_132] : memref<800000xi32, #tpu.memory_space<hbm>> -> memref<5000xi32, #tpu.memory_space<hbm>>
      %dma_start3A_153 = arith.constant 0 : i32
      %dma_start3A_154 = tpu.memref_slice %arg4[%dma_start3A_153] : memref<5016xi32, #tpu.memory_space<vmem>> -> memref<5000xi32, #tpu.memory_space<vmem>>
      %dma_start3A_155 = tpu.memref_slice %arg2[%add3A_132] : memref<800000xi32, #tpu.memory_space<hbm>> -> memref<5000xi32, #tpu.memory_space<hbm>>
      tpu.enqueue_dma source(%dma_start3A_155 : memref<5000xi32, #tpu.memory_space<hbm>>) target(%dma_start3A_154 : memref<5000xi32, #tpu.memory_space<vmem>>) target_semaphore(%run_scoped3A : memref<!tpu.dma_semaphore, #tpu.memory_space<semaphore_mem>>)
      %dma_wait3A = arith.constant 0 : i32
      %dma_wait3A_156 = tpu.memref_slice %arg4[%dma_wait3A] : memref<5016xi32, #tpu.memory_space<vmem>> -> memref<5000xi32, #tpu.memory_space<vmem>>
      %dma_wait3A_157 = tpu.memref_slice %arg2[%add3A_132] : memref<800000xi32, #tpu.memory_space<hbm>> -> memref<5000xi32, #tpu.memory_space<hbm>>
      %dma_wait3A_158 = arith.constant 0 : i32
      %dma_wait3A_159 = tpu.memref_slice %arg4[%dma_wait3A_158] : memref<5016xi32, #tpu.memory_space<vmem>> -> memref<5000xi32, #tpu.memory_space<vmem>>
      %dma_wait3A_160 = tpu.memref_slice %arg2[%add3A_132] : memref<800000xi32, #tpu.memory_space<hbm>> -> memref<5000xi32, #tpu.memory_space<hbm>>
      tpu.wait_dma2 semaphore(%run_scoped3A : memref<!tpu.dma_semaphore, #tpu.memory_space<semaphore_mem>>) src(%dma_wait3A_160 : memref<5000xi32, #tpu.memory_space<hbm>>) dst(%dma_wait3A_159 : memref<5000xi32, #tpu.memory_space<vmem>>)
      tpu.yield
    }) : () -> ()
    %scan3A_133 = arith.constant 0 : i32
    %scan3A_134 = arith.constant 0 : i32
    %scan3A_135 = arith.constant 312 : i32
    %scan3A_136 = arith.addi %scan3A_134, %scan3A_135 : i32
    %scan3A_137 = arith.constant 1 : i32
    scf.for %scan3A_151 = %scan3A_134 to %scan3A_136 step %scan3A_137  : i32 {
      %mul3A_152 = arith.constant 16 : i32
      %mul3A_153 = arith.muli %scan3A_151, %mul3A_152 : i32
      %get3A_154 = arith.index_cast %mul3A_153 : i32 to index
      %get3A_155 = tpu.vector_load %arg4[%get3A_154] {strides = array<i32>} : memref<5016xi32, #tpu.memory_space<vmem>>, vector<16xi32>,
      tpu.vector_store_idx %arg5[%get3A_155], %broadcast_in_dim3A_3 {add = true} : memref<10240xf32, #tpu.memory_space<vmem>>[vector<16xi32>], vector<16xf32>,
    }
    %scan3A_138 = arith.constant 312 : i32
    %get3A_139 = arith.constant 4992 : index
    %get3A_140 = tpu.vector_load %arg4[%get3A_139] {strides = array<i32>} : memref<5016xi32, #tpu.memory_space<vmem>>, vector<16xi32>,
    %iota3A_141 = tpu.iota {dimensions = array<i32: 0>} : vector<16xi32>
    %lt3A_142 = arith.constant 8 : i32
    %lt3A_143 = vector.broadcast %lt3A_142 : i32 to vector<16xi32>
    %lt3A_144 = arith.cmpi slt, %iota3A_141, %lt3A_143 : vector<16xi32>
    tpu.vector_store_idx %arg5[%get3A_140], %broadcast_in_dim3A_3 masked %lt3A_144 {add = true} : memref<10240xf32, #tpu.memory_space<vmem>>[vector<16xi32>], vector<16xf32>, vector<16xi1>
    %mul3A_145 = arith.constant 5 : i32
    %mul3A_146 = arith.muli %add3A, %mul3A_145 : i32
    %add3A_147 = arith.constant 4 : i32
    %add3A_148 = arith.addi %mul3A_146, %add3A_147 : i32
    %mul3A_149 = arith.constant 10240 : i32
    %mul3A_150 = arith.muli %add3A_148, %mul3A_149 : i32
    "tpu.region"() ({
      %run_scoped3A = tpu.sem_alloc : memref<!tpu.dma_semaphore, #tpu.memory_space<semaphore_mem>>
      %dma_start3A = tpu.memref_slice %arg3[%mul3A_150] : memref<1638400xf32, #tpu.memory_space<hbm>> -> memref<10240xf32, #tpu.memory_space<hbm>>
      %dma_start3A_151 = tpu.memref_slice %arg3[%mul3A_150] : memref<1638400xf32, #tpu.memory_space<hbm>> -> memref<10240xf32, #tpu.memory_space<hbm>>
      tpu.enqueue_dma source(%arg5 : memref<10240xf32, #tpu.memory_space<vmem>>) target(%dma_start3A_151 : memref<10240xf32, #tpu.memory_space<hbm>>) target_semaphore(%run_scoped3A : memref<!tpu.dma_semaphore, #tpu.memory_space<semaphore_mem>>)
      %dma_wait3A = tpu.memref_slice %arg3[%mul3A_150] : memref<1638400xf32, #tpu.memory_space<hbm>> -> memref<10240xf32, #tpu.memory_space<hbm>>
      %dma_wait3A_152 = tpu.memref_slice %arg3[%mul3A_150] : memref<1638400xf32, #tpu.memory_space<hbm>> -> memref<10240xf32, #tpu.memory_space<hbm>>
      tpu.wait_dma2 semaphore(%run_scoped3A : memref<!tpu.dma_semaphore, #tpu.memory_space<semaphore_mem>>) src(%arg5 : memref<10240xf32, #tpu.memory_space<vmem>>) dst(%dma_wait3A_152 : memref<10240xf32, #tpu.memory_space<hbm>>)
      tpu.yield
    }) : () -> ()
    return
  }
}

module attributes {stable_mosaic.version = 14 : i64} {
  func.func @body(%arg0: memref<32x5x10240xf32, #tpu.memory_space<vmem>>, %arg1: memref<5x10240xf32, #tpu.memory_space<vmem>>) attributes {dimension_semantics = [], scalar_prefetch = 0 : i64, scratch_operands = 0 : i64, tpu.core_type = #tpu.core_type<tc>} {
    %get3A = arith.constant 0 : index
    %get3A_0 = arith.constant 0 : index
    %get3A_1 = arith.constant 0 : index
    %get3A_2 = vector.load %arg0[%get3A, %get3A_0, %get3A_1] : memref<32x5x10240xf32, #tpu.memory_space<vmem>>, vector<32x5x10240xf32>
    %reduce_sum3A = arith.constant dense<0.000000e+00> : vector<5x10240xf32>
    %reduce_sum3A_3 = vector.multi_reduction <add>, %get3A_2, %reduce_sum3A [0] : vector<32x5x10240xf32> to vector<5x10240xf32>
    %add3A = arith.constant 1.000000e+00 : f32
    %add3A_4 = vector.broadcast %add3A : f32 to vector<5x10240xf32>
    %add3A_5 = arith.addf %reduce_sum3A_3, %add3A_4 : vector<5x10240xf32>
    %max3A = arith.constant 1.000000e+00 : f32
    %max3A_6 = vector.broadcast %max3A : f32 to vector<5x10240xf32>
    %max3A_7 = arith.maximumf %add3A_5, %max3A_6 : vector<5x10240xf32>
    %rsqrt3A = math.rsqrt %max3A_7 : vector<5x10240xf32>
    %swap3A = arith.constant 0 : index
    %swap3A_8 = arith.constant 0 : index
    %swap3A_9 = vector.load %arg1[%swap3A, %swap3A_8] : memref<5x10240xf32, #tpu.memory_space<vmem>>, vector<5x10240xf32>
    tpu.vector_store %arg1[%swap3A, %swap3A_8], %rsqrt3A {strides = array<i32>} : memref<5x10240xf32, #tpu.memory_space<vmem>>, vector<5x10240xf32>,
    return
  }
}

module attributes {stable_mosaic.version = 14 : i64} {
  func.func @body(%arg0: i32, %arg1: i32, %arg2: memref<1x512x128xf32, #tpu.memory_space<vmem>>, %arg3: memref<128x128xf32, #tpu.memory_space<vmem>>, %arg4: memref<1x512x1xf32, #tpu.memory_space<vmem>>, %arg5: memref<1x512x128xf32, #tpu.memory_space<vmem>>) attributes {dimension_semantics = [#tpu.dimension_semantics<arbitrary>, #tpu.dimension_semantics<arbitrary>], iteration_bounds = array<i64: 5, 20>, scalar_prefetch = 0 : i64, scratch_operands = 0 : i64, tpu.core_type = #tpu.core_type<tc>, window_params = [{transform_indices = @transform_0, window_bounds = array<i64: 1, 512, 128>}, {pipeline_mode = #tpu.pipeline_mode<synchronous>, transform_indices = @transform_1, window_bounds = array<i64: 128, 128>}, {transform_indices = @transform_2, window_bounds = array<i64: 1, 512, 1>}, {transform_indices = @transform_3, window_bounds = array<i64: 1, 512, 128>}]} {
    %get3A = arith.constant 0 : index
    %get3A_0 = arith.constant 0 : index
    %get3A_1 = arith.constant 0 : index
    %get3A_2 = vector.load %arg2[%get3A, %get3A_0, %get3A_1] : memref<1x512x128xf32, #tpu.memory_space<vmem>>, vector<1x512x128xf32>
    %get3A_3 = vector.shape_cast %get3A_2 : vector<1x512x128xf32> to vector<512x128xf32>
    %get3A_4 = arith.constant 0 : index
    %get3A_5 = arith.constant 0 : index
    %get3A_6 = vector.load %arg3[%get3A_4, %get3A_5] : memref<128x128xf32, #tpu.memory_space<vmem>>, vector<128x128xf32>
    %dot_general3A = arith.constant dense<0.000000e+00> : vector<512x128xf32>
    %dot_general3A_7 = tpu.matmul %get3A_3, %get3A_6, %dot_general3A {dimension_numbers = #tpu.dot_dimension_numbers<[1], [0], [0], [1], [0, 0, 1, 1], [], []>, transpose_lhs_hint = false} : vector<512x128xf32>, vector<128x128xf32>, vector<512x128xf32> -> vector<512x128xf32>
    %get3A_8 = arith.constant 0 : index
    %get3A_9 = arith.constant 0 : index
    %get3A_10 = arith.constant 0 : index
    %get3A_11 = vector.load %arg4[%get3A_8, %get3A_9, %get3A_10] : memref<1x512x1xf32, #tpu.memory_space<vmem>>, vector<1x512x1xf32>
    %get3A_12 = vector.shape_cast %get3A_11 : vector<1x512x1xf32> to vector<512x1xf32>
    %mul3A = vector.broadcast %get3A_12 : vector<512x1xf32> to vector<512x128xf32>
    %mul3A_13 = arith.mulf %dot_general3A_7, %mul3A : vector<512x128xf32>
    %swap3A = arith.constant 0 : index
    %swap3A_14 = arith.constant 0 : index
    %swap3A_15 = arith.constant 0 : index
    %swap3A_16 = vector.load %arg5[%swap3A, %swap3A_14, %swap3A_15] : memref<1x512x128xf32, #tpu.memory_space<vmem>>, vector<1x512x128xf32>
    %swap3A_17 = vector.shape_cast %swap3A_16 : vector<1x512x128xf32> to vector<512x128xf32>
    %swap3A_18 = vector.shape_cast %mul3A_13 : vector<512x128xf32> to vector<1x512x128xf32>
    tpu.vector_store %arg5[%swap3A, %swap3A_14, %swap3A_15], %swap3A_18 {strides = array<i32>} : memref<1x512x128xf32, #tpu.memory_space<vmem>>, vector<1x512x128xf32>,
    return
  }
  func.func @transform_0(%arg0: i32, %arg1: i32) -> (i32, i32, i32) {
    %c0_i32 = arith.constant 0 : i32
    %c0_i32_0 = arith.constant 0 : i32
    return %arg0, %arg1, %c0_i32 : i32, i32, i32
  }
  func.func @transform_1(%arg0: i32, %arg1: i32) -> (i32, i32) {
    %c0_i32 = arith.constant 0 : i32
    %c0_i32_0 = arith.constant 0 : i32
    %c0_i32_1 = arith.constant 0 : i32
    return %c0_i32, %c0_i32_0 : i32, i32
  }
  func.func @transform_2(%arg0: i32, %arg1: i32) -> (i32, i32, i32) {
    %c0_i32 = arith.constant 0 : i32
    %c0_i32_0 = arith.constant 0 : i32
    return %arg0, %arg1, %c0_i32 : i32, i32, i32
  }
  func.func @transform_3(%arg0: i32, %arg1: i32) -> (i32, i32, i32) {
    %c0_i32 = arith.constant 0 : i32
    %c0_i32_0 = arith.constant 0 : i32
    return %arg0, %arg1, %c0_i32 : i32, i32, i32
  }
}

module attributes {stable_mosaic.version = 14 : i64} {
  func.func @body(%arg0: i32, %arg1: memref<2x5x256x128xf32, #tpu.memory_space<vmem>>, %arg2: memref<5x256x128xf32, #tpu.memory_space<vmem>>, %arg3: memref<5x256xf32, #tpu.memory_space<vmem>>, %arg4: memref<128xf32, #tpu.memory_space<vmem>>, %arg5: memref<4x128xf32, #tpu.memory_space<vmem>>, %arg6: memref<128x128xf32, #tpu.memory_space<vmem>>, %arg7: memref<128xf32, #tpu.memory_space<vmem>>, %arg8: memref<128x128xf32, #tpu.memory_space<vmem>>, %arg9: memref<128xf32, #tpu.memory_space<vmem>>, %arg10: memref<128x128xf32, #tpu.memory_space<vmem>>, %arg11: memref<128xf32, #tpu.memory_space<vmem>>, %arg12: memref<4x256x128xf32, #tpu.memory_space<vmem>>, %arg13: memref<256x128xf32, #tpu.memory_space<vmem>>) attributes {dimension_semantics = [#tpu.dimension_semantics<arbitrary>], iteration_bounds = array<i64: 40>, scalar_prefetch = 0 : i64, scratch_operands = 0 : i64, tpu.core_type = #tpu.core_type<tc>, window_params = [{transform_indices = @transform_0, window_bounds = array<i64: 2, 5, 256, 128>}, {transform_indices = @transform_1, window_bounds = array<i64: 5, 256, 128>}, {transform_indices = @transform_2, window_bounds = array<i64: 5, 256>}, {pipeline_mode = #tpu.pipeline_mode<synchronous>, transform_indices = @transform_3, window_bounds = array<i64: 128>}, {pipeline_mode = #tpu.pipeline_mode<synchronous>, transform_indices = @transform_4, window_bounds = array<i64: 4, 128>}, {pipeline_mode = #tpu.pipeline_mode<synchronous>, transform_indices = @transform_5, window_bounds = array<i64: 128, 128>}, {pipeline_mode = #tpu.pipeline_mode<synchronous>, transform_indices = @transform_6, window_bounds = array<i64: 128>}, {pipeline_mode = #tpu.pipeline_mode<synchronous>, transform_indices = @transform_7, window_bounds = array<i64: 128, 128>}, {pipeline_mode = #tpu.pipeline_mode<synchronous>, transform_indices = @transform_8, window_bounds = array<i64: 128>}, {pipeline_mode = #tpu.pipeline_mode<synchronous>, transform_indices = @transform_9, window_bounds = array<i64: 128, 128>}, {pipeline_mode = #tpu.pipeline_mode<synchronous>, transform_indices = @transform_10, window_bounds = array<i64: 128>}, {transform_indices = @transform_11, window_bounds = array<i64: 4, 256, 128>}, {transform_indices = @transform_12, window_bounds = array<i64: 256, 128>}]} {
    %get3A = arith.constant 0 : index
    %get3A_0 = arith.constant 0 : index
    %get3A_1 = vector.load %arg3[%get3A, %get3A_0] : memref<5x256xf32, #tpu.memory_space<vmem>>, vector<5x256xf32>
    %get3A_2 = arith.constant 0 : index
    %get3A_3 = arith.constant 0 : index
    %get3A_4 = arith.constant 0 : index
    %get3A_5 = arith.constant 0 : index
    %get3A_6 = vector.load %arg1[%get3A_2, %get3A_3, %get3A_4, %get3A_5] : memref<2x5x256x128xf32, #tpu.memory_space<vmem>>, vector<1x5x256x128xf32>
    %get3A_7 = vector.shape_cast %get3A_6 : vector<1x5x256x128xf32> to vector<5x256x128xf32>
    %get3A_8 = arith.constant 1 : index
    %get3A_9 = arith.constant 0 : index
    %get3A_10 = arith.constant 0 : index
    %get3A_11 = arith.constant 0 : index
    %get3A_12 = vector.load %arg1[%get3A_8, %get3A_9, %get3A_10, %get3A_11] : memref<2x5x256x128xf32, #tpu.memory_space<vmem>>, vector<1x5x256x128xf32>
    %get3A_13 = vector.shape_cast %get3A_12 : vector<1x5x256x128xf32> to vector<5x256x128xf32>
    %add3A = arith.addf %get3A_7, %get3A_13 : vector<5x256x128xf32>
    %get3A_14 = arith.constant 0 : index
    %get3A_15 = arith.constant 0 : index
    %get3A_16 = arith.constant 0 : index
    %get3A_17 = vector.load %arg2[%get3A_14, %get3A_15, %get3A_16] : memref<5x256x128xf32, #tpu.memory_space<vmem>>, vector<5x256x128xf32>
    %add3A_18 = arith.addf %add3A, %get3A_17 : vector<5x256x128xf32>
    %broadcast_in_dim3A = vector.shape_cast %get3A_1 : vector<5x256xf32> to vector<5x256x1xf32>
    %mul3A = vector.broadcast %broadcast_in_dim3A : vector<5x256x1xf32> to vector<5x256x128xf32>
    %mul3A_19 = arith.mulf %add3A_18, %mul3A : vector<5x256x128xf32>
    %get3A_20 = arith.constant 0 : index
    %get3A_21 = vector.load %arg4[%get3A_20] : memref<128xf32, #tpu.memory_space<vmem>>, vector<128xf32>
    %broadcast_in_dim3A_22 = vector.shape_cast %get3A_21 : vector<128xf32> to vector<1x1x128xf32>
    %add3A_23 = vector.broadcast %broadcast_in_dim3A_22 : vector<1x1x128xf32> to vector<5x256x128xf32>
    %add3A_24 = arith.addf %mul3A_19, %add3A_23 : vector<5x256x128xf32>
    %get3A_25 = arith.constant 0 : index
    %get3A_26 = arith.constant 0 : index
    %get3A_27 = vector.load %arg5[%get3A_25, %get3A_26] : memref<4x128xf32, #tpu.memory_space<vmem>>, vector<4x128xf32>
    %get3A_28 = arith.constant 0 : index
    %get3A_29 = arith.constant 0 : index
    %get3A_30 = vector.load %arg6[%get3A_28, %get3A_29] : memref<128x128xf32, #tpu.memory_space<vmem>>, vector<128x128xf32>
    %dot_general3A = arith.constant dense<0.000000e+00> : vector<4x128xf32>
    %dot_general3A_31 = tpu.matmul %get3A_27, %get3A_30, %dot_general3A {dimension_numbers = #tpu.dot_dimension_numbers<[1], [0], [0], [1], [0, 0, 1, 1], [], []>, transpose_lhs_hint = false} : vector<4x128xf32>, vector<128x128xf32>, vector<4x128xf32> -> vector<4x128xf32>
    %get3A_32 = arith.constant 0 : index
    %get3A_33 = vector.load %arg7[%get3A_32] : memref<128xf32, #tpu.memory_space<vmem>>, vector<128xf32>
    %broadcast_in_dim3A_34 = vector.shape_cast %get3A_33 : vector<128xf32> to vector<1x128xf32>
    %add3A_35 = vector.broadcast %broadcast_in_dim3A_34 : vector<1x128xf32> to vector<4x128xf32>
    %add3A_36 = arith.addf %dot_general3A_31, %add3A_35 : vector<4x128xf32>
    %slice3A = vector.extract_strided_slice %add3A_24 {offsets = [0, 0, 0], sizes = [1, 256, 128], strides = [1, 1, 1]} : vector<5x256x128xf32> to vector<1x256x128xf32>
    %squeeze3A = vector.shape_cast %slice3A : vector<1x256x128xf32> to vector<256x128xf32>
    %get3A_37 = arith.constant 0 : index
    %get3A_38 = arith.constant 0 : index
    %get3A_39 = vector.load %arg8[%get3A_37, %get3A_38] : memref<128x128xf32, #tpu.memory_space<vmem>>, vector<128x128xf32>
    %dot_general3A_40 = arith.constant dense<0.000000e+00> : vector<256x128xf32>
    %dot_general3A_41 = tpu.matmul %squeeze3A, %get3A_39, %dot_general3A_40 {dimension_numbers = #tpu.dot_dimension_numbers<[1], [0], [0], [1], [0, 0, 1, 1], [], []>, transpose_lhs_hint = false} : vector<256x128xf32>, vector<128x128xf32>, vector<256x128xf32> -> vector<256x128xf32>
    %get3A_42 = arith.constant 0 : index
    %get3A_43 = vector.load %arg9[%get3A_42] : memref<128xf32, #tpu.memory_space<vmem>>, vector<128xf32>
    %broadcast_in_dim3A_44 = vector.shape_cast %get3A_43 : vector<128xf32> to vector<1x128xf32>
    %add3A_45 = vector.broadcast %broadcast_in_dim3A_44 : vector<1x128xf32> to vector<256x128xf32>
    %add3A_46 = arith.addf %dot_general3A_41, %add3A_45 : vector<256x128xf32>
    %slice3A_47 = vector.extract_strided_slice %add3A_24 {offsets = [1, 0, 0], sizes = [1, 256, 128], strides = [1, 1, 1]} : vector<5x256x128xf32> to vector<1x256x128xf32>
    %squeeze3A_48 = vector.shape_cast %slice3A_47 : vector<1x256x128xf32> to vector<256x128xf32>
    %get3A_49 = arith.constant 0 : index
    %get3A_50 = arith.constant 0 : index
    %get3A_51 = vector.load %arg8[%get3A_49, %get3A_50] : memref<128x128xf32, #tpu.memory_space<vmem>>, vector<128x128xf32>
    %dot_general3A_52 = arith.constant dense<0.000000e+00> : vector<256x128xf32>
    %dot_general3A_53 = tpu.matmul %squeeze3A_48, %get3A_51, %dot_general3A_52 {dimension_numbers = #tpu.dot_dimension_numbers<[1], [0], [0], [1], [0, 0, 1, 1], [], []>, transpose_lhs_hint = false} : vector<256x128xf32>, vector<128x128xf32>, vector<256x128xf32> -> vector<256x128xf32>
    %get3A_54 = arith.constant 0 : index
    %get3A_55 = vector.load %arg9[%get3A_54] : memref<128xf32, #tpu.memory_space<vmem>>, vector<128xf32>
    %broadcast_in_dim3A_56 = vector.shape_cast %get3A_55 : vector<128xf32> to vector<1x128xf32>
    %add3A_57 = vector.broadcast %broadcast_in_dim3A_56 : vector<1x128xf32> to vector<256x128xf32>
    %add3A_58 = arith.addf %dot_general3A_53, %add3A_57 : vector<256x128xf32>
    %slice3A_59 = vector.extract_strided_slice %add3A_24 {offsets = [2, 0, 0], sizes = [1, 256, 128], strides = [1, 1, 1]} : vector<5x256x128xf32> to vector<1x256x128xf32>
    %squeeze3A_60 = vector.shape_cast %slice3A_59 : vector<1x256x128xf32> to vector<256x128xf32>
    %get3A_61 = arith.constant 0 : index
    %get3A_62 = arith.constant 0 : index
    %get3A_63 = vector.load %arg8[%get3A_61, %get3A_62] : memref<128x128xf32, #tpu.memory_space<vmem>>, vector<128x128xf32>
    %dot_general3A_64 = arith.constant dense<0.000000e+00> : vector<256x128xf32>
    %dot_general3A_65 = tpu.matmul %squeeze3A_60, %get3A_63, %dot_general3A_64 {dimension_numbers = #tpu.dot_dimension_numbers<[1], [0], [0], [1], [0, 0, 1, 1], [], []>, transpose_lhs_hint = false} : vector<256x128xf32>, vector<128x128xf32>, vector<256x128xf32> -> vector<256x128xf32>
    %get3A_66 = arith.constant 0 : index
    %get3A_67 = vector.load %arg9[%get3A_66] : memref<128xf32, #tpu.memory_space<vmem>>, vector<128xf32>
    %broadcast_in_dim3A_68 = vector.shape_cast %get3A_67 : vector<128xf32> to vector<1x128xf32>
    %add3A_69 = vector.broadcast %broadcast_in_dim3A_68 : vector<1x128xf32> to vector<256x128xf32>
    %add3A_70 = arith.addf %dot_general3A_65, %add3A_69 : vector<256x128xf32>
    %slice3A_71 = vector.extract_strided_slice %add3A_24 {offsets = [3, 0, 0], sizes = [1, 256, 128], strides = [1, 1, 1]} : vector<5x256x128xf32> to vector<1x256x128xf32>
    %squeeze3A_72 = vector.shape_cast %slice3A_71 : vector<1x256x128xf32> to vector<256x128xf32>
    %get3A_73 = arith.constant 0 : index
    %get3A_74 = arith.constant 0 : index
    %get3A_75 = vector.load %arg8[%get3A_73, %get3A_74] : memref<128x128xf32, #tpu.memory_space<vmem>>, vector<128x128xf32>
    %dot_general3A_76 = arith.constant dense<0.000000e+00> : vector<256x128xf32>
    %dot_general3A_77 = tpu.matmul %squeeze3A_72, %get3A_75, %dot_general3A_76 {dimension_numbers = #tpu.dot_dimension_numbers<[1], [0], [0], [1], [0, 0, 1, 1], [], []>, transpose_lhs_hint = false} : vector<256x128xf32>, vector<128x128xf32>, vector<256x128xf32> -> vector<256x128xf32>
    %get3A_78 = arith.constant 0 : index
    %get3A_79 = vector.load %arg9[%get3A_78] : memref<128xf32, #tpu.memory_space<vmem>>, vector<128xf32>
    %broadcast_in_dim3A_80 = vector.shape_cast %get3A_79 : vector<128xf32> to vector<1x128xf32>
    %add3A_81 = vector.broadcast %broadcast_in_dim3A_80 : vector<1x128xf32> to vector<256x128xf32>
    %add3A_82 = arith.addf %dot_general3A_77, %add3A_81 : vector<256x128xf32>
    %slice3A_83 = vector.extract_strided_slice %add3A_24 {offsets = [0, 0, 0], sizes = [1, 256, 128], strides = [1, 1, 1]} : vector<5x256x128xf32> to vector<1x256x128xf32>
    %squeeze3A_84 = vector.shape_cast %slice3A_83 : vector<1x256x128xf32> to vector<256x128xf32>
    %get3A_85 = arith.constant 0 : index
    %get3A_86 = arith.constant 0 : index
    %get3A_87 = vector.load %arg10[%get3A_85, %get3A_86] : memref<128x128xf32, #tpu.memory_space<vmem>>, vector<128x128xf32>
    %dot_general3A_88 = arith.constant dense<0.000000e+00> : vector<256x128xf32>
    %dot_general3A_89 = tpu.matmul %squeeze3A_84, %get3A_87, %dot_general3A_88 {dimension_numbers = #tpu.dot_dimension_numbers<[1], [0], [0], [1], [0, 0, 1, 1], [], []>, transpose_lhs_hint = false} : vector<256x128xf32>, vector<128x128xf32>, vector<256x128xf32> -> vector<256x128xf32>
    %get3A_90 = arith.constant 0 : index
    %get3A_91 = vector.load %arg11[%get3A_90] : memref<128xf32, #tpu.memory_space<vmem>>, vector<128xf32>
    %broadcast_in_dim3A_92 = vector.shape_cast %get3A_91 : vector<128xf32> to vector<1x128xf32>
    %add3A_93 = vector.broadcast %broadcast_in_dim3A_92 : vector<1x128xf32> to vector<256x128xf32>
    %add3A_94 = arith.addf %dot_general3A_89, %add3A_93 : vector<256x128xf32>
    %slice3A_95 = vector.extract_strided_slice %add3A_24 {offsets = [1, 0, 0], sizes = [1, 256, 128], strides = [1, 1, 1]} : vector<5x256x128xf32> to vector<1x256x128xf32>
    %squeeze3A_96 = vector.shape_cast %slice3A_95 : vector<1x256x128xf32> to vector<256x128xf32>
    %get3A_97 = arith.constant 0 : index
    %get3A_98 = arith.constant 0 : index
    %get3A_99 = vector.load %arg10[%get3A_97, %get3A_98] : memref<128x128xf32, #tpu.memory_space<vmem>>, vector<128x128xf32>
    %dot_general3A_100 = arith.constant dense<0.000000e+00> : vector<256x128xf32>
    %dot_general3A_101 = tpu.matmul %squeeze3A_96, %get3A_99, %dot_general3A_100 {dimension_numbers = #tpu.dot_dimension_numbers<[1], [0], [0], [1], [0, 0, 1, 1], [], []>, transpose_lhs_hint = false} : vector<256x128xf32>, vector<128x128xf32>, vector<256x128xf32> -> vector<256x128xf32>
    %get3A_102 = arith.constant 0 : index
    %get3A_103 = vector.load %arg11[%get3A_102] : memref<128xf32, #tpu.memory_space<vmem>>, vector<128xf32>
    %broadcast_in_dim3A_104 = vector.shape_cast %get3A_103 : vector<128xf32> to vector<1x128xf32>
    %add3A_105 = vector.broadcast %broadcast_in_dim3A_104 : vector<1x128xf32> to vector<256x128xf32>
    %add3A_106 = arith.addf %dot_general3A_101, %add3A_105 : vector<256x128xf32>
    %slice3A_107 = vector.extract_strided_slice %add3A_24 {offsets = [2, 0, 0], sizes = [1, 256, 128], strides = [1, 1, 1]} : vector<5x256x128xf32> to vector<1x256x128xf32>
    %squeeze3A_108 = vector.shape_cast %slice3A_107 : vector<1x256x128xf32> to vector<256x128xf32>
    %get3A_109 = arith.constant 0 : index
    %get3A_110 = arith.constant 0 : index
    %get3A_111 = vector.load %arg10[%get3A_109, %get3A_110] : memref<128x128xf32, #tpu.memory_space<vmem>>, vector<128x128xf32>
    %dot_general3A_112 = arith.constant dense<0.000000e+00> : vector<256x128xf32>
    %dot_general3A_113 = tpu.matmul %squeeze3A_108, %get3A_111, %dot_general3A_112 {dimension_numbers = #tpu.dot_dimension_numbers<[1], [0], [0], [1], [0, 0, 1, 1], [], []>, transpose_lhs_hint = false} : vector<256x128xf32>, vector<128x128xf32>, vector<256x128xf32> -> vector<256x128xf32>
    %get3A_114 = arith.constant 0 : index
    %get3A_115 = vector.load %arg11[%get3A_114] : memref<128xf32, #tpu.memory_space<vmem>>, vector<128xf32>
    %broadcast_in_dim3A_116 = vector.shape_cast %get3A_115 : vector<128xf32> to vector<1x128xf32>
    %add3A_117 = vector.broadcast %broadcast_in_dim3A_116 : vector<1x128xf32> to vector<256x128xf32>
    %add3A_118 = arith.addf %dot_general3A_113, %add3A_117 : vector<256x128xf32>
    %slice3A_119 = vector.extract_strided_slice %add3A_24 {offsets = [3, 0, 0], sizes = [1, 256, 128], strides = [1, 1, 1]} : vector<5x256x128xf32> to vector<1x256x128xf32>
    %squeeze3A_120 = vector.shape_cast %slice3A_119 : vector<1x256x128xf32> to vector<256x128xf32>
    %get3A_121 = arith.constant 0 : index
    %get3A_122 = arith.constant 0 : index
    %get3A_123 = vector.load %arg10[%get3A_121, %get3A_122] : memref<128x128xf32, #tpu.memory_space<vmem>>, vector<128x128xf32>
    %dot_general3A_124 = arith.constant dense<0.000000e+00> : vector<256x128xf32>
    %dot_general3A_125 = tpu.matmul %squeeze3A_120, %get3A_123, %dot_general3A_124 {dimension_numbers = #tpu.dot_dimension_numbers<[1], [0], [0], [1], [0, 0, 1, 1], [], []>, transpose_lhs_hint = false} : vector<256x128xf32>, vector<128x128xf32>, vector<256x128xf32> -> vector<256x128xf32>
    %get3A_126 = arith.constant 0 : index
    %get3A_127 = vector.load %arg11[%get3A_126] : memref<128xf32, #tpu.memory_space<vmem>>, vector<128xf32>
    %broadcast_in_dim3A_128 = vector.shape_cast %get3A_127 : vector<128xf32> to vector<1x128xf32>
    %add3A_129 = vector.broadcast %broadcast_in_dim3A_128 : vector<1x128xf32> to vector<256x128xf32>
    %add3A_130 = arith.addf %dot_general3A_125, %add3A_129 : vector<256x128xf32>
    %transpose3A = tpu.transpose %add3A_36, [1, 0] : vector<4x128xf32> -> vector<128x4xf32>
    %dot_general3A_131 = arith.constant dense<0.000000e+00> : vector<256x4xf32>
    %dot_general3A_132 = tpu.matmul %add3A_46, %transpose3A, %dot_general3A_131 {dimension_numbers = #tpu.dot_dimension_numbers<[1], [0], [0], [1], [0, 0, 1, 1], [], []>, transpose_lhs_hint = false} : vector<256x128xf32>, vector<128x4xf32>, vector<256x4xf32> -> vector<256x4xf32>
    %transpose3A_133 = tpu.transpose %add3A_36, [1, 0] : vector<4x128xf32> -> vector<128x4xf32>
    %dot_general3A_134 = arith.constant dense<0.000000e+00> : vector<256x4xf32>
    %dot_general3A_135 = tpu.matmul %add3A_58, %transpose3A_133, %dot_general3A_134 {dimension_numbers = #tpu.dot_dimension_numbers<[1], [0], [0], [1], [0, 0, 1, 1], [], []>, transpose_lhs_hint = false} : vector<256x128xf32>, vector<128x4xf32>, vector<256x4xf32> -> vector<256x4xf32>
    %transpose3A_136 = tpu.transpose %add3A_36, [1, 0] : vector<4x128xf32> -> vector<128x4xf32>
    %dot_general3A_137 = arith.constant dense<0.000000e+00> : vector<256x4xf32>
    %dot_general3A_138 = tpu.matmul %add3A_70, %transpose3A_136, %dot_general3A_137 {dimension_numbers = #tpu.dot_dimension_numbers<[1], [0], [0], [1], [0, 0, 1, 1], [], []>, transpose_lhs_hint = false} : vector<256x128xf32>, vector<128x4xf32>, vector<256x4xf32> -> vector<256x4xf32>
    %transpose3A_139 = tpu.transpose %add3A_36, [1, 0] : vector<4x128xf32> -> vector<128x4xf32>
    %dot_general3A_140 = arith.constant dense<0.000000e+00> : vector<256x4xf32>
    %dot_general3A_141 = tpu.matmul %add3A_82, %transpose3A_139, %dot_general3A_140 {dimension_numbers = #tpu.dot_dimension_numbers<[1], [0], [0], [1], [0, 0, 1, 1], [], []>, transpose_lhs_hint = false} : vector<256x128xf32>, vector<128x4xf32>, vector<256x4xf32> -> vector<256x4xf32>
    %stack3A = vector.shape_cast %dot_general3A_132 : vector<256x4xf32> to vector<256x4x1xf32>
    %stack3A_142 = vector.shape_cast %dot_general3A_135 : vector<256x4xf32> to vector<256x4x1xf32>
    %stack3A_143 = vector.shape_cast %dot_general3A_138 : vector<256x4xf32> to vector<256x4x1xf32>
    %stack3A_144 = vector.shape_cast %dot_general3A_141 : vector<256x4xf32> to vector<256x4x1xf32>
    %stack3A_145 = tpu.concatenate %stack3A, %stack3A_142, %stack3A_143, %stack3A_144 in 2 : vector<256x4x1xf32>, vector<256x4x1xf32>, vector<256x4x1xf32>, vector<256x4x1xf32> -> vector<256x4x4xf32>
    %mul3A_146 = arith.constant 0.0883883461 : f32
    %mul3A_147 = vector.broadcast %mul3A_146 : f32 to vector<256x4x4xf32>
    %mul3A_148 = arith.mulf %stack3A_145, %mul3A_147 : vector<256x4x4xf32>
    %reduce_max3A = arith.constant dense<0xFF800000> : vector<256x4xf32>
    %reduce_max3A_149 = vector.multi_reduction <maximumf>, %mul3A_148, %reduce_max3A [2] : vector<256x4x4xf32> to vector<256x4xf32>
    %broadcast_in_dim3A_150 = vector.shape_cast %reduce_max3A_149 : vector<256x4xf32> to vector<256x4x1xf32>
    %sub3A = vector.broadcast %broadcast_in_dim3A_150 : vector<256x4x1xf32> to vector<256x4x4xf32>
    %sub3A_151 = arith.subf %mul3A_148, %sub3A : vector<256x4x4xf32>
    %exp3A = math.exp %sub3A_151 : vector<256x4x4xf32>
    %reduce_sum3A = arith.constant dense<0.000000e+00> : vector<256x4xf32>
    %reduce_sum3A_152 = vector.multi_reduction <add>, %exp3A, %reduce_sum3A [2] : vector<256x4x4xf32> to vector<256x4xf32>
    %broadcast_in_dim3A_153 = vector.shape_cast %reduce_sum3A_152 : vector<256x4xf32> to vector<256x4x1xf32>
    %div3A = vector.broadcast %broadcast_in_dim3A_153 : vector<256x4x1xf32> to vector<256x4x4xf32>
    %div3A_154 = arith.divf %exp3A, %div3A : vector<256x4x4xf32>
    %slice3A_155 = vector.extract_strided_slice %div3A_154 {offsets = [0, 0, 0], sizes = [256, 1, 1], strides = [1, 1, 1]} : vector<256x4x4xf32> to vector<256x1x1xf32>
    %squeeze3A_156 = vector.shape_cast %slice3A_155 : vector<256x1x1xf32> to vector<256xf32>
    %broadcast_in_dim3A_157 = vector.shape_cast %squeeze3A_156 : vector<256xf32> to vector<256x1xf32>
    %mul3A_158 = vector.broadcast %broadcast_in_dim3A_157 : vector<256x1xf32> to vector<256x128xf32>
    %mul3A_159 = arith.mulf %mul3A_158, %add3A_94 : vector<256x128xf32>
    %slice3A_160 = vector.extract_strided_slice %div3A_154 {offsets = [0, 0, 1], sizes = [256, 1, 1], strides = [1, 1, 1]} : vector<256x4x4xf32> to vector<256x1x1xf32>
    %squeeze3A_161 = vector.shape_cast %slice3A_160 : vector<256x1x1xf32> to vector<256xf32>
    %broadcast_in_dim3A_162 = vector.shape_cast %squeeze3A_161 : vector<256xf32> to vector<256x1xf32>
    %mul3A_163 = vector.broadcast %broadcast_in_dim3A_162 : vector<256x1xf32> to vector<256x128xf32>
    %mul3A_164 = arith.mulf %mul3A_163, %add3A_106 : vector<256x128xf32>
    %add3A_165 = arith.addf %mul3A_159, %mul3A_164 : vector<256x128xf32>
    %slice3A_166 = vector.extract_strided_slice %div3A_154 {offsets = [0, 0, 2], sizes = [256, 1, 1], strides = [1, 1, 1]} : vector<256x4x4xf32> to vector<256x1x1xf32>
    %squeeze3A_167 = vector.shape_cast %slice3A_166 : vector<256x1x1xf32> to vector<256xf32>
    %broadcast_in_dim3A_168 = vector.shape_cast %squeeze3A_167 : vector<256xf32> to vector<256x1xf32>
    %mul3A_169 = vector.broadcast %broadcast_in_dim3A_168 : vector<256x1xf32> to vector<256x128xf32>
    %mul3A_170 = arith.mulf %mul3A_169, %add3A_118 : vector<256x128xf32>
    %add3A_171 = arith.addf %add3A_165, %mul3A_170 : vector<256x128xf32>
    %slice3A_172 = vector.extract_strided_slice %div3A_154 {offsets = [0, 0, 3], sizes = [256, 1, 1], strides = [1, 1, 1]} : vector<256x4x4xf32> to vector<256x1x1xf32>
    %squeeze3A_173 = vector.shape_cast %slice3A_172 : vector<256x1x1xf32> to vector<256xf32>
    %broadcast_in_dim3A_174 = vector.shape_cast %squeeze3A_173 : vector<256xf32> to vector<256x1xf32>
    %mul3A_175 = vector.broadcast %broadcast_in_dim3A_174 : vector<256x1xf32> to vector<256x128xf32>
    %mul3A_176 = arith.mulf %mul3A_175, %add3A_130 : vector<256x128xf32>
    %add3A_177 = arith.addf %add3A_171, %mul3A_176 : vector<256x128xf32>
    %max3A = arith.constant 0.000000e+00 : f32
    %max3A_178 = vector.broadcast %max3A : f32 to vector<256x128xf32>
    %max3A_179 = arith.maximumf %add3A_177, %max3A_178 : vector<256x128xf32>
    %swap3A = arith.constant 0 : index
    %swap3A_180 = arith.constant 0 : index
    %swap3A_181 = arith.constant 0 : index
    %swap3A_182 = vector.load %arg12[%swap3A, %swap3A_180, %swap3A_181] : memref<4x256x128xf32, #tpu.memory_space<vmem>>, vector<1x256x128xf32>
    %swap3A_183 = vector.shape_cast %swap3A_182 : vector<1x256x128xf32> to vector<256x128xf32>
    %swap3A_184 = vector.shape_cast %max3A_179 : vector<256x128xf32> to vector<1x256x128xf32>
    tpu.vector_store %arg12[%swap3A, %swap3A_180, %swap3A_181], %swap3A_184 {strides = array<i32>} : memref<4x256x128xf32, #tpu.memory_space<vmem>>, vector<1x256x128xf32>,
    %slice3A_185 = vector.extract_strided_slice %div3A_154 {offsets = [0, 1, 0], sizes = [256, 1, 1], strides = [1, 1, 1]} : vector<256x4x4xf32> to vector<256x1x1xf32>
    %squeeze3A_186 = vector.shape_cast %slice3A_185 : vector<256x1x1xf32> to vector<256xf32>
    %broadcast_in_dim3A_187 = vector.shape_cast %squeeze3A_186 : vector<256xf32> to vector<256x1xf32>
    %mul3A_188 = vector.broadcast %broadcast_in_dim3A_187 : vector<256x1xf32> to vector<256x128xf32>
    %mul3A_189 = arith.mulf %mul3A_188, %add3A_94 : vector<256x128xf32>
    %slice3A_190 = vector.extract_strided_slice %div3A_154 {offsets = [0, 1, 1], sizes = [256, 1, 1], strides = [1, 1, 1]} : vector<256x4x4xf32> to vector<256x1x1xf32>
    %squeeze3A_191 = vector.shape_cast %slice3A_190 : vector<256x1x1xf32> to vector<256xf32>
    %broadcast_in_dim3A_192 = vector.shape_cast %squeeze3A_191 : vector<256xf32> to vector<256x1xf32>
    %mul3A_193 = vector.broadcast %broadcast_in_dim3A_192 : vector<256x1xf32> to vector<256x128xf32>
    %mul3A_194 = arith.mulf %mul3A_193, %add3A_106 : vector<256x128xf32>
    %add3A_195 = arith.addf %mul3A_189, %mul3A_194 : vector<256x128xf32>
    %slice3A_196 = vector.extract_strided_slice %div3A_154 {offsets = [0, 1, 2], sizes = [256, 1, 1], strides = [1, 1, 1]} : vector<256x4x4xf32> to vector<256x1x1xf32>
    %squeeze3A_197 = vector.shape_cast %slice3A_196 : vector<256x1x1xf32> to vector<256xf32>
    %broadcast_in_dim3A_198 = vector.shape_cast %squeeze3A_197 : vector<256xf32> to vector<256x1xf32>
    %mul3A_199 = vector.broadcast %broadcast_in_dim3A_198 : vector<256x1xf32> to vector<256x128xf32>
    %mul3A_200 = arith.mulf %mul3A_199, %add3A_118 : vector<256x128xf32>
    %add3A_201 = arith.addf %add3A_195, %mul3A_200 : vector<256x128xf32>
    %slice3A_202 = vector.extract_strided_slice %div3A_154 {offsets = [0, 1, 3], sizes = [256, 1, 1], strides = [1, 1, 1]} : vector<256x4x4xf32> to vector<256x1x1xf32>
    %squeeze3A_203 = vector.shape_cast %slice3A_202 : vector<256x1x1xf32> to vector<256xf32>
    %broadcast_in_dim3A_204 = vector.shape_cast %squeeze3A_203 : vector<256xf32> to vector<256x1xf32>
    %mul3A_205 = vector.broadcast %broadcast_in_dim3A_204 : vector<256x1xf32> to vector<256x128xf32>
    %mul3A_206 = arith.mulf %mul3A_205, %add3A_130 : vector<256x128xf32>
    %add3A_207 = arith.addf %add3A_201, %mul3A_206 : vector<256x128xf32>
    %max3A_208 = arith.constant 0.000000e+00 : f32
    %max3A_209 = vector.broadcast %max3A_208 : f32 to vector<256x128xf32>
    %max3A_210 = arith.maximumf %add3A_207, %max3A_209 : vector<256x128xf32>
    %swap3A_211 = arith.constant 1 : index
    %swap3A_212 = arith.constant 0 : index
    %swap3A_213 = arith.constant 0 : index
    %swap3A_214 = vector.load %arg12[%swap3A_211, %swap3A_212, %swap3A_213] : memref<4x256x128xf32, #tpu.memory_space<vmem>>, vector<1x256x128xf32>
    %swap3A_215 = vector.shape_cast %swap3A_214 : vector<1x256x128xf32> to vector<256x128xf32>
    %swap3A_216 = vector.shape_cast %max3A_210 : vector<256x128xf32> to vector<1x256x128xf32>
    tpu.vector_store %arg12[%swap3A_211, %swap3A_212, %swap3A_213], %swap3A_216 {strides = array<i32>} : memref<4x256x128xf32, #tpu.memory_space<vmem>>, vector<1x256x128xf32>,
    %slice3A_217 = vector.extract_strided_slice %div3A_154 {offsets = [0, 2, 0], sizes = [256, 1, 1], strides = [1, 1, 1]} : vector<256x4x4xf32> to vector<256x1x1xf32>
    %squeeze3A_218 = vector.shape_cast %slice3A_217 : vector<256x1x1xf32> to vector<256xf32>
    %broadcast_in_dim3A_219 = vector.shape_cast %squeeze3A_218 : vector<256xf32> to vector<256x1xf32>
    %mul3A_220 = vector.broadcast %broadcast_in_dim3A_219 : vector<256x1xf32> to vector<256x128xf32>
    %mul3A_221 = arith.mulf %mul3A_220, %add3A_94 : vector<256x128xf32>
    %slice3A_222 = vector.extract_strided_slice %div3A_154 {offsets = [0, 2, 1], sizes = [256, 1, 1], strides = [1, 1, 1]} : vector<256x4x4xf32> to vector<256x1x1xf32>
    %squeeze3A_223 = vector.shape_cast %slice3A_222 : vector<256x1x1xf32> to vector<256xf32>
    %broadcast_in_dim3A_224 = vector.shape_cast %squeeze3A_223 : vector<256xf32> to vector<256x1xf32>
    %mul3A_225 = vector.broadcast %broadcast_in_dim3A_224 : vector<256x1xf32> to vector<256x128xf32>
    %mul3A_226 = arith.mulf %mul3A_225, %add3A_106 : vector<256x128xf32>
    %add3A_227 = arith.addf %mul3A_221, %mul3A_226 : vector<256x128xf32>
    %slice3A_228 = vector.extract_strided_slice %div3A_154 {offsets = [0, 2, 2], sizes = [256, 1, 1], strides = [1, 1, 1]} : vector<256x4x4xf32> to vector<256x1x1xf32>
    %squeeze3A_229 = vector.shape_cast %slice3A_228 : vector<256x1x1xf32> to vector<256xf32>
    %broadcast_in_dim3A_230 = vector.shape_cast %squeeze3A_229 : vector<256xf32> to vector<256x1xf32>
    %mul3A_231 = vector.broadcast %broadcast_in_dim3A_230 : vector<256x1xf32> to vector<256x128xf32>
    %mul3A_232 = arith.mulf %mul3A_231, %add3A_118 : vector<256x128xf32>
    %add3A_233 = arith.addf %add3A_227, %mul3A_232 : vector<256x128xf32>
    %slice3A_234 = vector.extract_strided_slice %div3A_154 {offsets = [0, 2, 3], sizes = [256, 1, 1], strides = [1, 1, 1]} : vector<256x4x4xf32> to vector<256x1x1xf32>
    %squeeze3A_235 = vector.shape_cast %slice3A_234 : vector<256x1x1xf32> to vector<256xf32>
    %broadcast_in_dim3A_236 = vector.shape_cast %squeeze3A_235 : vector<256xf32> to vector<256x1xf32>
    %mul3A_237 = vector.broadcast %broadcast_in_dim3A_236 : vector<256x1xf32> to vector<256x128xf32>
    %mul3A_238 = arith.mulf %mul3A_237, %add3A_130 : vector<256x128xf32>
    %add3A_239 = arith.addf %add3A_233, %mul3A_238 : vector<256x128xf32>
    %max3A_240 = arith.constant 0.000000e+00 : f32
    %max3A_241 = vector.broadcast %max3A_240 : f32 to vector<256x128xf32>
    %max3A_242 = arith.maximumf %add3A_239, %max3A_241 : vector<256x128xf32>
    %swap3A_243 = arith.constant 2 : index
    %swap3A_244 = arith.constant 0 : index
    %swap3A_245 = arith.constant 0 : index
    %swap3A_246 = vector.load %arg12[%swap3A_243, %swap3A_244, %swap3A_245] : memref<4x256x128xf32, #tpu.memory_space<vmem>>, vector<1x256x128xf32>
    %swap3A_247 = vector.shape_cast %swap3A_246 : vector<1x256x128xf32> to vector<256x128xf32>
    %swap3A_248 = vector.shape_cast %max3A_242 : vector<256x128xf32> to vector<1x256x128xf32>
    tpu.vector_store %arg12[%swap3A_243, %swap3A_244, %swap3A_245], %swap3A_248 {strides = array<i32>} : memref<4x256x128xf32, #tpu.memory_space<vmem>>, vector<1x256x128xf32>,
    %slice3A_249 = vector.extract_strided_slice %div3A_154 {offsets = [0, 3, 0], sizes = [256, 1, 1], strides = [1, 1, 1]} : vector<256x4x4xf32> to vector<256x1x1xf32>
    %squeeze3A_250 = vector.shape_cast %slice3A_249 : vector<256x1x1xf32> to vector<256xf32>
    %broadcast_in_dim3A_251 = vector.shape_cast %squeeze3A_250 : vector<256xf32> to vector<256x1xf32>
    %mul3A_252 = vector.broadcast %broadcast_in_dim3A_251 : vector<256x1xf32> to vector<256x128xf32>
    %mul3A_253 = arith.mulf %mul3A_252, %add3A_94 : vector<256x128xf32>
    %slice3A_254 = vector.extract_strided_slice %div3A_154 {offsets = [0, 3, 1], sizes = [256, 1, 1], strides = [1, 1, 1]} : vector<256x4x4xf32> to vector<256x1x1xf32>
    %squeeze3A_255 = vector.shape_cast %slice3A_254 : vector<256x1x1xf32> to vector<256xf32>
    %broadcast_in_dim3A_256 = vector.shape_cast %squeeze3A_255 : vector<256xf32> to vector<256x1xf32>
    %mul3A_257 = vector.broadcast %broadcast_in_dim3A_256 : vector<256x1xf32> to vector<256x128xf32>
    %mul3A_258 = arith.mulf %mul3A_257, %add3A_106 : vector<256x128xf32>
    %add3A_259 = arith.addf %mul3A_253, %mul3A_258 : vector<256x128xf32>
    %slice3A_260 = vector.extract_strided_slice %div3A_154 {offsets = [0, 3, 2], sizes = [256, 1, 1], strides = [1, 1, 1]} : vector<256x4x4xf32> to vector<256x1x1xf32>
    %squeeze3A_261 = vector.shape_cast %slice3A_260 : vector<256x1x1xf32> to vector<256xf32>
    %broadcast_in_dim3A_262 = vector.shape_cast %squeeze3A_261 : vector<256xf32> to vector<256x1xf32>
    %mul3A_263 = vector.broadcast %broadcast_in_dim3A_262 : vector<256x1xf32> to vector<256x128xf32>
    %mul3A_264 = arith.mulf %mul3A_263, %add3A_118 : vector<256x128xf32>
    %add3A_265 = arith.addf %add3A_259, %mul3A_264 : vector<256x128xf32>
    %slice3A_266 = vector.extract_strided_slice %div3A_154 {offsets = [0, 3, 3], sizes = [256, 1, 1], strides = [1, 1, 1]} : vector<256x4x4xf32> to vector<256x1x1xf32>
    %squeeze3A_267 = vector.shape_cast %slice3A_266 : vector<256x1x1xf32> to vector<256xf32>
    %broadcast_in_dim3A_268 = vector.shape_cast %squeeze3A_267 : vector<256xf32> to vector<256x1xf32>
    %mul3A_269 = vector.broadcast %broadcast_in_dim3A_268 : vector<256x1xf32> to vector<256x128xf32>
    %mul3A_270 = arith.mulf %mul3A_269, %add3A_130 : vector<256x128xf32>
    %add3A_271 = arith.addf %add3A_265, %mul3A_270 : vector<256x128xf32>
    %max3A_272 = arith.constant 0.000000e+00 : f32
    %max3A_273 = vector.broadcast %max3A_272 : f32 to vector<256x128xf32>
    %max3A_274 = arith.maximumf %add3A_271, %max3A_273 : vector<256x128xf32>
    %swap3A_275 = arith.constant 3 : index
    %swap3A_276 = arith.constant 0 : index
    %swap3A_277 = arith.constant 0 : index
    %swap3A_278 = vector.load %arg12[%swap3A_275, %swap3A_276, %swap3A_277] : memref<4x256x128xf32, #tpu.memory_space<vmem>>, vector<1x256x128xf32>
    %swap3A_279 = vector.shape_cast %swap3A_278 : vector<1x256x128xf32> to vector<256x128xf32>
    %swap3A_280 = vector.shape_cast %max3A_274 : vector<256x128xf32> to vector<1x256x128xf32>
    tpu.vector_store %arg12[%swap3A_275, %swap3A_276, %swap3A_277], %swap3A_280 {strides = array<i32>} : memref<4x256x128xf32, #tpu.memory_space<vmem>>, vector<1x256x128xf32>,
    %slice3A_281 = vector.extract_strided_slice %add3A_24 {offsets = [4, 0, 0], sizes = [1, 256, 128], strides = [1, 1, 1]} : vector<5x256x128xf32> to vector<1x256x128xf32>
    %squeeze3A_282 = vector.shape_cast %slice3A_281 : vector<1x256x128xf32> to vector<256x128xf32>
    %max3A_283 = arith.constant 0.000000e+00 : f32
    %max3A_284 = vector.broadcast %max3A_283 : f32 to vector<256x128xf32>
    %max3A_285 = arith.maximumf %squeeze3A_282, %max3A_284 : vector<256x128xf32>
    %swap3A_286 = arith.constant 0 : index
    %swap3A_287 = arith.constant 0 : index
    %swap3A_288 = vector.load %arg13[%swap3A_286, %swap3A_287] : memref<256x128xf32, #tpu.memory_space<vmem>>, vector<256x128xf32>
    tpu.vector_store %arg13[%swap3A_286, %swap3A_287], %max3A_285 {strides = array<i32>} : memref<256x128xf32, #tpu.memory_space<vmem>>, vector<256x128xf32>,
    return
  }
  func.func @transform_0(%arg0: i32) -> (i32, i32, i32, i32) {
    %c0_i32 = arith.constant 0 : i32
    %c0_i32_0 = arith.constant 0 : i32
    %c0_i32_1 = arith.constant 0 : i32
    %c0_i32_2 = arith.constant 0 : i32
    return %c0_i32, %c0_i32_0, %arg0, %c0_i32_1 : i32, i32, i32, i32
  }
  func.func @transform_1(%arg0: i32) -> (i32, i32, i32) {
    %c0_i32 = arith.constant 0 : i32
    %c0_i32_0 = arith.constant 0 : i32
    %c0_i32_1 = arith.constant 0 : i32
    return %c0_i32, %arg0, %c0_i32_0 : i32, i32, i32
  }
  func.func @transform_2(%arg0: i32) -> (i32, i32) {
    %c0_i32 = arith.constant 0 : i32
    %c0_i32_0 = arith.constant 0 : i32
    return %c0_i32, %arg0 : i32, i32
  }
  func.func @transform_3(%arg0: i32) -> i32 {
    %c0_i32 = arith.constant 0 : i32
    %c0_i32_0 = arith.constant 0 : i32
    return %c0_i32 : i32
  }
  func.func @transform_4(%arg0: i32) -> (i32, i32) {
    %c0_i32 = arith.constant 0 : i32
    %c0_i32_0 = arith.constant 0 : i32
    %c0_i32_1 = arith.constant 0 : i32
    return %c0_i32, %c0_i32_0 : i32, i32
  }
  func.func @transform_5(%arg0: i32) -> (i32, i32) {
    %c0_i32 = arith.constant 0 : i32
    %c0_i32_0 = arith.constant 0 : i32
    %c0_i32_1 = arith.constant 0 : i32
    return %c0_i32, %c0_i32_0 : i32, i32
  }
  func.func @transform_6(%arg0: i32) -> i32 {
    %c0_i32 = arith.constant 0 : i32
    %c0_i32_0 = arith.constant 0 : i32
    return %c0_i32 : i32
  }
  func.func @transform_7(%arg0: i32) -> (i32, i32) {
    %c0_i32 = arith.constant 0 : i32
    %c0_i32_0 = arith.constant 0 : i32
    %c0_i32_1 = arith.constant 0 : i32
    return %c0_i32, %c0_i32_0 : i32, i32
  }
  func.func @transform_8(%arg0: i32) -> i32 {
    %c0_i32 = arith.constant 0 : i32
    %c0_i32_0 = arith.constant 0 : i32
    return %c0_i32 : i32
  }
  func.func @transform_9(%arg0: i32) -> (i32, i32) {
    %c0_i32 = arith.constant 0 : i32
    %c0_i32_0 = arith.constant 0 : i32
    %c0_i32_1 = arith.constant 0 : i32
    return %c0_i32, %c0_i32_0 : i32, i32
  }
  func.func @transform_10(%arg0: i32) -> i32 {
    %c0_i32 = arith.constant 0 : i32
    %c0_i32_0 = arith.constant 0 : i32
    return %c0_i32 : i32
  }
  func.func @transform_11(%arg0: i32) -> (i32, i32, i32) {
    %c0_i32 = arith.constant 0 : i32
    %c0_i32_0 = arith.constant 0 : i32
    %c0_i32_1 = arith.constant 0 : i32
    return %c0_i32, %arg0, %c0_i32_0 : i32, i32, i32
  }
  func.func @transform_12(%arg0: i32) -> (i32, i32) {
    %c0_i32 = arith.constant 0 : i32
    %c0_i32_0 = arith.constant 0 : i32
    return %arg0, %c0_i32 : i32, i32
  }
}

module attributes {stable_mosaic.version = 14 : i64} {
  func.func @body(%arg0: i32, %arg1: memref<2x5x256x128xf32, #tpu.memory_space<vmem>>, %arg2: memref<5x256x128xf32, #tpu.memory_space<vmem>>, %arg3: memref<5x256xf32, #tpu.memory_space<vmem>>, %arg4: memref<128xf32, #tpu.memory_space<vmem>>, %arg5: memref<4x128xf32, #tpu.memory_space<vmem>>, %arg6: memref<128x128xf32, #tpu.memory_space<vmem>>, %arg7: memref<128xf32, #tpu.memory_space<vmem>>, %arg8: memref<128x128xf32, #tpu.memory_space<vmem>>, %arg9: memref<128xf32, #tpu.memory_space<vmem>>, %arg10: memref<128x128xf32, #tpu.memory_space<vmem>>, %arg11: memref<128xf32, #tpu.memory_space<vmem>>, %arg12: memref<4x256x128xf32, #tpu.memory_space<vmem>>, %arg13: memref<256x128xf32, #tpu.memory_space<vmem>>) attributes {dimension_semantics = [#tpu.dimension_semantics<arbitrary>], iteration_bounds = array<i64: 40>, scalar_prefetch = 0 : i64, scratch_operands = 0 : i64, tpu.core_type = #tpu.core_type<tc>, window_params = [{transform_indices = @transform_0, window_bounds = array<i64: 2, 5, 256, 128>}, {transform_indices = @transform_1, window_bounds = array<i64: 5, 256, 128>}, {transform_indices = @transform_2, window_bounds = array<i64: 5, 256>}, {pipeline_mode = #tpu.pipeline_mode<synchronous>, transform_indices = @transform_3, window_bounds = array<i64: 128>}, {pipeline_mode = #tpu.pipeline_mode<synchronous>, transform_indices = @transform_4, window_bounds = array<i64: 4, 128>}, {pipeline_mode = #tpu.pipeline_mode<synchronous>, transform_indices = @transform_5, window_bounds = array<i64: 128, 128>}, {pipeline_mode = #tpu.pipeline_mode<synchronous>, transform_indices = @transform_6, window_bounds = array<i64: 128>}, {pipeline_mode = #tpu.pipeline_mode<synchronous>, transform_indices = @transform_7, window_bounds = array<i64: 128, 128>}, {pipeline_mode = #tpu.pipeline_mode<synchronous>, transform_indices = @transform_8, window_bounds = array<i64: 128>}, {pipeline_mode = #tpu.pipeline_mode<synchronous>, transform_indices = @transform_9, window_bounds = array<i64: 128, 128>}, {pipeline_mode = #tpu.pipeline_mode<synchronous>, transform_indices = @transform_10, window_bounds = array<i64: 128>}, {transform_indices = @transform_11, window_bounds = array<i64: 4, 256, 128>}, {transform_indices = @transform_12, window_bounds = array<i64: 256, 128>}]} {
    %get3A = arith.constant 0 : index
    %get3A_0 = arith.constant 0 : index
    %get3A_1 = vector.load %arg3[%get3A, %get3A_0] : memref<5x256xf32, #tpu.memory_space<vmem>>, vector<5x256xf32>
    %get3A_2 = arith.constant 0 : index
    %get3A_3 = arith.constant 0 : index
    %get3A_4 = arith.constant 0 : index
    %get3A_5 = arith.constant 0 : index
    %get3A_6 = vector.load %arg1[%get3A_2, %get3A_3, %get3A_4, %get3A_5] : memref<2x5x256x128xf32, #tpu.memory_space<vmem>>, vector<1x5x256x128xf32>
    %get3A_7 = vector.shape_cast %get3A_6 : vector<1x5x256x128xf32> to vector<5x256x128xf32>
    %get3A_8 = arith.constant 1 : index
    %get3A_9 = arith.constant 0 : index
    %get3A_10 = arith.constant 0 : index
    %get3A_11 = arith.constant 0 : index
    %get3A_12 = vector.load %arg1[%get3A_8, %get3A_9, %get3A_10, %get3A_11] : memref<2x5x256x128xf32, #tpu.memory_space<vmem>>, vector<1x5x256x128xf32>
    %get3A_13 = vector.shape_cast %get3A_12 : vector<1x5x256x128xf32> to vector<5x256x128xf32>
    %add3A = arith.addf %get3A_7, %get3A_13 : vector<5x256x128xf32>
    %get3A_14 = arith.constant 0 : index
    %get3A_15 = arith.constant 0 : index
    %get3A_16 = arith.constant 0 : index
    %get3A_17 = vector.load %arg2[%get3A_14, %get3A_15, %get3A_16] : memref<5x256x128xf32, #tpu.memory_space<vmem>>, vector<5x256x128xf32>
    %add3A_18 = arith.addf %add3A, %get3A_17 : vector<5x256x128xf32>
    %broadcast_in_dim3A = vector.shape_cast %get3A_1 : vector<5x256xf32> to vector<5x256x1xf32>
    %mul3A = vector.broadcast %broadcast_in_dim3A : vector<5x256x1xf32> to vector<5x256x128xf32>
    %mul3A_19 = arith.mulf %add3A_18, %mul3A : vector<5x256x128xf32>
    %get3A_20 = arith.constant 0 : index
    %get3A_21 = vector.load %arg4[%get3A_20] : memref<128xf32, #tpu.memory_space<vmem>>, vector<128xf32>
    %broadcast_in_dim3A_22 = vector.shape_cast %get3A_21 : vector<128xf32> to vector<1x1x128xf32>
    %add3A_23 = vector.broadcast %broadcast_in_dim3A_22 : vector<1x1x128xf32> to vector<5x256x128xf32>
    %add3A_24 = arith.addf %mul3A_19, %add3A_23 : vector<5x256x128xf32>
    %get3A_25 = arith.constant 0 : index
    %get3A_26 = arith.constant 0 : index
    %get3A_27 = vector.load %arg5[%get3A_25, %get3A_26] : memref<4x128xf32, #tpu.memory_space<vmem>>, vector<4x128xf32>
    %get3A_28 = arith.constant 0 : index
    %get3A_29 = arith.constant 0 : index
    %get3A_30 = vector.load %arg6[%get3A_28, %get3A_29] : memref<128x128xf32, #tpu.memory_space<vmem>>, vector<128x128xf32>
    %dot_general3A = arith.constant dense<0.000000e+00> : vector<4x128xf32>
    %dot_general3A_31 = tpu.matmul %get3A_27, %get3A_30, %dot_general3A {dimension_numbers = #tpu.dot_dimension_numbers<[1], [0], [0], [1], [0, 0, 1, 1], [], []>, transpose_lhs_hint = false} : vector<4x128xf32>, vector<128x128xf32>, vector<4x128xf32> -> vector<4x128xf32>
    %get3A_32 = arith.constant 0 : index
    %get3A_33 = vector.load %arg7[%get3A_32] : memref<128xf32, #tpu.memory_space<vmem>>, vector<128xf32>
    %broadcast_in_dim3A_34 = vector.shape_cast %get3A_33 : vector<128xf32> to vector<1x128xf32>
    %add3A_35 = vector.broadcast %broadcast_in_dim3A_34 : vector<1x128xf32> to vector<4x128xf32>
    %add3A_36 = arith.addf %dot_general3A_31, %add3A_35 : vector<4x128xf32>
    %slice3A = vector.extract_strided_slice %add3A_24 {offsets = [0, 0, 0], sizes = [1, 256, 128], strides = [1, 1, 1]} : vector<5x256x128xf32> to vector<1x256x128xf32>
    %squeeze3A = vector.shape_cast %slice3A : vector<1x256x128xf32> to vector<256x128xf32>
    %get3A_37 = arith.constant 0 : index
    %get3A_38 = arith.constant 0 : index
    %get3A_39 = vector.load %arg8[%get3A_37, %get3A_38] : memref<128x128xf32, #tpu.memory_space<vmem>>, vector<128x128xf32>
    %dot_general3A_40 = arith.constant dense<0.000000e+00> : vector<256x128xf32>
    %dot_general3A_41 = tpu.matmul %squeeze3A, %get3A_39, %dot_general3A_40 {dimension_numbers = #tpu.dot_dimension_numbers<[1], [0], [0], [1], [0, 0, 1, 1], [], []>, transpose_lhs_hint = false} : vector<256x128xf32>, vector<128x128xf32>, vector<256x128xf32> -> vector<256x128xf32>
    %get3A_42 = arith.constant 0 : index
    %get3A_43 = vector.load %arg9[%get3A_42] : memref<128xf32, #tpu.memory_space<vmem>>, vector<128xf32>
    %broadcast_in_dim3A_44 = vector.shape_cast %get3A_43 : vector<128xf32> to vector<1x128xf32>
    %add3A_45 = vector.broadcast %broadcast_in_dim3A_44 : vector<1x128xf32> to vector<256x128xf32>
    %add3A_46 = arith.addf %dot_general3A_41, %add3A_45 : vector<256x128xf32>
    %slice3A_47 = vector.extract_strided_slice %add3A_24 {offsets = [1, 0, 0], sizes = [1, 256, 128], strides = [1, 1, 1]} : vector<5x256x128xf32> to vector<1x256x128xf32>
    %squeeze3A_48 = vector.shape_cast %slice3A_47 : vector<1x256x128xf32> to vector<256x128xf32>
    %get3A_49 = arith.constant 0 : index
    %get3A_50 = arith.constant 0 : index
    %get3A_51 = vector.load %arg8[%get3A_49, %get3A_50] : memref<128x128xf32, #tpu.memory_space<vmem>>, vector<128x128xf32>
    %dot_general3A_52 = arith.constant dense<0.000000e+00> : vector<256x128xf32>
    %dot_general3A_53 = tpu.matmul %squeeze3A_48, %get3A_51, %dot_general3A_52 {dimension_numbers = #tpu.dot_dimension_numbers<[1], [0], [0], [1], [0, 0, 1, 1], [], []>, transpose_lhs_hint = false} : vector<256x128xf32>, vector<128x128xf32>, vector<256x128xf32> -> vector<256x128xf32>
    %get3A_54 = arith.constant 0 : index
    %get3A_55 = vector.load %arg9[%get3A_54] : memref<128xf32, #tpu.memory_space<vmem>>, vector<128xf32>
    %broadcast_in_dim3A_56 = vector.shape_cast %get3A_55 : vector<128xf32> to vector<1x128xf32>
    %add3A_57 = vector.broadcast %broadcast_in_dim3A_56 : vector<1x128xf32> to vector<256x128xf32>
    %add3A_58 = arith.addf %dot_general3A_53, %add3A_57 : vector<256x128xf32>
    %slice3A_59 = vector.extract_strided_slice %add3A_24 {offsets = [2, 0, 0], sizes = [1, 256, 128], strides = [1, 1, 1]} : vector<5x256x128xf32> to vector<1x256x128xf32>
    %squeeze3A_60 = vector.shape_cast %slice3A_59 : vector<1x256x128xf32> to vector<256x128xf32>
    %get3A_61 = arith.constant 0 : index
    %get3A_62 = arith.constant 0 : index
    %get3A_63 = vector.load %arg8[%get3A_61, %get3A_62] : memref<128x128xf32, #tpu.memory_space<vmem>>, vector<128x128xf32>
    %dot_general3A_64 = arith.constant dense<0.000000e+00> : vector<256x128xf32>
    %dot_general3A_65 = tpu.matmul %squeeze3A_60, %get3A_63, %dot_general3A_64 {dimension_numbers = #tpu.dot_dimension_numbers<[1], [0], [0], [1], [0, 0, 1, 1], [], []>, transpose_lhs_hint = false} : vector<256x128xf32>, vector<128x128xf32>, vector<256x128xf32> -> vector<256x128xf32>
    %get3A_66 = arith.constant 0 : index
    %get3A_67 = vector.load %arg9[%get3A_66] : memref<128xf32, #tpu.memory_space<vmem>>, vector<128xf32>
    %broadcast_in_dim3A_68 = vector.shape_cast %get3A_67 : vector<128xf32> to vector<1x128xf32>
    %add3A_69 = vector.broadcast %broadcast_in_dim3A_68 : vector<1x128xf32> to vector<256x128xf32>
    %add3A_70 = arith.addf %dot_general3A_65, %add3A_69 : vector<256x128xf32>
    %slice3A_71 = vector.extract_strided_slice %add3A_24 {offsets = [3, 0, 0], sizes = [1, 256, 128], strides = [1, 1, 1]} : vector<5x256x128xf32> to vector<1x256x128xf32>
    %squeeze3A_72 = vector.shape_cast %slice3A_71 : vector<1x256x128xf32> to vector<256x128xf32>
    %get3A_73 = arith.constant 0 : index
    %get3A_74 = arith.constant 0 : index
    %get3A_75 = vector.load %arg8[%get3A_73, %get3A_74] : memref<128x128xf32, #tpu.memory_space<vmem>>, vector<128x128xf32>
    %dot_general3A_76 = arith.constant dense<0.000000e+00> : vector<256x128xf32>
    %dot_general3A_77 = tpu.matmul %squeeze3A_72, %get3A_75, %dot_general3A_76 {dimension_numbers = #tpu.dot_dimension_numbers<[1], [0], [0], [1], [0, 0, 1, 1], [], []>, transpose_lhs_hint = false} : vector<256x128xf32>, vector<128x128xf32>, vector<256x128xf32> -> vector<256x128xf32>
    %get3A_78 = arith.constant 0 : index
    %get3A_79 = vector.load %arg9[%get3A_78] : memref<128xf32, #tpu.memory_space<vmem>>, vector<128xf32>
    %broadcast_in_dim3A_80 = vector.shape_cast %get3A_79 : vector<128xf32> to vector<1x128xf32>
    %add3A_81 = vector.broadcast %broadcast_in_dim3A_80 : vector<1x128xf32> to vector<256x128xf32>
    %add3A_82 = arith.addf %dot_general3A_77, %add3A_81 : vector<256x128xf32>
    %slice3A_83 = vector.extract_strided_slice %add3A_24 {offsets = [0, 0, 0], sizes = [1, 256, 128], strides = [1, 1, 1]} : vector<5x256x128xf32> to vector<1x256x128xf32>
    %squeeze3A_84 = vector.shape_cast %slice3A_83 : vector<1x256x128xf32> to vector<256x128xf32>
    %get3A_85 = arith.constant 0 : index
    %get3A_86 = arith.constant 0 : index
    %get3A_87 = vector.load %arg10[%get3A_85, %get3A_86] : memref<128x128xf32, #tpu.memory_space<vmem>>, vector<128x128xf32>
    %dot_general3A_88 = arith.constant dense<0.000000e+00> : vector<256x128xf32>
    %dot_general3A_89 = tpu.matmul %squeeze3A_84, %get3A_87, %dot_general3A_88 {dimension_numbers = #tpu.dot_dimension_numbers<[1], [0], [0], [1], [0, 0, 1, 1], [], []>, transpose_lhs_hint = false} : vector<256x128xf32>, vector<128x128xf32>, vector<256x128xf32> -> vector<256x128xf32>
    %get3A_90 = arith.constant 0 : index
    %get3A_91 = vector.load %arg11[%get3A_90] : memref<128xf32, #tpu.memory_space<vmem>>, vector<128xf32>
    %broadcast_in_dim3A_92 = vector.shape_cast %get3A_91 : vector<128xf32> to vector<1x128xf32>
    %add3A_93 = vector.broadcast %broadcast_in_dim3A_92 : vector<1x128xf32> to vector<256x128xf32>
    %add3A_94 = arith.addf %dot_general3A_89, %add3A_93 : vector<256x128xf32>
    %slice3A_95 = vector.extract_strided_slice %add3A_24 {offsets = [1, 0, 0], sizes = [1, 256, 128], strides = [1, 1, 1]} : vector<5x256x128xf32> to vector<1x256x128xf32>
    %squeeze3A_96 = vector.shape_cast %slice3A_95 : vector<1x256x128xf32> to vector<256x128xf32>
    %get3A_97 = arith.constant 0 : index
    %get3A_98 = arith.constant 0 : index
    %get3A_99 = vector.load %arg10[%get3A_97, %get3A_98] : memref<128x128xf32, #tpu.memory_space<vmem>>, vector<128x128xf32>
    %dot_general3A_100 = arith.constant dense<0.000000e+00> : vector<256x128xf32>
    %dot_general3A_101 = tpu.matmul %squeeze3A_96, %get3A_99, %dot_general3A_100 {dimension_numbers = #tpu.dot_dimension_numbers<[1], [0], [0], [1], [0, 0, 1, 1], [], []>, transpose_lhs_hint = false} : vector<256x128xf32>, vector<128x128xf32>, vector<256x128xf32> -> vector<256x128xf32>
    %get3A_102 = arith.constant 0 : index
    %get3A_103 = vector.load %arg11[%get3A_102] : memref<128xf32, #tpu.memory_space<vmem>>, vector<128xf32>
    %broadcast_in_dim3A_104 = vector.shape_cast %get3A_103 : vector<128xf32> to vector<1x128xf32>
    %add3A_105 = vector.broadcast %broadcast_in_dim3A_104 : vector<1x128xf32> to vector<256x128xf32>
    %add3A_106 = arith.addf %dot_general3A_101, %add3A_105 : vector<256x128xf32>
    %slice3A_107 = vector.extract_strided_slice %add3A_24 {offsets = [2, 0, 0], sizes = [1, 256, 128], strides = [1, 1, 1]} : vector<5x256x128xf32> to vector<1x256x128xf32>
    %squeeze3A_108 = vector.shape_cast %slice3A_107 : vector<1x256x128xf32> to vector<256x128xf32>
    %get3A_109 = arith.constant 0 : index
    %get3A_110 = arith.constant 0 : index
    %get3A_111 = vector.load %arg10[%get3A_109, %get3A_110] : memref<128x128xf32, #tpu.memory_space<vmem>>, vector<128x128xf32>
    %dot_general3A_112 = arith.constant dense<0.000000e+00> : vector<256x128xf32>
    %dot_general3A_113 = tpu.matmul %squeeze3A_108, %get3A_111, %dot_general3A_112 {dimension_numbers = #tpu.dot_dimension_numbers<[1], [0], [0], [1], [0, 0, 1, 1], [], []>, transpose_lhs_hint = false} : vector<256x128xf32>, vector<128x128xf32>, vector<256x128xf32> -> vector<256x128xf32>
    %get3A_114 = arith.constant 0 : index
    %get3A_115 = vector.load %arg11[%get3A_114] : memref<128xf32, #tpu.memory_space<vmem>>, vector<128xf32>
    %broadcast_in_dim3A_116 = vector.shape_cast %get3A_115 : vector<128xf32> to vector<1x128xf32>
    %add3A_117 = vector.broadcast %broadcast_in_dim3A_116 : vector<1x128xf32> to vector<256x128xf32>
    %add3A_118 = arith.addf %dot_general3A_113, %add3A_117 : vector<256x128xf32>
    %slice3A_119 = vector.extract_strided_slice %add3A_24 {offsets = [3, 0, 0], sizes = [1, 256, 128], strides = [1, 1, 1]} : vector<5x256x128xf32> to vector<1x256x128xf32>
    %squeeze3A_120 = vector.shape_cast %slice3A_119 : vector<1x256x128xf32> to vector<256x128xf32>
    %get3A_121 = arith.constant 0 : index
    %get3A_122 = arith.constant 0 : index
    %get3A_123 = vector.load %arg10[%get3A_121, %get3A_122] : memref<128x128xf32, #tpu.memory_space<vmem>>, vector<128x128xf32>
    %dot_general3A_124 = arith.constant dense<0.000000e+00> : vector<256x128xf32>
    %dot_general3A_125 = tpu.matmul %squeeze3A_120, %get3A_123, %dot_general3A_124 {dimension_numbers = #tpu.dot_dimension_numbers<[1], [0], [0], [1], [0, 0, 1, 1], [], []>, transpose_lhs_hint = false} : vector<256x128xf32>, vector<128x128xf32>, vector<256x128xf32> -> vector<256x128xf32>
    %get3A_126 = arith.constant 0 : index
    %get3A_127 = vector.load %arg11[%get3A_126] : memref<128xf32, #tpu.memory_space<vmem>>, vector<128xf32>
    %broadcast_in_dim3A_128 = vector.shape_cast %get3A_127 : vector<128xf32> to vector<1x128xf32>
    %add3A_129 = vector.broadcast %broadcast_in_dim3A_128 : vector<1x128xf32> to vector<256x128xf32>
    %add3A_130 = arith.addf %dot_general3A_125, %add3A_129 : vector<256x128xf32>
    %transpose3A = tpu.transpose %add3A_36, [1, 0] : vector<4x128xf32> -> vector<128x4xf32>
    %dot_general3A_131 = arith.constant dense<0.000000e+00> : vector<256x4xf32>
    %dot_general3A_132 = tpu.matmul %add3A_46, %transpose3A, %dot_general3A_131 {dimension_numbers = #tpu.dot_dimension_numbers<[1], [0], [0], [1], [0, 0, 1, 1], [], []>, transpose_lhs_hint = false} : vector<256x128xf32>, vector<128x4xf32>, vector<256x4xf32> -> vector<256x4xf32>
    %transpose3A_133 = tpu.transpose %add3A_36, [1, 0] : vector<4x128xf32> -> vector<128x4xf32>
    %dot_general3A_134 = arith.constant dense<0.000000e+00> : vector<256x4xf32>
    %dot_general3A_135 = tpu.matmul %add3A_58, %transpose3A_133, %dot_general3A_134 {dimension_numbers = #tpu.dot_dimension_numbers<[1], [0], [0], [1], [0, 0, 1, 1], [], []>, transpose_lhs_hint = false} : vector<256x128xf32>, vector<128x4xf32>, vector<256x4xf32> -> vector<256x4xf32>
    %transpose3A_136 = tpu.transpose %add3A_36, [1, 0] : vector<4x128xf32> -> vector<128x4xf32>
    %dot_general3A_137 = arith.constant dense<0.000000e+00> : vector<256x4xf32>
    %dot_general3A_138 = tpu.matmul %add3A_70, %transpose3A_136, %dot_general3A_137 {dimension_numbers = #tpu.dot_dimension_numbers<[1], [0], [0], [1], [0, 0, 1, 1], [], []>, transpose_lhs_hint = false} : vector<256x128xf32>, vector<128x4xf32>, vector<256x4xf32> -> vector<256x4xf32>
    %transpose3A_139 = tpu.transpose %add3A_36, [1, 0] : vector<4x128xf32> -> vector<128x4xf32>
    %dot_general3A_140 = arith.constant dense<0.000000e+00> : vector<256x4xf32>
    %dot_general3A_141 = tpu.matmul %add3A_82, %transpose3A_139, %dot_general3A_140 {dimension_numbers = #tpu.dot_dimension_numbers<[1], [0], [0], [1], [0, 0, 1, 1], [], []>, transpose_lhs_hint = false} : vector<256x128xf32>, vector<128x4xf32>, vector<256x4xf32> -> vector<256x4xf32>
    %stack3A = vector.shape_cast %dot_general3A_132 : vector<256x4xf32> to vector<256x4x1xf32>
    %stack3A_142 = vector.shape_cast %dot_general3A_135 : vector<256x4xf32> to vector<256x4x1xf32>
    %stack3A_143 = vector.shape_cast %dot_general3A_138 : vector<256x4xf32> to vector<256x4x1xf32>
    %stack3A_144 = vector.shape_cast %dot_general3A_141 : vector<256x4xf32> to vector<256x4x1xf32>
    %stack3A_145 = tpu.concatenate %stack3A, %stack3A_142, %stack3A_143, %stack3A_144 in 2 : vector<256x4x1xf32>, vector<256x4x1xf32>, vector<256x4x1xf32>, vector<256x4x1xf32> -> vector<256x4x4xf32>
    %mul3A_146 = arith.constant 0.0883883461 : f32
    %mul3A_147 = vector.broadcast %mul3A_146 : f32 to vector<256x4x4xf32>
    %mul3A_148 = arith.mulf %stack3A_145, %mul3A_147 : vector<256x4x4xf32>
    %reduce_max3A = arith.constant dense<0xFF800000> : vector<256x4xf32>
    %reduce_max3A_149 = vector.multi_reduction <maximumf>, %mul3A_148, %reduce_max3A [2] : vector<256x4x4xf32> to vector<256x4xf32>
    %broadcast_in_dim3A_150 = vector.shape_cast %reduce_max3A_149 : vector<256x4xf32> to vector<256x4x1xf32>
    %sub3A = vector.broadcast %broadcast_in_dim3A_150 : vector<256x4x1xf32> to vector<256x4x4xf32>
    %sub3A_151 = arith.subf %mul3A_148, %sub3A : vector<256x4x4xf32>
    %exp3A = math.exp %sub3A_151 : vector<256x4x4xf32>
    %reduce_sum3A = arith.constant dense<0.000000e+00> : vector<256x4xf32>
    %reduce_sum3A_152 = vector.multi_reduction <add>, %exp3A, %reduce_sum3A [2] : vector<256x4x4xf32> to vector<256x4xf32>
    %broadcast_in_dim3A_153 = vector.shape_cast %reduce_sum3A_152 : vector<256x4xf32> to vector<256x4x1xf32>
    %div3A = vector.broadcast %broadcast_in_dim3A_153 : vector<256x4x1xf32> to vector<256x4x4xf32>
    %div3A_154 = arith.divf %exp3A, %div3A : vector<256x4x4xf32>
    %slice3A_155 = vector.extract_strided_slice %div3A_154 {offsets = [0, 0, 0], sizes = [256, 1, 1], strides = [1, 1, 1]} : vector<256x4x4xf32> to vector<256x1x1xf32>
    %squeeze3A_156 = vector.shape_cast %slice3A_155 : vector<256x1x1xf32> to vector<256xf32>
    %broadcast_in_dim3A_157 = vector.shape_cast %squeeze3A_156 : vector<256xf32> to vector<256x1xf32>
    %mul3A_158 = vector.broadcast %broadcast_in_dim3A_157 : vector<256x1xf32> to vector<256x128xf32>
    %mul3A_159 = arith.mulf %mul3A_158, %add3A_94 : vector<256x128xf32>
    %slice3A_160 = vector.extract_strided_slice %div3A_154 {offsets = [0, 0, 1], sizes = [256, 1, 1], strides = [1, 1, 1]} : vector<256x4x4xf32> to vector<256x1x1xf32>
    %squeeze3A_161 = vector.shape_cast %slice3A_160 : vector<256x1x1xf32> to vector<256xf32>
    %broadcast_in_dim3A_162 = vector.shape_cast %squeeze3A_161 : vector<256xf32> to vector<256x1xf32>
    %mul3A_163 = vector.broadcast %broadcast_in_dim3A_162 : vector<256x1xf32> to vector<256x128xf32>
    %mul3A_164 = arith.mulf %mul3A_163, %add3A_106 : vector<256x128xf32>
    %add3A_165 = arith.addf %mul3A_159, %mul3A_164 : vector<256x128xf32>
    %slice3A_166 = vector.extract_strided_slice %div3A_154 {offsets = [0, 0, 2], sizes = [256, 1, 1], strides = [1, 1, 1]} : vector<256x4x4xf32> to vector<256x1x1xf32>
    %squeeze3A_167 = vector.shape_cast %slice3A_166 : vector<256x1x1xf32> to vector<256xf32>
    %broadcast_in_dim3A_168 = vector.shape_cast %squeeze3A_167 : vector<256xf32> to vector<256x1xf32>
    %mul3A_169 = vector.broadcast %broadcast_in_dim3A_168 : vector<256x1xf32> to vector<256x128xf32>
    %mul3A_170 = arith.mulf %mul3A_169, %add3A_118 : vector<256x128xf32>
    %add3A_171 = arith.addf %add3A_165, %mul3A_170 : vector<256x128xf32>
    %slice3A_172 = vector.extract_strided_slice %div3A_154 {offsets = [0, 0, 3], sizes = [256, 1, 1], strides = [1, 1, 1]} : vector<256x4x4xf32> to vector<256x1x1xf32>
    %squeeze3A_173 = vector.shape_cast %slice3A_172 : vector<256x1x1xf32> to vector<256xf32>
    %broadcast_in_dim3A_174 = vector.shape_cast %squeeze3A_173 : vector<256xf32> to vector<256x1xf32>
    %mul3A_175 = vector.broadcast %broadcast_in_dim3A_174 : vector<256x1xf32> to vector<256x128xf32>
    %mul3A_176 = arith.mulf %mul3A_175, %add3A_130 : vector<256x128xf32>
    %add3A_177 = arith.addf %add3A_171, %mul3A_176 : vector<256x128xf32>
    %swap3A = arith.constant 0 : index
    %swap3A_178 = arith.constant 0 : index
    %swap3A_179 = arith.constant 0 : index
    %swap3A_180 = vector.load %arg12[%swap3A, %swap3A_178, %swap3A_179] : memref<4x256x128xf32, #tpu.memory_space<vmem>>, vector<1x256x128xf32>
    %swap3A_181 = vector.shape_cast %swap3A_180 : vector<1x256x128xf32> to vector<256x128xf32>
    %swap3A_182 = vector.shape_cast %add3A_177 : vector<256x128xf32> to vector<1x256x128xf32>
    tpu.vector_store %arg12[%swap3A, %swap3A_178, %swap3A_179], %swap3A_182 {strides = array<i32>} : memref<4x256x128xf32, #tpu.memory_space<vmem>>, vector<1x256x128xf32>,
    %slice3A_183 = vector.extract_strided_slice %div3A_154 {offsets = [0, 1, 0], sizes = [256, 1, 1], strides = [1, 1, 1]} : vector<256x4x4xf32> to vector<256x1x1xf32>
    %squeeze3A_184 = vector.shape_cast %slice3A_183 : vector<256x1x1xf32> to vector<256xf32>
    %broadcast_in_dim3A_185 = vector.shape_cast %squeeze3A_184 : vector<256xf32> to vector<256x1xf32>
    %mul3A_186 = vector.broadcast %broadcast_in_dim3A_185 : vector<256x1xf32> to vector<256x128xf32>
    %mul3A_187 = arith.mulf %mul3A_186, %add3A_94 : vector<256x128xf32>
    %slice3A_188 = vector.extract_strided_slice %div3A_154 {offsets = [0, 1, 1], sizes = [256, 1, 1], strides = [1, 1, 1]} : vector<256x4x4xf32> to vector<256x1x1xf32>
    %squeeze3A_189 = vector.shape_cast %slice3A_188 : vector<256x1x1xf32> to vector<256xf32>
    %broadcast_in_dim3A_190 = vector.shape_cast %squeeze3A_189 : vector<256xf32> to vector<256x1xf32>
    %mul3A_191 = vector.broadcast %broadcast_in_dim3A_190 : vector<256x1xf32> to vector<256x128xf32>
    %mul3A_192 = arith.mulf %mul3A_191, %add3A_106 : vector<256x128xf32>
    %add3A_193 = arith.addf %mul3A_187, %mul3A_192 : vector<256x128xf32>
    %slice3A_194 = vector.extract_strided_slice %div3A_154 {offsets = [0, 1, 2], sizes = [256, 1, 1], strides = [1, 1, 1]} : vector<256x4x4xf32> to vector<256x1x1xf32>
    %squeeze3A_195 = vector.shape_cast %slice3A_194 : vector<256x1x1xf32> to vector<256xf32>
    %broadcast_in_dim3A_196 = vector.shape_cast %squeeze3A_195 : vector<256xf32> to vector<256x1xf32>
    %mul3A_197 = vector.broadcast %broadcast_in_dim3A_196 : vector<256x1xf32> to vector<256x128xf32>
    %mul3A_198 = arith.mulf %mul3A_197, %add3A_118 : vector<256x128xf32>
    %add3A_199 = arith.addf %add3A_193, %mul3A_198 : vector<256x128xf32>
    %slice3A_200 = vector.extract_strided_slice %div3A_154 {offsets = [0, 1, 3], sizes = [256, 1, 1], strides = [1, 1, 1]} : vector<256x4x4xf32> to vector<256x1x1xf32>
    %squeeze3A_201 = vector.shape_cast %slice3A_200 : vector<256x1x1xf32> to vector<256xf32>
    %broadcast_in_dim3A_202 = vector.shape_cast %squeeze3A_201 : vector<256xf32> to vector<256x1xf32>
    %mul3A_203 = vector.broadcast %broadcast_in_dim3A_202 : vector<256x1xf32> to vector<256x128xf32>
    %mul3A_204 = arith.mulf %mul3A_203, %add3A_130 : vector<256x128xf32>
    %add3A_205 = arith.addf %add3A_199, %mul3A_204 : vector<256x128xf32>
    %swap3A_206 = arith.constant 1 : index
    %swap3A_207 = arith.constant 0 : index
    %swap3A_208 = arith.constant 0 : index
    %swap3A_209 = vector.load %arg12[%swap3A_206, %swap3A_207, %swap3A_208] : memref<4x256x128xf32, #tpu.memory_space<vmem>>, vector<1x256x128xf32>
    %swap3A_210 = vector.shape_cast %swap3A_209 : vector<1x256x128xf32> to vector<256x128xf32>
    %swap3A_211 = vector.shape_cast %add3A_205 : vector<256x128xf32> to vector<1x256x128xf32>
    tpu.vector_store %arg12[%swap3A_206, %swap3A_207, %swap3A_208], %swap3A_211 {strides = array<i32>} : memref<4x256x128xf32, #tpu.memory_space<vmem>>, vector<1x256x128xf32>,
    %slice3A_212 = vector.extract_strided_slice %div3A_154 {offsets = [0, 2, 0], sizes = [256, 1, 1], strides = [1, 1, 1]} : vector<256x4x4xf32> to vector<256x1x1xf32>
    %squeeze3A_213 = vector.shape_cast %slice3A_212 : vector<256x1x1xf32> to vector<256xf32>
    %broadcast_in_dim3A_214 = vector.shape_cast %squeeze3A_213 : vector<256xf32> to vector<256x1xf32>
    %mul3A_215 = vector.broadcast %broadcast_in_dim3A_214 : vector<256x1xf32> to vector<256x128xf32>
    %mul3A_216 = arith.mulf %mul3A_215, %add3A_94 : vector<256x128xf32>
    %slice3A_217 = vector.extract_strided_slice %div3A_154 {offsets = [0, 2, 1], sizes = [256, 1, 1], strides = [1, 1, 1]} : vector<256x4x4xf32> to vector<256x1x1xf32>
    %squeeze3A_218 = vector.shape_cast %slice3A_217 : vector<256x1x1xf32> to vector<256xf32>
    %broadcast_in_dim3A_219 = vector.shape_cast %squeeze3A_218 : vector<256xf32> to vector<256x1xf32>
    %mul3A_220 = vector.broadcast %broadcast_in_dim3A_219 : vector<256x1xf32> to vector<256x128xf32>
    %mul3A_221 = arith.mulf %mul3A_220, %add3A_106 : vector<256x128xf32>
    %add3A_222 = arith.addf %mul3A_216, %mul3A_221 : vector<256x128xf32>
    %slice3A_223 = vector.extract_strided_slice %div3A_154 {offsets = [0, 2, 2], sizes = [256, 1, 1], strides = [1, 1, 1]} : vector<256x4x4xf32> to vector<256x1x1xf32>
    %squeeze3A_224 = vector.shape_cast %slice3A_223 : vector<256x1x1xf32> to vector<256xf32>
    %broadcast_in_dim3A_225 = vector.shape_cast %squeeze3A_224 : vector<256xf32> to vector<256x1xf32>
    %mul3A_226 = vector.broadcast %broadcast_in_dim3A_225 : vector<256x1xf32> to vector<256x128xf32>
    %mul3A_227 = arith.mulf %mul3A_226, %add3A_118 : vector<256x128xf32>
    %add3A_228 = arith.addf %add3A_222, %mul3A_227 : vector<256x128xf32>
    %slice3A_229 = vector.extract_strided_slice %div3A_154 {offsets = [0, 2, 3], sizes = [256, 1, 1], strides = [1, 1, 1]} : vector<256x4x4xf32> to vector<256x1x1xf32>
    %squeeze3A_230 = vector.shape_cast %slice3A_229 : vector<256x1x1xf32> to vector<256xf32>
    %broadcast_in_dim3A_231 = vector.shape_cast %squeeze3A_230 : vector<256xf32> to vector<256x1xf32>
    %mul3A_232 = vector.broadcast %broadcast_in_dim3A_231 : vector<256x1xf32> to vector<256x128xf32>
    %mul3A_233 = arith.mulf %mul3A_232, %add3A_130 : vector<256x128xf32>
    %add3A_234 = arith.addf %add3A_228, %mul3A_233 : vector<256x128xf32>
    %swap3A_235 = arith.constant 2 : index
    %swap3A_236 = arith.constant 0 : index
    %swap3A_237 = arith.constant 0 : index
    %swap3A_238 = vector.load %arg12[%swap3A_235, %swap3A_236, %swap3A_237] : memref<4x256x128xf32, #tpu.memory_space<vmem>>, vector<1x256x128xf32>
    %swap3A_239 = vector.shape_cast %swap3A_238 : vector<1x256x128xf32> to vector<256x128xf32>
    %swap3A_240 = vector.shape_cast %add3A_234 : vector<256x128xf32> to vector<1x256x128xf32>
    tpu.vector_store %arg12[%swap3A_235, %swap3A_236, %swap3A_237], %swap3A_240 {strides = array<i32>} : memref<4x256x128xf32, #tpu.memory_space<vmem>>, vector<1x256x128xf32>,
    %slice3A_241 = vector.extract_strided_slice %div3A_154 {offsets = [0, 3, 0], sizes = [256, 1, 1], strides = [1, 1, 1]} : vector<256x4x4xf32> to vector<256x1x1xf32>
    %squeeze3A_242 = vector.shape_cast %slice3A_241 : vector<256x1x1xf32> to vector<256xf32>
    %broadcast_in_dim3A_243 = vector.shape_cast %squeeze3A_242 : vector<256xf32> to vector<256x1xf32>
    %mul3A_244 = vector.broadcast %broadcast_in_dim3A_243 : vector<256x1xf32> to vector<256x128xf32>
    %mul3A_245 = arith.mulf %mul3A_244, %add3A_94 : vector<256x128xf32>
    %slice3A_246 = vector.extract_strided_slice %div3A_154 {offsets = [0, 3, 1], sizes = [256, 1, 1], strides = [1, 1, 1]} : vector<256x4x4xf32> to vector<256x1x1xf32>
    %squeeze3A_247 = vector.shape_cast %slice3A_246 : vector<256x1x1xf32> to vector<256xf32>
    %broadcast_in_dim3A_248 = vector.shape_cast %squeeze3A_247 : vector<256xf32> to vector<256x1xf32>
    %mul3A_249 = vector.broadcast %broadcast_in_dim3A_248 : vector<256x1xf32> to vector<256x128xf32>
    %mul3A_250 = arith.mulf %mul3A_249, %add3A_106 : vector<256x128xf32>
    %add3A_251 = arith.addf %mul3A_245, %mul3A_250 : vector<256x128xf32>
    %slice3A_252 = vector.extract_strided_slice %div3A_154 {offsets = [0, 3, 2], sizes = [256, 1, 1], strides = [1, 1, 1]} : vector<256x4x4xf32> to vector<256x1x1xf32>
    %squeeze3A_253 = vector.shape_cast %slice3A_252 : vector<256x1x1xf32> to vector<256xf32>
    %broadcast_in_dim3A_254 = vector.shape_cast %squeeze3A_253 : vector<256xf32> to vector<256x1xf32>
    %mul3A_255 = vector.broadcast %broadcast_in_dim3A_254 : vector<256x1xf32> to vector<256x128xf32>
    %mul3A_256 = arith.mulf %mul3A_255, %add3A_118 : vector<256x128xf32>
    %add3A_257 = arith.addf %add3A_251, %mul3A_256 : vector<256x128xf32>
    %slice3A_258 = vector.extract_strided_slice %div3A_154 {offsets = [0, 3, 3], sizes = [256, 1, 1], strides = [1, 1, 1]} : vector<256x4x4xf32> to vector<256x1x1xf32>
    %squeeze3A_259 = vector.shape_cast %slice3A_258 : vector<256x1x1xf32> to vector<256xf32>
    %broadcast_in_dim3A_260 = vector.shape_cast %squeeze3A_259 : vector<256xf32> to vector<256x1xf32>
    %mul3A_261 = vector.broadcast %broadcast_in_dim3A_260 : vector<256x1xf32> to vector<256x128xf32>
    %mul3A_262 = arith.mulf %mul3A_261, %add3A_130 : vector<256x128xf32>
    %add3A_263 = arith.addf %add3A_257, %mul3A_262 : vector<256x128xf32>
    %swap3A_264 = arith.constant 3 : index
    %swap3A_265 = arith.constant 0 : index
    %swap3A_266 = arith.constant 0 : index
    %swap3A_267 = vector.load %arg12[%swap3A_264, %swap3A_265, %swap3A_266] : memref<4x256x128xf32, #tpu.memory_space<vmem>>, vector<1x256x128xf32>
    %swap3A_268 = vector.shape_cast %swap3A_267 : vector<1x256x128xf32> to vector<256x128xf32>
    %swap3A_269 = vector.shape_cast %add3A_263 : vector<256x128xf32> to vector<1x256x128xf32>
    tpu.vector_store %arg12[%swap3A_264, %swap3A_265, %swap3A_266], %swap3A_269 {strides = array<i32>} : memref<4x256x128xf32, #tpu.memory_space<vmem>>, vector<1x256x128xf32>,
    %slice3A_270 = vector.extract_strided_slice %add3A_24 {offsets = [4, 0, 0], sizes = [1, 256, 128], strides = [1, 1, 1]} : vector<5x256x128xf32> to vector<1x256x128xf32>
    %squeeze3A_271 = vector.shape_cast %slice3A_270 : vector<1x256x128xf32> to vector<256x128xf32>
    %swap3A_272 = arith.constant 0 : index
    %swap3A_273 = arith.constant 0 : index
    %swap3A_274 = vector.load %arg13[%swap3A_272, %swap3A_273] : memref<256x128xf32, #tpu.memory_space<vmem>>, vector<256x128xf32>
    tpu.vector_store %arg13[%swap3A_272, %swap3A_273], %squeeze3A_271 {strides = array<i32>} : memref<256x128xf32, #tpu.memory_space<vmem>>, vector<256x128xf32>,
    return
  }
  func.func @transform_0(%arg0: i32) -> (i32, i32, i32, i32) {
    %c0_i32 = arith.constant 0 : i32
    %c0_i32_0 = arith.constant 0 : i32
    %c0_i32_1 = arith.constant 0 : i32
    %c0_i32_2 = arith.constant 0 : i32
    return %c0_i32, %c0_i32_0, %arg0, %c0_i32_1 : i32, i32, i32, i32
  }
  func.func @transform_1(%arg0: i32) -> (i32, i32, i32) {
    %c0_i32 = arith.constant 0 : i32
    %c0_i32_0 = arith.constant 0 : i32
    %c0_i32_1 = arith.constant 0 : i32
    return %c0_i32, %arg0, %c0_i32_0 : i32, i32, i32
  }
  func.func @transform_2(%arg0: i32) -> (i32, i32) {
    %c0_i32 = arith.constant 0 : i32
    %c0_i32_0 = arith.constant 0 : i32
    return %c0_i32, %arg0 : i32, i32
  }
  func.func @transform_3(%arg0: i32) -> i32 {
    %c0_i32 = arith.constant 0 : i32
    %c0_i32_0 = arith.constant 0 : i32
    return %c0_i32 : i32
  }
  func.func @transform_4(%arg0: i32) -> (i32, i32) {
    %c0_i32 = arith.constant 0 : i32
    %c0_i32_0 = arith.constant 0 : i32
    %c0_i32_1 = arith.constant 0 : i32
    return %c0_i32, %c0_i32_0 : i32, i32
  }
  func.func @transform_5(%arg0: i32) -> (i32, i32) {
    %c0_i32 = arith.constant 0 : i32
    %c0_i32_0 = arith.constant 0 : i32
    %c0_i32_1 = arith.constant 0 : i32
    return %c0_i32, %c0_i32_0 : i32, i32
  }
  func.func @transform_6(%arg0: i32) -> i32 {
    %c0_i32 = arith.constant 0 : i32
    %c0_i32_0 = arith.constant 0 : i32
    return %c0_i32 : i32
  }
  func.func @transform_7(%arg0: i32) -> (i32, i32) {
    %c0_i32 = arith.constant 0 : i32
    %c0_i32_0 = arith.constant 0 : i32
    %c0_i32_1 = arith.constant 0 : i32
    return %c0_i32, %c0_i32_0 : i32, i32
  }
  func.func @transform_8(%arg0: i32) -> i32 {
    %c0_i32 = arith.constant 0 : i32
    %c0_i32_0 = arith.constant 0 : i32
    return %c0_i32 : i32
  }
  func.func @transform_9(%arg0: i32) -> (i32, i32) {
    %c0_i32 = arith.constant 0 : i32
    %c0_i32_0 = arith.constant 0 : i32
    %c0_i32_1 = arith.constant 0 : i32
    return %c0_i32, %c0_i32_0 : i32, i32
  }
  func.func @transform_10(%arg0: i32) -> i32 {
    %c0_i32 = arith.constant 0 : i32
    %c0_i32_0 = arith.constant 0 : i32
    return %c0_i32 : i32
  }
  func.func @transform_11(%arg0: i32) -> (i32, i32, i32) {
    %c0_i32 = arith.constant 0 : i32
    %c0_i32_0 = arith.constant 0 : i32
    %c0_i32_1 = arith.constant 0 : i32
    return %c0_i32, %arg0, %c0_i32_0 : i32, i32, i32
  }
  func.func @transform_12(%arg0: i32) -> (i32, i32) {
    %c0_i32 = arith.constant 0 : i32
    %c0_i32_0 = arith.constant 0 : i32
    return %arg0, %c0_i32 : i32, i32
  }
}

</mosaic_0001>

<sc_bundles>
// kernel: kernel.10.cloned.1.call-start
scs
__scs_entry_jumppad:
0x0: {  	(pc) =	sbr.rel $0x88, $3  }
0x1: {  	(tag) =	ssettag $0x0;
	lr =	simm.s32 $0x1  }
0x2: {  	[smem:$0x3F92] =	sst lr;
	_ =	strace $0xD0000000  }
0x3: {  	_ = 	snop  }
0x4: {  	_ = 	snop  }
0x5: {  	_ = 	snop  }
0x6: {  	_ = 	snop  }
0x7: {  	_ = 	snop  }
__scs_overlays_trampoline_lowered:
0x8: {  	[smem:$0x3FA1] =	sst s0  }
0x9: {  	[smem:$0x3FA2] =	sst s1  }
0xa: {  	[smem:$0x3FA3] =	sst s2  }
0xb: {  	[smem:$0x3FA4] =	sst s3  }
0xc: {  	[smem:$0x3FA5] =	sst s4  }
0xd: {  	[smem:$0x3FA6] =	sst s5  }
0xe: {  	[smem:$0x3FA7] =	sst s6  }
0xf: {  	[smem:$0x3FA8] =	sst s7  }
0x10: {  	[smem:$0x3FA9] =	sst s8  }
0x11: {  	[smem:$0x3FAA] =	sst s9;
	s0 =	simm.s32 @!p0 $0x0  }
0x12: {  	s1 =	sld [smem:$0x3F90];
	s0 =	simm.s32 @p0 $0x1  }
0x13: {  	[smem:$0x3FAB] =	sst s0;
	s0 =	simm.s32 @!p1 $0x0  }
0x14: {  	s2 =	sld [smem:$0x3F8F];
	s0 =	simm.s32 @p1 $0x1  }
0x15: {  	[smem:$0x3FAC] =	sst s0;
	s0 =	simm.s32 @!p2 $0x0  }
0x16: {  	s3 =	sld [smem:$0x3FDB];
	s0 =	simm.s32 @p2 $0x1  }
0x17: {  	s4 =	simm.s32 $0x1BF5;
	[smem:$0x3FAE] =	sst s0  }
0x18: {  	s0 =	sld [smem:$0x3F91];
	_ =	swait.ge [sflag:s4], $0x0  }
0x19: {  	s7 =	sld [smem:$0x3F92]  }
0x1a: {  	s8 =	sadd.s32 $0xFFFFE003, lr  }
0x1b: {  	s9 =	sadd.s32 $0xFFFFFEF7, lr;
	s5 =	simm.s32 $0xFFFFFFFF;
	p2 =	slt.u32 s8, $0xFFFFF086  }
0x1c: {  	p1 =	slt.u32 s9, $0xF7A;
	s5 =	simm.s32 @!p2 $0x0  }
0x1d: {  	s5 =	simm.s32 @p1 $0x1;
	p0 =	seq.s32 s7, s2  }
0x1e: {  	s7 =	smul.u32 @!p0 $0xF7A, s2;
	p2 =	seq.s32 @!p0 s5, $0x0  }
0x1f: {  	s9 =	smul.u32 $0xF7A, s1;
	s8 =	simm.s32 @!p0 $0x1BF5;
	p2 =	por !p2, p0  }
0x20: {  	[sflag:s8] =	ssyncset.s32 @!p0 $0xFFFFF086;
	s6 =	sadd.s32 @!p0 s3, s7;
	s7 =	simm.s32 @!p0 $0x108  }
0x21: {  	s3 =	sadd.s32 s3, s9;
	s6 =	sadd.s32 @!p0 $0x88, s6;
	s7 =	simm.s32 @p2 $0x1082  }
0x22: {  	[simem:s7], [sflag:s8] =	dma.local @!p0 [hbm:s6], $0xF7A  }
0x23: {  	s9 =	sor.u32 $0xD0000000, s2;
	s6 =	simm.s32 $0x108;
	_ =	swait.ge @!p0 [sflag:s8], $0x0  }
0x24: {  	s3 =	sadd.s32 $0x88, s3;
	s6 =	simm.s32 @!p1 $0x1082;
	[sflag:s4] =	ssyncset.s32 $0xFFFFF086  }
0x25: {  	[simem:s6], [sflag:s4] =	dma.local [hbm:s3], $0xF7A  }
0x26: {  	[smem:$0x3F92] =	sst s1;
	(tag) =	ssettag s2;
	_ =	strace s9  }
0x27: {  	s1 =	sld [smem:$0x3FA2]  }
0x28: {  	s2 =	sld [smem:$0x3FA3]  }
0x29: {  	s4 =	sld [smem:$0x3FA5]  }
0x2a: {  	p0 =	seq.s32 s5, $0x0;
	s5 =	sld [smem:$0x3FA6]  }
0x2b: {  	s6 =	sld [smem:$0x3FA7]  }
0x2c: {  	s7 =	sld [smem:$0x3FA8]  }
0x2d: {  	s3 =	simm.s32 $0x108;
	s8 =	sld [smem:$0x3FA9]  }
0x2e: {  	s3 =	simm.s32 @!p0 $0x1082;
	s9 =	sld [smem:$0x3FAA]  }
0x2f: {  	lr =	sadd.s32 s0, s3;
	s0 =	sld [smem:$0x3FA1]  }
0x30: {  	s3 =	sld [smem:$0x3FA4]  }
0x31: {  	[smem:$0x3FAD] =	sst s10  }
0x32: {  	s10 =	sld [smem:$0x3FAB];
	_ =	sdelay $0x3  }
0x33: {  	p0 =	seq.s32 s10, $0x1;
	s10 =	sld [smem:$0x3FAD];
	_ =	sdelay $0x3  }
0x34: {  	[smem:$0x3FAD] =	sst s10  }
0x35: {  	s10 =	sld [smem:$0x3FAC];
	_ =	sdelay $0x3  }
0x36: {  	p1 =	seq.s32 s10, $0x1;
	s10 =	sld [smem:$0x3FAD];
	_ =	sdelay $0x3  }
0x37: {  	[smem:$0x3FAD] =	sst s10  }
0x38: {  	s10 =	sld [smem:$0x3FAE]  }
0x39: {  	_ = 	snop;
	(pc) =	sbr.ind lr, $3  }
0x3a: {  	_ = 	snop  }
0x3b: {  	_ = 	snop  }
0x3c: {  	p2 =	seq.s32 s10, $0x1;
	s10 =	sld [smem:$0x3FAD]  }
0x3d: {  	_ =	shalt  }
0x3e: {  	_ =	shalt  }
0x3f: {  	_ =	shalt  }
0x40: {  	_ =	shalt  }
0x41: {  	_ =	shalt  }
0x42: {  	_ =	shalt  }
0x43: {  	_ =	shalt  }
0x44: {  	_ =	shalt  }
0x45: {  	_ =	shalt  }
0x46: {  	_ =	shalt  }
0x47: {  	_ =	shalt  }
0x48: {  	_ =	shalt  }
0x49: {  	_ =	shalt  }
0x4a: {  	_ =	shalt  }
0x4b: {  	_ =	shalt  }
0x4c: {  	_ =	shalt  }
0x4d: {  	_ =	shalt  }
0x4e: {  	_ =	shalt  }
0x4f: {  	_ =	shalt  }
0x50: {  	_ =	shalt  }
0x51: {  	_ =	shalt  }
0x52: {  	_ =	shalt  }
0x53: {  	_ =	shalt  }
0x54: {  	_ =	shalt  }
0x55: {  	_ =	shalt  }
0x56: {  	_ =	shalt  }
0x57: {  	_ =	shalt  }
0x58: {  	_ =	shalt  }
0x59: {  	_ =	shalt  }
0x5a: {  	_ =	shalt  }
0x5b: {  	_ =	shalt  }
0x5c: {  	_ =	shalt  }
0x5d: {  	_ =	shalt  }
0x5e: {  	_ =	shalt  }
0x5f: {  	_ =	shalt  }
0x60: {  	_ =	shalt  }
0x61: {  	_ =	shalt  }
0x62: {  	_ =	shalt  }
0x63: {  	_ =	shalt  }
0x64: {  	_ =	shalt  }
0x65: {  	_ =	shalt  }
0x66: {  	_ =	shalt  }
0x67: {  	_ =	shalt  }
0x68: {  	_ =	shalt  }
0x69: {  	_ =	shalt  }
0x6a: {  	_ =	shalt  }
0x6b: {  	_ =	shalt  }
0x6c: {  	_ =	shalt  }
0x6d: {  	_ =	shalt  }
0x6e: {  	_ =	shalt  }
0x6f: {  	_ =	shalt  }
0x70: {  	_ =	shalt  }
0x71: {  	_ =	shalt  }
0x72: {  	_ =	shalt  }
0x73: {  	_ =	shalt  }
0x74: {  	_ =	shalt  }
0x75: {  	_ =	shalt  }
0x76: {  	_ =	shalt  }
0x77: {  	_ =	shalt  }
0x78: {  	_ =	shalt  }
0x79: {  	_ =	shalt  }
0x7a: {  	_ =	shalt  }
0x7b: {  	_ =	shalt  }
0x7c: {  	_ =	shalt  }
0x7d: {  	_ =	shalt  }
0x7e: {  	_ =	shalt  }
0x7f: {  	_ =	shalt  }
0x80: {  	_ =	shalt  }
0x81: {  	_ =	shalt  }
0x82: {  	_ =	shalt  }
0x83: {  	_ =	shalt  }
0x84: {  	_ =	shalt  }
0x85: {  	_ =	shalt  }
0x86: {  	_ =	shalt  }
0x87: {  	_ =	shalt  }
.Lfunc_end0:
.L_simem_size_0:
called_computation_lowered:
.L_overlay_start_0:
0x88: {  	s2 =	sld [smem:$0x3FD9]  }
0x89: {  	s3 =	sld [smem:$0x3FFE];
	_ =	sdelay $0x1  }
0x8a: {  	s1 =	srdreg.scid  }
0x8b: {  	s0 =	sand.u32 $0x1, s1  }
0x8c: {  	s15 =	sshll.u32 s0, $0xA;
	s2 =	sadd.s32 s3, s2  }
0x8d: {  	s2 =	sadd.s32 s2, s15  }
0x8e: {  	[smem:$0x3FB9] =	sst s2  }
0x8f: {  	_ = 	snop  }
0x90: {  	s2 =	sld [smem:$0x3FD0];
	_ =	sdelay $0x2  }
0x91: {  	s16 =	simm.s32 $0xA;
	s4 =	simm.s32 $0x10  }
0x92: {  	[smem:s4], [sflag:s16] =	dma.local [hbm:s2], $0x1  }
0x93: {  	_ =	swait.eq [sflag:s16], $0x1  }
0x94: {  	[sflag:s16] =	ssyncset.done $0x0  }
0x95: {  	s17 =	sld [smem:$0x10];
	[sflag:s16] =	ssyncadd.s32 $0xFFFFFFFF  }
0x96: {  	s18 =	sld [smem:$0x11];
	(tm) =	ssettm $0x1  }
0x97: {  	s19 =	sld [smem:$0x3FFB];
	_ =	sdelay $0x3  }
0x98: {  	_ =	strace s19  }
0x99: {  	s4 =	sld [smem:$0x3FFC];
	_ =	sdelay $0x3  }
0x9a: {  	_ =	strace s4  }
0x9b: {  	s4 =	sld [smem:$0x3FFD];
	_ =	sdelay $0x3  }
0x9c: {  	_ =	strace s4  }
0x9d: {  	_ =	strace $0x8FFFFFFF  }
0x9e: {  	s20 =	sld [smem:$0x3FDB];
	_ =	sdelay $0x1  }
0x9f: {  	s5 =	simm.s32 $_scs_section_size  }
0xa0: {  	s6 =	simm.s32 $_size__tile_overlayer_lowered;
	s7 =	simm.s32 $_tile_overlayer_lowered  }
0xa1: {  	s23 =	simm.s32 $0x1BFF;
	s22 =	sshll.u32 s7, $0x1;
	s4 =	sadd.s32 s5, s20  }
0xa2: {  	s8 =	simm.s32 $0x0;
	s21 =	sshll.u32 s6, $0x1;
	s6 =	sadd.s32 s22, s4  }
0xa3: {  	[timem:s8], [sflag:s23] =	dma.local [hbm:s6], s21  }
0xa4: {  	_ =	swait.ge [sflag:s23], s21  }
0xa5: {  	s5 =	ssub.s32 $0x0, s21;
	[sflag:s23] =	ssyncset.done $0x0  }
0xa6: {  	[sflag:s23] =	ssyncadd.s32 s5;
	_ =	sdelay $0x1  }
0xa7: {  	s24 =	simm.s32 $0x1B8B  }
0xa8: {  	_ =	swait.ge [sflag:s24], $0x1  }
0xa9: {  	[sflag:s24] =	ssyncset.done $0x0  }
0xaa: {  	s25 =	simm.s32 $0x1B8E;
	[sflag:s24] =	ssyncadd.s32 $0xFFFFFFFF  }
0xab: {  	s26 =	simm.s32 $execute0_lowered;
	[smem:$0x3FD2] =	sst s25  }
0xac: {  	s5 =	sshll.u32 s26, $0x1;
	_ =	strace $0x80000046;
	[dreg:$0x1] =	wrdreg $0xFFFFFFFF  }
0xad: {  	s28 =	simm.s32 $_size_execute0_lowered;
	s4 =	sadd.s32 s4, s5;
	[dreg:$0x0] =	wrdreg $0x0  }
0xae: {  	s5 =	sshll.u32 s28, $0x1;
	[dreg:$0x2] =	wrdreg s4  }
0xaf: {  	[dreg:$0x3] =	wrdreg s5  }
0xb0: {  	[dreg:$0x4] =	wrdreg $0xC0  }
0xb1: {  	_ =	task [dreg:s8], $0x5FFFF  }
0xb2: {  	[dreg:$0x1] =	wrdreg $0xFFFFFFFF  }
0xb3: {  	[dreg:$0x0] =	wrdreg $0x60  }
0xb4: {  	[dreg:$0x2] =	wrdreg s18  }
0xb5: {  	[dreg:$0x3] =	wrdreg s17  }
0xb6: {  	[dreg:$0x4] =	wrdreg $0x9  }
0xb7: {  	_ =	task.clear_ibuf [dreg:s8], $0x5FFFF;
	_ =	strace $0x90000046  }
0xb8: {  	s29 =	simm.s32 $0x9;
	_ =	strace $0x80000048  }
0xb9: {  	_ =	swait.ge [sflag:s29], $0x1  }
0xba: {  	[sflag:s29] =	ssyncadd.s32 $0xFFFFFFFF  }
0xbb: {  	_ =	strace $0x90000048  }
0xbc: {  	_ =	sfence  }
0xbd: {  	s30 =	sld [smem:$0x0];
	_ =	sdelay $0x2  }
0xbe: {  	s31 =	sshll.u32 s1, $0xD;
	s1 =	sshrl.u32 s1, $0x2  }
0xbf: {  	s3 =	sand.u32 $0x4000, s31;
	s1 =	sadd.s32 s1, s30  }
0xc0: {  	s0 =	sor.u32 s3, s0;
	s1 =	sshll.u32 s1, $0x11  }
0xc1: {  	s0 =	sor.u32 s1, s0  }
0xc2: {  	s0 =	sadd.s32 $0x8F2B, s0  }
0xc3: {  	[sflag:s0] =	ssyncadd.remote.s32 $0x1  }
0xc4: {  	_ =	sfence.sel $0xFFFF  }
0xc5: {  	[dreg:$0x0] =	wrdreg $0xFFFFFFFF;
	(pc) =	sbr.abs _section_cstart, $3  }
0xc6: {  	[dreg:$0x1] =	wrdreg $0xFFFFFFFF  }
0xc7: {  	_ =	task.clear_ibuf [dreg:s8], $0x2FFFF;
	_ =	strace $0x9FFFFFFF  }
0xc8: {  	(tm) =	ssettm $0x7FFFFFFF  }
0xc9: {  	_ =	shalt  }
tec
execute0_lowered:
.L_overlay_start_1:
0x0: {  	(tag) =	ssettag $0x1  }
0x1: {  	s1 =	srdreg.scid;
	s3 =	rddreg [dreg:$0x0]  }
0x2: {  	s0 =	stileid.u32;
	s5 =	rddreg [dreg:$0x1]  }
0x3: {  	s2 =	simm.s32 $0x0;
	s4 =	sand.u32 $0x1, s1;
	s29 =	sshll.u32 s0, $0x1  }
0x4: {  	s14 =	simm.s32 $0x1;
	s15 =	simm.s32 $0x1400;
	s6 =	sor.u32 s4, s29  }
0x5: {  	s16 =	simm.s32 $0x0;
	s1 =	rddreg [dreg:$0x2];
	s7 =	smul.u32 $0x1388, s6  }
0x6: {  	[smem:$0x7FF] =	sst s2;
	s4 =	ssub.s32 $0x2, s4;
	s8 =	smul.u32 $0xC800, s6  }
0x7: {  	_ =	strace $0x80000047;
	s9 =	sshrl.u32 s4, $0x1;
	s6 =	smul.u32 $0x1900, s6  }
0x8: {  	s13 =	ssub.s32 s4, s9;
	s30 =	sshrl.u32 s7, $0x3;
	s31 =	sshrl.u32 s8, $0x3  }
0x9: {  	s4 =	sadd.s32 s5, s6;
	s3 =	sadd.s32 s3, s30;
	s12 =	sadd.s32 s5, s31  }
0xa: {  	s13 =	smax.u32 s13, $0x1;
	s5 =	sadd.s32 $0x4E20, s3;
	s6 =	sadd.s32 $0x500, s12  }
0xb: {  	s7 =	sadd.s32 $0x9C40, s3;
	s8 =	sadd.s32 $0xA00, s12;
	s9 =	sadd.s32 $0xEA60, s3  }
0xc: {  	v0 =	vimm.f32 $0.0e+00;
	v1 =	vimm.s32 $0x0;
	v2 =	vimm.f32 $1.000000000e+00;
	s10 =	sadd.s32 $0xF00, s12;
	s11 =	sadd.s32 $0x13880, s3;
	s12 =	sadd.s32 $0x1400, s12  }
.LBB2_1:
0xd: {  	s17 =	simm.s32 $0x40;
	s18 =	simm.s32 $0x0  }
.LBB2_2:
0xe: {  	p0 =	sne.s32 s17, $0x9FC0;
	[tilespmem:s18+$0x1400] =	vst v0;
	s18 =	smov.u32 s17;
	s17 =	sadd.s32 $0x40, s17  }
.Ltmp0:
0xf: {  	(pc) =	sbr.rel @p0 .LBB2_2-.Ltmp0, $2  }
0x10: {  	_ =	sdelay $0x2  }
0x11: {  	s18 =	sshra.s32 s18, $0x2  }
0x12: {  	[tilespmem:s18+$0x1400] =	vst v0  }
0x13: {  	s17 =	simm.s32 $0x0;
	[tilespmem:$0x1380] =	vst v1  }
0x14: {  	[tilespmem:s17], [sflag:$0x1] =	stream.linear.gather [hbm4b:s3+s17], $0x1388, $0x38;
	[tilespmem:$0x3C00] =	vst v63  }
0x15: {  	_ =	swait.ge [sflag:s14], $0x1388  }
0x16: {  	[sflag:s14] =	ssyncset.done $0x0  }
0x17: {  	s18 =	simm.s32 $0x0;
	s17 =	simm.s32 $0x40;
	[sflag:s14] =	ssyncadd.s32 $0xFFFFEC78  }
.LBB2_4:
0x18: {  	p0 =	sne.s32 s17, $0x4DC0;
	v3 =	vld [tilespmem:s18+$0x0];
	_ =	sdelay $0x3  }
.Ltmp1:
0x19: {  	(pc) =	sbr.rel @p0 .LBB2_4-.Ltmp1, $2  }
0x1a: {  	_ =	sdelay $0x2  }
0x1b: {  	s18 =	sshra.s32 s17, $0x2;
	s17 =	sadd.s32 $0x40, s17;
	[tilespmem:v3+s15+$0x0] =	vst.idx.add.f32.msk $0xffff, v2  }
0x1c: {  	v3 =	vld [tilespmem:s18+$0x0];
	_ =	sdelay $0x7  }
0x1d: {  	[tilespmem:v3+s15+$0x0] =	vst.idx.add.f32.msk $0xffff, v2  }
0x1e: {  	v3 =	vld [tilespmem:$0x1380];
	_ =	sdelay $0x7  }
0x1f: {  	s17 =	simm.s32 $0x0;
	[tilespmem:v3+s15+$0x0] =	vst.idx.add.f32.msk $0xff, v2  }
0x20: {  	[hbm4b:s4+s17] =	stream.linear.scatter [tilespmem:s15], [sflag:$0x1], $0x2800, $0x38;
	[tilespmem:$0x3C00] =	vst v63  }
0x21: {  	_ =	swait.ge [sflag:s14], $0x2800  }
0x22: {  	[sflag:s14] =	ssyncset.done $0x0  }
0x23: {  	s18 =	simm.s32 $0x0;
	s17 =	simm.s32 $0x40;
	[sflag:s14] =	ssyncadd.s32 $0xFFFFD800  }
.LBB2_6:
0x24: {  	p0 =	sne.s32 s17, $0x9FC0;
	[tilespmem:s18+$0x1400] =	vst v0;
	s18 =	smov.u32 s17;
	s17 =	sadd.s32 $0x40, s17  }
.Ltmp2:
0x25: {  	(pc) =	sbr.rel @p0 .LBB2_6-.Ltmp2, $2  }
0x26: {  	_ =	sdelay $0x2  }
0x27: {  	s18 =	sshra.s32 s18, $0x2  }
0x28: {  	[tilespmem:s18+$0x1400] =	vst v0  }
0x29: {  	s17 =	simm.s32 $0x0;
	[tilespmem:$0x1380] =	vst v1  }
0x2a: {  	[tilespmem:s17], [sflag:$0x1] =	stream.linear.gather [hbm4b:s5+s17], $0x1388, $0x38;
	[tilespmem:$0x3C00] =	vst v63  }
0x2b: {  	_ =	swait.ge [sflag:s14], $0x1388  }
0x2c: {  	[sflag:s14] =	ssyncset.done $0x0  }
0x2d: {  	s18 =	simm.s32 $0x0;
	s17 =	simm.s32 $0x40;
	[sflag:s14] =	ssyncadd.s32 $0xFFFFEC78  }
.LBB2_8:
0x2e: {  	p0 =	sne.s32 s17, $0x4DC0;
	v3 =	vld [tilespmem:s18+$0x0];
	_ =	sdelay $0x3  }
.Ltmp3:
0x2f: {  	(pc) =	sbr.rel @p0 .LBB2_8-.Ltmp3, $2  }
0x30: {  	_ =	sdelay $0x2  }
0x31: {  	s18 =	sshra.s32 s17, $0x2;
	s17 =	sadd.s32 $0x40, s17;
	[tilespmem:v3+s15+$0x0] =	vst.idx.add.f32.msk $0xffff, v2  }
0x32: {  	v3 =	vld [tilespmem:s18+$0x0];
	_ =	sdelay $0x7  }
0x33: {  	[tilespmem:v3+s15+$0x0] =	vst.idx.add.f32.msk $0xffff, v2  }
0x34: {  	v3 =	vld [tilespmem:$0x1380];
	_ =	sdelay $0x7  }
0x35: {  	s17 =	simm.s32 $0x0;
	[tilespmem:v3+s15+$0x0] =	vst.idx.add.f32.msk $0xff, v2  }
0x36: {  	[hbm4b:s6+s17] =	stream.linear.scatter [tilespmem:s15], [sflag:$0x1], $0x2800, $0x38;
	[tilespmem:$0x3C00] =	vst v63  }
0x37: {  	_ =	swait.ge [sflag:s14], $0x2800  }
0x38: {  	[sflag:s14] =	ssyncset.done $0x0  }
0x39: {  	s18 =	simm.s32 $0x0;
	s17 =	simm.s32 $0x40;
	[sflag:s14] =	ssyncadd.s32 $0xFFFFD800  }
.LBB2_10:
0x3a: {  	p0 =	sne.s32 s17, $0x9FC0;
	[tilespmem:s18+$0x1400] =	vst v0;
	s18 =	smov.u32 s17;
	s17 =	sadd.s32 $0x40, s17  }
.Ltmp4:
0x3b: {  	(pc) =	sbr.rel @p0 .LBB2_10-.Ltmp4, $2  }
0x3c: {  	_ =	sdelay $0x2  }
0x3d: {  	s18 =	sshra.s32 s18, $0x2  }
0x3e: {  	[tilespmem:s18+$0x1400] =	vst v0  }
0x3f: {  	s17 =	simm.s32 $0x0;
	[tilespmem:$0x1380] =	vst v1  }
0x40: {  	[tilespmem:s17], [sflag:$0x1] =	stream.linear.gather [hbm4b:s7+s17], $0x1388, $0x38;
	[tilespmem:$0x3C00] =	vst v63  }
0x41: {  	_ =	swait.ge [sflag:s14], $0x1388  }
0x42: {  	[sflag:s14] =	ssyncset.done $0x0  }
0x43: {  	s18 =	simm.s32 $0x0;
	s17 =	simm.s32 $0x40;
	[sflag:s14] =	ssyncadd.s32 $0xFFFFEC78  }
.LBB2_12:
0x44: {  	p0 =	sne.s32 s17, $0x4DC0;
	v3 =	vld [tilespmem:s18+$0x0];
	_ =	sdelay $0x3  }
.Ltmp5:
0x45: {  	(pc) =	sbr.rel @p0 .LBB2_12-.Ltmp5, $2  }
0x46: {  	_ =	sdelay $0x2  }
0x47: {  	s18 =	sshra.s32 s17, $0x2;
	s17 =	sadd.s32 $0x40, s17;
	[tilespmem:v3+s15+$0x0] =	vst.idx.add.f32.msk $0xffff, v2  }
0x48: {  	v3 =	vld [tilespmem:s18+$0x0];
	_ =	sdelay $0x7  }
0x49: {  	[tilespmem:v3+s15+$0x0] =	vst.idx.add.f32.msk $0xffff, v2  }
0x4a: {  	v3 =	vld [tilespmem:$0x1380];
	_ =	sdelay $0x7  }
0x4b: {  	s17 =	simm.s32 $0x0;
	[tilespmem:v3+s15+$0x0] =	vst.idx.add.f32.msk $0xff, v2  }
0x4c: {  	[hbm4b:s8+s17] =	stream.linear.scatter [tilespmem:s15], [sflag:$0x1], $0x2800, $0x38;
	[tilespmem:$0x3C00] =	vst v63  }
0x4d: {  	_ =	swait.ge [sflag:s14], $0x2800  }
0x4e: {  	[sflag:s14] =	ssyncset.done $0x0  }
0x4f: {  	s18 =	simm.s32 $0x0;
	s17 =	simm.s32 $0x40;
	[sflag:s14] =	ssyncadd.s32 $0xFFFFD800  }
.LBB2_14:
0x50: {  	p0 =	sne.s32 s17, $0x9FC0;
	[tilespmem:s18+$0x1400] =	vst v0;
	s18 =	smov.u32 s17;
	s17 =	sadd.s32 $0x40, s17  }
.Ltmp6:
0x51: {  	(pc) =	sbr.rel @p0 .LBB2_14-.Ltmp6, $2  }
0x52: {  	_ =	sdelay $0x2  }
0x53: {  	s18 =	sshra.s32 s18, $0x2  }
0x54: {  	[tilespmem:s18+$0x1400] =	vst v0  }
0x55: {  	s17 =	simm.s32 $0x0;
	[tilespmem:$0x1380] =	vst v1  }
0x56: {  	[tilespmem:s17], [sflag:$0x1] =	stream.linear.gather [hbm4b:s9+s17], $0x1388, $0x38;
	[tilespmem:$0x3C00] =	vst v63  }
0x57: {  	_ =	swait.ge [sflag:s14], $0x1388  }
0x58: {  	[sflag:s14] =	ssyncset.done $0x0  }
0x59: {  	s18 =	simm.s32 $0x0;
	s17 =	simm.s32 $0x40;
	[sflag:s14] =	ssyncadd.s32 $0xFFFFEC78  }
.LBB2_16:
0x5a: {  	p0 =	sne.s32 s17, $0x4DC0;
	v3 =	vld [tilespmem:s18+$0x0];
	_ =	sdelay $0x3  }
.Ltmp7:
0x5b: {  	(pc) =	sbr.rel @p0 .LBB2_16-.Ltmp7, $2  }
0x5c: {  	_ =	sdelay $0x2  }
0x5d: {  	s18 =	sshra.s32 s17, $0x2;
	s17 =	sadd.s32 $0x40, s17;
	[tilespmem:v3+s15+$0x0] =	vst.idx.add.f32.msk $0xffff, v2  }
0x5e: {  	v3 =	vld [tilespmem:s18+$0x0];
	_ =	sdelay $0x7  }
0x5f: {  	[tilespmem:v3+s15+$0x0] =	vst.idx.add.f32.msk $0xffff, v2  }
0x60: {  	v3 =	vld [tilespmem:$0x1380];
	_ =	sdelay $0x7  }
0x61: {  	s17 =	simm.s32 $0x0;
	[tilespmem:v3+s15+$0x0] =	vst.idx.add.f32.msk $0xff, v2  }
0x62: {  	[hbm4b:s10+s17] =	stream.linear.scatter [tilespmem:s15], [sflag:$0x1], $0x2800, $0x38;
	[tilespmem:$0x3C00] =	vst v63  }
0x63: {  	_ =	swait.ge [sflag:s14], $0x2800  }
0x64: {  	[sflag:s14] =	ssyncset.done $0x0  }
0x65: {  	s18 =	simm.s32 $0x0;
	s17 =	simm.s32 $0x40;
	[sflag:s14] =	ssyncadd.s32 $0xFFFFD800  }
.LBB2_18:
0x66: {  	p0 =	sne.s32 s17, $0x9FC0;
	[tilespmem:s18+$0x1400] =	vst v0;
	s18 =	smov.u32 s17;
	s17 =	sadd.s32 $0x40, s17  }
.Ltmp8:
0x67: {  	(pc) =	sbr.rel @p0 .LBB2_18-.Ltmp8, $2  }
0x68: {  	_ =	sdelay $0x2  }
0x69: {  	s18 =	sshra.s32 s18, $0x2  }
0x6a: {  	[tilespmem:s18+$0x1400] =	vst v0  }
0x6b: {  	s17 =	simm.s32 $0x0;
	[tilespmem:$0x1380] =	vst v1  }
0x6c: {  	[tilespmem:s17], [sflag:$0x1] =	stream.linear.gather [hbm4b:s11+s17], $0x1388, $0x38;
	[tilespmem:$0x3C00] =	vst v63  }
0x6d: {  	_ =	swait.ge [sflag:s14], $0x1388  }
0x6e: {  	[sflag:s14] =	ssyncset.done $0x0  }
0x6f: {  	s18 =	simm.s32 $0x0;
	s17 =	simm.s32 $0x40;
	[sflag:s14] =	ssyncadd.s32 $0xFFFFEC78  }
.LBB2_20:
0x70: {  	p0 =	sne.s32 s17, $0x4DC0;
	v3 =	vld [tilespmem:s18+$0x0];
	_ =	sdelay $0x3  }
.Ltmp9:
0x71: {  	(pc) =	sbr.rel @p0 .LBB2_20-.Ltmp9, $2  }
0x72: {  	_ =	sdelay $0x2  }
0x73: {  	s18 =	sshra.s32 s17, $0x2;
	s17 =	sadd.s32 $0x40, s17;
	[tilespmem:v3+s15+$0x0] =	vst.idx.add.f32.msk $0xffff, v2  }
0x74: {  	v3 =	vld [tilespmem:s18+$0x0];
	_ =	sdelay $0x7  }
0x75: {  	[tilespmem:v3+s15+$0x0] =	vst.idx.add.f32.msk $0xffff, v2  }
0x76: {  	v3 =	vld [tilespmem:$0x1380];
	_ =	sdelay $0x5  }
0x77: {  	s16 =	sadd.s32 $0x1, s16  }
0x78: {  	p0 =	sne.s32 s16, s13  }
.Ltmp10:
0x79: {  	[tilespmem:v3+s15+$0x0] =	vst.idx.add.f32.msk $0xff, v2;
	(pc) =	sbr.rel @p0 .LBB2_1-.Ltmp10, $4  }
0x7a: {  	[hbm4b:s12+s2] =	stream.linear.scatter [tilespmem:s15], [sflag:$0x1], $0x2800, $0x38;
	[tilespmem:$0x3C00] =	vst v63  }
0x7b: {  	_ =	swait.ge [sflag:s14], $0x2800  }
0x7c: {  	[sflag:s14] =	ssyncset.done $0x0  }
0x7d: {  	[sflag:s14] =	ssyncadd.s32 $0xFFFFD800  }
0x7e: {  	_ =	sfence.sel $0x180000  }
0x7f: {  	[bflag:$0x0] =	sbarrier.arrive $0xFFFF  }
0x80: {  	p0 =	sne.s32 s0, $0x0;
	_ =	strace $0x90000047  }
0x81: {  	s0 =	sadd.s32 @!p0 $0x100000, s1;
	[bflag:$0x2] =	sbarrier.arrive $0xFFFF  }
0x82: {  	[sflag:s0] =	ssyncadd.tile.s32 @!p0 $0x1;
	_ =	shalt  }
.Lfunc_end2:
_tile_overlayer_lowered:
.L_overlay_start_2:
0x83: {  	(tag) =	ssettag $0x2  }
0x84: {  	s0 =	rddreg [dreg:$0x0];
	s2 =	stileid.u32  }
0x85: {  	s1 =	rddreg [dreg:$0x1];
	p0 =	sne.s32 s2, $0x0  }
0x86: {  	s3 =	rddreg [dreg:$0x2];
	[bflag:$0x3] =	sbarrier.arrive $0xFFFF;
	s2 =	simm.s32 @!p0 $0x1C01  }
0x87: {  	[timem:s3], [sflag:s2] =	dma.local @!p0 [hbm:s0], s1  }
0x88: {  	s0 =	simm.s32 @!p0 $0x1  }
0x89: {  	_ =	swait.ge @!p0 [sflag:s0], s1  }
0x8a: {  	s1 =	ssub.s32 @!p0 $0x0, s1;
	[sflag:s0] =	ssyncset.done @!p0 $0x0  }
0x8b: {  	[sflag:s0] =	ssyncadd.s32 @!p0 s1  }
0x8c: {  	[bflag:$0x3] =	sbarrier.arrive $0xFFFF  }
0x8d: {  	_ =	shalt  }

// kernel: kernel.13.cloned.1.call-start
scs
__scs_entry_jumppad:
0x0: {  	(pc) =	sbr.rel $0x88, $3  }
0x1: {  	(tag) =	ssettag $0x0;
	lr =	simm.s32 $0x1  }
0x2: {  	[smem:$0x3F92] =	sst lr;
	_ =	strace $0xD0000000  }
0x3: {  	_ = 	snop  }
0x4: {  	_ = 	snop  }
0x5: {  	_ = 	snop  }
0x6: {  	_ = 	snop  }
0x7: {  	_ = 	snop  }
__scs_overlays_trampoline_lowered:
0x8: {  	[smem:$0x3FA1] =	sst s0  }
0x9: {  	[smem:$0x3FA2] =	sst s1  }
0xa: {  	[smem:$0x3FA3] =	sst s2  }
0xb: {  	[smem:$0x3FA4] =	sst s3  }
0xc: {  	[smem:$0x3FA5] =	sst s4  }
0xd: {  	[smem:$0x3FA6] =	sst s5  }
0xe: {  	[smem:$0x3FA7] =	sst s6  }
0xf: {  	[smem:$0x3FA8] =	sst s7  }
0x10: {  	[smem:$0x3FA9] =	sst s8  }
0x11: {  	[smem:$0x3FAA] =	sst s9;
	s0 =	simm.s32 @!p0 $0x0  }
0x12: {  	s1 =	sld [smem:$0x3F90];
	s0 =	simm.s32 @p0 $0x1  }
0x13: {  	[smem:$0x3FAB] =	sst s0;
	s0 =	simm.s32 @!p1 $0x0  }
0x14: {  	s2 =	sld [smem:$0x3F8F];
	s0 =	simm.s32 @p1 $0x1  }
0x15: {  	[smem:$0x3FAC] =	sst s0;
	s0 =	simm.s32 @!p2 $0x0  }
0x16: {  	s3 =	sld [smem:$0x3FDB];
	s0 =	simm.s32 @p2 $0x1  }
0x17: {  	s4 =	simm.s32 $0x1BF5;
	[smem:$0x3FAE] =	sst s0  }
0x18: {  	s0 =	sld [smem:$0x3F91];
	_ =	swait.ge [sflag:s4], $0x0  }
0x19: {  	s7 =	sld [smem:$0x3F92]  }
0x1a: {  	s8 =	sadd.s32 $0xFFFFE003, lr  }
0x1b: {  	s9 =	sadd.s32 $0xFFFFFEF7, lr;
	s5 =	simm.s32 $0xFFFFFFFF;
	p2 =	slt.u32 s8, $0xFFFFF086  }
0x1c: {  	p1 =	slt.u32 s9, $0xF7A;
	s5 =	simm.s32 @!p2 $0x0  }
0x1d: {  	s5 =	simm.s32 @p1 $0x1;
	p0 =	seq.s32 s7, s2  }
0x1e: {  	s7 =	smul.u32 @!p0 $0xF7A, s2;
	p2 =	seq.s32 @!p0 s5, $0x0  }
0x1f: {  	s9 =	smul.u32 $0xF7A, s1;
	s8 =	simm.s32 @!p0 $0x1BF5;
	p2 =	por !p2, p0  }
0x20: {  	[sflag:s8] =	ssyncset.s32 @!p0 $0xFFFFF086;
	s6 =	sadd.s32 @!p0 s3, s7;
	s7 =	simm.s32 @!p0 $0x108  }
0x21: {  	s3 =	sadd.s32 s3, s9;
	s6 =	sadd.s32 @!p0 $0x88, s6;
	s7 =	simm.s32 @p2 $0x1082  }
0x22: {  	[simem:s7], [sflag:s8] =	dma.local @!p0 [hbm:s6], $0xF7A  }
0x23: {  	s9 =	sor.u32 $0xD0000000, s2;
	s6 =	simm.s32 $0x108;
	_ =	swait.ge @!p0 [sflag:s8], $0x0  }
0x24: {  	s3 =	sadd.s32 $0x88, s3;
	s6 =	simm.s32 @!p1 $0x1082;
	[sflag:s4] =	ssyncset.s32 $0xFFFFF086  }
0x25: {  	[simem:s6], [sflag:s4] =	dma.local [hbm:s3], $0xF7A  }
0x26: {  	[smem:$0x3F92] =	sst s1;
	(tag) =	ssettag s2;
	_ =	strace s9  }
0x27: {  	s1 =	sld [smem:$0x3FA2]  }
0x28: {  	s2 =	sld [smem:$0x3FA3]  }
0x29: {  	s4 =	sld [smem:$0x3FA5]  }
0x2a: {  	p0 =	seq.s32 s5, $0x0;
	s5 =	sld [smem:$0x3FA6]  }
0x2b: {  	s6 =	sld [smem:$0x3FA7]  }
0x2c: {  	s7 =	sld [smem:$0x3FA8]  }
0x2d: {  	s3 =	simm.s32 $0x108;
	s8 =	sld [smem:$0x3FA9]  }
0x2e: {  	s3 =	simm.s32 @!p0 $0x1082;
	s9 =	sld [smem:$0x3FAA]  }
0x2f: {  	lr =	sadd.s32 s0, s3;
	s0 =	sld [smem:$0x3FA1]  }
0x30: {  	s3 =	sld [smem:$0x3FA4]  }
0x31: {  	[smem:$0x3FAD] =	sst s10  }
0x32: {  	s10 =	sld [smem:$0x3FAB];
	_ =	sdelay $0x3  }
0x33: {  	p0 =	seq.s32 s10, $0x1;
	s10 =	sld [smem:$0x3FAD];
	_ =	sdelay $0x3  }
0x34: {  	[smem:$0x3FAD] =	sst s10  }
0x35: {  	s10 =	sld [smem:$0x3FAC];
	_ =	sdelay $0x3  }
0x36: {  	p1 =	seq.s32 s10, $0x1;
	s10 =	sld [smem:$0x3FAD];
	_ =	sdelay $0x3  }
0x37: {  	[smem:$0x3FAD] =	sst s10  }
0x38: {  	s10 =	sld [smem:$0x3FAE]  }
0x39: {  	_ = 	snop;
	(pc) =	sbr.ind lr, $3  }
0x3a: {  	_ = 	snop  }
0x3b: {  	_ = 	snop  }
0x3c: {  	p2 =	seq.s32 s10, $0x1;
	s10 =	sld [smem:$0x3FAD]  }
0x3d: {  	_ =	shalt  }
0x3e: {  	_ =	shalt  }
0x3f: {  	_ =	shalt  }
0x40: {  	_ =	shalt  }
0x41: {  	_ =	shalt  }
0x42: {  	_ =	shalt  }
0x43: {  	_ =	shalt  }
0x44: {  	_ =	shalt  }
0x45: {  	_ =	shalt  }
0x46: {  	_ =	shalt  }
0x47: {  	_ =	shalt  }
0x48: {  	_ =	shalt  }
0x49: {  	_ =	shalt  }
0x4a: {  	_ =	shalt  }
0x4b: {  	_ =	shalt  }
0x4c: {  	_ =	shalt  }
0x4d: {  	_ =	shalt  }
0x4e: {  	_ =	shalt  }
0x4f: {  	_ =	shalt  }
0x50: {  	_ =	shalt  }
0x51: {  	_ =	shalt  }
0x52: {  	_ =	shalt  }
0x53: {  	_ =	shalt  }
0x54: {  	_ =	shalt  }
0x55: {  	_ =	shalt  }
0x56: {  	_ =	shalt  }
0x57: {  	_ =	shalt  }
0x58: {  	_ =	shalt  }
0x59: {  	_ =	shalt  }
0x5a: {  	_ =	shalt  }
0x5b: {  	_ =	shalt  }
0x5c: {  	_ =	shalt  }
0x5d: {  	_ =	shalt  }
0x5e: {  	_ =	shalt  }
0x5f: {  	_ =	shalt  }
0x60: {  	_ =	shalt  }
0x61: {  	_ =	shalt  }
0x62: {  	_ =	shalt  }
0x63: {  	_ =	shalt  }
0x64: {  	_ =	shalt  }
0x65: {  	_ =	shalt  }
0x66: {  	_ =	shalt  }
0x67: {  	_ =	shalt  }
0x68: {  	_ =	shalt  }
0x69: {  	_ =	shalt  }
0x6a: {  	_ =	shalt  }
0x6b: {  	_ =	shalt  }
0x6c: {  	_ =	shalt  }
0x6d: {  	_ =	shalt  }
0x6e: {  	_ =	shalt  }
0x6f: {  	_ =	shalt  }
0x70: {  	_ =	shalt  }
0x71: {  	_ =	shalt  }
0x72: {  	_ =	shalt  }
0x73: {  	_ =	shalt  }
0x74: {  	_ =	shalt  }
0x75: {  	_ =	shalt  }
0x76: {  	_ =	shalt  }
0x77: {  	_ =	shalt  }
0x78: {  	_ =	shalt  }
0x79: {  	_ =	shalt  }
0x7a: {  	_ =	shalt  }
0x7b: {  	_ =	shalt  }
0x7c: {  	_ =	shalt  }
0x7d: {  	_ =	shalt  }
0x7e: {  	_ =	shalt  }
0x7f: {  	_ =	shalt  }
0x80: {  	_ =	shalt  }
0x81: {  	_ =	shalt  }
0x82: {  	_ =	shalt  }
0x83: {  	_ =	shalt  }
0x84: {  	_ =	shalt  }
0x85: {  	_ =	shalt  }
0x86: {  	_ =	shalt  }
0x87: {  	_ =	shalt  }
.Lfunc_end0:
.L_simem_size_0:
called_computation.1_lowered:
.L_overlay_start_0:
0x88: {  	s2 =	sld [smem:$0x3FD9]  }
0x89: {  	s3 =	sld [smem:$0x3FFE];
	_ =	sdelay $0x1  }
0x8a: {  	s1 =	srdreg.scid  }
0x8b: {  	s0 =	sand.u32 $0x1, s1  }
0x8c: {  	s14 =	sshll.u32 s0, $0xA;
	s2 =	sadd.s32 s3, s2  }
0x8d: {  	s2 =	sadd.s32 s2, s14  }
0x8e: {  	[smem:$0x3FB9] =	sst s2  }
0x8f: {  	_ = 	snop  }
0x90: {  	s2 =	sld [smem:$0x3FD0];
	_ =	sdelay $0x2  }
0x91: {  	s15 =	simm.s32 $0xA;
	s4 =	simm.s32 $0x10  }
0x92: {  	[smem:s4], [sflag:s15] =	dma.local [hbm:s2], $0x1  }
0x93: {  	_ =	swait.eq [sflag:s15], $0x1  }
0x94: {  	[sflag:s15] =	ssyncset.done $0x0  }
0x95: {  	[sflag:s15] =	ssyncadd.s32 $0xFFFFFFFF  }
0x96: {  	s16 =	sld [smem:$0x11];
	(tm) =	ssettm $0x1  }
0x97: {  	s17 =	sld [smem:$0x3FFB];
	_ =	sdelay $0x3  }
0x98: {  	_ =	strace s17  }
0x99: {  	s3 =	sld [smem:$0x3FFC];
	_ =	sdelay $0x3  }
0x9a: {  	_ =	strace s3  }
0x9b: {  	s3 =	sld [smem:$0x3FFD];
	_ =	sdelay $0x3  }
0x9c: {  	_ =	strace s3  }
0x9d: {  	_ =	strace $0x8FFFFFFF  }
0x9e: {  	s18 =	sld [smem:$0x3FDB];
	_ =	sdelay $0x1  }
0x9f: {  	s19 =	simm.s32 $_scs_section_size  }
0xa0: {  	s5 =	simm.s32 $_size__tile_overlayer_lowered;
	s6 =	simm.s32 $_tile_overlayer_lowered  }
0xa1: {  	s22 =	simm.s32 $0x1BFF;
	s21 =	sshll.u32 s6, $0x1;
	s3 =	sadd.s32 s19, s18  }
0xa2: {  	s7 =	simm.s32 $0x0;
	s20 =	sshll.u32 s5, $0x1;
	s5 =	sadd.s32 s21, s3  }
0xa3: {  	[timem:s7], [sflag:s22] =	dma.local [hbm:s5], s20  }
0xa4: {  	_ =	swait.ge [sflag:s22], s20  }
0xa5: {  	s4 =	ssub.s32 $0x0, s20;
	[sflag:s22] =	ssyncset.done $0x0  }
0xa6: {  	[sflag:s22] =	ssyncadd.s32 s4;
	_ =	sdelay $0x1  }
0xa7: {  	s23 =	simm.s32 $0x1B8B  }
0xa8: {  	_ =	swait.ge [sflag:s23], $0x1  }
0xa9: {  	[sflag:s23] =	ssyncset.done $0x0  }
0xaa: {  	s25 =	simm.s32 $0x1B8E;
	s24 =	sld [smem:$0x3FFE];
	[sflag:s23] =	ssyncadd.s32 $0xFFFFFFFF  }
0xab: {  	s26 =	simm.s32 $execute0_lowered;
	[smem:$0x3FD2] =	sst s25  }
0xac: {  	s5 =	sshll.u32 s26, $0x1;
	_ =	strace $0x80000049;
	[dreg:$0x1] =	wrdreg $0xFFFFFFFF  }
0xad: {  	s28 =	simm.s32 $_size_execute0_lowered;
	s3 =	sadd.s32 s3, s5;
	[dreg:$0x0] =	wrdreg $0x0  }
0xae: {  	s5 =	sshll.u32 s28, $0x1;
	[dreg:$0x2] =	wrdreg s3  }
0xaf: {  	[dreg:$0x3] =	wrdreg s5  }
0xb0: {  	[dreg:$0x4] =	wrdreg $0xC0  }
0xb1: {  	_ =	task [dreg:s7], $0x5FFFF  }
0xb2: {  	[dreg:$0x1] =	wrdreg $0xFFFFFFFF  }
0xb3: {  	[dreg:$0x0] =	wrdreg $0x60  }
0xb4: {  	[dreg:$0x2] =	wrdreg s24  }
0xb5: {  	[dreg:$0x3] =	wrdreg s16  }
0xb6: {  	[dreg:$0x4] =	wrdreg $0x86000  }
0xb7: {  	[dreg:$0x5] =	wrdreg $0x9  }
0xb8: {  	_ =	task.clear_ibuf [dreg:s7], $0x6FFFF;
	_ =	strace $0x90000049  }
0xb9: {  	s29 =	simm.s32 $0x9;
	_ =	strace $0x8000004B  }
0xba: {  	_ =	swait.ge [sflag:s29], $0x1  }
0xbb: {  	[sflag:s29] =	ssyncadd.s32 $0xFFFFFFFF  }
0xbc: {  	_ =	strace $0x9000004B  }
0xbd: {  	_ =	sfence  }
0xbe: {  	s30 =	sld [smem:$0x0];
	_ =	sdelay $0x2  }
0xbf: {  	s31 =	sshll.u32 s1, $0xD;
	s1 =	sshrl.u32 s1, $0x2  }
0xc0: {  	s3 =	sand.u32 $0x4000, s31;
	s1 =	sadd.s32 s1, s30  }
0xc1: {  	s0 =	sor.u32 s3, s0;
	s1 =	sshll.u32 s1, $0x11  }
0xc2: {  	s0 =	sor.u32 s1, s0  }
0xc3: {  	s0 =	sadd.s32 $0x8F2B, s0  }
0xc4: {  	[sflag:s0] =	ssyncadd.remote.s32 $0x1  }
0xc5: {  	_ =	sfence.sel $0xFFFF  }
0xc6: {  	[dreg:$0x0] =	wrdreg $0xFFFFFFFF;
	(pc) =	sbr.abs _section_cstart, $3  }
0xc7: {  	[dreg:$0x1] =	wrdreg $0xFFFFFFFF  }
0xc8: {  	_ =	task.clear_ibuf [dreg:s7], $0x2FFFF;
	_ =	strace $0x9FFFFFFF  }
0xc9: {  	(tm) =	ssettm $0x7FFFFFFF  }
tec
execute0_lowered:
.L_overlay_start_1:
0x0: {  	(tag) =	ssettag $0x1  }
0x1: {  	s0 =	srdreg.scid;
	s10 =	stileid.u32  }
0x2: {  	s3 =	rddreg [dreg:$0x0];
	s4 =	smul.u32 $0x1388, s10  }
0x3: {  	s5 =	rddreg [dreg:$0x1];
	s7 =	smul.u32 $0x14000, s10  }
0x4: {  	s1 =	simm.s32 $0x0;
	s0 =	sand.u32 $0x1, s0;
	s24 =	smul.u32 $0x50000, s10  }
0x5: {  	s31 =	simm.s32 $0x100;
	[smem:$0x7FF] =	sst s1;
	s2 =	smul.u32 $0x13880, s0  }
0x6: {  	s28 =	sadd.s32 $0x1FD000, s3;
	s6 =	smul.u32 $0x640000, s0;
	s0 =	ssub.s32 $0x2, s0  }
0x7: {  	s25 =	sshrl.u32 s0, $0x1;
	s2 =	sadd.s32 s4, s2;
	s4 =	sadd.s32 $0x4800, s3  }
0x8: {  	s6 =	sadd.s32 s7, s6;
	s0 =	ssub.s32 s0, s25;
	s8 =	sshrl.u32 s2, $0x3  }
0x9: {  	s19 =	sadd.s32 $0x27100, s2;
	s20 =	sadd.s32 $0x4E200, s2;
	s22 =	sadd.s32 $0x75300, s2  }
0xa: {  	s2 =	sadd.s32 $0x9C400, s2;
	s25 =	sshrl.u32 s6, $0x3;
	s9 =	sadd.s32 $0x270, s8  }
0xb: {  	s11 =	sadd.s32 $0x5090, s8;
	s13 =	sadd.s32 $0x9EB0, s8;
	s26 =	sadd.s32 s4, s9  }
0xc: {  	s15 =	sadd.s32 $0xECD0, s8;
	s9 =	sadd.s32 s5, s9;
	[dreg:$0x4] =	wrdreg s26  }
0xd: {  	s17 =	sadd.s32 $0x13AF0, s8;
	s12 =	sadd.s32 s4, s11;
	[dreg:$0x5] =	wrdreg s9  }
0xe: {  	s21 =	sshrl.u32 s20, $0x3;
	s7 =	sadd.s32 s5, s11;
	[dreg:$0x6] =	wrdreg s12  }
0xf: {  	s23 =	sshrl.u32 s22, $0x3;
	s14 =	sadd.s32 s4, s13;
	[dreg:$0x7] =	wrdreg s7  }
0x10: {  	s2 =	sshrl.u32 s2, $0x3;
	s16 =	sadd.s32 s4, s15;
	[dreg:$0x8] =	wrdreg s14  }
0x11: {  	s18 =	sadd.s32 s4, s17;
	s22 =	sadd.s32 s2, s5;
	[dreg:$0xa] =	wrdreg s16  }
0x12: {  	s9 =	sadd.s32 s5, s13;
	s7 =	sadd.s32 s5, s15;
	[dreg:$0xc] =	wrdreg s18  }
0x13: {  	s12 =	sadd.s32 s8, s5;
	s16 =	sadd.s32 s21, s5;
	[dreg:$0x9] =	wrdreg s9  }
0x14: {  	s18 =	sadd.s32 s23, s5;
	[dreg:$0xb] =	wrdreg s7;
	s9 =	sadd.s32 s5, s17  }
0x15: {  	s7 =	sshrl.u32 s19, $0x3;
	s17 =	sadd.s32 s21, s4;
	s19 =	sadd.s32 s23, s4  }
0x16: {  	s21 =	rddreg [dreg:$0x2];
	s23 =	sadd.s32 s2, s4;
	s2 =	sadd.s32 s25, s3  }
0x17: {  	[dreg:$0xd] =	wrdreg s9;
	s14 =	sadd.s32 s7, s5;
	s5 =	sadd.s32 $0x275000, s2  }
0x18: {  	s6 =	sadd.s32 $0x29D000, s2;
	_ =	strace $0x8000004A;
	[dreg:$0xe] =	wrdreg s5  }
0x19: {  	s15 =	sadd.s32 s7, s4;
	s7 =	sadd.s32 $0x2C5000, s2;
	[dreg:$0xf] =	wrdreg s6  }
0x1a: {  	s13 =	sadd.s32 s8, s4;
	s8 =	sadd.s32 $0x2ED000, s2;
	[dreg:$0x10] =	wrdreg s7  }
0x1b: {  	s26 =	sshrl.u32 s24, $0x2;
	s2 =	sadd.s32 $0x315000, s2;
	[dreg:$0x11] =	wrdreg s8  }
0x1c: {  	s0 =	smax.u32 s0, $0x1;
	s24 =	sadd.s32 s26, s21;
	[dreg:$0x12] =	wrdreg s2  }
0x1d: {  	s29 =	sadd.s32 $0x225000, s3;
	[dreg:$0x13] =	wrdreg s0;
	s9 =	sadd.s32 $0x4000, s24  }
0x1e: {  	s30 =	sadd.s32 $0x24D000, s3;
	s10 =	sadd.s32 $0x8000, s24;
	[dreg:$0x14] =	wrdreg s9  }
0x1f: {  	s25 =	sadd.s32 $0x1AD000, s3;
	s11 =	sadd.s32 $0xC000, s24;
	[dreg:$0x15] =	wrdreg s10  }
0x20: {  	s26 =	sadd.s32 $0x1D5000, s3;
	s20 =	sadd.s32 $0x10000, s24;
	[dreg:$0x16] =	wrdreg s11  }
0x21: {  	s5 =	simm.s32 $0x0;
	[dreg:$0x17] =	wrdreg s20;
	s9 =	simm.s32 $0x4600  }
0x22: {  	v0 =	vimm.f32 $0.0e+00;
	s10 =	simm.s32 $0x2;
	s11 =	simm.s32 $0x80;
	s20 =	simm.s32 $0x1  }
.LBB2_1:
0x23: {  	s0 =	sand.u32 $0xFE00, s1  }
0x24: {  	s7 =	sand.u32 $0x70, s1;
	s0 =	sshrl.u32 s0, $0x2  }
0x25: {  	s6 =	simm.s32 $0x40;
	s0 =	sor.u32 s7, s0;
	s7 =	simm.s32 $0x0  }
.LBB2_2:
0x26: {  	p0 =	sne.s32 s6, $0xFFC0  }
0x27: {  	[tilespmem:s0+$0x4600] =	vst v0;
	s7 =	sadd.s32 $0x10, s7;
	s0 =	smov.u32 s6;
	s6 =	sadd.s32 $0x40, s6  }
.Ltmp0:
0x28: {  	(pc) =	sbr.rel @p0 .LBB2_2-.Ltmp0, $4  }
0x29: {  	_ = 	snop  }
0x2a: {  	s0 =	sand.u32 $0xFE00, s0  }
0x2b: {  	s8 =	sand.u32 $0x70, s7;
	s0 =	sshrl.u32 s0, $0x2  }
0x2c: {  	s0 =	sor.u32 s8, s0  }
0x2d: {  	[tilespmem:s0+$0x4600] =	vst v0  }
0x2e: {  	[spmem:s24] =	stream.linear.scatter [tilespmem:s9], [sflag:$0x2], $0x4000, $0x38;
	[tilespmem:$0x1C600] =	vst v63  }
0x2f: {  	_ =	swait.ge [sflag:s10], $0x4000  }
0x30: {  	[sflag:s10] =	ssyncset.done $0x0  }
0x31: {  	s2 =	rddreg [dreg:$0x14];
	[sflag:s10] =	ssyncadd.s32 $0xFFFFC000  }
0x32: {  	[spmem:s2] =	stream.linear.scatter [tilespmem:s9], [sflag:$0x2], $0x4000, $0x38;
	[tilespmem:$0x1C600] =	vst v63  }
0x33: {  	_ =	swait.ge [sflag:s10], $0x4000  }
0x34: {  	[sflag:s10] =	ssyncset.done $0x0  }
0x35: {  	s3 =	rddreg [dreg:$0x15];
	[sflag:s10] =	ssyncadd.s32 $0xFFFFC000  }
0x36: {  	[spmem:s3] =	stream.linear.scatter [tilespmem:s9], [sflag:$0x2], $0x4000, $0x38;
	[tilespmem:$0x1C600] =	vst v63  }
0x37: {  	_ =	swait.ge [sflag:s10], $0x4000  }
0x38: {  	[sflag:s10] =	ssyncset.done $0x0  }
0x39: {  	s4 =	rddreg [dreg:$0x16];
	[sflag:s10] =	ssyncadd.s32 $0xFFFFC000  }
0x3a: {  	[spmem:s4] =	stream.linear.scatter [tilespmem:s9], [sflag:$0x2], $0x4000, $0x38;
	[tilespmem:$0x1C600] =	vst v63  }
0x3b: {  	_ =	swait.ge [sflag:s10], $0x4000  }
0x3c: {  	[sflag:s10] =	ssyncset.done $0x0  }
0x3d: {  	s6 =	rddreg [dreg:$0x17];
	[sflag:s10] =	ssyncadd.s32 $0xFFFFC000  }
0x3e: {  	[spmem:s6] =	stream.linear.scatter [tilespmem:s9], [sflag:$0x2], $0x4000, $0x38;
	[tilespmem:$0x1C600] =	vst v63  }
0x3f: {  	_ =	swait.ge [sflag:s10], $0x4000  }
0x40: {  	[sflag:s10] =	ssyncset.done $0x0  }
0x41: {  	[sflag:s10] =	ssyncadd.s32 $0xFFFFC000  }
0x42: {  	s7 =	sadd.s32 $0x0, s13;
	[bflag:$0x0] =	sbarrier.arrive $0xFFFF  }
0x43: {  	[tilespmem:s1], [sflag:$0x2] =	stream.linear.gather [hbm4b:s7+s1], $0x80, $0x38;
	[tilespmem:$0x1C600] =	vst v63  }
0x44: {  	_ =	swait.ge [sflag:s10], $0x80  }
0x45: {  	[sflag:s10] =	ssyncset.done $0x0  }
0x46: {  	s8 =	sadd.s32 $0x0, s12;
	[sflag:s10] =	ssyncadd.s32 $0xFFFFFF80  }
0x47: {  	[tilespmem:s11], [sflag:$0x2] =	stream.linear.gather [hbm4b:s8+s1], $0x80, $0x38;
	[tilespmem:$0x1C600] =	vst v63  }
0x48: {  	_ =	swait.ge [sflag:s10], $0x80  }
0x49: {  	[sflag:s10] =	ssyncset.done $0x0  }
0x4a: {  	[sflag:s10] =	ssyncadd.s32 $0xFFFFFF80  }
0x4b: {  	[tilespmem:s31], [sflag:$0x1] =	stream.indirect.gather [hbm4b:s25+s11], $0x80, s1, s11, $0xb8;
	[tilespmem:$0x1C600] =	vst v63  }
0x4c: {  	_ =	swait.ge [sflag:s20], $0x4000  }
0x4d: {  	[sflag:s20] =	ssyncset.done $0x0  }
0x4e: {  	[sflag:s20] =	ssyncadd.s32 $0xFFFFC000  }
0x4f: {  	[spmem:s21] =	stream.indirect.scatter.add.f32 [tilespmem:s31], [sflag:$0x2], $0x80, s11, s11, $0xb8;
	[tilespmem:$0x1C600] =	vst v63  }
0x50: {  	_ =	swait.ge [sflag:s10], $0x4000  }
0x51: {  	s6 =	simm.s32 $0x10;
	s7 =	simm.s32 $0x20;
	[sflag:s10] =	ssyncset.done $0x0  }
.LBB2_4:
0x52: {  	s0 =	sadd.s32 s6, s13  }
0x53: {  	[sflag:s10] =	ssyncadd.s32 $0xFFFFC000;
	s8 =	smov.u32 s7;
	s2 =	sadd.s32 $0x10, s7  }
0x54: {  	[tilespmem:s1], [sflag:$0x2] =	stream.linear.gather [hbm4b:s0+s1], $0x80, $0x38;
	[tilespmem:$0x1C600] =	vst v63  }
0x55: {  	p0 =	sne.s32 s7, $0x260;
	_ =	swait.ge [sflag:s10], $0x80  }
0x56: {  	[sflag:s10] =	ssyncset.done $0x0  }
0x57: {  	s0 =	sadd.s32 s6, s12;
	s6 =	smov.u32 s8;
	[sflag:s10] =	ssyncadd.s32 $0xFFFFFF80  }
0x58: {  	[tilespmem:s11], [sflag:$0x2] =	stream.linear.gather [hbm4b:s0+s1], $0x80, $0x38;
	[tilespmem:$0x1C600] =	vst v63  }
0x59: {  	_ =	swait.ge [sflag:s10], $0x80  }
0x5a: {  	[sflag:s10] =	ssyncset.done $0x0  }
0x5b: {  	[sflag:s10] =	ssyncadd.s32 $0xFFFFFF80  }
0x5c: {  	[tilespmem:s31], [sflag:$0x1] =	stream.indirect.gather [hbm4b:s25+s11], $0x80, s1, s11, $0xb8;
	[tilespmem:$0x1C600] =	vst v63  }
0x5d: {  	_ =	swait.ge [sflag:s20], $0x4000  }
.Ltmp1:
0x5e: {  	[sflag:s20] =	ssyncset.done $0x0;
	(pc) =	sbr.rel @p0 .LBB2_4-.Ltmp1, $4  }
0x5f: {  	[sflag:s20] =	ssyncadd.s32 $0xFFFFC000  }
0x60: {  	[spmem:s21] =	stream.indirect.scatter.add.f32 [tilespmem:s31], [sflag:$0x2], $0x80, s11, s11, $0xb8;
	[tilespmem:$0x1C600] =	vst v63  }
0x61: {  	_ =	swait.ge [sflag:s10], $0x4000  }
0x62: {  	s7 =	smov.u32 s2;
	[sflag:s10] =	ssyncset.done $0x0  }
0x63: {  	s0 =	sadd.s32 s6, s13;
	[sflag:s10] =	ssyncadd.s32 $0xFFFFC000  }
0x64: {  	[tilespmem:s1], [sflag:$0x2] =	stream.linear.gather [hbm4b:s0+s1], $0x80, $0x38;
	[tilespmem:$0x1C600] =	vst v63  }
0x65: {  	_ =	swait.ge [sflag:s10], $0x80  }
0x66: {  	[sflag:s10] =	ssyncset.done $0x0  }
0x67: {  	s7 =	sadd.s32 s6, s12;
	[sflag:s10] =	ssyncadd.s32 $0xFFFFFF80  }
0x68: {  	[tilespmem:s11], [sflag:$0x2] =	stream.linear.gather [hbm4b:s7+s1], $0x80, $0x38;
	[tilespmem:$0x1C600] =	vst v63  }
0x69: {  	_ =	swait.ge [sflag:s10], $0x80  }
0x6a: {  	[sflag:s10] =	ssyncset.done $0x0  }
0x6b: {  	[sflag:s10] =	ssyncadd.s32 $0xFFFFFF80  }
0x6c: {  	[tilespmem:s31], [sflag:$0x1] =	stream.indirect.gather [hbm4b:s25+s11], $0x80, s1, s11, $0xb8;
	[tilespmem:$0x1C600] =	vst v63  }
0x6d: {  	_ =	swait.ge [sflag:s20], $0x4000  }
0x6e: {  	[sflag:s20] =	ssyncset.done $0x0  }
0x6f: {  	[sflag:s20] =	ssyncadd.s32 $0xFFFFC000  }
0x70: {  	[spmem:s21] =	stream.indirect.scatter.add.f32 [tilespmem:s31], [sflag:$0x2], $0x80, s11, s11, $0xb8;
	[tilespmem:$0x1C600] =	vst v63  }
0x71: {  	_ =	swait.ge [sflag:s10], $0x4000  }
0x72: {  	s8 =	simm.s32 $0x0;
	[sflag:s10] =	ssyncset.done $0x0  }
0x73: {  	s3 =	simm.s32 $0x4100;
	s2 =	rddreg [dreg:$0x4];
	[sflag:s10] =	ssyncadd.s32 $0xFFFFC000  }
0x74: {  	[tilespmem:s3], [sflag:$0x2] =	stream.linear.gather [hbm4b:s2+s8], $0x8, $0x38;
	[tilespmem:$0x1C600] =	vst v63  }
0x75: {  	_ =	swait.ge [sflag:s10], $0x8  }
0x76: {  	[sflag:s10] =	ssyncset.done $0x0  }
0x77: {  	s4 =	simm.s32 $0x4180;
	s6 =	rddreg [dreg:$0x5];
	[sflag:s10] =	ssyncadd.s32 $0xFFFFFFF8  }
0x78: {  	[tilespmem:s4], [sflag:$0x2] =	stream.linear.gather [hbm4b:s6+s8], $0x8, $0x38;
	[tilespmem:$0x1C600] =	vst v63  }
0x79: {  	_ =	swait.ge [sflag:s10], $0x8  }
0x7a: {  	[sflag:s10] =	ssyncset.done $0x0  }
0x7b: {  	s7 =	simm.s32 $0x8;
	s8 =	simm.s32 $0x4200;
	[sflag:s10] =	ssyncadd.s32 $0xFFFFFFF8  }
0x7c: {  	[tilespmem:s8], [sflag:$0x1] =	stream.indirect.gather [hbm4b:s25+s7], $0x80, s3, s7, $0xb8;
	[tilespmem:$0x1C600] =	vst v63  }
0x7d: {  	_ =	swait.ge [sflag:s20], $0x400  }
0x7e: {  	[sflag:s20] =	ssyncset.done $0x0  }
0x7f: {  	[sflag:s20] =	ssyncadd.s32 $0xFFFFFC00  }
0x80: {  	[spmem:s21] =	stream.indirect.scatter.add.f32 [tilespmem:s8], [sflag:$0x2], $0x80, s4, s7, $0xb8;
	[tilespmem:$0x1C600] =	vst v63  }
0x81: {  	_ =	swait.ge [sflag:s10], $0x400  }
0x82: {  	[sflag:s10] =	ssyncset.done $0x0  }
0x83: {  	s2 =	stileid.u32;
	[sflag:s10] =	ssyncadd.s32 $0xFFFFFC00  }
0x84: {  	s0 =	sshll.u32 s2, $0x6;
	[bflag:$0x0] =	sbarrier.arrive $0xFFFF  }
0x85: {  	s6 =	sor.u32 $0x1C02, s0;
	s7 =	sshrl.u32 s24, $0x3;
	s3 =	rddreg [dreg:$0xe]  }
0x86: {  	[hbm:s3], [sflag:s6] =	dma.local [spmem:s7], $0x2800  }
0x87: {  	_ =	swait.ge [sflag:s10], $0x2800  }
0x88: {  	[sflag:s10] =	ssyncset.done $0x0  }
0x89: {  	[sflag:s10] =	ssyncadd.s32 $0xFFFFD800  }
0x8a: {  	[spmem:s24] =	stream.linear.scatter [tilespmem:s9], [sflag:$0x2], $0x4000, $0x38;
	[tilespmem:$0x1C600] =	vst v63  }
0x8b: {  	_ =	swait.ge [sflag:s10], $0x4000  }
0x8c: {  	[sflag:s10] =	ssyncset.done $0x0  }
0x8d: {  	s4 =	rddreg [dreg:$0x14];
	[sflag:s10] =	ssyncadd.s32 $0xFFFFC000  }
0x8e: {  	[spmem:s4] =	stream.linear.scatter [tilespmem:s9], [sflag:$0x2], $0x4000, $0x38;
	[tilespmem:$0x1C600] =	vst v63  }
0x8f: {  	_ =	swait.ge [sflag:s10], $0x4000  }
0x90: {  	[sflag:s10] =	ssyncset.done $0x0  }
0x91: {  	s8 =	rddreg [dreg:$0x15];
	[sflag:s10] =	ssyncadd.s32 $0xFFFFC000  }
0x92: {  	[spmem:s8] =	stream.linear.scatter [tilespmem:s9], [sflag:$0x2], $0x4000, $0x38;
	[tilespmem:$0x1C600] =	vst v63  }
0x93: {  	_ =	swait.ge [sflag:s10], $0x4000  }
0x94: {  	[sflag:s10] =	ssyncset.done $0x0  }
0x95: {  	s2 =	rddreg [dreg:$0x16];
	[sflag:s10] =	ssyncadd.s32 $0xFFFFC000  }
0x96: {  	[spmem:s2] =	stream.linear.scatter [tilespmem:s9], [sflag:$0x2], $0x4000, $0x38;
	[tilespmem:$0x1C600] =	vst v63  }
0x97: {  	_ =	swait.ge [sflag:s10], $0x4000  }
0x98: {  	[sflag:s10] =	ssyncset.done $0x0  }
0x99: {  	s3 =	rddreg [dreg:$0x17];
	[sflag:s10] =	ssyncadd.s32 $0xFFFFC000  }
0x9a: {  	[spmem:s3] =	stream.linear.scatter [tilespmem:s9], [sflag:$0x2], $0x4000, $0x38;
	[tilespmem:$0x1C600] =	vst v63  }
0x9b: {  	_ =	swait.ge [sflag:s10], $0x4000  }
0x9c: {  	[sflag:s10] =	ssyncset.done $0x0  }
0x9d: {  	[sflag:s10] =	ssyncadd.s32 $0xFFFFC000  }
0x9e: {  	s4 =	sadd.s32 $0x0, s15;
	[bflag:$0x0] =	sbarrier.arrive $0xFFFF  }
0x9f: {  	[tilespmem:s1], [sflag:$0x2] =	stream.linear.gather [hbm4b:s4+s1], $0x80, $0x38;
	[tilespmem:$0x1C600] =	vst v63  }
0xa0: {  	_ =	swait.ge [sflag:s10], $0x80  }
0xa1: {  	[sflag:s10] =	ssyncset.done $0x0  }
0xa2: {  	s8 =	sadd.s32 $0x0, s14;
	[sflag:s10] =	ssyncadd.s32 $0xFFFFFF80  }
0xa3: {  	[tilespmem:s11], [sflag:$0x2] =	stream.linear.gather [hbm4b:s8+s1], $0x80, $0x38;
	[tilespmem:$0x1C600] =	vst v63  }
0xa4: {  	_ =	swait.ge [sflag:s10], $0x80  }
0xa5: {  	[sflag:s10] =	ssyncset.done $0x0  }
0xa6: {  	[sflag:s10] =	ssyncadd.s32 $0xFFFFFF80  }
0xa7: {  	[tilespmem:s31], [sflag:$0x1] =	stream.indirect.gather [hbm4b:s26+s11], $0x80, s1, s11, $0xb8;
	[tilespmem:$0x1C600] =	vst v63  }
0xa8: {  	_ =	swait.ge [sflag:s20], $0x4000  }
0xa9: {  	[sflag:s20] =	ssyncset.done $0x0  }
0xaa: {  	[sflag:s20] =	ssyncadd.s32 $0xFFFFC000  }
0xab: {  	[spmem:s21] =	stream.indirect.scatter.add.f32 [tilespmem:s31], [sflag:$0x2], $0x80, s11, s11, $0xb8;
	[tilespmem:$0x1C600] =	vst v63  }
0xac: {  	_ =	swait.ge [sflag:s10], $0x4000  }
0xad: {  	s0 =	simm.s32 $0x20;
	s8 =	simm.s32 $0x10;
	[sflag:s10] =	ssyncset.done $0x0  }
.LBB2_6:
0xae: {  	s2 =	sadd.s32 s8, s15  }
0xaf: {  	[sflag:s10] =	ssyncadd.s32 $0xFFFFC000;
	s3 =	smov.u32 s0;
	s4 =	sadd.s32 $0x10, s0  }
0xb0: {  	[tilespmem:s1], [sflag:$0x2] =	stream.linear.gather [hbm4b:s2+s1], $0x80, $0x38;
	[tilespmem:$0x1C600] =	vst v63  }
0xb1: {  	p0 =	sne.s32 s0, $0x260;
	_ =	swait.ge [sflag:s10], $0x80  }
0xb2: {  	[sflag:s10] =	ssyncset.done $0x0  }
0xb3: {  	s0 =	sadd.s32 s8, s14;
	s8 =	smov.u32 s3;
	[sflag:s10] =	ssyncadd.s32 $0xFFFFFF80  }
0xb4: {  	[tilespmem:s11], [sflag:$0x2] =	stream.linear.gather [hbm4b:s0+s1], $0x80, $0x38;
	[tilespmem:$0x1C600] =	vst v63  }
0xb5: {  	_ =	swait.ge [sflag:s10], $0x80  }
0xb6: {  	[sflag:s10] =	ssyncset.done $0x0  }
0xb7: {  	[sflag:s10] =	ssyncadd.s32 $0xFFFFFF80  }
0xb8: {  	[tilespmem:s31], [sflag:$0x1] =	stream.indirect.gather [hbm4b:s26+s11], $0x80, s1, s11, $0xb8;
	[tilespmem:$0x1C600] =	vst v63  }
0xb9: {  	_ =	swait.ge [sflag:s20], $0x4000  }
.Ltmp2:
0xba: {  	[sflag:s20] =	ssyncset.done $0x0;
	(pc) =	sbr.rel @p0 .LBB2_6-.Ltmp2, $4  }
0xbb: {  	[sflag:s20] =	ssyncadd.s32 $0xFFFFC000  }
0xbc: {  	[spmem:s21] =	stream.indirect.scatter.add.f32 [tilespmem:s31], [sflag:$0x2], $0x80, s11, s11, $0xb8;
	[tilespmem:$0x1C600] =	vst v63  }
0xbd: {  	_ =	swait.ge [sflag:s10], $0x4000  }
0xbe: {  	s0 =	smov.u32 s4;
	[sflag:s10] =	ssyncset.done $0x0  }
0xbf: {  	s0 =	sadd.s32 s8, s15;
	[sflag:s10] =	ssyncadd.s32 $0xFFFFC000  }
0xc0: {  	[tilespmem:s1], [sflag:$0x2] =	stream.linear.gather [hbm4b:s0+s1], $0x80, $0x38;
	[tilespmem:$0x1C600] =	vst v63  }
0xc1: {  	_ =	swait.ge [sflag:s10], $0x80  }
0xc2: {  	[sflag:s10] =	ssyncset.done $0x0  }
0xc3: {  	s4 =	sadd.s32 s8, s14;
	[sflag:s10] =	ssyncadd.s32 $0xFFFFFF80  }
0xc4: {  	[tilespmem:s11], [sflag:$0x2] =	stream.linear.gather [hbm4b:s4+s1], $0x80, $0x38;
	[tilespmem:$0x1C600] =	vst v63  }
0xc5: {  	_ =	swait.ge [sflag:s10], $0x80  }
0xc6: {  	[sflag:s10] =	ssyncset.done $0x0  }
0xc7: {  	[sflag:s10] =	ssyncadd.s32 $0xFFFFFF80  }
0xc8: {  	[tilespmem:s31], [sflag:$0x1] =	stream.indirect.gather [hbm4b:s26+s11], $0x80, s1, s11, $0xb8;
	[tilespmem:$0x1C600] =	vst v63  }
0xc9: {  	_ =	swait.ge [sflag:s20], $0x4000  }
0xca: {  	[sflag:s20] =	ssyncset.done $0x0  }
0xcb: {  	[sflag:s20] =	ssyncadd.s32 $0xFFFFC000  }
0xcc: {  	[spmem:s21] =	stream.indirect.scatter.add.f32 [tilespmem:s31], [sflag:$0x2], $0x80, s11, s11, $0xb8;
	[tilespmem:$0x1C600] =	vst v63  }
0xcd: {  	_ =	swait.ge [sflag:s10], $0x4000  }
0xce: {  	s3 =	simm.s32 $0x4100;
	[sflag:s10] =	ssyncset.done $0x0  }
0xcf: {  	s0 =	simm.s32 $0x0;
	s2 =	rddreg [dreg:$0x6];
	[sflag:s10] =	ssyncadd.s32 $0xFFFFC000  }
0xd0: {  	[tilespmem:s3], [sflag:$0x2] =	stream.linear.gather [hbm4b:s2+s0], $0x8, $0x38;
	[tilespmem:$0x1C600] =	vst v63  }
0xd1: {  	_ =	swait.ge [sflag:s10], $0x8  }
0xd2: {  	[sflag:s10] =	ssyncset.done $0x0  }
0xd3: {  	s4 =	simm.s32 $0x4180;
	s8 =	rddreg [dreg:$0x7];
	[sflag:s10] =	ssyncadd.s32 $0xFFFFFFF8  }
0xd4: {  	[tilespmem:s4], [sflag:$0x2] =	stream.linear.gather [hbm4b:s8+s0], $0x8, $0x38;
	[tilespmem:$0x1C600] =	vst v63  }
0xd5: {  	_ =	swait.ge [sflag:s10], $0x8  }
0xd6: {  	[sflag:s10] =	ssyncset.done $0x0  }
0xd7: {  	s2 =	simm.s32 $0x8;
	s8 =	simm.s32 $0x4200;
	[sflag:s10] =	ssyncadd.s32 $0xFFFFFFF8  }
0xd8: {  	[tilespmem:s8], [sflag:$0x1] =	stream.indirect.gather [hbm4b:s26+s2], $0x80, s3, s2, $0xb8;
	[tilespmem:$0x1C600] =	vst v63  }
0xd9: {  	_ =	swait.ge [sflag:s20], $0x400  }
0xda: {  	[sflag:s20] =	ssyncset.done $0x0  }
0xdb: {  	[sflag:s20] =	ssyncadd.s32 $0xFFFFFC00  }
0xdc: {  	[spmem:s21] =	stream.indirect.scatter.add.f32 [tilespmem:s8], [sflag:$0x2], $0x80, s4, s2, $0xb8;
	[tilespmem:$0x1C600] =	vst v63  }
0xdd: {  	_ =	swait.ge [sflag:s10], $0x400  }
0xde: {  	[sflag:s10] =	ssyncset.done $0x0  }
0xdf: {  	[sflag:s10] =	ssyncadd.s32 $0xFFFFFC00  }
0xe0: {  	[bflag:$0x0] =	sbarrier.arrive $0xFFFF  }
0xe1: {  	s3 =	rddreg [dreg:$0xf]  }
0xe2: {  	[hbm:s3], [sflag:s6] =	dma.local [spmem:s7], $0x2800  }
0xe3: {  	_ =	swait.ge [sflag:s10], $0x2800  }
0xe4: {  	[sflag:s10] =	ssyncset.done $0x0  }
0xe5: {  	[sflag:s10] =	ssyncadd.s32 $0xFFFFD800  }
0xe6: {  	[spmem:s24] =	stream.linear.scatter [tilespmem:s9], [sflag:$0x2], $0x4000, $0x38;
	[tilespmem:$0x1C600] =	vst v63  }
0xe7: {  	_ =	swait.ge [sflag:s10], $0x4000  }
0xe8: {  	[sflag:s10] =	ssyncset.done $0x0  }
0xe9: {  	s4 =	rddreg [dreg:$0x14];
	[sflag:s10] =	ssyncadd.s32 $0xFFFFC000  }
0xea: {  	[spmem:s4] =	stream.linear.scatter [tilespmem:s9], [sflag:$0x2], $0x4000, $0x38;
	[tilespmem:$0x1C600] =	vst v63  }
0xeb: {  	_ =	swait.ge [sflag:s10], $0x4000  }
0xec: {  	[sflag:s10] =	ssyncset.done $0x0  }
0xed: {  	s8 =	rddreg [dreg:$0x15];
	[sflag:s10] =	ssyncadd.s32 $0xFFFFC000  }
0xee: {  	[spmem:s8] =	stream.linear.scatter [tilespmem:s9], [sflag:$0x2], $0x4000, $0x38;
	[tilespmem:$0x1C600] =	vst v63  }
0xef: {  	_ =	swait.ge [sflag:s10], $0x4000  }
0xf0: {  	[sflag:s10] =	ssyncset.done $0x0  }
0xf1: {  	s2 =	rddreg [dreg:$0x16];
	[sflag:s10] =	ssyncadd.s32 $0xFFFFC000  }
0xf2: {  	[spmem:s2] =	stream.linear.scatter [tilespmem:s9], [sflag:$0x2], $0x4000, $0x38;
	[tilespmem:$0x1C600] =	vst v63  }
0xf3: {  	_ =	swait.ge [sflag:s10], $0x4000  }
0xf4: {  	[sflag:s10] =	ssyncset.done $0x0  }
0xf5: {  	s3 =	rddreg [dreg:$0x17];
	[sflag:s10] =	ssyncadd.s32 $0xFFFFC000  }
0xf6: {  	[spmem:s3] =	stream.linear.scatter [tilespmem:s9], [sflag:$0x2], $0x4000, $0x38;
	[tilespmem:$0x1C600] =	vst v63  }
0xf7: {  	_ =	swait.ge [sflag:s10], $0x4000  }
0xf8: {  	[sflag:s10] =	ssyncset.done $0x0  }
0xf9: {  	[sflag:s10] =	ssyncadd.s32 $0xFFFFC000  }
0xfa: {  	s4 =	sadd.s32 $0x0, s17;
	[bflag:$0x0] =	sbarrier.arrive $0xFFFF  }
0xfb: {  	[tilespmem:s1], [sflag:$0x2] =	stream.linear.gather [hbm4b:s4+s1], $0x80, $0x38;
	[tilespmem:$0x1C600] =	vst v63  }
0xfc: {  	_ =	swait.ge [sflag:s10], $0x80  }
0xfd: {  	[sflag:s10] =	ssyncset.done $0x0  }
0xfe: {  	s8 =	sadd.s32 $0x0, s16;
	[sflag:s10] =	ssyncadd.s32 $0xFFFFFF80  }
0xff: {  	[tilespmem:s11], [sflag:$0x2] =	stream.linear.gather [hbm4b:s8+s1], $0x80, $0x38;
	[tilespmem:$0x1C600] =	vst v63  }
0x100: {  	_ =	swait.ge [sflag:s10], $0x80  }
0x101: {  	[sflag:s10] =	ssyncset.done $0x0  }
0x102: {  	[sflag:s10] =	ssyncadd.s32 $0xFFFFFF80  }
0x103: {  	[tilespmem:s31], [sflag:$0x1] =	stream.indirect.gather [hbm4b:s28+s11], $0x80, s1, s11, $0xb8;
	[tilespmem:$0x1C600] =	vst v63  }
0x104: {  	_ =	swait.ge [sflag:s20], $0x4000  }
0x105: {  	[sflag:s20] =	ssyncset.done $0x0  }
0x106: {  	[sflag:s20] =	ssyncadd.s32 $0xFFFFC000  }
0x107: {  	[spmem:s21] =	stream.indirect.scatter.add.f32 [tilespmem:s31], [sflag:$0x2], $0x80, s11, s11, $0xb8;
	[tilespmem:$0x1C600] =	vst v63  }
0x108: {  	_ =	swait.ge [sflag:s10], $0x4000  }
0x109: {  	s0 =	simm.s32 $0x20;
	s8 =	simm.s32 $0x10;
	[sflag:s10] =	ssyncset.done $0x0  }
.LBB2_8:
0x10a: {  	s2 =	sadd.s32 s8, s17  }
0x10b: {  	[sflag:s10] =	ssyncadd.s32 $0xFFFFC000;
	s3 =	smov.u32 s0;
	s4 =	sadd.s32 $0x10, s0  }
0x10c: {  	[tilespmem:s1], [sflag:$0x2] =	stream.linear.gather [hbm4b:s2+s1], $0x80, $0x38;
	[tilespmem:$0x1C600] =	vst v63  }
0x10d: {  	p0 =	sne.s32 s0, $0x260;
	_ =	swait.ge [sflag:s10], $0x80  }
0x10e: {  	[sflag:s10] =	ssyncset.done $0x0  }
0x10f: {  	s0 =	sadd.s32 s8, s16;
	s8 =	smov.u32 s3;
	[sflag:s10] =	ssyncadd.s32 $0xFFFFFF80  }
0x110: {  	[tilespmem:s11], [sflag:$0x2] =	stream.linear.gather [hbm4b:s0+s1], $0x80, $0x38;
	[tilespmem:$0x1C600] =	vst v63  }
0x111: {  	_ =	swait.ge [sflag:s10], $0x80  }
0x112: {  	[sflag:s10] =	ssyncset.done $0x0  }
0x113: {  	[sflag:s10] =	ssyncadd.s32 $0xFFFFFF80  }
0x114: {  	[tilespmem:s31], [sflag:$0x1] =	stream.indirect.gather [hbm4b:s28+s11], $0x80, s1, s11, $0xb8;
	[tilespmem:$0x1C600] =	vst v63  }
0x115: {  	_ =	swait.ge [sflag:s20], $0x4000  }
.Ltmp3:
0x116: {  	[sflag:s20] =	ssyncset.done $0x0;
	(pc) =	sbr.rel @p0 .LBB2_8-.Ltmp3, $4  }
0x117: {  	[sflag:s20] =	ssyncadd.s32 $0xFFFFC000  }
0x118: {  	[spmem:s21] =	stream.indirect.scatter.add.f32 [tilespmem:s31], [sflag:$0x2], $0x80, s11, s11, $0xb8;
	[tilespmem:$0x1C600] =	vst v63  }
0x119: {  	_ =	swait.ge [sflag:s10], $0x4000  }
0x11a: {  	s0 =	smov.u32 s4;
	[sflag:s10] =	ssyncset.done $0x0  }
0x11b: {  	s0 =	sadd.s32 s8, s17;
	[sflag:s10] =	ssyncadd.s32 $0xFFFFC000  }
0x11c: {  	[tilespmem:s1], [sflag:$0x2] =	stream.linear.gather [hbm4b:s0+s1], $0x80, $0x38;
	[tilespmem:$0x1C600] =	vst v63  }
0x11d: {  	_ =	swait.ge [sflag:s10], $0x80  }
0x11e: {  	[sflag:s10] =	ssyncset.done $0x0  }
0x11f: {  	s4 =	sadd.s32 s8, s16;
	[sflag:s10] =	ssyncadd.s32 $0xFFFFFF80  }
0x120: {  	[tilespmem:s11], [sflag:$0x2] =	stream.linear.gather [hbm4b:s4+s1], $0x80, $0x38;
	[tilespmem:$0x1C600] =	vst v63  }
0x121: {  	_ =	swait.ge [sflag:s10], $0x80  }
0x122: {  	[sflag:s10] =	ssyncset.done $0x0  }
0x123: {  	[sflag:s10] =	ssyncadd.s32 $0xFFFFFF80  }
0x124: {  	[tilespmem:s31], [sflag:$0x1] =	stream.indirect.gather [hbm4b:s28+s11], $0x80, s1, s11, $0xb8;
	[tilespmem:$0x1C600] =	vst v63  }
0x125: {  	_ =	swait.ge [sflag:s20], $0x4000  }
0x126: {  	[sflag:s20] =	ssyncset.done $0x0  }
0x127: {  	[sflag:s20] =	ssyncadd.s32 $0xFFFFC000  }
0x128: {  	[spmem:s21] =	stream.indirect.scatter.add.f32 [tilespmem:s31], [sflag:$0x2], $0x80, s11, s11, $0xb8;
	[tilespmem:$0x1C600] =	vst v63  }
0x129: {  	_ =	swait.ge [sflag:s10], $0x4000  }
0x12a: {  	s3 =	simm.s32 $0x4100;
	[sflag:s10] =	ssyncset.done $0x0  }
0x12b: {  	s0 =	simm.s32 $0x0;
	s2 =	rddreg [dreg:$0x8];
	[sflag:s10] =	ssyncadd.s32 $0xFFFFC000  }
0x12c: {  	[tilespmem:s3], [sflag:$0x2] =	stream.linear.gather [hbm4b:s2+s0], $0x8, $0x38;
	[tilespmem:$0x1C600] =	vst v63  }
0x12d: {  	_ =	swait.ge [sflag:s10], $0x8  }
0x12e: {  	[sflag:s10] =	ssyncset.done $0x0  }
0x12f: {  	s4 =	simm.s32 $0x4180;
	s8 =	rddreg [dreg:$0x9];
	[sflag:s10] =	ssyncadd.s32 $0xFFFFFFF8  }
0x130: {  	[tilespmem:s4], [sflag:$0x2] =	stream.linear.gather [hbm4b:s8+s0], $0x8, $0x38;
	[tilespmem:$0x1C600] =	vst v63  }
0x131: {  	_ =	swait.ge [sflag:s10], $0x8  }
0x132: {  	[sflag:s10] =	ssyncset.done $0x0  }
0x133: {  	s2 =	simm.s32 $0x8;
	s8 =	simm.s32 $0x4200;
	[sflag:s10] =	ssyncadd.s32 $0xFFFFFFF8  }
0x134: {  	[tilespmem:s8], [sflag:$0x1] =	stream.indirect.gather [hbm4b:s28+s2], $0x80, s3, s2, $0xb8;
	[tilespmem:$0x1C600] =	vst v63  }
0x135: {  	_ =	swait.ge [sflag:s20], $0x400  }
0x136: {  	[sflag:s20] =	ssyncset.done $0x0  }
0x137: {  	[sflag:s20] =	ssyncadd.s32 $0xFFFFFC00  }
0x138: {  	[spmem:s21] =	stream.indirect.scatter.add.f32 [tilespmem:s8], [sflag:$0x2], $0x80, s4, s2, $0xb8;
	[tilespmem:$0x1C600] =	vst v63  }
0x139: {  	_ =	swait.ge [sflag:s10], $0x400  }
0x13a: {  	[sflag:s10] =	ssyncset.done $0x0  }
0x13b: {  	[sflag:s10] =	ssyncadd.s32 $0xFFFFFC00  }
0x13c: {  	[bflag:$0x0] =	sbarrier.arrive $0xFFFF  }
0x13d: {  	s3 =	rddreg [dreg:$0x10]  }
0x13e: {  	[hbm:s3], [sflag:s6] =	dma.local [spmem:s7], $0x2800  }
0x13f: {  	_ =	swait.ge [sflag:s10], $0x2800  }
0x140: {  	[sflag:s10] =	ssyncset.done $0x0  }
0x141: {  	[sflag:s10] =	ssyncadd.s32 $0xFFFFD800  }
0x142: {  	[spmem:s24] =	stream.linear.scatter [tilespmem:s9], [sflag:$0x2], $0x4000, $0x38;
	[tilespmem:$0x1C600] =	vst v63  }
0x143: {  	_ =	swait.ge [sflag:s10], $0x4000  }
0x144: {  	[sflag:s10] =	ssyncset.done $0x0  }
0x145: {  	s4 =	rddreg [dreg:$0x14];
	[sflag:s10] =	ssyncadd.s32 $0xFFFFC000  }
0x146: {  	[spmem:s4] =	stream.linear.scatter [tilespmem:s9], [sflag:$0x2], $0x4000, $0x38;
	[tilespmem:$0x1C600] =	vst v63  }
0x147: {  	_ =	swait.ge [sflag:s10], $0x4000  }
0x148: {  	[sflag:s10] =	ssyncset.done $0x0  }
0x149: {  	s8 =	rddreg [dreg:$0x15];
	[sflag:s10] =	ssyncadd.s32 $0xFFFFC000  }
0x14a: {  	[spmem:s8] =	stream.linear.scatter [tilespmem:s9], [sflag:$0x2], $0x4000, $0x38;
	[tilespmem:$0x1C600] =	vst v63  }
0x14b: {  	_ =	swait.ge [sflag:s10], $0x4000  }
0x14c: {  	[sflag:s10] =	ssyncset.done $0x0  }
0x14d: {  	s2 =	rddreg [dreg:$0x16];
	[sflag:s10] =	ssyncadd.s32 $0xFFFFC000  }
0x14e: {  	[spmem:s2] =	stream.linear.scatter [tilespmem:s9], [sflag:$0x2], $0x4000, $0x38;
	[tilespmem:$0x1C600] =	vst v63  }
0x14f: {  	_ =	swait.ge [sflag:s10], $0x4000  }
0x150: {  	[sflag:s10] =	ssyncset.done $0x0  }
0x151: {  	s3 =	rddreg [dreg:$0x17];
	[sflag:s10] =	ssyncadd.s32 $0xFFFFC000  }
0x152: {  	[spmem:s3] =	stream.linear.scatter [tilespmem:s9], [sflag:$0x2], $0x4000, $0x38;
	[tilespmem:$0x1C600] =	vst v63  }
0x153: {  	_ =	swait.ge [sflag:s10], $0x4000  }
0x154: {  	[sflag:s10] =	ssyncset.done $0x0  }
0x155: {  	[sflag:s10] =	ssyncadd.s32 $0xFFFFC000  }
0x156: {  	s4 =	sadd.s32 $0x0, s19;
	[bflag:$0x0] =	sbarrier.arrive $0xFFFF  }
0x157: {  	[tilespmem:s1], [sflag:$0x2] =	stream.linear.gather [hbm4b:s4+s1], $0x80, $0x38;
	[tilespmem:$0x1C600] =	vst v63  }
0x158: {  	_ =	swait.ge [sflag:s10], $0x80  }
0x159: {  	[sflag:s10] =	ssyncset.done $0x0  }
0x15a: {  	s8 =	sadd.s32 $0x0, s18;
	[sflag:s10] =	ssyncadd.s32 $0xFFFFFF80  }
0x15b: {  	[tilespmem:s11], [sflag:$0x2] =	stream.linear.gather [hbm4b:s8+s1], $0x80, $0x38;
	[tilespmem:$0x1C600] =	vst v63  }
0x15c: {  	_ =	swait.ge [sflag:s10], $0x80  }
0x15d: {  	[sflag:s10] =	ssyncset.done $0x0  }
0x15e: {  	[sflag:s10] =	ssyncadd.s32 $0xFFFFFF80  }
0x15f: {  	[tilespmem:s31], [sflag:$0x1] =	stream.indirect.gather [hbm4b:s29+s11], $0x80, s1, s11, $0xb8;
	[tilespmem:$0x1C600] =	vst v63  }
0x160: {  	_ =	swait.ge [sflag:s20], $0x4000  }
0x161: {  	[sflag:s20] =	ssyncset.done $0x0  }
0x162: {  	[sflag:s20] =	ssyncadd.s32 $0xFFFFC000  }
0x163: {  	[spmem:s21] =	stream.indirect.scatter.add.f32 [tilespmem:s31], [sflag:$0x2], $0x80, s11, s11, $0xb8;
	[tilespmem:$0x1C600] =	vst v63  }
0x164: {  	_ =	swait.ge [sflag:s10], $0x4000  }
0x165: {  	s0 =	simm.s32 $0x20;
	s8 =	simm.s32 $0x10;
	[sflag:s10] =	ssyncset.done $0x0  }
.LBB2_10:
0x166: {  	s2 =	sadd.s32 s8, s19  }
0x167: {  	[sflag:s10] =	ssyncadd.s32 $0xFFFFC000;
	s3 =	smov.u32 s0;
	s4 =	sadd.s32 $0x10, s0  }
0x168: {  	[tilespmem:s1], [sflag:$0x2] =	stream.linear.gather [hbm4b:s2+s1], $0x80, $0x38;
	[tilespmem:$0x1C600] =	vst v63  }
0x169: {  	p0 =	sne.s32 s0, $0x260;
	_ =	swait.ge [sflag:s10], $0x80  }
0x16a: {  	[sflag:s10] =	ssyncset.done $0x0  }
0x16b: {  	s0 =	sadd.s32 s8, s18;
	s8 =	smov.u32 s3;
	[sflag:s10] =	ssyncadd.s32 $0xFFFFFF80  }
0x16c: {  	[tilespmem:s11], [sflag:$0x2] =	stream.linear.gather [hbm4b:s0+s1], $0x80, $0x38;
	[tilespmem:$0x1C600] =	vst v63  }
0x16d: {  	_ =	swait.ge [sflag:s10], $0x80  }
0x16e: {  	[sflag:s10] =	ssyncset.done $0x0  }
0x16f: {  	[sflag:s10] =	ssyncadd.s32 $0xFFFFFF80  }
0x170: {  	[tilespmem:s31], [sflag:$0x1] =	stream.indirect.gather [hbm4b:s29+s11], $0x80, s1, s11, $0xb8;
	[tilespmem:$0x1C600] =	vst v63  }
0x171: {  	_ =	swait.ge [sflag:s20], $0x4000  }
.Ltmp4:
0x172: {  	[sflag:s20] =	ssyncset.done $0x0;
	(pc) =	sbr.rel @p0 .LBB2_10-.Ltmp4, $4  }
0x173: {  	[sflag:s20] =	ssyncadd.s32 $0xFFFFC000  }
0x174: {  	[spmem:s21] =	stream.indirect.scatter.add.f32 [tilespmem:s31], [sflag:$0x2], $0x80, s11, s11, $0xb8;
	[tilespmem:$0x1C600] =	vst v63  }
0x175: {  	_ =	swait.ge [sflag:s10], $0x4000  }
0x176: {  	s0 =	smov.u32 s4;
	[sflag:s10] =	ssyncset.done $0x0  }
0x177: {  	s0 =	sadd.s32 s8, s19;
	[sflag:s10] =	ssyncadd.s32 $0xFFFFC000  }
0x178: {  	[tilespmem:s1], [sflag:$0x2] =	stream.linear.gather [hbm4b:s0+s1], $0x80, $0x38;
	[tilespmem:$0x1C600] =	vst v63  }
0x179: {  	_ =	swait.ge [sflag:s10], $0x80  }
0x17a: {  	[sflag:s10] =	ssyncset.done $0x0  }
0x17b: {  	s4 =	sadd.s32 s8, s18;
	[sflag:s10] =	ssyncadd.s32 $0xFFFFFF80  }
0x17c: {  	[tilespmem:s11], [sflag:$0x2] =	stream.linear.gather [hbm4b:s4+s1], $0x80, $0x38;
	[tilespmem:$0x1C600] =	vst v63  }
0x17d: {  	_ =	swait.ge [sflag:s10], $0x80  }
0x17e: {  	[sflag:s10] =	ssyncset.done $0x0  }
0x17f: {  	[sflag:s10] =	ssyncadd.s32 $0xFFFFFF80  }
0x180: {  	[tilespmem:s31], [sflag:$0x1] =	stream.indirect.gather [hbm4b:s29+s11], $0x80, s1, s11, $0xb8;
	[tilespmem:$0x1C600] =	vst v63  }
0x181: {  	_ =	swait.ge [sflag:s20], $0x4000  }
0x182: {  	[sflag:s20] =	ssyncset.done $0x0  }
0x183: {  	[sflag:s20] =	ssyncadd.s32 $0xFFFFC000  }
0x184: {  	[spmem:s21] =	stream.indirect.scatter.add.f32 [tilespmem:s31], [sflag:$0x2], $0x80, s11, s11, $0xb8;
	[tilespmem:$0x1C600] =	vst v63  }
0x185: {  	_ =	swait.ge [sflag:s10], $0x4000  }
0x186: {  	s3 =	simm.s32 $0x4100;
	[sflag:s10] =	ssyncset.done $0x0  }
0x187: {  	s0 =	simm.s32 $0x0;
	s2 =	rddreg [dreg:$0xa];
	[sflag:s10] =	ssyncadd.s32 $0xFFFFC000  }
0x188: {  	[tilespmem:s3], [sflag:$0x2] =	stream.linear.gather [hbm4b:s2+s0], $0x8, $0x38;
	[tilespmem:$0x1C600] =	vst v63  }
0x189: {  	_ =	swait.ge [sflag:s10], $0x8  }
0x18a: {  	[sflag:s10] =	ssyncset.done $0x0  }
0x18b: {  	s4 =	simm.s32 $0x4180;
	s8 =	rddreg [dreg:$0xb];
	[sflag:s10] =	ssyncadd.s32 $0xFFFFFFF8  }
0x18c: {  	[tilespmem:s4], [sflag:$0x2] =	stream.linear.gather [hbm4b:s8+s0], $0x8, $0x38;
	[tilespmem:$0x1C600] =	vst v63  }
0x18d: {  	_ =	swait.ge [sflag:s10], $0x8  }
0x18e: {  	[sflag:s10] =	ssyncset.done $0x0  }
0x18f: {  	s2 =	simm.s32 $0x8;
	s8 =	simm.s32 $0x4200;
	[sflag:s10] =	ssyncadd.s32 $0xFFFFFFF8  }
0x190: {  	[tilespmem:s8], [sflag:$0x1] =	stream.indirect.gather [hbm4b:s29+s2], $0x80, s3, s2, $0xb8;
	[tilespmem:$0x1C600] =	vst v63  }
0x191: {  	_ =	swait.ge [sflag:s20], $0x400  }
0x192: {  	[sflag:s20] =	ssyncset.done $0x0  }
0x193: {  	[sflag:s20] =	ssyncadd.s32 $0xFFFFFC00  }
0x194: {  	[spmem:s21] =	stream.indirect.scatter.add.f32 [tilespmem:s8], [sflag:$0x2], $0x80, s4, s2, $0xb8;
	[tilespmem:$0x1C600] =	vst v63  }
0x195: {  	_ =	swait.ge [sflag:s10], $0x400  }
0x196: {  	[sflag:s10] =	ssyncset.done $0x0  }
0x197: {  	[sflag:s10] =	ssyncadd.s32 $0xFFFFFC00  }
0x198: {  	[bflag:$0x0] =	sbarrier.arrive $0xFFFF  }
0x199: {  	s3 =	rddreg [dreg:$0x11]  }
0x19a: {  	[hbm:s3], [sflag:s6] =	dma.local [spmem:s7], $0x2800  }
0x19b: {  	_ =	swait.ge [sflag:s10], $0x2800  }
0x19c: {  	[sflag:s10] =	ssyncset.done $0x0  }
0x19d: {  	[sflag:s10] =	ssyncadd.s32 $0xFFFFD800  }
0x19e: {  	[spmem:s24] =	stream.linear.scatter [tilespmem:s9], [sflag:$0x2], $0x4000, $0x38;
	[tilespmem:$0x1C600] =	vst v63  }
0x19f: {  	_ =	swait.ge [sflag:s10], $0x4000  }
0x1a0: {  	[sflag:s10] =	ssyncset.done $0x0  }
0x1a1: {  	s4 =	rddreg [dreg:$0x14];
	[sflag:s10] =	ssyncadd.s32 $0xFFFFC000  }
0x1a2: {  	[spmem:s4] =	stream.linear.scatter [tilespmem:s9], [sflag:$0x2], $0x4000, $0x38;
	[tilespmem:$0x1C600] =	vst v63  }
0x1a3: {  	_ =	swait.ge [sflag:s10], $0x4000  }
0x1a4: {  	[sflag:s10] =	ssyncset.done $0x0  }
0x1a5: {  	s8 =	rddreg [dreg:$0x15];
	[sflag:s10] =	ssyncadd.s32 $0xFFFFC000  }
0x1a6: {  	[spmem:s8] =	stream.linear.scatter [tilespmem:s9], [sflag:$0x2], $0x4000, $0x38;
	[tilespmem:$0x1C600] =	vst v63  }
0x1a7: {  	_ =	swait.ge [sflag:s10], $0x4000  }
0x1a8: {  	[sflag:s10] =	ssyncset.done $0x0  }
0x1a9: {  	s2 =	rddreg [dreg:$0x16];
	[sflag:s10] =	ssyncadd.s32 $0xFFFFC000  }
0x1aa: {  	[spmem:s2] =	stream.linear.scatter [tilespmem:s9], [sflag:$0x2], $0x4000, $0x38;
	[tilespmem:$0x1C600] =	vst v63  }
0x1ab: {  	_ =	swait.ge [sflag:s10], $0x4000  }
0x1ac: {  	[sflag:s10] =	ssyncset.done $0x0  }
0x1ad: {  	s3 =	rddreg [dreg:$0x17];
	[sflag:s10] =	ssyncadd.s32 $0xFFFFC000  }
0x1ae: {  	[spmem:s3] =	stream.linear.scatter [tilespmem:s9], [sflag:$0x2], $0x4000, $0x38;
	[tilespmem:$0x1C600] =	vst v63  }
0x1af: {  	_ =	swait.ge [sflag:s10], $0x4000  }
0x1b0: {  	[sflag:s10] =	ssyncset.done $0x0  }
0x1b1: {  	[sflag:s10] =	ssyncadd.s32 $0xFFFFC000  }
0x1b2: {  	s4 =	sadd.s32 $0x0, s23;
	[bflag:$0x0] =	sbarrier.arrive $0xFFFF  }
0x1b3: {  	[tilespmem:s1], [sflag:$0x2] =	stream.linear.gather [hbm4b:s4+s1], $0x80, $0x38;
	[tilespmem:$0x1C600] =	vst v63  }
0x1b4: {  	_ =	swait.ge [sflag:s10], $0x80  }
0x1b5: {  	[sflag:s10] =	ssyncset.done $0x0  }
0x1b6: {  	s8 =	sadd.s32 $0x0, s22;
	[sflag:s10] =	ssyncadd.s32 $0xFFFFFF80  }
0x1b7: {  	[tilespmem:s11], [sflag:$0x2] =	stream.linear.gather [hbm4b:s8+s1], $0x80, $0x38;
	[tilespmem:$0x1C600] =	vst v63  }
0x1b8: {  	_ =	swait.ge [sflag:s10], $0x80  }
0x1b9: {  	[sflag:s10] =	ssyncset.done $0x0  }
0x1ba: {  	[sflag:s10] =	ssyncadd.s32 $0xFFFFFF80  }
0x1bb: {  	[tilespmem:s31], [sflag:$0x1] =	stream.indirect.gather [hbm4b:s30+s11], $0x80, s1, s11, $0xb8;
	[tilespmem:$0x1C600] =	vst v63  }
0x1bc: {  	_ =	swait.ge [sflag:s20], $0x4000  }
0x1bd: {  	[sflag:s20] =	ssyncset.done $0x0  }
0x1be: {  	[sflag:s20] =	ssyncadd.s32 $0xFFFFC000  }
0x1bf: {  	[spmem:s21] =	stream.indirect.scatter.add.f32 [tilespmem:s31], [sflag:$0x2], $0x80, s11, s11, $0xb8;
	[tilespmem:$0x1C600] =	vst v63  }
0x1c0: {  	_ =	swait.ge [sflag:s10], $0x4000  }
0x1c1: {  	s0 =	simm.s32 $0x20;
	s8 =	simm.s32 $0x10;
	[sflag:s10] =	ssyncset.done $0x0  }
.LBB2_12:
0x1c2: {  	s2 =	sadd.s32 s8, s23  }
0x1c3: {  	[sflag:s10] =	ssyncadd.s32 $0xFFFFC000;
	s3 =	smov.u32 s0;
	s4 =	sadd.s32 $0x10, s0  }
0x1c4: {  	[tilespmem:s1], [sflag:$0x2] =	stream.linear.gather [hbm4b:s2+s1], $0x80, $0x38;
	[tilespmem:$0x1C600] =	vst v63  }
0x1c5: {  	p0 =	sne.s32 s0, $0x260;
	_ =	swait.ge [sflag:s10], $0x80  }
0x1c6: {  	[sflag:s10] =	ssyncset.done $0x0  }
0x1c7: {  	s0 =	sadd.s32 s8, s22;
	s8 =	smov.u32 s3;
	[sflag:s10] =	ssyncadd.s32 $0xFFFFFF80  }
0x1c8: {  	[tilespmem:s11], [sflag:$0x2] =	stream.linear.gather [hbm4b:s0+s1], $0x80, $0x38;
	[tilespmem:$0x1C600] =	vst v63  }
0x1c9: {  	_ =	swait.ge [sflag:s10], $0x80  }
0x1ca: {  	[sflag:s10] =	ssyncset.done $0x0  }
0x1cb: {  	[sflag:s10] =	ssyncadd.s32 $0xFFFFFF80  }
0x1cc: {  	[tilespmem:s31], [sflag:$0x1] =	stream.indirect.gather [hbm4b:s30+s11], $0x80, s1, s11, $0xb8;
	[tilespmem:$0x1C600] =	vst v63  }
0x1cd: {  	_ =	swait.ge [sflag:s20], $0x4000  }
.Ltmp5:
0x1ce: {  	[sflag:s20] =	ssyncset.done $0x0;
	(pc) =	sbr.rel @p0 .LBB2_12-.Ltmp5, $4  }
0x1cf: {  	[sflag:s20] =	ssyncadd.s32 $0xFFFFC000  }
0x1d0: {  	[spmem:s21] =	stream.indirect.scatter.add.f32 [tilespmem:s31], [sflag:$0x2], $0x80, s11, s11, $0xb8;
	[tilespmem:$0x1C600] =	vst v63  }
0x1d1: {  	_ =	swait.ge [sflag:s10], $0x4000  }
0x1d2: {  	s0 =	smov.u32 s4;
	[sflag:s10] =	ssyncset.done $0x0  }
0x1d3: {  	s0 =	sadd.s32 s8, s23;
	[sflag:s10] =	ssyncadd.s32 $0xFFFFC000  }
0x1d4: {  	[tilespmem:s1], [sflag:$0x2] =	stream.linear.gather [hbm4b:s0+s1], $0x80, $0x38;
	[tilespmem:$0x1C600] =	vst v63  }
0x1d5: {  	_ =	swait.ge [sflag:s10], $0x80  }
0x1d6: {  	[sflag:s10] =	ssyncset.done $0x0  }
0x1d7: {  	s2 =	sadd.s32 s8, s22;
	[sflag:s10] =	ssyncadd.s32 $0xFFFFFF80  }
0x1d8: {  	[tilespmem:s11], [sflag:$0x2] =	stream.linear.gather [hbm4b:s2+s1], $0x80, $0x38;
	[tilespmem:$0x1C600] =	vst v63  }
0x1d9: {  	_ =	swait.ge [sflag:s10], $0x80  }
0x1da: {  	[sflag:s10] =	ssyncset.done $0x0  }
0x1db: {  	[sflag:s10] =	ssyncadd.s32 $0xFFFFFF80  }
0x1dc: {  	[tilespmem:s31], [sflag:$0x1] =	stream.indirect.gather [hbm4b:s30+s11], $0x80, s1, s11, $0xb8;
	[tilespmem:$0x1C600] =	vst v63  }
0x1dd: {  	_ =	swait.ge [sflag:s20], $0x4000  }
0x1de: {  	[sflag:s20] =	ssyncset.done $0x0  }
0x1df: {  	[sflag:s20] =	ssyncadd.s32 $0xFFFFC000  }
0x1e0: {  	[spmem:s21] =	stream.indirect.scatter.add.f32 [tilespmem:s31], [sflag:$0x2], $0x80, s11, s11, $0xb8;
	[tilespmem:$0x1C600] =	vst v63  }
0x1e1: {  	_ =	swait.ge [sflag:s10], $0x4000  }
0x1e2: {  	[sflag:s10] =	ssyncset.done $0x0  }
0x1e3: {  	s2 =	simm.s32 $0x4100;
	s3 =	rddreg [dreg:$0xc];
	[sflag:s10] =	ssyncadd.s32 $0xFFFFC000  }
0x1e4: {  	[tilespmem:s2], [sflag:$0x2] =	stream.linear.gather [hbm4b:s3+s1], $0x8, $0x38;
	[tilespmem:$0x1C600] =	vst v63  }
0x1e5: {  	_ =	swait.ge [sflag:s10], $0x8  }
0x1e6: {  	[sflag:s10] =	ssyncset.done $0x0  }
0x1e7: {  	s3 =	simm.s32 $0x4180;
	s4 =	rddreg [dreg:$0xd];
	[sflag:s10] =	ssyncadd.s32 $0xFFFFFFF8  }
0x1e8: {  	[tilespmem:s3], [sflag:$0x2] =	stream.linear.gather [hbm4b:s4+s1], $0x8, $0x38;
	[tilespmem:$0x1C600] =	vst v63  }
0x1e9: {  	_ =	swait.ge [sflag:s10], $0x8  }
0x1ea: {  	[sflag:s10] =	ssyncset.done $0x0  }
0x1eb: {  	s8 =	simm.s32 $0x8;
	s4 =	simm.s32 $0x4200;
	[sflag:s10] =	ssyncadd.s32 $0xFFFFFFF8  }
0x1ec: {  	[tilespmem:s4], [sflag:$0x1] =	stream.indirect.gather [hbm4b:s30+s8], $0x80, s2, s8, $0xb8;
	[tilespmem:$0x1C600] =	vst v63  }
0x1ed: {  	_ =	swait.ge [sflag:s20], $0x400  }
0x1ee: {  	[sflag:s20] =	ssyncset.done $0x0  }
0x1ef: {  	[sflag:s20] =	ssyncadd.s32 $0xFFFFFC00  }
0x1f0: {  	[spmem:s21] =	stream.indirect.scatter.add.f32 [tilespmem:s4], [sflag:$0x2], $0x80, s3, s8, $0xb8;
	[tilespmem:$0x1C600] =	vst v63  }
0x1f1: {  	_ =	swait.ge [sflag:s10], $0x400  }
0x1f2: {  	[sflag:s10] =	ssyncset.done $0x0  }
0x1f3: {  	[sflag:s10] =	ssyncadd.s32 $0xFFFFFC00  }
0x1f4: {  	[bflag:$0x0] =	sbarrier.arrive $0xFFFF  }
0x1f5: {  	s4 =	rddreg [dreg:$0x12]  }
0x1f6: {  	[hbm:s4], [sflag:s6] =	dma.local [spmem:s7], $0x2800  }
0x1f7: {  	_ =	swait.ge [sflag:s10], $0x2800  }
0x1f8: {  	s5 =	sadd.s32 $0x1, s5;
	s8 =	rddreg [dreg:$0x13]  }
0x1f9: {  	p0 =	sne.s32 s5, s8  }
.Ltmp6:
0x1fa: {  	_ = 	snop;
	(pc) =	sbr.rel @p0 .LBB2_1-.Ltmp6, $3  }
0x1fb: {  	_ =	sdelay $0x1  }
0x1fc: {  	[sflag:s10] =	ssyncset.done $0x0  }
0x1fd: {  	[sflag:s10] =	ssyncadd.s32 $0xFFFFD800  }
0x1fe: {  	_ =	sfence.sel $0x180000  }
0x1ff: {  	[bflag:$0x0] =	sbarrier.arrive $0xFFFF  }
0x200: {  	_ =	strace $0x9000004A  }
0x201: {  	s0 =	stileid.u32;
	[bflag:$0x2] =	sbarrier.arrive $0xFFFF  }
0x202: {  	p0 =	sne.s32 s0, $0x0;
	s0 =	rddreg [dreg:$0x3]  }
0x203: {  	s0 =	sadd.s32 @!p0 $0x100000, s0  }
0x204: {  	[sflag:s0] =	ssyncadd.tile.s32 @!p0 $0x1;
	_ =	shalt  }
.Lfunc_end2:
_tile_overlayer_lowered:
.L_overlay_start_2:
0x205: {  	(tag) =	ssettag $0x2  }
0x206: {  	s0 =	rddreg [dreg:$0x0];
	s2 =	stileid.u32  }
0x207: {  	s1 =	rddreg [dreg:$0x1];
	p0 =	sne.s32 s2, $0x0  }
0x208: {  	s3 =	rddreg [dreg:$0x2];
	[bflag:$0x3] =	sbarrier.arrive $0xFFFF;
	s2 =	simm.s32 @!p0 $0x1C02  }
0x209: {  	[timem:s3], [sflag:s2] =	dma.local @!p0 [hbm:s0], s1  }
0x20a: {  	s0 =	simm.s32 @!p0 $0x2  }
0x20b: {  	_ =	swait.ge @!p0 [sflag:s0], s1  }
0x20c: {  	s1 =	ssub.s32 @!p0 $0x0, s1;
	[sflag:s0] =	ssyncset.done @!p0 $0x0  }
0x20d: {  	[sflag:s0] =	ssyncadd.s32 @!p0 s1  }
0x20e: {  	[bflag:$0x3] =	sbarrier.arrive $0xFFFF  }
0x20f: {  	_ =	shalt  }

// kernel: kernel.16.cloned.1.call-start
scs
__scs_entry_jumppad:
0x0: {  	(pc) =	sbr.rel $0x88, $3  }
0x1: {  	(tag) =	ssettag $0x0;
	lr =	simm.s32 $0x1  }
0x2: {  	[smem:$0x3F92] =	sst lr;
	_ =	strace $0xD0000000  }
0x3: {  	_ = 	snop  }
0x4: {  	_ = 	snop  }
0x5: {  	_ = 	snop  }
0x6: {  	_ = 	snop  }
0x7: {  	_ = 	snop  }
__scs_overlays_trampoline_lowered:
0x8: {  	[smem:$0x3FA1] =	sst s0  }
0x9: {  	[smem:$0x3FA2] =	sst s1  }
0xa: {  	[smem:$0x3FA3] =	sst s2  }
0xb: {  	[smem:$0x3FA4] =	sst s3  }
0xc: {  	[smem:$0x3FA5] =	sst s4  }
0xd: {  	[smem:$0x3FA6] =	sst s5  }
0xe: {  	[smem:$0x3FA7] =	sst s6  }
0xf: {  	[smem:$0x3FA8] =	sst s7  }
0x10: {  	[smem:$0x3FA9] =	sst s8  }
0x11: {  	[smem:$0x3FAA] =	sst s9;
	s0 =	simm.s32 @!p0 $0x0  }
0x12: {  	s1 =	sld [smem:$0x3F90];
	s0 =	simm.s32 @p0 $0x1  }
0x13: {  	[smem:$0x3FAB] =	sst s0;
	s0 =	simm.s32 @!p1 $0x0  }
0x14: {  	s2 =	sld [smem:$0x3F8F];
	s0 =	simm.s32 @p1 $0x1  }
0x15: {  	[smem:$0x3FAC] =	sst s0;
	s0 =	simm.s32 @!p2 $0x0  }
0x16: {  	s3 =	sld [smem:$0x3FDB];
	s0 =	simm.s32 @p2 $0x1  }
0x17: {  	s4 =	simm.s32 $0x1BF5;
	[smem:$0x3FAE] =	sst s0  }
0x18: {  	s0 =	sld [smem:$0x3F91];
	_ =	swait.ge [sflag:s4], $0x0  }
0x19: {  	s7 =	sld [smem:$0x3F92]  }
0x1a: {  	s8 =	sadd.s32 $0xFFFFE003, lr  }
0x1b: {  	s9 =	sadd.s32 $0xFFFFFEF7, lr;
	s5 =	simm.s32 $0xFFFFFFFF;
	p2 =	slt.u32 s8, $0xFFFFF086  }
0x1c: {  	p1 =	slt.u32 s9, $0xF7A;
	s5 =	simm.s32 @!p2 $0x0  }
0x1d: {  	s5 =	simm.s32 @p1 $0x1;
	p0 =	seq.s32 s7, s2  }
0x1e: {  	s7 =	smul.u32 @!p0 $0xF7A, s2;
	p2 =	seq.s32 @!p0 s5, $0x0  }
0x1f: {  	s9 =	smul.u32 $0xF7A, s1;
	s8 =	simm.s32 @!p0 $0x1BF5;
	p2 =	por !p2, p0  }
0x20: {  	[sflag:s8] =	ssyncset.s32 @!p0 $0xFFFFF086;
	s6 =	sadd.s32 @!p0 s3, s7;
	s7 =	simm.s32 @!p0 $0x108  }
0x21: {  	s3 =	sadd.s32 s3, s9;
	s6 =	sadd.s32 @!p0 $0x88, s6;
	s7 =	simm.s32 @p2 $0x1082  }
0x22: {  	[simem:s7], [sflag:s8] =	dma.local @!p0 [hbm:s6], $0xF7A  }
0x23: {  	s9 =	sor.u32 $0xD0000000, s2;
	s6 =	simm.s32 $0x108;
	_ =	swait.ge @!p0 [sflag:s8], $0x0  }
0x24: {  	s3 =	sadd.s32 $0x88, s3;
	s6 =	simm.s32 @!p1 $0x1082;
	[sflag:s4] =	ssyncset.s32 $0xFFFFF086  }
0x25: {  	[simem:s6], [sflag:s4] =	dma.local [hbm:s3], $0xF7A  }
0x26: {  	[smem:$0x3F92] =	sst s1;
	(tag) =	ssettag s2;
	_ =	strace s9  }
0x27: {  	s1 =	sld [smem:$0x3FA2]  }
0x28: {  	s2 =	sld [smem:$0x3FA3]  }
0x29: {  	s4 =	sld [smem:$0x3FA5]  }
0x2a: {  	p0 =	seq.s32 s5, $0x0;
	s5 =	sld [smem:$0x3FA6]  }
0x2b: {  	s6 =	sld [smem:$0x3FA7]  }
0x2c: {  	s7 =	sld [smem:$0x3FA8]  }
0x2d: {  	s3 =	simm.s32 $0x108;
	s8 =	sld [smem:$0x3FA9]  }
0x2e: {  	s3 =	simm.s32 @!p0 $0x1082;
	s9 =	sld [smem:$0x3FAA]  }
0x2f: {  	lr =	sadd.s32 s0, s3;
	s0 =	sld [smem:$0x3FA1]  }
0x30: {  	s3 =	sld [smem:$0x3FA4]  }
0x31: {  	[smem:$0x3FAD] =	sst s10  }
0x32: {  	s10 =	sld [smem:$0x3FAB];
	_ =	sdelay $0x3  }
0x33: {  	p0 =	seq.s32 s10, $0x1;
	s10 =	sld [smem:$0x3FAD];
	_ =	sdelay $0x3  }
0x34: {  	[smem:$0x3FAD] =	sst s10  }
0x35: {  	s10 =	sld [smem:$0x3FAC];
	_ =	sdelay $0x3  }
0x36: {  	p1 =	seq.s32 s10, $0x1;
	s10 =	sld [smem:$0x3FAD];
	_ =	sdelay $0x3  }
0x37: {  	[smem:$0x3FAD] =	sst s10  }
0x38: {  	s10 =	sld [smem:$0x3FAE]  }
0x39: {  	_ = 	snop;
	(pc) =	sbr.ind lr, $3  }
0x3a: {  	_ = 	snop  }
0x3b: {  	_ = 	snop  }
0x3c: {  	p2 =	seq.s32 s10, $0x1;
	s10 =	sld [smem:$0x3FAD]  }
0x3d: {  	_ =	shalt  }
0x3e: {  	_ =	shalt  }
0x3f: {  	_ =	shalt  }
0x40: {  	_ =	shalt  }
0x41: {  	_ =	shalt  }
0x42: {  	_ =	shalt  }
0x43: {  	_ =	shalt  }
0x44: {  	_ =	shalt  }
0x45: {  	_ =	shalt  }
0x46: {  	_ =	shalt  }
0x47: {  	_ =	shalt  }
0x48: {  	_ =	shalt  }
0x49: {  	_ =	shalt  }
0x4a: {  	_ =	shalt  }
0x4b: {  	_ =	shalt  }
0x4c: {  	_ =	shalt  }
0x4d: {  	_ =	shalt  }
0x4e: {  	_ =	shalt  }
0x4f: {  	_ =	shalt  }
0x50: {  	_ =	shalt  }
0x51: {  	_ =	shalt  }
0x52: {  	_ =	shalt  }
0x53: {  	_ =	shalt  }
0x54: {  	_ =	shalt  }
0x55: {  	_ =	shalt  }
0x56: {  	_ =	shalt  }
0x57: {  	_ =	shalt  }
0x58: {  	_ =	shalt  }
0x59: {  	_ =	shalt  }
0x5a: {  	_ =	shalt  }
0x5b: {  	_ =	shalt  }
0x5c: {  	_ =	shalt  }
0x5d: {  	_ =	shalt  }
0x5e: {  	_ =	shalt  }
0x5f: {  	_ =	shalt  }
0x60: {  	_ =	shalt  }
0x61: {  	_ =	shalt  }
0x62: {  	_ =	shalt  }
0x63: {  	_ =	shalt  }
0x64: {  	_ =	shalt  }
0x65: {  	_ =	shalt  }
0x66: {  	_ =	shalt  }
0x67: {  	_ =	shalt  }
0x68: {  	_ =	shalt  }
0x69: {  	_ =	shalt  }
0x6a: {  	_ =	shalt  }
0x6b: {  	_ =	shalt  }
0x6c: {  	_ =	shalt  }
0x6d: {  	_ =	shalt  }
0x6e: {  	_ =	shalt  }
0x6f: {  	_ =	shalt  }
0x70: {  	_ =	shalt  }
0x71: {  	_ =	shalt  }
0x72: {  	_ =	shalt  }
0x73: {  	_ =	shalt  }
0x74: {  	_ =	shalt  }
0x75: {  	_ =	shalt  }
0x76: {  	_ =	shalt  }
0x77: {  	_ =	shalt  }
0x78: {  	_ =	shalt  }
0x79: {  	_ =	shalt  }
0x7a: {  	_ =	shalt  }
0x7b: {  	_ =	shalt  }
0x7c: {  	_ =	shalt  }
0x7d: {  	_ =	shalt  }
0x7e: {  	_ =	shalt  }
0x7f: {  	_ =	shalt  }
0x80: {  	_ =	shalt  }
0x81: {  	_ =	shalt  }
0x82: {  	_ =	shalt  }
0x83: {  	_ =	shalt  }
0x84: {  	_ =	shalt  }
0x85: {  	_ =	shalt  }
0x86: {  	_ =	shalt  }
0x87: {  	_ =	shalt  }
.Lfunc_end0:
.L_simem_size_0:
called_computation.2_lowered:
.L_overlay_start_0:
0x88: {  	s2 =	sld [smem:$0x3FD9]  }
0x89: {  	s3 =	sld [smem:$0x3FFE];
	_ =	sdelay $0x1  }
0x8a: {  	s1 =	srdreg.scid  }
0x8b: {  	s0 =	sand.u32 $0x1, s1  }
0x8c: {  	s14 =	sshll.u32 s0, $0xA;
	s2 =	sadd.s32 s3, s2  }
0x8d: {  	s2 =	sadd.s32 s2, s14  }
0x8e: {  	[smem:$0x3FB9] =	sst s2  }
0x8f: {  	_ = 	snop  }
0x90: {  	s2 =	sld [smem:$0x3FD0];
	_ =	sdelay $0x2  }
0x91: {  	s15 =	simm.s32 $0xA;
	s4 =	simm.s32 $0x10  }
0x92: {  	[smem:s4], [sflag:s15] =	dma.local [hbm:s2], $0x1  }
0x93: {  	_ =	swait.eq [sflag:s15], $0x1  }
0x94: {  	[sflag:s15] =	ssyncset.done $0x0  }
0x95: {  	[sflag:s15] =	ssyncadd.s32 $0xFFFFFFFF  }
0x96: {  	s16 =	sld [smem:$0x11];
	(tm) =	ssettm $0x1  }
0x97: {  	s17 =	sld [smem:$0x3FFB];
	_ =	sdelay $0x3  }
0x98: {  	_ =	strace s17  }
0x99: {  	s3 =	sld [smem:$0x3FFC];
	_ =	sdelay $0x3  }
0x9a: {  	_ =	strace s3  }
0x9b: {  	s3 =	sld [smem:$0x3FFD];
	_ =	sdelay $0x3  }
0x9c: {  	_ =	strace s3  }
0x9d: {  	_ =	strace $0x8FFFFFFF  }
0x9e: {  	s18 =	sld [smem:$0x3FDB];
	_ =	sdelay $0x1  }
0x9f: {  	s19 =	simm.s32 $_scs_section_size  }
0xa0: {  	s5 =	simm.s32 $_size__tile_overlayer_lowered;
	s6 =	simm.s32 $_tile_overlayer_lowered  }
0xa1: {  	s22 =	simm.s32 $0x1BFF;
	s21 =	sshll.u32 s6, $0x1;
	s3 =	sadd.s32 s19, s18  }
0xa2: {  	s7 =	simm.s32 $0x0;
	s20 =	sshll.u32 s5, $0x1;
	s5 =	sadd.s32 s21, s3  }
0xa3: {  	[timem:s7], [sflag:s22] =	dma.local [hbm:s5], s20  }
0xa4: {  	_ =	swait.ge [sflag:s22], s20  }
0xa5: {  	s4 =	ssub.s32 $0x0, s20;
	[sflag:s22] =	ssyncset.done $0x0  }
0xa6: {  	[sflag:s22] =	ssyncadd.s32 s4;
	_ =	sdelay $0x1  }
0xa7: {  	s23 =	simm.s32 $0x1B8B  }
0xa8: {  	_ =	swait.ge [sflag:s23], $0x1  }
0xa9: {  	[sflag:s23] =	ssyncset.done $0x0  }
0xaa: {  	s25 =	simm.s32 $0x1B8E;
	s24 =	sld [smem:$0x3FFE];
	[sflag:s23] =	ssyncadd.s32 $0xFFFFFFFF  }
0xab: {  	s26 =	simm.s32 $execute0_lowered;
	[smem:$0x3FD2] =	sst s25  }
0xac: {  	s5 =	sshll.u32 s26, $0x1;
	_ =	strace $0x8000004C;
	[dreg:$0x1] =	wrdreg $0xFFFFFFFF  }
0xad: {  	s28 =	simm.s32 $_size_execute0_lowered;
	s3 =	sadd.s32 s3, s5;
	[dreg:$0x0] =	wrdreg $0x0  }
0xae: {  	s5 =	sshll.u32 s28, $0x1;
	[dreg:$0x2] =	wrdreg s3  }
0xaf: {  	[dreg:$0x3] =	wrdreg s5  }
0xb0: {  	[dreg:$0x4] =	wrdreg $0xC0  }
0xb1: {  	_ =	task [dreg:s7], $0x5FFFF  }
0xb2: {  	[dreg:$0x1] =	wrdreg $0xFFFFFFFF  }
0xb3: {  	[dreg:$0x0] =	wrdreg $0x60  }
0xb4: {  	[dreg:$0x2] =	wrdreg s24  }
0xb5: {  	[dreg:$0x3] =	wrdreg s16  }
0xb6: {  	[dreg:$0x4] =	wrdreg $0x86000  }
0xb7: {  	[dreg:$0x5] =	wrdreg $0x9  }
0xb8: {  	_ =	task.clear_ibuf [dreg:s7], $0x6FFFF;
	_ =	strace $0x9000004C  }
0xb9: {  	s29 =	simm.s32 $0x9;
	_ =	strace $0x8000004E  }
0xba: {  	_ =	swait.ge [sflag:s29], $0x1  }
0xbb: {  	[sflag:s29] =	ssyncadd.s32 $0xFFFFFFFF  }
0xbc: {  	_ =	strace $0x9000004E  }
0xbd: {  	_ =	sfence  }
0xbe: {  	s30 =	sld [smem:$0x0];
	_ =	sdelay $0x2  }
0xbf: {  	s31 =	sshll.u32 s1, $0xD;
	s1 =	sshrl.u32 s1, $0x2  }
0xc0: {  	s3 =	sand.u32 $0x4000, s31;
	s1 =	sadd.s32 s1, s30  }
0xc1: {  	s0 =	sor.u32 s3, s0;
	s1 =	sshll.u32 s1, $0x11  }
0xc2: {  	s0 =	sor.u32 s1, s0  }
0xc3: {  	s0 =	sadd.s32 $0x8F2B, s0  }
0xc4: {  	[sflag:s0] =	ssyncadd.remote.s32 $0x1  }
0xc5: {  	_ =	sfence.sel $0xFFFF  }
0xc6: {  	[dreg:$0x0] =	wrdreg $0xFFFFFFFF;
	(pc) =	sbr.abs _section_cstart, $3  }
0xc7: {  	[dreg:$0x1] =	wrdreg $0xFFFFFFFF  }
0xc8: {  	_ =	task.clear_ibuf [dreg:s7], $0x2FFFF;
	_ =	strace $0x9FFFFFFF  }
0xc9: {  	(tm) =	ssettm $0x7FFFFFFF  }
tec
execute0_lowered:
.L_overlay_start_1:
0x0: {  	(tag) =	ssettag $0x1  }
0x1: {  	s0 =	srdreg.scid;
	s10 =	stileid.u32  }
0x2: {  	s3 =	rddreg [dreg:$0x0];
	s4 =	smul.u32 $0x1388, s10  }
0x3: {  	s5 =	rddreg [dreg:$0x1];
	s7 =	smul.u32 $0x14000, s10  }
0x4: {  	s1 =	simm.s32 $0x0;
	s0 =	sand.u32 $0x1, s0;
	s24 =	smul.u32 $0x50000, s10  }
0x5: {  	s31 =	simm.s32 $0x100;
	[smem:$0x7FF] =	sst s1;
	s2 =	smul.u32 $0x13880, s0  }
0x6: {  	s28 =	sadd.s32 $0x6D000, s3;
	s6 =	smul.u32 $0x640000, s0;
	s0 =	ssub.s32 $0x2, s0  }
0x7: {  	s25 =	sshrl.u32 s0, $0x1;
	s2 =	sadd.s32 s4, s2;
	s4 =	sadd.s32 $0x4800, s3  }
0x8: {  	s6 =	sadd.s32 s7, s6;
	s0 =	ssub.s32 s0, s25;
	s8 =	sshrl.u32 s2, $0x3  }
0x9: {  	s19 =	sadd.s32 $0x27100, s2;
	s20 =	sadd.s32 $0x4E200, s2;
	s22 =	sadd.s32 $0x75300, s2  }
0xa: {  	s2 =	sadd.s32 $0x9C400, s2;
	s25 =	sshrl.u32 s6, $0x3;
	s9 =	sadd.s32 $0x270, s8  }
0xb: {  	s11 =	sadd.s32 $0x5090, s8;
	s13 =	sadd.s32 $0x9EB0, s8;
	s26 =	sadd.s32 s4, s9  }
0xc: {  	s15 =	sadd.s32 $0xECD0, s8;
	s9 =	sadd.s32 s5, s9;
	[dreg:$0x4] =	wrdreg s26  }
0xd: {  	s17 =	sadd.s32 $0x13AF0, s8;
	s12 =	sadd.s32 s4, s11;
	[dreg:$0x5] =	wrdreg s9  }
0xe: {  	s21 =	sshrl.u32 s20, $0x3;
	s7 =	sadd.s32 s5, s11;
	[dreg:$0x6] =	wrdreg s12  }
0xf: {  	s23 =	sshrl.u32 s22, $0x3;
	s14 =	sadd.s32 s4, s13;
	[dreg:$0x7] =	wrdreg s7  }
0x10: {  	s2 =	sshrl.u32 s2, $0x3;
	s16 =	sadd.s32 s4, s15;
	[dreg:$0x8] =	wrdreg s14  }
0x11: {  	s18 =	sadd.s32 s4, s17;
	s22 =	sadd.s32 s2, s5;
	[dreg:$0xa] =	wrdreg s16  }
0x12: {  	s9 =	sadd.s32 s5, s13;
	s7 =	sadd.s32 s5, s15;
	[dreg:$0xc] =	wrdreg s18  }
0x13: {  	s12 =	sadd.s32 s8, s5;
	s16 =	sadd.s32 s21, s5;
	[dreg:$0x9] =	wrdreg s9  }
0x14: {  	s18 =	sadd.s32 s23, s5;
	[dreg:$0xb] =	wrdreg s7;
	s9 =	sadd.s32 s5, s17  }
0x15: {  	s7 =	sshrl.u32 s19, $0x3;
	s17 =	sadd.s32 s21, s4;
	s19 =	sadd.s32 s23, s4  }
0x16: {  	s21 =	rddreg [dreg:$0x2];
	s23 =	sadd.s32 s2, s4;
	s2 =	sadd.s32 s25, s3  }
0x17: {  	[dreg:$0xd] =	wrdreg s9;
	s14 =	sadd.s32 s7, s5;
	s5 =	sadd.s32 $0xE5000, s2  }
0x18: {  	s6 =	sadd.s32 $0x10D000, s2;
	_ =	strace $0x8000004D;
	[dreg:$0xe] =	wrdreg s5  }
0x19: {  	s15 =	sadd.s32 s7, s4;
	s7 =	sadd.s32 $0x135000, s2;
	[dreg:$0xf] =	wrdreg s6  }
0x1a: {  	s13 =	sadd.s32 s8, s4;
	s8 =	sadd.s32 $0x15D000, s2;
	[dreg:$0x10] =	wrdreg s7  }
0x1b: {  	s26 =	sshrl.u32 s24, $0x2;
	s2 =	sadd.s32 $0x185000, s2;
	[dreg:$0x11] =	wrdreg s8  }
0x1c: {  	s0 =	smax.u32 s0, $0x1;
	s24 =	sadd.s32 s26, s21;
	[dreg:$0x12] =	wrdreg s2  }
0x1d: {  	s29 =	sadd.s32 $0x95000, s3;
	[dreg:$0x13] =	wrdreg s0;
	s9 =	sadd.s32 $0x4000, s24  }
0x1e: {  	s30 =	sadd.s32 $0xBD000, s3;
	s10 =	sadd.s32 $0x8000, s24;
	[dreg:$0x14] =	wrdreg s9  }
0x1f: {  	s25 =	sadd.s32 $0x1D000, s3;
	s11 =	sadd.s32 $0xC000, s24;
	[dreg:$0x15] =	wrdreg s10  }
0x20: {  	s26 =	sadd.s32 $0x45000, s3;
	s20 =	sadd.s32 $0x10000, s24;
	[dreg:$0x16] =	wrdreg s11  }
0x21: {  	s5 =	simm.s32 $0x0;
	[dreg:$0x17] =	wrdreg s20;
	s9 =	simm.s32 $0x4600  }
0x22: {  	v0 =	vimm.f32 $0.0e+00;
	s10 =	simm.s32 $0x2;
	s11 =	simm.s32 $0x80;
	s20 =	simm.s32 $0x1  }
.LBB2_1:
0x23: {  	s0 =	sand.u32 $0xFE00, s1  }
0x24: {  	s7 =	sand.u32 $0x70, s1;
	s0 =	sshrl.u32 s0, $0x2  }
0x25: {  	s6 =	simm.s32 $0x40;
	s0 =	sor.u32 s7, s0;
	s7 =	simm.s32 $0x0  }
.LBB2_2:
0x26: {  	p0 =	sne.s32 s6, $0xFFC0  }
0x27: {  	[tilespmem:s0+$0x4600] =	vst v0;
	s7 =	sadd.s32 $0x10, s7;
	s0 =	smov.u32 s6;
	s6 =	sadd.s32 $0x40, s6  }
.Ltmp0:
0x28: {  	(pc) =	sbr.rel @p0 .LBB2_2-.Ltmp0, $4  }
0x29: {  	_ = 	snop  }
0x2a: {  	s0 =	sand.u32 $0xFE00, s0  }
0x2b: {  	s8 =	sand.u32 $0x70, s7;
	s0 =	sshrl.u32 s0, $0x2  }
0x2c: {  	s0 =	sor.u32 s8, s0  }
0x2d: {  	[tilespmem:s0+$0x4600] =	vst v0  }
0x2e: {  	[spmem:s24] =	stream.linear.scatter [tilespmem:s9], [sflag:$0x2], $0x4000, $0x38;
	[tilespmem:$0x1C600] =	vst v63  }
0x2f: {  	_ =	swait.ge [sflag:s10], $0x4000  }
0x30: {  	[sflag:s10] =	ssyncset.done $0x0  }
0x31: {  	s2 =	rddreg [dreg:$0x14];
	[sflag:s10] =	ssyncadd.s32 $0xFFFFC000  }
0x32: {  	[spmem:s2] =	stream.linear.scatter [tilespmem:s9], [sflag:$0x2], $0x4000, $0x38;
	[tilespmem:$0x1C600] =	vst v63  }
0x33: {  	_ =	swait.ge [sflag:s10], $0x4000  }
0x34: {  	[sflag:s10] =	ssyncset.done $0x0  }
0x35: {  	s3 =	rddreg [dreg:$0x15];
	[sflag:s10] =	ssyncadd.s32 $0xFFFFC000  }
0x36: {  	[spmem:s3] =	stream.linear.scatter [tilespmem:s9], [sflag:$0x2], $0x4000, $0x38;
	[tilespmem:$0x1C600] =	vst v63  }
0x37: {  	_ =	swait.ge [sflag:s10], $0x4000  }
0x38: {  	[sflag:s10] =	ssyncset.done $0x0  }
0x39: {  	s4 =	rddreg [dreg:$0x16];
	[sflag:s10] =	ssyncadd.s32 $0xFFFFC000  }
0x3a: {  	[spmem:s4] =	stream.linear.scatter [tilespmem:s9], [sflag:$0x2], $0x4000, $0x38;
	[tilespmem:$0x1C600] =	vst v63  }
0x3b: {  	_ =	swait.ge [sflag:s10], $0x4000  }
0x3c: {  	[sflag:s10] =	ssyncset.done $0x0  }
0x3d: {  	s6 =	rddreg [dreg:$0x17];
	[sflag:s10] =	ssyncadd.s32 $0xFFFFC000  }
0x3e: {  	[spmem:s6] =	stream.linear.scatter [tilespmem:s9], [sflag:$0x2], $0x4000, $0x38;
	[tilespmem:$0x1C600] =	vst v63  }
0x3f: {  	_ =	swait.ge [sflag:s10], $0x4000  }
0x40: {  	[sflag:s10] =	ssyncset.done $0x0  }
0x41: {  	[sflag:s10] =	ssyncadd.s32 $0xFFFFC000  }
0x42: {  	s7 =	sadd.s32 $0x0, s13;
	[bflag:$0x0] =	sbarrier.arrive $0xFFFF  }
0x43: {  	[tilespmem:s1], [sflag:$0x2] =	stream.linear.gather [hbm4b:s7+s1], $0x80, $0x38;
	[tilespmem:$0x1C600] =	vst v63  }
0x44: {  	_ =	swait.ge [sflag:s10], $0x80  }
0x45: {  	[sflag:s10] =	ssyncset.done $0x0  }
0x46: {  	s8 =	sadd.s32 $0x0, s12;
	[sflag:s10] =	ssyncadd.s32 $0xFFFFFF80  }
0x47: {  	[tilespmem:s11], [sflag:$0x2] =	stream.linear.gather [hbm4b:s8+s1], $0x80, $0x38;
	[tilespmem:$0x1C600] =	vst v63  }
0x48: {  	_ =	swait.ge [sflag:s10], $0x80  }
0x49: {  	[sflag:s10] =	ssyncset.done $0x0  }
0x4a: {  	[sflag:s10] =	ssyncadd.s32 $0xFFFFFF80  }
0x4b: {  	[tilespmem:s31], [sflag:$0x1] =	stream.indirect.gather [hbm4b:s25+s11], $0x80, s1, s11, $0xb8;
	[tilespmem:$0x1C600] =	vst v63  }
0x4c: {  	_ =	swait.ge [sflag:s20], $0x4000  }
0x4d: {  	[sflag:s20] =	ssyncset.done $0x0  }
0x4e: {  	[sflag:s20] =	ssyncadd.s32 $0xFFFFC000  }
0x4f: {  	[spmem:s21] =	stream.indirect.scatter.add.f32 [tilespmem:s31], [sflag:$0x2], $0x80, s11, s11, $0xb8;
	[tilespmem:$0x1C600] =	vst v63  }
0x50: {  	_ =	swait.ge [sflag:s10], $0x4000  }
0x51: {  	s6 =	simm.s32 $0x10;
	s7 =	simm.s32 $0x20;
	[sflag:s10] =	ssyncset.done $0x0  }
.LBB2_4:
0x52: {  	s0 =	sadd.s32 s6, s13  }
0x53: {  	[sflag:s10] =	ssyncadd.s32 $0xFFFFC000;
	s8 =	smov.u32 s7;
	s2 =	sadd.s32 $0x10, s7  }
0x54: {  	[tilespmem:s1], [sflag:$0x2] =	stream.linear.gather [hbm4b:s0+s1], $0x80, $0x38;
	[tilespmem:$0x1C600] =	vst v63  }
0x55: {  	p0 =	sne.s32 s7, $0x260;
	_ =	swait.ge [sflag:s10], $0x80  }
0x56: {  	[sflag:s10] =	ssyncset.done $0x0  }
0x57: {  	s0 =	sadd.s32 s6, s12;
	s6 =	smov.u32 s8;
	[sflag:s10] =	ssyncadd.s32 $0xFFFFFF80  }
0x58: {  	[tilespmem:s11], [sflag:$0x2] =	stream.linear.gather [hbm4b:s0+s1], $0x80, $0x38;
	[tilespmem:$0x1C600] =	vst v63  }
0x59: {  	_ =	swait.ge [sflag:s10], $0x80  }
0x5a: {  	[sflag:s10] =	ssyncset.done $0x0  }
0x5b: {  	[sflag:s10] =	ssyncadd.s32 $0xFFFFFF80  }
0x5c: {  	[tilespmem:s31], [sflag:$0x1] =	stream.indirect.gather [hbm4b:s25+s11], $0x80, s1, s11, $0xb8;
	[tilespmem:$0x1C600] =	vst v63  }
0x5d: {  	_ =	swait.ge [sflag:s20], $0x4000  }
.Ltmp1:
0x5e: {  	[sflag:s20] =	ssyncset.done $0x0;
	(pc) =	sbr.rel @p0 .LBB2_4-.Ltmp1, $4  }
0x5f: {  	[sflag:s20] =	ssyncadd.s32 $0xFFFFC000  }
0x60: {  	[spmem:s21] =	stream.indirect.scatter.add.f32 [tilespmem:s31], [sflag:$0x2], $0x80, s11, s11, $0xb8;
	[tilespmem:$0x1C600] =	vst v63  }
0x61: {  	_ =	swait.ge [sflag:s10], $0x4000  }
0x62: {  	s7 =	smov.u32 s2;
	[sflag:s10] =	ssyncset.done $0x0  }
0x63: {  	s0 =	sadd.s32 s6, s13;
	[sflag:s10] =	ssyncadd.s32 $0xFFFFC000  }
0x64: {  	[tilespmem:s1], [sflag:$0x2] =	stream.linear.gather [hbm4b:s0+s1], $0x80, $0x38;
	[tilespmem:$0x1C600] =	vst v63  }
0x65: {  	_ =	swait.ge [sflag:s10], $0x80  }
0x66: {  	[sflag:s10] =	ssyncset.done $0x0  }
0x67: {  	s7 =	sadd.s32 s6, s12;
	[sflag:s10] =	ssyncadd.s32 $0xFFFFFF80  }
0x68: {  	[tilespmem:s11], [sflag:$0x2] =	stream.linear.gather [hbm4b:s7+s1], $0x80, $0x38;
	[tilespmem:$0x1C600] =	vst v63  }
0x69: {  	_ =	swait.ge [sflag:s10], $0x80  }
0x6a: {  	[sflag:s10] =	ssyncset.done $0x0  }
0x6b: {  	[sflag:s10] =	ssyncadd.s32 $0xFFFFFF80  }
0x6c: {  	[tilespmem:s31], [sflag:$0x1] =	stream.indirect.gather [hbm4b:s25+s11], $0x80, s1, s11, $0xb8;
	[tilespmem:$0x1C600] =	vst v63  }
0x6d: {  	_ =	swait.ge [sflag:s20], $0x4000  }
0x6e: {  	[sflag:s20] =	ssyncset.done $0x0  }
0x6f: {  	[sflag:s20] =	ssyncadd.s32 $0xFFFFC000  }
0x70: {  	[spmem:s21] =	stream.indirect.scatter.add.f32 [tilespmem:s31], [sflag:$0x2], $0x80, s11, s11, $0xb8;
	[tilespmem:$0x1C600] =	vst v63  }
0x71: {  	_ =	swait.ge [sflag:s10], $0x4000  }
0x72: {  	s8 =	simm.s32 $0x0;
	[sflag:s10] =	ssyncset.done $0x0  }
0x73: {  	s3 =	simm.s32 $0x4100;
	s2 =	rddreg [dreg:$0x4];
	[sflag:s10] =	ssyncadd.s32 $0xFFFFC000  }
0x74: {  	[tilespmem:s3], [sflag:$0x2] =	stream.linear.gather [hbm4b:s2+s8], $0x8, $0x38;
	[tilespmem:$0x1C600] =	vst v63  }
0x75: {  	_ =	swait.ge [sflag:s10], $0x8  }
0x76: {  	[sflag:s10] =	ssyncset.done $0x0  }
0x77: {  	s4 =	simm.s32 $0x4180;
	s6 =	rddreg [dreg:$0x5];
	[sflag:s10] =	ssyncadd.s32 $0xFFFFFFF8  }
0x78: {  	[tilespmem:s4], [sflag:$0x2] =	stream.linear.gather [hbm4b:s6+s8], $0x8, $0x38;
	[tilespmem:$0x1C600] =	vst v63  }
0x79: {  	_ =	swait.ge [sflag:s10], $0x8  }
0x7a: {  	[sflag:s10] =	ssyncset.done $0x0  }
0x7b: {  	s7 =	simm.s32 $0x8;
	s8 =	simm.s32 $0x4200;
	[sflag:s10] =	ssyncadd.s32 $0xFFFFFFF8  }
0x7c: {  	[tilespmem:s8], [sflag:$0x1] =	stream.indirect.gather [hbm4b:s25+s7], $0x80, s3, s7, $0xb8;
	[tilespmem:$0x1C600] =	vst v63  }
0x7d: {  	_ =	swait.ge [sflag:s20], $0x400  }
0x7e: {  	[sflag:s20] =	ssyncset.done $0x0  }
0x7f: {  	[sflag:s20] =	ssyncadd.s32 $0xFFFFFC00  }
0x80: {  	[spmem:s21] =	stream.indirect.scatter.add.f32 [tilespmem:s8], [sflag:$0x2], $0x80, s4, s7, $0xb8;
	[tilespmem:$0x1C600] =	vst v63  }
0x81: {  	_ =	swait.ge [sflag:s10], $0x400  }
0x82: {  	[sflag:s10] =	ssyncset.done $0x0  }
0x83: {  	s2 =	stileid.u32;
	[sflag:s10] =	ssyncadd.s32 $0xFFFFFC00  }
0x84: {  	s0 =	sshll.u32 s2, $0x6;
	[bflag:$0x0] =	sbarrier.arrive $0xFFFF  }
0x85: {  	s6 =	sor.u32 $0x1C02, s0;
	s7 =	sshrl.u32 s24, $0x3;
	s3 =	rddreg [dreg:$0xe]  }
0x86: {  	[hbm:s3], [sflag:s6] =	dma.local [spmem:s7], $0x2800  }
0x87: {  	_ =	swait.ge [sflag:s10], $0x2800  }
0x88: {  	[sflag:s10] =	ssyncset.done $0x0  }
0x89: {  	[sflag:s10] =	ssyncadd.s32 $0xFFFFD800  }
0x8a: {  	[spmem:s24] =	stream.linear.scatter [tilespmem:s9], [sflag:$0x2], $0x4000, $0x38;
	[tilespmem:$0x1C600] =	vst v63  }
0x8b: {  	_ =	swait.ge [sflag:s10], $0x4000  }
0x8c: {  	[sflag:s10] =	ssyncset.done $0x0  }
0x8d: {  	s4 =	rddreg [dreg:$0x14];
	[sflag:s10] =	ssyncadd.s32 $0xFFFFC000  }
0x8e: {  	[spmem:s4] =	stream.linear.scatter [tilespmem:s9], [sflag:$0x2], $0x4000, $0x38;
	[tilespmem:$0x1C600] =	vst v63  }
0x8f: {  	_ =	swait.ge [sflag:s10], $0x4000  }
0x90: {  	[sflag:s10] =	ssyncset.done $0x0  }
0x91: {  	s8 =	rddreg [dreg:$0x15];
	[sflag:s10] =	ssyncadd.s32 $0xFFFFC000  }
0x92: {  	[spmem:s8] =	stream.linear.scatter [tilespmem:s9], [sflag:$0x2], $0x4000, $0x38;
	[tilespmem:$0x1C600] =	vst v63  }
0x93: {  	_ =	swait.ge [sflag:s10], $0x4000  }
0x94: {  	[sflag:s10] =	ssyncset.done $0x0  }
0x95: {  	s2 =	rddreg [dreg:$0x16];
	[sflag:s10] =	ssyncadd.s32 $0xFFFFC000  }
0x96: {  	[spmem:s2] =	stream.linear.scatter [tilespmem:s9], [sflag:$0x2], $0x4000, $0x38;
	[tilespmem:$0x1C600] =	vst v63  }
0x97: {  	_ =	swait.ge [sflag:s10], $0x4000  }
0x98: {  	[sflag:s10] =	ssyncset.done $0x0  }
0x99: {  	s3 =	rddreg [dreg:$0x17];
	[sflag:s10] =	ssyncadd.s32 $0xFFFFC000  }
0x9a: {  	[spmem:s3] =	stream.linear.scatter [tilespmem:s9], [sflag:$0x2], $0x4000, $0x38;
	[tilespmem:$0x1C600] =	vst v63  }
0x9b: {  	_ =	swait.ge [sflag:s10], $0x4000  }
0x9c: {  	[sflag:s10] =	ssyncset.done $0x0  }
0x9d: {  	[sflag:s10] =	ssyncadd.s32 $0xFFFFC000  }
0x9e: {  	s4 =	sadd.s32 $0x0, s15;
	[bflag:$0x0] =	sbarrier.arrive $0xFFFF  }
0x9f: {  	[tilespmem:s1], [sflag:$0x2] =	stream.linear.gather [hbm4b:s4+s1], $0x80, $0x38;
	[tilespmem:$0x1C600] =	vst v63  }
0xa0: {  	_ =	swait.ge [sflag:s10], $0x80  }
0xa1: {  	[sflag:s10] =	ssyncset.done $0x0  }
0xa2: {  	s8 =	sadd.s32 $0x0, s14;
	[sflag:s10] =	ssyncadd.s32 $0xFFFFFF80  }
0xa3: {  	[tilespmem:s11], [sflag:$0x2] =	stream.linear.gather [hbm4b:s8+s1], $0x80, $0x38;
	[tilespmem:$0x1C600] =	vst v63  }
0xa4: {  	_ =	swait.ge [sflag:s10], $0x80  }
0xa5: {  	[sflag:s10] =	ssyncset.done $0x0  }
0xa6: {  	[sflag:s10] =	ssyncadd.s32 $0xFFFFFF80  }
0xa7: {  	[tilespmem:s31], [sflag:$0x1] =	stream.indirect.gather [hbm4b:s26+s11], $0x80, s1, s11, $0xb8;
	[tilespmem:$0x1C600] =	vst v63  }
0xa8: {  	_ =	swait.ge [sflag:s20], $0x4000  }
0xa9: {  	[sflag:s20] =	ssyncset.done $0x0  }
0xaa: {  	[sflag:s20] =	ssyncadd.s32 $0xFFFFC000  }
0xab: {  	[spmem:s21] =	stream.indirect.scatter.add.f32 [tilespmem:s31], [sflag:$0x2], $0x80, s11, s11, $0xb8;
	[tilespmem:$0x1C600] =	vst v63  }
0xac: {  	_ =	swait.ge [sflag:s10], $0x4000  }
0xad: {  	s0 =	simm.s32 $0x20;
	s8 =	simm.s32 $0x10;
	[sflag:s10] =	ssyncset.done $0x0  }
.LBB2_6:
0xae: {  	s2 =	sadd.s32 s8, s15  }
0xaf: {  	[sflag:s10] =	ssyncadd.s32 $0xFFFFC000;
	s3 =	smov.u32 s0;
	s4 =	sadd.s32 $0x10, s0  }
0xb0: {  	[tilespmem:s1], [sflag:$0x2] =	stream.linear.gather [hbm4b:s2+s1], $0x80, $0x38;
	[tilespmem:$0x1C600] =	vst v63  }
0xb1: {  	p0 =	sne.s32 s0, $0x260;
	_ =	swait.ge [sflag:s10], $0x80  }
0xb2: {  	[sflag:s10] =	ssyncset.done $0x0  }
0xb3: {  	s0 =	sadd.s32 s8, s14;
	s8 =	smov.u32 s3;
	[sflag:s10] =	ssyncadd.s32 $0xFFFFFF80  }
0xb4: {  	[tilespmem:s11], [sflag:$0x2] =	stream.linear.gather [hbm4b:s0+s1], $0x80, $0x38;
	[tilespmem:$0x1C600] =	vst v63  }
0xb5: {  	_ =	swait.ge [sflag:s10], $0x80  }
0xb6: {  	[sflag:s10] =	ssyncset.done $0x0  }
0xb7: {  	[sflag:s10] =	ssyncadd.s32 $0xFFFFFF80  }
0xb8: {  	[tilespmem:s31], [sflag:$0x1] =	stream.indirect.gather [hbm4b:s26+s11], $0x80, s1, s11, $0xb8;
	[tilespmem:$0x1C600] =	vst v63  }
0xb9: {  	_ =	swait.ge [sflag:s20], $0x4000  }
.Ltmp2:
0xba: {  	[sflag:s20] =	ssyncset.done $0x0;
	(pc) =	sbr.rel @p0 .LBB2_6-.Ltmp2, $4  }
0xbb: {  	[sflag:s20] =	ssyncadd.s32 $0xFFFFC000  }
0xbc: {  	[spmem:s21] =	stream.indirect.scatter.add.f32 [tilespmem:s31], [sflag:$0x2], $0x80, s11, s11, $0xb8;
	[tilespmem:$0x1C600] =	vst v63  }
0xbd: {  	_ =	swait.ge [sflag:s10], $0x4000  }
0xbe: {  	s0 =	smov.u32 s4;
	[sflag:s10] =	ssyncset.done $0x0  }
0xbf: {  	s0 =	sadd.s32 s8, s15;
	[sflag:s10] =	ssyncadd.s32 $0xFFFFC000  }
0xc0: {  	[tilespmem:s1], [sflag:$0x2] =	stream.linear.gather [hbm4b:s0+s1], $0x80, $0x38;
	[tilespmem:$0x1C600] =	vst v63  }
0xc1: {  	_ =	swait.ge [sflag:s10], $0x80  }
0xc2: {  	[sflag:s10] =	ssyncset.done $0x0  }
0xc3: {  	s4 =	sadd.s32 s8, s14;
	[sflag:s10] =	ssyncadd.s32 $0xFFFFFF80  }
0xc4: {  	[tilespmem:s11], [sflag:$0x2] =	stream.linear.gather [hbm4b:s4+s1], $0x80, $0x38;
	[tilespmem:$0x1C600] =	vst v63  }
0xc5: {  	_ =	swait.ge [sflag:s10], $0x80  }
0xc6: {  	[sflag:s10] =	ssyncset.done $0x0  }
0xc7: {  	[sflag:s10] =	ssyncadd.s32 $0xFFFFFF80  }
0xc8: {  	[tilespmem:s31], [sflag:$0x1] =	stream.indirect.gather [hbm4b:s26+s11], $0x80, s1, s11, $0xb8;
	[tilespmem:$0x1C600] =	vst v63  }
0xc9: {  	_ =	swait.ge [sflag:s20], $0x4000  }
0xca: {  	[sflag:s20] =	ssyncset.done $0x0  }
0xcb: {  	[sflag:s20] =	ssyncadd.s32 $0xFFFFC000  }
0xcc: {  	[spmem:s21] =	stream.indirect.scatter.add.f32 [tilespmem:s31], [sflag:$0x2], $0x80, s11, s11, $0xb8;
	[tilespmem:$0x1C600] =	vst v63  }
0xcd: {  	_ =	swait.ge [sflag:s10], $0x4000  }
0xce: {  	s3 =	simm.s32 $0x4100;
	[sflag:s10] =	ssyncset.done $0x0  }
0xcf: {  	s0 =	simm.s32 $0x0;
	s2 =	rddreg [dreg:$0x6];
	[sflag:s10] =	ssyncadd.s32 $0xFFFFC000  }
0xd0: {  	[tilespmem:s3], [sflag:$0x2] =	stream.linear.gather [hbm4b:s2+s0], $0x8, $0x38;
	[tilespmem:$0x1C600] =	vst v63  }
0xd1: {  	_ =	swait.ge [sflag:s10], $0x8  }
0xd2: {  	[sflag:s10] =	ssyncset.done $0x0  }
0xd3: {  	s4 =	simm.s32 $0x4180;
	s8 =	rddreg [dreg:$0x7];
	[sflag:s10] =	ssyncadd.s32 $0xFFFFFFF8  }
0xd4: {  	[tilespmem:s4], [sflag:$0x2] =	stream.linear.gather [hbm4b:s8+s0], $0x8, $0x38;
	[tilespmem:$0x1C600] =	vst v63  }
0xd5: {  	_ =	swait.ge [sflag:s10], $0x8  }
0xd6: {  	[sflag:s10] =	ssyncset.done $0x0  }
0xd7: {  	s2 =	simm.s32 $0x8;
	s8 =	simm.s32 $0x4200;
	[sflag:s10] =	ssyncadd.s32 $0xFFFFFFF8  }
0xd8: {  	[tilespmem:s8], [sflag:$0x1] =	stream.indirect.gather [hbm4b:s26+s2], $0x80, s3, s2, $0xb8;
	[tilespmem:$0x1C600] =	vst v63  }
0xd9: {  	_ =	swait.ge [sflag:s20], $0x400  }
0xda: {  	[sflag:s20] =	ssyncset.done $0x0  }
0xdb: {  	[sflag:s20] =	ssyncadd.s32 $0xFFFFFC00  }
0xdc: {  	[spmem:s21] =	stream.indirect.scatter.add.f32 [tilespmem:s8], [sflag:$0x2], $0x80, s4, s2, $0xb8;
	[tilespmem:$0x1C600] =	vst v63  }
0xdd: {  	_ =	swait.ge [sflag:s10], $0x400  }
0xde: {  	[sflag:s10] =	ssyncset.done $0x0  }
0xdf: {  	[sflag:s10] =	ssyncadd.s32 $0xFFFFFC00  }
0xe0: {  	[bflag:$0x0] =	sbarrier.arrive $0xFFFF  }
0xe1: {  	s3 =	rddreg [dreg:$0xf]  }
0xe2: {  	[hbm:s3], [sflag:s6] =	dma.local [spmem:s7], $0x2800  }
0xe3: {  	_ =	swait.ge [sflag:s10], $0x2800  }
0xe4: {  	[sflag:s10] =	ssyncset.done $0x0  }
0xe5: {  	[sflag:s10] =	ssyncadd.s32 $0xFFFFD800  }
0xe6: {  	[spmem:s24] =	stream.linear.scatter [tilespmem:s9], [sflag:$0x2], $0x4000, $0x38;
	[tilespmem:$0x1C600] =	vst v63  }
0xe7: {  	_ =	swait.ge [sflag:s10], $0x4000  }
0xe8: {  	[sflag:s10] =	ssyncset.done $0x0  }
0xe9: {  	s4 =	rddreg [dreg:$0x14];
	[sflag:s10] =	ssyncadd.s32 $0xFFFFC000  }
0xea: {  	[spmem:s4] =	stream.linear.scatter [tilespmem:s9], [sflag:$0x2], $0x4000, $0x38;
	[tilespmem:$0x1C600] =	vst v63  }
0xeb: {  	_ =	swait.ge [sflag:s10], $0x4000  }
0xec: {  	[sflag:s10] =	ssyncset.done $0x0  }
0xed: {  	s8 =	rddreg [dreg:$0x15];
	[sflag:s10] =	ssyncadd.s32 $0xFFFFC000  }
0xee: {  	[spmem:s8] =	stream.linear.scatter [tilespmem:s9], [sflag:$0x2], $0x4000, $0x38;
	[tilespmem:$0x1C600] =	vst v63  }
0xef: {  	_ =	swait.ge [sflag:s10], $0x4000  }
0xf0: {  	[sflag:s10] =	ssyncset.done $0x0  }
0xf1: {  	s2 =	rddreg [dreg:$0x16];
	[sflag:s10] =	ssyncadd.s32 $0xFFFFC000  }
0xf2: {  	[spmem:s2] =	stream.linear.scatter [tilespmem:s9], [sflag:$0x2], $0x4000, $0x38;
	[tilespmem:$0x1C600] =	vst v63  }
0xf3: {  	_ =	swait.ge [sflag:s10], $0x4000  }
0xf4: {  	[sflag:s10] =	ssyncset.done $0x0  }
0xf5: {  	s3 =	rddreg [dreg:$0x17];
	[sflag:s10] =	ssyncadd.s32 $0xFFFFC000  }
0xf6: {  	[spmem:s3] =	stream.linear.scatter [tilespmem:s9], [sflag:$0x2], $0x4000, $0x38;
	[tilespmem:$0x1C600] =	vst v63  }
0xf7: {  	_ =	swait.ge [sflag:s10], $0x4000  }
0xf8: {  	[sflag:s10] =	ssyncset.done $0x0  }
0xf9: {  	[sflag:s10] =	ssyncadd.s32 $0xFFFFC000  }
0xfa: {  	s4 =	sadd.s32 $0x0, s17;
	[bflag:$0x0] =	sbarrier.arrive $0xFFFF  }
0xfb: {  	[tilespmem:s1], [sflag:$0x2] =	stream.linear.gather [hbm4b:s4+s1], $0x80, $0x38;
	[tilespmem:$0x1C600] =	vst v63  }
0xfc: {  	_ =	swait.ge [sflag:s10], $0x80  }
0xfd: {  	[sflag:s10] =	ssyncset.done $0x0  }
0xfe: {  	s8 =	sadd.s32 $0x0, s16;
	[sflag:s10] =	ssyncadd.s32 $0xFFFFFF80  }
0xff: {  	[tilespmem:s11], [sflag:$0x2] =	stream.linear.gather [hbm4b:s8+s1], $0x80, $0x38;
	[tilespmem:$0x1C600] =	vst v63  }
0x100: {  	_ =	swait.ge [sflag:s10], $0x80  }
0x101: {  	[sflag:s10] =	ssyncset.done $0x0  }
0x102: {  	[sflag:s10] =	ssyncadd.s32 $0xFFFFFF80  }
0x103: {  	[tilespmem:s31], [sflag:$0x1] =	stream.indirect.gather [hbm4b:s28+s11], $0x80, s1, s11, $0xb8;
	[tilespmem:$0x1C600] =	vst v63  }
0x104: {  	_ =	swait.ge [sflag:s20], $0x4000  }
0x105: {  	[sflag:s20] =	ssyncset.done $0x0  }
0x106: {  	[sflag:s20] =	ssyncadd.s32 $0xFFFFC000  }
0x107: {  	[spmem:s21] =	stream.indirect.scatter.add.f32 [tilespmem:s31], [sflag:$0x2], $0x80, s11, s11, $0xb8;
	[tilespmem:$0x1C600] =	vst v63  }
0x108: {  	_ =	swait.ge [sflag:s10], $0x4000  }
0x109: {  	s0 =	simm.s32 $0x20;
	s8 =	simm.s32 $0x10;
	[sflag:s10] =	ssyncset.done $0x0  }
.LBB2_8:
0x10a: {  	s2 =	sadd.s32 s8, s17  }
0x10b: {  	[sflag:s10] =	ssyncadd.s32 $0xFFFFC000;
	s3 =	smov.u32 s0;
	s4 =	sadd.s32 $0x10, s0  }
0x10c: {  	[tilespmem:s1], [sflag:$0x2] =	stream.linear.gather [hbm4b:s2+s1], $0x80, $0x38;
	[tilespmem:$0x1C600] =	vst v63  }
0x10d: {  	p0 =	sne.s32 s0, $0x260;
	_ =	swait.ge [sflag:s10], $0x80  }
0x10e: {  	[sflag:s10] =	ssyncset.done $0x0  }
0x10f: {  	s0 =	sadd.s32 s8, s16;
	s8 =	smov.u32 s3;
	[sflag:s10] =	ssyncadd.s32 $0xFFFFFF80  }
0x110: {  	[tilespmem:s11], [sflag:$0x2] =	stream.linear.gather [hbm4b:s0+s1], $0x80, $0x38;
	[tilespmem:$0x1C600] =	vst v63  }
0x111: {  	_ =	swait.ge [sflag:s10], $0x80  }
0x112: {  	[sflag:s10] =	ssyncset.done $0x0  }
0x113: {  	[sflag:s10] =	ssyncadd.s32 $0xFFFFFF80  }
0x114: {  	[tilespmem:s31], [sflag:$0x1] =	stream.indirect.gather [hbm4b:s28+s11], $0x80, s1, s11, $0xb8;
	[tilespmem:$0x1C600] =	vst v63  }
0x115: {  	_ =	swait.ge [sflag:s20], $0x4000  }
.Ltmp3:
0x116: {  	[sflag:s20] =	ssyncset.done $0x0;
	(pc) =	sbr.rel @p0 .LBB2_8-.Ltmp3, $4  }
0x117: {  	[sflag:s20] =	ssyncadd.s32 $0xFFFFC000  }
0x118: {  	[spmem:s21] =	stream.indirect.scatter.add.f32 [tilespmem:s31], [sflag:$0x2], $0x80, s11, s11, $0xb8;
	[tilespmem:$0x1C600] =	vst v63  }
0x119: {  	_ =	swait.ge [sflag:s10], $0x4000  }
0x11a: {  	s0 =	smov.u32 s4;
	[sflag:s10] =	ssyncset.done $0x0  }
0x11b: {  	s0 =	sadd.s32 s8, s17;
	[sflag:s10] =	ssyncadd.s32 $0xFFFFC000  }
0x11c: {  	[tilespmem:s1], [sflag:$0x2] =	stream.linear.gather [hbm4b:s0+s1], $0x80, $0x38;
	[tilespmem:$0x1C600] =	vst v63  }
0x11d: {  	_ =	swait.ge [sflag:s10], $0x80  }
0x11e: {  	[sflag:s10] =	ssyncset.done $0x0  }
0x11f: {  	s4 =	sadd.s32 s8, s16;
	[sflag:s10] =	ssyncadd.s32 $0xFFFFFF80  }
0x120: {  	[tilespmem:s11], [sflag:$0x2] =	stream.linear.gather [hbm4b:s4+s1], $0x80, $0x38;
	[tilespmem:$0x1C600] =	vst v63  }
0x121: {  	_ =	swait.ge [sflag:s10], $0x80  }
0x122: {  	[sflag:s10] =	ssyncset.done $0x0  }
0x123: {  	[sflag:s10] =	ssyncadd.s32 $0xFFFFFF80  }
0x124: {  	[tilespmem:s31], [sflag:$0x1] =	stream.indirect.gather [hbm4b:s28+s11], $0x80, s1, s11, $0xb8;
	[tilespmem:$0x1C600] =	vst v63  }
0x125: {  	_ =	swait.ge [sflag:s20], $0x4000  }
0x126: {  	[sflag:s20] =	ssyncset.done $0x0  }
0x127: {  	[sflag:s20] =	ssyncadd.s32 $0xFFFFC000  }
0x128: {  	[spmem:s21] =	stream.indirect.scatter.add.f32 [tilespmem:s31], [sflag:$0x2], $0x80, s11, s11, $0xb8;
	[tilespmem:$0x1C600] =	vst v63  }
0x129: {  	_ =	swait.ge [sflag:s10], $0x4000  }
0x12a: {  	s3 =	simm.s32 $0x4100;
	[sflag:s10] =	ssyncset.done $0x0  }
0x12b: {  	s0 =	simm.s32 $0x0;
	s2 =	rddreg [dreg:$0x8];
	[sflag:s10] =	ssyncadd.s32 $0xFFFFC000  }
0x12c: {  	[tilespmem:s3], [sflag:$0x2] =	stream.linear.gather [hbm4b:s2+s0], $0x8, $0x38;
	[tilespmem:$0x1C600] =	vst v63  }
0x12d: {  	_ =	swait.ge [sflag:s10], $0x8  }
0x12e: {  	[sflag:s10] =	ssyncset.done $0x0  }
0x12f: {  	s4 =	simm.s32 $0x4180;
	s8 =	rddreg [dreg:$0x9];
	[sflag:s10] =	ssyncadd.s32 $0xFFFFFFF8  }
0x130: {  	[tilespmem:s4], [sflag:$0x2] =	stream.linear.gather [hbm4b:s8+s0], $0x8, $0x38;
	[tilespmem:$0x1C600] =	vst v63  }
0x131: {  	_ =	swait.ge [sflag:s10], $0x8  }
0x132: {  	[sflag:s10] =	ssyncset.done $0x0  }
0x133: {  	s2 =	simm.s32 $0x8;
	s8 =	simm.s32 $0x4200;
	[sflag:s10] =	ssyncadd.s32 $0xFFFFFFF8  }
0x134: {  	[tilespmem:s8], [sflag:$0x1] =	stream.indirect.gather [hbm4b:s28+s2], $0x80, s3, s2, $0xb8;
	[tilespmem:$0x1C600] =	vst v63  }
0x135: {  	_ =	swait.ge [sflag:s20], $0x400  }
0x136: {  	[sflag:s20] =	ssyncset.done $0x0  }
0x137: {  	[sflag:s20] =	ssyncadd.s32 $0xFFFFFC00  }
0x138: {  	[spmem:s21] =	stream.indirect.scatter.add.f32 [tilespmem:s8], [sflag:$0x2], $0x80, s4, s2, $0xb8;
	[tilespmem:$0x1C600] =	vst v63  }
0x139: {  	_ =	swait.ge [sflag:s10], $0x400  }
0x13a: {  	[sflag:s10] =	ssyncset.done $0x0  }
0x13b: {  	[sflag:s10] =	ssyncadd.s32 $0xFFFFFC00  }
0x13c: {  	[bflag:$0x0] =	sbarrier.arrive $0xFFFF  }
0x13d: {  	s3 =	rddreg [dreg:$0x10]  }
0x13e: {  	[hbm:s3], [sflag:s6] =	dma.local [spmem:s7], $0x2800  }
0x13f: {  	_ =	swait.ge [sflag:s10], $0x2800  }
0x140: {  	[sflag:s10] =	ssyncset.done $0x0  }
0x141: {  	[sflag:s10] =	ssyncadd.s32 $0xFFFFD800  }
0x142: {  	[spmem:s24] =	stream.linear.scatter [tilespmem:s9], [sflag:$0x2], $0x4000, $0x38;
	[tilespmem:$0x1C600] =	vst v63  }
0x143: {  	_ =	swait.ge [sflag:s10], $0x4000  }
0x144: {  	[sflag:s10] =	ssyncset.done $0x0  }
0x145: {  	s4 =	rddreg [dreg:$0x14];
	[sflag:s10] =	ssyncadd.s32 $0xFFFFC000  }
0x146: {  	[spmem:s4] =	stream.linear.scatter [tilespmem:s9], [sflag:$0x2], $0x4000, $0x38;
	[tilespmem:$0x1C600] =	vst v63  }
0x147: {  	_ =	swait.ge [sflag:s10], $0x4000  }
0x148: {  	[sflag:s10] =	ssyncset.done $0x0  }
0x149: {  	s8 =	rddreg [dreg:$0x15];
	[sflag:s10] =	ssyncadd.s32 $0xFFFFC000  }
0x14a: {  	[spmem:s8] =	stream.linear.scatter [tilespmem:s9], [sflag:$0x2], $0x4000, $0x38;
	[tilespmem:$0x1C600] =	vst v63  }
0x14b: {  	_ =	swait.ge [sflag:s10], $0x4000  }
0x14c: {  	[sflag:s10] =	ssyncset.done $0x0  }
0x14d: {  	s2 =	rddreg [dreg:$0x16];
	[sflag:s10] =	ssyncadd.s32 $0xFFFFC000  }
0x14e: {  	[spmem:s2] =	stream.linear.scatter [tilespmem:s9], [sflag:$0x2], $0x4000, $0x38;
	[tilespmem:$0x1C600] =	vst v63  }
0x14f: {  	_ =	swait.ge [sflag:s10], $0x4000  }
0x150: {  	[sflag:s10] =	ssyncset.done $0x0  }
0x151: {  	s3 =	rddreg [dreg:$0x17];
	[sflag:s10] =	ssyncadd.s32 $0xFFFFC000  }
0x152: {  	[spmem:s3] =	stream.linear.scatter [tilespmem:s9], [sflag:$0x2], $0x4000, $0x38;
	[tilespmem:$0x1C600] =	vst v63  }
0x153: {  	_ =	swait.ge [sflag:s10], $0x4000  }
0x154: {  	[sflag:s10] =	ssyncset.done $0x0  }
0x155: {  	[sflag:s10] =	ssyncadd.s32 $0xFFFFC000  }
0x156: {  	s4 =	sadd.s32 $0x0, s19;
	[bflag:$0x0] =	sbarrier.arrive $0xFFFF  }
0x157: {  	[tilespmem:s1], [sflag:$0x2] =	stream.linear.gather [hbm4b:s4+s1], $0x80, $0x38;
	[tilespmem:$0x1C600] =	vst v63  }
0x158: {  	_ =	swait.ge [sflag:s10], $0x80  }
0x159: {  	[sflag:s10] =	ssyncset.done $0x0  }
0x15a: {  	s8 =	sadd.s32 $0x0, s18;
	[sflag:s10] =	ssyncadd.s32 $0xFFFFFF80  }
0x15b: {  	[tilespmem:s11], [sflag:$0x2] =	stream.linear.gather [hbm4b:s8+s1], $0x80, $0x38;
	[tilespmem:$0x1C600] =	vst v63  }
0x15c: {  	_ =	swait.ge [sflag:s10], $0x80  }
0x15d: {  	[sflag:s10] =	ssyncset.done $0x0  }
0x15e: {  	[sflag:s10] =	ssyncadd.s32 $0xFFFFFF80  }
0x15f: {  	[tilespmem:s31], [sflag:$0x1] =	stream.indirect.gather [hbm4b:s29+s11], $0x80, s1, s11, $0xb8;
	[tilespmem:$0x1C600] =	vst v63  }
0x160: {  	_ =	swait.ge [sflag:s20], $0x4000  }
0x161: {  	[sflag:s20] =	ssyncset.done $0x0  }
0x162: {  	[sflag:s20] =	ssyncadd.s32 $0xFFFFC000  }
0x163: {  	[spmem:s21] =	stream.indirect.scatter.add.f32 [tilespmem:s31], [sflag:$0x2], $0x80, s11, s11, $0xb8;
	[tilespmem:$0x1C600] =	vst v63  }
0x164: {  	_ =	swait.ge [sflag:s10], $0x4000  }
0x165: {  	s0 =	simm.s32 $0x20;
	s8 =	simm.s32 $0x10;
	[sflag:s10] =	ssyncset.done $0x0  }
.LBB2_10:
0x166: {  	s2 =	sadd.s32 s8, s19  }
0x167: {  	[sflag:s10] =	ssyncadd.s32 $0xFFFFC000;
	s3 =	smov.u32 s0;
	s4 =	sadd.s32 $0x10, s0  }
0x168: {  	[tilespmem:s1], [sflag:$0x2] =	stream.linear.gather [hbm4b:s2+s1], $0x80, $0x38;
	[tilespmem:$0x1C600] =	vst v63  }
0x169: {  	p0 =	sne.s32 s0, $0x260;
	_ =	swait.ge [sflag:s10], $0x80  }
0x16a: {  	[sflag:s10] =	ssyncset.done $0x0  }
0x16b: {  	s0 =	sadd.s32 s8, s18;
	s8 =	smov.u32 s3;
	[sflag:s10] =	ssyncadd.s32 $0xFFFFFF80  }
0x16c: {  	[tilespmem:s11], [sflag:$0x2] =	stream.linear.gather [hbm4b:s0+s1], $0x80, $0x38;
	[tilespmem:$0x1C600] =	vst v63  }
0x16d: {  	_ =	swait.ge [sflag:s10], $0x80  }
0x16e: {  	[sflag:s10] =	ssyncset.done $0x0  }
0x16f: {  	[sflag:s10] =	ssyncadd.s32 $0xFFFFFF80  }
0x170: {  	[tilespmem:s31], [sflag:$0x1] =	stream.indirect.gather [hbm4b:s29+s11], $0x80, s1, s11, $0xb8;
	[tilespmem:$0x1C600] =	vst v63  }
0x171: {  	_ =	swait.ge [sflag:s20], $0x4000  }
.Ltmp4:
0x172: {  	[sflag:s20] =	ssyncset.done $0x0;
	(pc) =	sbr.rel @p0 .LBB2_10-.Ltmp4, $4  }
0x173: {  	[sflag:s20] =	ssyncadd.s32 $0xFFFFC000  }
0x174: {  	[spmem:s21] =	stream.indirect.scatter.add.f32 [tilespmem:s31], [sflag:$0x2], $0x80, s11, s11, $0xb8;
	[tilespmem:$0x1C600] =	vst v63  }
0x175: {  	_ =	swait.ge [sflag:s10], $0x4000  }
0x176: {  	s0 =	smov.u32 s4;
	[sflag:s10] =	ssyncset.done $0x0  }
0x177: {  	s0 =	sadd.s32 s8, s19;
	[sflag:s10] =	ssyncadd.s32 $0xFFFFC000  }
0x178: {  	[tilespmem:s1], [sflag:$0x2] =	stream.linear.gather [hbm4b:s0+s1], $0x80, $0x38;
	[tilespmem:$0x1C600] =	vst v63  }
0x179: {  	_ =	swait.ge [sflag:s10], $0x80  }
0x17a: {  	[sflag:s10] =	ssyncset.done $0x0  }
0x17b: {  	s4 =	sadd.s32 s8, s18;
	[sflag:s10] =	ssyncadd.s32 $0xFFFFFF80  }
0x17c: {  	[tilespmem:s11], [sflag:$0x2] =	stream.linear.gather [hbm4b:s4+s1], $0x80, $0x38;
	[tilespmem:$0x1C600] =	vst v63  }
0x17d: {  	_ =	swait.ge [sflag:s10], $0x80  }
0x17e: {  	[sflag:s10] =	ssyncset.done $0x0  }
0x17f: {  	[sflag:s10] =	ssyncadd.s32 $0xFFFFFF80  }
0x180: {  	[tilespmem:s31], [sflag:$0x1] =	stream.indirect.gather [hbm4b:s29+s11], $0x80, s1, s11, $0xb8;
	[tilespmem:$0x1C600] =	vst v63  }
0x181: {  	_ =	swait.ge [sflag:s20], $0x4000  }
0x182: {  	[sflag:s20] =	ssyncset.done $0x0  }
0x183: {  	[sflag:s20] =	ssyncadd.s32 $0xFFFFC000  }
0x184: {  	[spmem:s21] =	stream.indirect.scatter.add.f32 [tilespmem:s31], [sflag:$0x2], $0x80, s11, s11, $0xb8;
	[tilespmem:$0x1C600] =	vst v63  }
0x185: {  	_ =	swait.ge [sflag:s10], $0x4000  }
0x186: {  	s3 =	simm.s32 $0x4100;
	[sflag:s10] =	ssyncset.done $0x0  }
0x187: {  	s0 =	simm.s32 $0x0;
	s2 =	rddreg [dreg:$0xa];
	[sflag:s10] =	ssyncadd.s32 $0xFFFFC000  }
0x188: {  	[tilespmem:s3], [sflag:$0x2] =	stream.linear.gather [hbm4b:s2+s0], $0x8, $0x38;
	[tilespmem:$0x1C600] =	vst v63  }
0x189: {  	_ =	swait.ge [sflag:s10], $0x8  }
0x18a: {  	[sflag:s10] =	ssyncset.done $0x0  }
0x18b: {  	s4 =	simm.s32 $0x4180;
	s8 =	rddreg [dreg:$0xb];
	[sflag:s10] =	ssyncadd.s32 $0xFFFFFFF8  }
0x18c: {  	[tilespmem:s4], [sflag:$0x2] =	stream.linear.gather [hbm4b:s8+s0], $0x8, $0x38;
	[tilespmem:$0x1C600] =	vst v63  }
0x18d: {  	_ =	swait.ge [sflag:s10], $0x8  }
0x18e: {  	[sflag:s10] =	ssyncset.done $0x0  }
0x18f: {  	s2 =	simm.s32 $0x8;
	s8 =	simm.s32 $0x4200;
	[sflag:s10] =	ssyncadd.s32 $0xFFFFFFF8  }
0x190: {  	[tilespmem:s8], [sflag:$0x1] =	stream.indirect.gather [hbm4b:s29+s2], $0x80, s3, s2, $0xb8;
	[tilespmem:$0x1C600] =	vst v63  }
0x191: {  	_ =	swait.ge [sflag:s20], $0x400  }
0x192: {  	[sflag:s20] =	ssyncset.done $0x0  }
0x193: {  	[sflag:s20] =	ssyncadd.s32 $0xFFFFFC00  }
0x194: {  	[spmem:s21] =	stream.indirect.scatter.add.f32 [tilespmem:s8], [sflag:$0x2], $0x80, s4, s2, $0xb8;
	[tilespmem:$0x1C600] =	vst v63  }
0x195: {  	_ =	swait.ge [sflag:s10], $0x400  }
0x196: {  	[sflag:s10] =	ssyncset.done $0x0  }
0x197: {  	[sflag:s10] =	ssyncadd.s32 $0xFFFFFC00  }
0x198: {  	[bflag:$0x0] =	sbarrier.arrive $0xFFFF  }
0x199: {  	s3 =	rddreg [dreg:$0x11]  }
0x19a: {  	[hbm:s3], [sflag:s6] =	dma.local [spmem:s7], $0x2800  }
0x19b: {  	_ =	swait.ge [sflag:s10], $0x2800  }
0x19c: {  	[sflag:s10] =	ssyncset.done $0x0  }
0x19d: {  	[sflag:s10] =	ssyncadd.s32 $0xFFFFD800  }
0x19e: {  	[spmem:s24] =	stream.linear.scatter [tilespmem:s9], [sflag:$0x2], $0x4000, $0x38;
	[tilespmem:$0x1C600] =	vst v63  }
0x19f: {  	_ =	swait.ge [sflag:s10], $0x4000  }
0x1a0: {  	[sflag:s10] =	ssyncset.done $0x0  }
0x1a1: {  	s4 =	rddreg [dreg:$0x14];
	[sflag:s10] =	ssyncadd.s32 $0xFFFFC000  }
0x1a2: {  	[spmem:s4] =	stream.linear.scatter [tilespmem:s9], [sflag:$0x2], $0x4000, $0x38;
	[tilespmem:$0x1C600] =	vst v63  }
0x1a3: {  	_ =	swait.ge [sflag:s10], $0x4000  }
0x1a4: {  	[sflag:s10] =	ssyncset.done $0x0  }
0x1a5: {  	s8 =	rddreg [dreg:$0x15];
	[sflag:s10] =	ssyncadd.s32 $0xFFFFC000  }
0x1a6: {  	[spmem:s8] =	stream.linear.scatter [tilespmem:s9], [sflag:$0x2], $0x4000, $0x38;
	[tilespmem:$0x1C600] =	vst v63  }
0x1a7: {  	_ =	swait.ge [sflag:s10], $0x4000  }
0x1a8: {  	[sflag:s10] =	ssyncset.done $0x0  }
0x1a9: {  	s2 =	rddreg [dreg:$0x16];
	[sflag:s10] =	ssyncadd.s32 $0xFFFFC000  }
0x1aa: {  	[spmem:s2] =	stream.linear.scatter [tilespmem:s9], [sflag:$0x2], $0x4000, $0x38;
	[tilespmem:$0x1C600] =	vst v63  }
0x1ab: {  	_ =	swait.ge [sflag:s10], $0x4000  }
0x1ac: {  	[sflag:s10] =	ssyncset.done $0x0  }
0x1ad: {  	s3 =	rddreg [dreg:$0x17];
	[sflag:s10] =	ssyncadd.s32 $0xFFFFC000  }
0x1ae: {  	[spmem:s3] =	stream.linear.scatter [tilespmem:s9], [sflag:$0x2], $0x4000, $0x38;
	[tilespmem:$0x1C600] =	vst v63  }
0x1af: {  	_ =	swait.ge [sflag:s10], $0x4000  }
0x1b0: {  	[sflag:s10] =	ssyncset.done $0x0  }
0x1b1: {  	[sflag:s10] =	ssyncadd.s32 $0xFFFFC000  }
0x1b2: {  	s4 =	sadd.s32 $0x0, s23;
	[bflag:$0x0] =	sbarrier.arrive $0xFFFF  }
0x1b3: {  	[tilespmem:s1], [sflag:$0x2] =	stream.linear.gather [hbm4b:s4+s1], $0x80, $0x38;
	[tilespmem:$0x1C600] =	vst v63  }
0x1b4: {  	_ =	swait.ge [sflag:s10], $0x80  }
0x1b5: {  	[sflag:s10] =	ssyncset.done $0x0  }
0x1b6: {  	s8 =	sadd.s32 $0x0, s22;
	[sflag:s10] =	ssyncadd.s32 $0xFFFFFF80  }
0x1b7: {  	[tilespmem:s11], [sflag:$0x2] =	stream.linear.gather [hbm4b:s8+s1], $0x80, $0x38;
	[tilespmem:$0x1C600] =	vst v63  }
0x1b8: {  	_ =	swait.ge [sflag:s10], $0x80  }
0x1b9: {  	[sflag:s10] =	ssyncset.done $0x0  }
0x1ba: {  	[sflag:s10] =	ssyncadd.s32 $0xFFFFFF80  }
0x1bb: {  	[tilespmem:s31], [sflag:$0x1] =	stream.indirect.gather [hbm4b:s30+s11], $0x80, s1, s11, $0xb8;
	[tilespmem:$0x1C600] =	vst v63  }
0x1bc: {  	_ =	swait.ge [sflag:s20], $0x4000  }
0x1bd: {  	[sflag:s20] =	ssyncset.done $0x0  }
0x1be: {  	[sflag:s20] =	ssyncadd.s32 $0xFFFFC000  }
0x1bf: {  	[spmem:s21] =	stream.indirect.scatter.add.f32 [tilespmem:s31], [sflag:$0x2], $0x80, s11, s11, $0xb8;
	[tilespmem:$0x1C600] =	vst v63  }
0x1c0: {  	_ =	swait.ge [sflag:s10], $0x4000  }
0x1c1: {  	s0 =	simm.s32 $0x20;
	s8 =	simm.s32 $0x10;
	[sflag:s10] =	ssyncset.done $0x0  }
.LBB2_12:
0x1c2: {  	s2 =	sadd.s32 s8, s23  }
0x1c3: {  	[sflag:s10] =	ssyncadd.s32 $0xFFFFC000;
	s3 =	smov.u32 s0;
	s4 =	sadd.s32 $0x10, s0  }
0x1c4: {  	[tilespmem:s1], [sflag:$0x2] =	stream.linear.gather [hbm4b:s2+s1], $0x80, $0x38;
	[tilespmem:$0x1C600] =	vst v63  }
0x1c5: {  	p0 =	sne.s32 s0, $0x260;
	_ =	swait.ge [sflag:s10], $0x80  }
0x1c6: {  	[sflag:s10] =	ssyncset.done $0x0  }
0x1c7: {  	s0 =	sadd.s32 s8, s22;
	s8 =	smov.u32 s3;
	[sflag:s10] =	ssyncadd.s32 $0xFFFFFF80  }
0x1c8: {  	[tilespmem:s11], [sflag:$0x2] =	stream.linear.gather [hbm4b:s0+s1], $0x80, $0x38;
	[tilespmem:$0x1C600] =	vst v63  }
0x1c9: {  	_ =	swait.ge [sflag:s10], $0x80  }
0x1ca: {  	[sflag:s10] =	ssyncset.done $0x0  }
0x1cb: {  	[sflag:s10] =	ssyncadd.s32 $0xFFFFFF80  }
0x1cc: {  	[tilespmem:s31], [sflag:$0x1] =	stream.indirect.gather [hbm4b:s30+s11], $0x80, s1, s11, $0xb8;
	[tilespmem:$0x1C600] =	vst v63  }
0x1cd: {  	_ =	swait.ge [sflag:s20], $0x4000  }
.Ltmp5:
0x1ce: {  	[sflag:s20] =	ssyncset.done $0x0;
	(pc) =	sbr.rel @p0 .LBB2_12-.Ltmp5, $4  }
0x1cf: {  	[sflag:s20] =	ssyncadd.s32 $0xFFFFC000  }
0x1d0: {  	[spmem:s21] =	stream.indirect.scatter.add.f32 [tilespmem:s31], [sflag:$0x2], $0x80, s11, s11, $0xb8;
	[tilespmem:$0x1C600] =	vst v63  }
0x1d1: {  	_ =	swait.ge [sflag:s10], $0x4000  }
0x1d2: {  	s0 =	smov.u32 s4;
	[sflag:s10] =	ssyncset.done $0x0  }
0x1d3: {  	s0 =	sadd.s32 s8, s23;
	[sflag:s10] =	ssyncadd.s32 $0xFFFFC000  }
0x1d4: {  	[tilespmem:s1], [sflag:$0x2] =	stream.linear.gather [hbm4b:s0+s1], $0x80, $0x38;
	[tilespmem:$0x1C600] =	vst v63  }
0x1d5: {  	_ =	swait.ge [sflag:s10], $0x80  }
0x1d6: {  	[sflag:s10] =	ssyncset.done $0x0  }
0x1d7: {  	s2 =	sadd.s32 s8, s22;
	[sflag:s10] =	ssyncadd.s32 $0xFFFFFF80  }
0x1d8: {  	[tilespmem:s11], [sflag:$0x2] =	stream.linear.gather [hbm4b:s2+s1], $0x80, $0x38;
	[tilespmem:$0x1C600] =	vst v63  }
0x1d9: {  	_ =	swait.ge [sflag:s10], $0x80  }
0x1da: {  	[sflag:s10] =	ssyncset.done $0x0  }
0x1db: {  	[sflag:s10] =	ssyncadd.s32 $0xFFFFFF80  }
0x1dc: {  	[tilespmem:s31], [sflag:$0x1] =	stream.indirect.gather [hbm4b:s30+s11], $0x80, s1, s11, $0xb8;
	[tilespmem:$0x1C600] =	vst v63  }
0x1dd: {  	_ =	swait.ge [sflag:s20], $0x4000  }
0x1de: {  	[sflag:s20] =	ssyncset.done $0x0  }
0x1df: {  	[sflag:s20] =	ssyncadd.s32 $0xFFFFC000  }
0x1e0: {  	[spmem:s21] =	stream.indirect.scatter.add.f32 [tilespmem:s31], [sflag:$0x2], $0x80, s11, s11, $0xb8;
	[tilespmem:$0x1C600] =	vst v63  }
0x1e1: {  	_ =	swait.ge [sflag:s10], $0x4000  }
0x1e2: {  	[sflag:s10] =	ssyncset.done $0x0  }
0x1e3: {  	s2 =	simm.s32 $0x4100;
	s3 =	rddreg [dreg:$0xc];
	[sflag:s10] =	ssyncadd.s32 $0xFFFFC000  }
0x1e4: {  	[tilespmem:s2], [sflag:$0x2] =	stream.linear.gather [hbm4b:s3+s1], $0x8, $0x38;
	[tilespmem:$0x1C600] =	vst v63  }
0x1e5: {  	_ =	swait.ge [sflag:s10], $0x8  }
0x1e6: {  	[sflag:s10] =	ssyncset.done $0x0  }
0x1e7: {  	s3 =	simm.s32 $0x4180;
	s4 =	rddreg [dreg:$0xd];
	[sflag:s10] =	ssyncadd.s32 $0xFFFFFFF8  }
0x1e8: {  	[tilespmem:s3], [sflag:$0x2] =	stream.linear.gather [hbm4b:s4+s1], $0x8, $0x38;
	[tilespmem:$0x1C600] =	vst v63  }
0x1e9: {  	_ =	swait.ge [sflag:s10], $0x8  }
0x1ea: {  	[sflag:s10] =	ssyncset.done $0x0  }
0x1eb: {  	s8 =	simm.s32 $0x8;
	s4 =	simm.s32 $0x4200;
	[sflag:s10] =	ssyncadd.s32 $0xFFFFFFF8  }
0x1ec: {  	[tilespmem:s4], [sflag:$0x1] =	stream.indirect.gather [hbm4b:s30+s8], $0x80, s2, s8, $0xb8;
	[tilespmem:$0x1C600] =	vst v63  }
0x1ed: {  	_ =	swait.ge [sflag:s20], $0x400  }
0x1ee: {  	[sflag:s20] =	ssyncset.done $0x0  }
0x1ef: {  	[sflag:s20] =	ssyncadd.s32 $0xFFFFFC00  }
0x1f0: {  	[spmem:s21] =	stream.indirect.scatter.add.f32 [tilespmem:s4], [sflag:$0x2], $0x80, s3, s8, $0xb8;
	[tilespmem:$0x1C600] =	vst v63  }
0x1f1: {  	_ =	swait.ge [sflag:s10], $0x400  }
0x1f2: {  	[sflag:s10] =	ssyncset.done $0x0  }
0x1f3: {  	[sflag:s10] =	ssyncadd.s32 $0xFFFFFC00  }
0x1f4: {  	[bflag:$0x0] =	sbarrier.arrive $0xFFFF  }
0x1f5: {  	s4 =	rddreg [dreg:$0x12]  }
0x1f6: {  	[hbm:s4], [sflag:s6] =	dma.local [spmem:s7], $0x2800  }
0x1f7: {  	_ =	swait.ge [sflag:s10], $0x2800  }
0x1f8: {  	s5 =	sadd.s32 $0x1, s5;
	s8 =	rddreg [dreg:$0x13]  }
0x1f9: {  	p0 =	sne.s32 s5, s8  }
.Ltmp6:
0x1fa: {  	_ = 	snop;
	(pc) =	sbr.rel @p0 .LBB2_1-.Ltmp6, $3  }
0x1fb: {  	_ =	sdelay $0x1  }
0x1fc: {  	[sflag:s10] =	ssyncset.done $0x0  }
0x1fd: {  	[sflag:s10] =	ssyncadd.s32 $0xFFFFD800  }
0x1fe: {  	_ =	sfence.sel $0x180000  }
0x1ff: {  	[bflag:$0x0] =	sbarrier.arrive $0xFFFF  }
0x200: {  	_ =	strace $0x9000004D  }
0x201: {  	s0 =	stileid.u32;
	[bflag:$0x2] =	sbarrier.arrive $0xFFFF  }
0x202: {  	p0 =	sne.s32 s0, $0x0;
	s0 =	rddreg [dreg:$0x3]  }
0x203: {  	s0 =	sadd.s32 @!p0 $0x100000, s0  }
0x204: {  	[sflag:s0] =	ssyncadd.tile.s32 @!p0 $0x1;
	_ =	shalt  }
.Lfunc_end2:
_tile_overlayer_lowered:
.L_overlay_start_2:
0x205: {  	(tag) =	ssettag $0x2  }
0x206: {  	s0 =	rddreg [dreg:$0x0];
	s2 =	stileid.u32  }
0x207: {  	s1 =	rddreg [dreg:$0x1];
	p0 =	sne.s32 s2, $0x0  }
0x208: {  	s3 =	rddreg [dreg:$0x2];
	[bflag:$0x3] =	sbarrier.arrive $0xFFFF;
	s2 =	simm.s32 @!p0 $0x1C02  }
0x209: {  	[timem:s3], [sflag:s2] =	dma.local @!p0 [hbm:s0], s1  }
0x20a: {  	s0 =	simm.s32 @!p0 $0x2  }
0x20b: {  	_ =	swait.ge @!p0 [sflag:s0], s1  }
0x20c: {  	s1 =	ssub.s32 @!p0 $0x0, s1;
	[sflag:s0] =	ssyncset.done @!p0 $0x0  }
0x20d: {  	[sflag:s0] =	ssyncadd.s32 @!p0 s1  }
0x20e: {  	[bflag:$0x3] =	sbarrier.arrive $0xFFFF  }
0x20f: {  	_ =	shalt  }

</sc_bundles>
